<compile_context>
chip_gen: v7x
topology: tpu7x:2x2x1
jax: 0.10.2.dev20260603
libtpu: 0.0.44.dev20260713+nightly
codegen_flags: <defaults>
</compile_context>

<pallas_src>
import functools

import jax
import jax.numpy as jnp
from jax import lax
from jax.experimental import pallas as pl
from jax.experimental.pallas import tpu as pltpu
from jax.experimental.pallas import tpu_sc as plsc

N_NODES = 10000
N_EDGES = 320000
NC = 2
NS = 16
NW = NC * NS
CH = 64
SLOTS = 4
E_PAD = 327680
N_CHUNKS_P = E_PAD // CH
CPW = N_CHUNKS_P // NW
PHASES = 2
PPC = CPW // PHASES
PAD_E = E_PAD - N_EDGES
N_TAB = N_NODES + 496
ROWS_MAIN = 624
ROWS_LAST = N_NODES - 15 * ROWS_MAIN

ROW_BLK = 2000



def _mm1_body(f_ref, w_ref, n_ref, o_ref):
    t = jnp.dot(f_ref[...], w_ref[...], preferred_element_type=jnp.float32)
    o_ref[...] = t * n_ref[...]


def _mm1(features, W, norm):
    return pl.pallas_call(
        _mm1_body,
        grid=(N_NODES // ROW_BLK,),
        in_specs=[
            pl.BlockSpec((ROW_BLK, features.shape[1]), lambda i: (i, 0)),
            pl.BlockSpec(W.shape, lambda i: (0, 0)),
            pl.BlockSpec((ROW_BLK, 1), lambda i: (i, 0)),
        ],
        out_specs=pl.BlockSpec((ROW_BLK, W.shape[1]), lambda i: (i, 0)),
        out_shape=jax.ShapeDtypeStruct((N_NODES, W.shape[1]), jnp.float32),
    )(features, W, norm)


def _mm2_body(p_ref, b_ref, w_ref, n_ref, o_ref):
    h = p_ref[0] + p_ref[1] + b_ref[...]
    h = jnp.maximum(h, 0.0)
    t = jnp.dot(h, w_ref[...], preferred_element_type=jnp.float32)
    o_ref[...] = t * n_ref[...]


def _mm2(partials, b, W, norm):
    d_in = partials.shape[2]
    return pl.pallas_call(
        _mm2_body,
        grid=(N_NODES // ROW_BLK,),
        in_specs=[
            pl.BlockSpec((2, ROW_BLK, d_in), lambda i: (0, i, 0)),
            pl.BlockSpec((1, d_in), lambda i: (0, 0)),
            pl.BlockSpec(W.shape, lambda i: (0, 0)),
            pl.BlockSpec((ROW_BLK, 1), lambda i: (i, 0)),
        ],
        out_specs=pl.BlockSpec((ROW_BLK, W.shape[1]), lambda i: (i, 0)),
        out_shape=jax.ShapeDtypeStruct((N_NODES, W.shape[1]), jnp.float32),
    )(partials, b.reshape(1, d_in), W, norm)


def _scale_body(p_ref, b_ref, n_ref, o_ref):
    h = p_ref[0] + p_ref[1] + b_ref[...]
    o_ref[...] = jnp.maximum(h, 0.0) * n_ref[...]


def _scale(partials, b, norm):
    d = partials.shape[2]
    return pl.pallas_call(
        _scale_body,
        grid=(N_NODES // ROW_BLK,),
        in_specs=[
            pl.BlockSpec((2, ROW_BLK, d), lambda i: (0, i, 0)),
            pl.BlockSpec((1, d), lambda i: (0, 0)),
            pl.BlockSpec((ROW_BLK, 1), lambda i: (i, 0)),
        ],
        out_specs=pl.BlockSpec((ROW_BLK, d), lambda i: (i, 0)),
        out_shape=jax.ShapeDtypeStruct((N_NODES, d), jnp.float32),
    )(partials, b.reshape(1, d), norm)


def _final_body(p_ref, w_ref, b_ref, o_ref):
    h = p_ref[0] + p_ref[1]
    o_ref[...] = (
        jnp.dot(h, w_ref[...], preferred_element_type=jnp.float32) + b_ref[...]
    )


def _final(partials, W, b):
    d_in = partials.shape[2]
    d_out = W.shape[1]
    return pl.pallas_call(
        _final_body,
        grid=(N_NODES // ROW_BLK,),
        in_specs=[
            pl.BlockSpec((2, ROW_BLK, d_in), lambda i: (0, i, 0)),
            pl.BlockSpec(W.shape, lambda i: (0, 0)),
            pl.BlockSpec((1, d_out), lambda i: (0, 0)),
        ],
        out_specs=pl.BlockSpec((ROW_BLK, d_out), lambda i: (i, 0)),
        out_shape=jax.ShapeDtypeStruct((N_NODES, d_out), jnp.float32),
    )(partials, W, b.reshape(1, d_out))



@functools.lru_cache(maxsize=None)
def _make_agg(feat):
    mesh = plsc.VectorSubcoreMesh(core_axis_name="c", subcore_axis_name="s")

    @functools.partial(
        pl.kernel,
        out_type=jax.ShapeDtypeStruct((NC, N_NODES, feat), jnp.float32),
        mesh=mesh,
        scratch_types=(
            [
                pltpu.VMEM((PPC * CH,), jnp.int32),
                pltpu.VMEM((PPC, CH), jnp.int32),
            ]
            + [pltpu.VMEM((CH, feat), jnp.float32) for _ in range(SLOTS)]
            + [pltpu.VMEM_SHARED((N_NODES, feat), jnp.float32)]
            + [pltpu.SemaphoreType.DMA for _ in range(2 * SLOTS)]
        ),
    )
    def agg(t_hbm, src_hbm, dst_hbm, zero_hbm, out_hbm,
            idx_s, idx_d, *rest):
        rows = rest[:SLOTS]
        accum = rest[SLOTS]
        gsem = rest[SLOTS + 1:2 * SLOTS + 1]
        ssem = rest[2 * SLOTS + 1:]
        c = lax.axis_index("c")
        s = lax.axis_index("s")
        wid = s * NC + c
        row0 = pl.multiple_of(s * ROWS_MAIN, 8)
        @pl.when(s < NS - 1)
        def _():
            pltpu.sync_copy(zero_hbm.at[pl.ds(0, ROWS_MAIN)],
                            accum.at[pl.ds(row0, ROWS_MAIN)])

        @pl.when(s == NS - 1)
        def _():
            pltpu.sync_copy(zero_hbm, accum.at[pl.ds(row0, ROWS_LAST)])

        plsc.subcore_barrier()

        def fire_gather(k, sl):
            off = k * CH
            if not isinstance(off, int):
                off = pl.multiple_of(off, 8)
            pltpu.async_copy(t_hbm.at[idx_s.at[pl.ds(off, CH)]],
                             rows[sl], gsem[sl])

        def fire_scatter(k, sl):
            pltpu.async_copy(rows[sl], accum.at[idx_d.at[k]], ssem[sl],
                             add=True)

        def drain(sem):
            pltpu.make_async_copy(t_hbm.at[pl.ds(0, CH)], rows[0], sem).wait()

        for h in range(PHASES):
            c0 = wid * CPW + h * PPC
            pltpu.sync_copy(
                src_hbm.at[pl.ds(pl.multiple_of(c0 * CH, 8), PPC * CH)],
                idx_s)
            pltpu.sync_copy(
                dst_hbm.at[pl.ds(pl.multiple_of(c0, 8), PPC)], idx_d)

            for b in range(SLOTS):
                fire_gather(b, b)
            for b in range(SLOTS):
                drain(gsem[b])
                fire_scatter(b, b)

            @pl.loop(1, PPC // SLOTS)
            def _(j):
                k0 = j * SLOTS
                for b in range(SLOTS):
                    drain(ssem[b])
                    fire_gather(k0 + b, b)
                for b in range(SLOTS):
                    drain(gsem[b])
                    fire_scatter(k0 + b, b)

            for b in range(SLOTS):
                drain(ssem[b])

        plsc.subcore_barrier()

        @pl.when(s < NS - 1)
        def _():
            pltpu.sync_copy(accum.at[pl.ds(row0, ROWS_MAIN)],
                            out_hbm.at[c, pl.ds(row0, ROWS_MAIN)])

        @pl.when(s == NS - 1)
        def _():
            pltpu.sync_copy(accum.at[pl.ds(row0, ROWS_LAST)],
                            out_hbm.at[c, pl.ds(row0, ROWS_LAST)])

    return agg


def _agg(t, src, dst):
    feat = t.shape[1]
    zero = jnp.zeros((ROWS_LAST, feat), jnp.float32)
    tp = jnp.concatenate([t, jnp.zeros((N_TAB - N_NODES, feat), t.dtype)])
    srcp = jnp.concatenate(
        [src, N_NODES + (jnp.arange(PAD_E, dtype=jnp.int32) % 496)])
    dstp = jnp.concatenate(
        [dst, (jnp.arange(PAD_E, dtype=jnp.int32) % 625) * 16]
    ).reshape(N_CHUNKS_P, CH)
    return _make_agg(feat)(tp, srcp, dstp, zero)



def kernel(features, edge_index, norm, W1, b1, W2, b2, W3, b3):
    src = edge_index[0]
    dst = edge_index[1]
    t1 = _mm1(features, W1, norm)
    p1 = _agg(t1, src, dst)
    t2 = _mm2(p1, b1, W2, norm)
    p2 = _agg(t2, src, dst)
    t3 = _scale(p2, b2, norm)
    p3 = _agg(t3, src, dst)
    return _final(p3, W3, b3)

# --- scband reference (transcript-rebuilt; emitter-appended) ---
"""Pipeline reference for scband-gcn-3470333575495 (READ-ONLY COPY).

The authoritative reference and input builder live on the scoring server;
editing this copy changes nothing except your own understanding.
"""

import jax, jax.numpy as jnp
import numpy as np

N_NODES = 10000
N_EDGES = 320000
IN_FEATS = 128
N_HIDDEN = 128
N_CLASSES = 64


def setup_inputs(seed: int = 0) -> dict:
    key = jax.random.key(seed)
    ks = jax.random.split(key, 10)
    features = jax.random.normal(ks[0], (N_NODES, IN_FEATS), dtype=jnp.float32)
    edge_index = jax.random.randint(ks[1], (2, N_EDGES), 0, N_NODES, dtype=jnp.int32)
    norm = jax.random.uniform(ks[2], (N_NODES, 1), dtype=jnp.float32)
    # VarianceScaling(fan_out, uniform) ~ U(-limit, limit), limit = sqrt(3/fan_out)
    def vs_init(k, fan_in, fan_out):
        limit = jnp.sqrt(3.0 / fan_out)
        return jax.random.uniform(k, (fan_in, fan_out), dtype=jnp.float32, minval=-limit, maxval=limit)
    W1 = vs_init(ks[3], IN_FEATS, N_HIDDEN)
    b1 = jnp.zeros((N_HIDDEN,), dtype=jnp.float32)
    W2 = vs_init(ks[4], N_HIDDEN, N_HIDDEN)
    b2 = jnp.zeros((N_HIDDEN,), dtype=jnp.float32)
    W3 = vs_init(ks[5], N_HIDDEN, N_CLASSES)
    b3 = jnp.zeros((N_CLASSES,), dtype=jnp.float32)
    return {"features": features, "edge_index": edge_index, "norm": norm,
            "W1": W1, "b1": b1, "W2": W2, "b2": b2, "W3": W3, "b3": b3}


def reference(features, edge_index, norm, W1, b1, W2, b2, W3, b3):
    src = edge_index[0]
    dst = edge_index[1]

    def gcn_layer(h, W, b, act):
        # h W (dense projection)
        hW = jnp.matmul(h, W)
        # per-node normalization applied at source
        norm_h = hW * norm
        # message passing: copy_src + sum reduce == gather at src, segment_sum at dst
        messages = jnp.take(norm_h, src, axis=0)
        agg = jax.ops.segment_sum(messages, dst, num_segments=N_NODES)
        out = agg + b
        if act:
            out = jax.nn.relu(out)
        return out

    h = features
    h = gcn_layer(h, W1, b1, True)   # input layer
    h = gcn_layer(h, W2, b2, True)   # hidden layer (n_layers - 1 = 1)
    h = gcn_layer(h, W3, b3, False)  # output layer, no activation
    return h

if __name__ == "__main__":
    import jax
    _d = setup_inputs()
    print(jax.jit(kernel)(*tuple(_d.values())))

</pallas_src>

<mosaic_0001>
#map = affine_map<(d0, d1) -> (0, 0)>
#map1 = affine_map<(d0, d1) -> (0)>
#map2 = affine_map<(d0, d1) -> (0, 0, 0)>
module attributes {stable_mosaic.version = 14 : i64} {
  func.func @agg(%arg0: i32, %arg1: i32, %arg2: memref<10496x128xf32, #tpu.memory_space<hbm>>, %arg3: memref<327680xi32, #tpu.memory_space<hbm>>, %arg4: memref<5120x64xi32, #tpu.memory_space<hbm>>, %arg5: memref<640x128xf32, #tpu.memory_space<hbm>>, %arg6: memref<2x10000x128xf32, #tpu.memory_space<hbm>>, %arg7: memref<5120xi32, #tpu.memory_space<vmem>>, %arg8: memref<80x64xi32, #tpu.memory_space<vmem>>, %arg9: memref<64x128xf32, #tpu.memory_space<vmem>>, %arg10: memref<64x128xf32, #tpu.memory_space<vmem>>, %arg11: memref<64x128xf32, #tpu.memory_space<vmem>>, %arg12: memref<64x128xf32, #tpu.memory_space<vmem>>, %arg13: memref<10000x128xf32, #tpu.memory_space<vmem_shared>>, %arg14: memref<!tpu.dma_semaphore, #tpu.memory_space<semaphore_mem>>, %arg15: memref<!tpu.dma_semaphore, #tpu.memory_space<semaphore_mem>>, %arg16: memref<!tpu.dma_semaphore, #tpu.memory_space<semaphore_mem>>, %arg17: memref<!tpu.dma_semaphore, #tpu.memory_space<semaphore_mem>>, %arg18: memref<!tpu.dma_semaphore, #tpu.memory_space<semaphore_mem>>, %arg19: memref<!tpu.dma_semaphore, #tpu.memory_space<semaphore_mem>>, %arg20: memref<!tpu.dma_semaphore, #tpu.memory_space<semaphore_mem>>, %arg21: memref<!tpu.dma_semaphore, #tpu.memory_space<semaphore_mem>>) attributes {dimension_semantics = [#tpu.dimension_semantics<core_parallel>, #tpu.dimension_semantics<subcore_parallel>], iteration_bounds = array<i64: 2, 16>, scalar_prefetch = 0 : i64, scratch_operands = 15 : i64, tpu.core_type = #tpu.core_type<sc_vector_subcore>, window_params = [{transform_indices = #map}, {transform_indices = #map1}, {transform_indices = #map}, {transform_indices = #map}, {transform_indices = #map2}]} {
    %mul3A = arith.constant 2 : i32
    %mul3A_0 = arith.muli %arg1, %mul3A : i32
    %add3A = arith.addi %mul3A_0, %arg0 : i32
    %mul3A_1 = arith.constant 624 : i32
    %mul3A_2 = arith.muli %arg1, %mul3A_1 : i32
    %multiple_of3A = tpu.assume_multiple %mul3A_2, 8 : i32
    %lt3A = arith.constant 15 : i32
    %lt3A_3 = arith.cmpi slt, %arg1, %lt3A : i32
    %convert_element_type3A = arith.extui %lt3A_3 : i1 to i32
    %cond3A = arith.constant 0 : i32
    %cond3A_4 = arith.cmpi ne, %convert_element_type3A, %cond3A : i32
    scf.if %cond3A_4 {
      "tpu.region"() ({
        %run_scoped3A = tpu.sem_alloc : memref<!tpu.dma_semaphore, #tpu.memory_space<semaphore_mem>>
        %dma_start3A_235 = arith.constant 0 : i32
        %dma_start3A_236 = tpu.memref_slice %arg13[%multiple_of3A, %dma_start3A_235] : memref<10000x128xf32, #tpu.memory_space<vmem_shared>> -> memref<624x128xf32, #tpu.memory_space<vmem_shared>>
        %dma_start3A_237 = arith.constant 0 : i32
        %dma_start3A_238 = arith.constant 0 : i32
        %dma_start3A_239 = tpu.memref_slice %arg5[%dma_start3A_237, %dma_start3A_238] : memref<640x128xf32, #tpu.memory_space<hbm>> -> memref<624x128xf32, #tpu.memory_space<hbm>>
        tpu.enqueue_dma source(%dma_start3A_239 : memref<624x128xf32, #tpu.memory_space<hbm>>) target(%dma_start3A_236 : memref<624x128xf32, #tpu.memory_space<vmem_shared>>) target_semaphore(%run_scoped3A : memref<!tpu.dma_semaphore, #tpu.memory_space<semaphore_mem>>)
        %dma_wait3A_240 = arith.constant 0 : i32
        %dma_wait3A_241 = tpu.memref_slice %arg13[%multiple_of3A, %dma_wait3A_240] : memref<10000x128xf32, #tpu.memory_space<vmem_shared>> -> memref<624x128xf32, #tpu.memory_space<vmem_shared>>
        %dma_wait3A_242 = arith.constant 0 : i32
        %dma_wait3A_243 = arith.constant 0 : i32
        %dma_wait3A_244 = tpu.memref_slice %arg5[%dma_wait3A_242, %dma_wait3A_243] : memref<640x128xf32, #tpu.memory_space<hbm>> -> memref<624x128xf32, #tpu.memory_space<hbm>>
        tpu.wait_dma2 semaphore(%run_scoped3A : memref<!tpu.dma_semaphore, #tpu.memory_space<semaphore_mem>>) src(%dma_wait3A_244 : memref<624x128xf32, #tpu.memory_space<hbm>>) dst(%dma_wait3A_241 : memref<624x128xf32, #tpu.memory_space<vmem_shared>>)
        tpu.yield
      }) : () -> ()
    } else {
    }
    %eq3A = arith.constant 15 : i32
    %eq3A_5 = arith.cmpi eq, %arg1, %eq3A : i32
    %convert_element_type3A_6 = arith.extui %eq3A_5 : i1 to i32
    %cond3A_7 = arith.constant 0 : i32
    %cond3A_8 = arith.cmpi ne, %convert_element_type3A_6, %cond3A_7 : i32
    scf.if %cond3A_8 {
      "tpu.region"() ({
        %run_scoped3A = tpu.sem_alloc : memref<!tpu.dma_semaphore, #tpu.memory_space<semaphore_mem>>
        %dma_start3A_235 = arith.constant 0 : i32
        %dma_start3A_236 = tpu.memref_slice %arg13[%multiple_of3A, %dma_start3A_235] : memref<10000x128xf32, #tpu.memory_space<vmem_shared>> -> memref<640x128xf32, #tpu.memory_space<vmem_shared>>
        tpu.enqueue_dma source(%arg5 : memref<640x128xf32, #tpu.memory_space<hbm>>) target(%dma_start3A_236 : memref<640x128xf32, #tpu.memory_space<vmem_shared>>) target_semaphore(%run_scoped3A : memref<!tpu.dma_semaphore, #tpu.memory_space<semaphore_mem>>)
        %dma_wait3A_237 = arith.constant 0 : i32
        %dma_wait3A_238 = tpu.memref_slice %arg13[%multiple_of3A, %dma_wait3A_237] : memref<10000x128xf32, #tpu.memory_space<vmem_shared>> -> memref<640x128xf32, #tpu.memory_space<vmem_shared>>
        tpu.wait_dma2 semaphore(%run_scoped3A : memref<!tpu.dma_semaphore, #tpu.memory_space<semaphore_mem>>) src(%arg5 : memref<640x128xf32, #tpu.memory_space<hbm>>) dst(%dma_wait3A_238 : memref<640x128xf32, #tpu.memory_space<vmem_shared>>)
        tpu.yield
      }) : () -> ()
    } else {
    }
    %barrier3A = arith.constant 0 : index
    tpu.barrier barrier_id(%barrier3A)
    %mul3A_9 = arith.constant 160 : i32
    %mul3A_10 = arith.muli %add3A, %mul3A_9 : i32
    %add3A_11 = arith.constant 0 : i32
    %add3A_12 = arith.addi %mul3A_10, %add3A_11 : i32
    %mul3A_13 = arith.constant 64 : i32
    %mul3A_14 = arith.muli %add3A_12, %mul3A_13 : i32
    %multiple_of3A_15 = tpu.assume_multiple %mul3A_14, 8 : i32
    "tpu.region"() ({
      %run_scoped3A = tpu.sem_alloc : memref<!tpu.dma_semaphore, #tpu.memory_space<semaphore_mem>>
      %dma_start3A_235 = tpu.memref_slice %arg3[%multiple_of3A_15] : memref<327680xi32, #tpu.memory_space<hbm>> -> memref<5120xi32, #tpu.memory_space<hbm>>
      %dma_start3A_236 = tpu.memref_slice %arg3[%multiple_of3A_15] : memref<327680xi32, #tpu.memory_space<hbm>> -> memref<5120xi32, #tpu.memory_space<hbm>>
      tpu.enqueue_dma source(%dma_start3A_236 : memref<5120xi32, #tpu.memory_space<hbm>>) target(%arg7 : memref<5120xi32, #tpu.memory_space<vmem>>) target_semaphore(%run_scoped3A : memref<!tpu.dma_semaphore, #tpu.memory_space<semaphore_mem>>)
      %dma_wait3A_237 = tpu.memref_slice %arg3[%multiple_of3A_15] : memref<327680xi32, #tpu.memory_space<hbm>> -> memref<5120xi32, #tpu.memory_space<hbm>>
      %dma_wait3A_238 = tpu.memref_slice %arg3[%multiple_of3A_15] : memref<327680xi32, #tpu.memory_space<hbm>> -> memref<5120xi32, #tpu.memory_space<hbm>>
      tpu.wait_dma2 semaphore(%run_scoped3A : memref<!tpu.dma_semaphore, #tpu.memory_space<semaphore_mem>>) src(%dma_wait3A_238 : memref<5120xi32, #tpu.memory_space<hbm>>) dst(%arg7 : memref<5120xi32, #tpu.memory_space<vmem>>)
      tpu.yield
    }) : () -> ()
    %multiple_of3A_16 = tpu.assume_multiple %add3A_12, 8 : i32
    "tpu.region"() ({
      %run_scoped3A = tpu.sem_alloc : memref<!tpu.dma_semaphore, #tpu.memory_space<semaphore_mem>>
      %dma_start3A_235 = arith.constant 0 : i32
      %dma_start3A_236 = tpu.memref_slice %arg4[%multiple_of3A_16, %dma_start3A_235] : memref<5120x64xi32, #tpu.memory_space<hbm>> -> memref<80x64xi32, #tpu.memory_space<hbm>>
      %dma_start3A_237 = arith.constant 0 : i32
      %dma_start3A_238 = tpu.memref_slice %arg4[%multiple_of3A_16, %dma_start3A_237] : memref<5120x64xi32, #tpu.memory_space<hbm>> -> memref<80x64xi32, #tpu.memory_space<hbm>>
      tpu.enqueue_dma source(%dma_start3A_238 : memref<80x64xi32, #tpu.memory_space<hbm>>) target(%arg8 : memref<80x64xi32, #tpu.memory_space<vmem>>) target_semaphore(%run_scoped3A : memref<!tpu.dma_semaphore, #tpu.memory_space<semaphore_mem>>)
      %dma_wait3A_239 = arith.constant 0 : i32
      %dma_wait3A_240 = tpu.memref_slice %arg4[%multiple_of3A_16, %dma_wait3A_239] : memref<5120x64xi32, #tpu.memory_space<hbm>> -> memref<80x64xi32, #tpu.memory_space<hbm>>
      %dma_wait3A_241 = arith.constant 0 : i32
      %dma_wait3A_242 = tpu.memref_slice %arg4[%multiple_of3A_16, %dma_wait3A_241] : memref<5120x64xi32, #tpu.memory_space<hbm>> -> memref<80x64xi32, #tpu.memory_space<hbm>>
      tpu.wait_dma2 semaphore(%run_scoped3A : memref<!tpu.dma_semaphore, #tpu.memory_space<semaphore_mem>>) src(%dma_wait3A_242 : memref<80x64xi32, #tpu.memory_space<hbm>>) dst(%arg8 : memref<80x64xi32, #tpu.memory_space<vmem>>)
      tpu.yield
    }) : () -> ()
    %dma_start3A = arith.constant 0 : i32
    %dma_start3A_17 = tpu.memref_slice %arg7[%dma_start3A] : memref<5120xi32, #tpu.memory_space<vmem>> -> memref<64xi32, #tpu.memory_space<vmem>>
    %dma_start3A_18 = arith.constant 0 : i32
    %dma_start3A_19 = arith.constant 0 : i32
    %dma_start3A_20 = tpu.memref_slice %arg2[%dma_start3A_18, %dma_start3A_19] : memref<10496x128xf32, #tpu.memory_space<hbm>> -> memref<10496x128xf32, #tpu.memory_space<hbm>>
    tpu.enqueue_indirect_dma source(%dma_start3A_20 : memref<10496x128xf32, #tpu.memory_space<hbm>>) target(%arg9 : memref<64x128xf32, #tpu.memory_space<vmem>>) offsets(%dma_start3A_17 : memref<64xi32, #tpu.memory_space<vmem>>) semaphore(%arg14 : memref<!tpu.dma_semaphore, #tpu.memory_space<semaphore_mem>>)
    %dma_start3A_21 = arith.constant 64 : i32
    %dma_start3A_22 = tpu.memref_slice %arg7[%dma_start3A_21] : memref<5120xi32, #tpu.memory_space<vmem>> -> memref<64xi32, #tpu.memory_space<vmem>>
    %dma_start3A_23 = arith.constant 0 : i32
    %dma_start3A_24 = arith.constant 0 : i32
    %dma_start3A_25 = tpu.memref_slice %arg2[%dma_start3A_23, %dma_start3A_24] : memref<10496x128xf32, #tpu.memory_space<hbm>> -> memref<10496x128xf32, #tpu.memory_space<hbm>>
    tpu.enqueue_indirect_dma source(%dma_start3A_25 : memref<10496x128xf32, #tpu.memory_space<hbm>>) target(%arg10 : memref<64x128xf32, #tpu.memory_space<vmem>>) offsets(%dma_start3A_22 : memref<64xi32, #tpu.memory_space<vmem>>) semaphore(%arg15 : memref<!tpu.dma_semaphore, #tpu.memory_space<semaphore_mem>>)
    %dma_start3A_26 = arith.constant 128 : i32
    %dma_start3A_27 = tpu.memref_slice %arg7[%dma_start3A_26] : memref<5120xi32, #tpu.memory_space<vmem>> -> memref<64xi32, #tpu.memory_space<vmem>>
    %dma_start3A_28 = arith.constant 0 : i32
    %dma_start3A_29 = arith.constant 0 : i32
    %dma_start3A_30 = tpu.memref_slice %arg2[%dma_start3A_28, %dma_start3A_29] : memref<10496x128xf32, #tpu.memory_space<hbm>> -> memref<10496x128xf32, #tpu.memory_space<hbm>>
    tpu.enqueue_indirect_dma source(%dma_start3A_30 : memref<10496x128xf32, #tpu.memory_space<hbm>>) target(%arg11 : memref<64x128xf32, #tpu.memory_space<vmem>>) offsets(%dma_start3A_27 : memref<64xi32, #tpu.memory_space<vmem>>) semaphore(%arg16 : memref<!tpu.dma_semaphore, #tpu.memory_space<semaphore_mem>>)
    %dma_start3A_31 = arith.constant 192 : i32
    %dma_start3A_32 = tpu.memref_slice %arg7[%dma_start3A_31] : memref<5120xi32, #tpu.memory_space<vmem>> -> memref<64xi32, #tpu.memory_space<vmem>>
    %dma_start3A_33 = arith.constant 0 : i32
    %dma_start3A_34 = arith.constant 0 : i32
    %dma_start3A_35 = tpu.memref_slice %arg2[%dma_start3A_33, %dma_start3A_34] : memref<10496x128xf32, #tpu.memory_space<hbm>> -> memref<10496x128xf32, #tpu.memory_space<hbm>>
    tpu.enqueue_indirect_dma source(%dma_start3A_35 : memref<10496x128xf32, #tpu.memory_space<hbm>>) target(%arg12 : memref<64x128xf32, #tpu.memory_space<vmem>>) offsets(%dma_start3A_32 : memref<64xi32, #tpu.memory_space<vmem>>) semaphore(%arg17 : memref<!tpu.dma_semaphore, #tpu.memory_space<semaphore_mem>>)
    %dma_wait3A = arith.constant 0 : i32
    %dma_wait3A_36 = arith.constant 0 : i32
    %dma_wait3A_37 = tpu.memref_slice %arg2[%dma_wait3A, %dma_wait3A_36] : memref<10496x128xf32, #tpu.memory_space<hbm>> -> memref<64x128xf32, #tpu.memory_space<hbm>>
    %dma_wait3A_38 = arith.constant 0 : i32
    %dma_wait3A_39 = arith.constant 0 : i32
    %dma_wait3A_40 = tpu.memref_slice %arg2[%dma_wait3A_38, %dma_wait3A_39] : memref<10496x128xf32, #tpu.memory_space<hbm>> -> memref<64x128xf32, #tpu.memory_space<hbm>>
    tpu.wait_dma2 semaphore(%arg14 : memref<!tpu.dma_semaphore, #tpu.memory_space<semaphore_mem>>) src(%dma_wait3A_40 : memref<64x128xf32, #tpu.memory_space<hbm>>) dst(%arg9 : memref<64x128xf32, #tpu.memory_space<vmem>>)
    %dma_start3A_41 = arith.constant 0 : i32
    %dma_start3A_42 = arith.constant 0 : i32
    %dma_start3A_43 = tpu.memref_slice %arg8[%dma_start3A_41, %dma_start3A_42] : memref<80x64xi32, #tpu.memory_space<vmem>> -> memref<1x64xi32, #tpu.memory_space<vmem>>
    %dma_start3A_44 = tpu.memref_squeeze %dma_start3A_43 : memref<1x64xi32, #tpu.memory_space<vmem>> -> memref<64xi32, #tpu.memory_space<vmem>>
    %dma_start3A_45 = arith.constant 0 : i32
    %dma_start3A_46 = arith.constant 0 : i32
    %dma_start3A_47 = tpu.memref_slice %arg13[%dma_start3A_45, %dma_start3A_46] : memref<10000x128xf32, #tpu.memory_space<vmem_shared>> -> memref<10000x128xf32, #tpu.memory_space<vmem_shared>>
    tpu.enqueue_indirect_dma source(%arg9 : memref<64x128xf32, #tpu.memory_space<vmem>>) target(%dma_start3A_47 : memref<10000x128xf32, #tpu.memory_space<vmem_shared>>) offsets(%dma_start3A_44 : memref<64xi32, #tpu.memory_space<vmem>>) semaphore(%arg18 : memref<!tpu.dma_semaphore, #tpu.memory_space<semaphore_mem>>) {add = true}
    %dma_wait3A_48 = arith.constant 0 : i32
    %dma_wait3A_49 = arith.constant 0 : i32
    %dma_wait3A_50 = tpu.memref_slice %arg2[%dma_wait3A_48, %dma_wait3A_49] : memref<10496x128xf32, #tpu.memory_space<hbm>> -> memref<64x128xf32, #tpu.memory_space<hbm>>
    %dma_wait3A_51 = arith.constant 0 : i32
    %dma_wait3A_52 = arith.constant 0 : i32
    %dma_wait3A_53 = tpu.memref_slice %arg2[%dma_wait3A_51, %dma_wait3A_52] : memref<10496x128xf32, #tpu.memory_space<hbm>> -> memref<64x128xf32, #tpu.memory_space<hbm>>
    tpu.wait_dma2 semaphore(%arg15 : memref<!tpu.dma_semaphore, #tpu.memory_space<semaphore_mem>>) src(%dma_wait3A_53 : memref<64x128xf32, #tpu.memory_space<hbm>>) dst(%arg9 : memref<64x128xf32, #tpu.memory_space<vmem>>)
    %dma_start3A_54 = arith.constant 1 : i32
    %dma_start3A_55 = arith.constant 0 : i32
    %dma_start3A_56 = tpu.memref_slice %arg8[%dma_start3A_54, %dma_start3A_55] : memref<80x64xi32, #tpu.memory_space<vmem>> -> memref<1x64xi32, #tpu.memory_space<vmem>>
    %dma_start3A_57 = tpu.memref_squeeze %dma_start3A_56 : memref<1x64xi32, #tpu.memory_space<vmem>> -> memref<64xi32, #tpu.memory_space<vmem>>
    %dma_start3A_58 = arith.constant 0 : i32
    %dma_start3A_59 = arith.constant 0 : i32
    %dma_start3A_60 = tpu.memref_slice %arg13[%dma_start3A_58, %dma_start3A_59] : memref<10000x128xf32, #tpu.memory_space<vmem_shared>> -> memref<10000x128xf32, #tpu.memory_space<vmem_shared>>
    tpu.enqueue_indirect_dma source(%arg10 : memref<64x128xf32, #tpu.memory_space<vmem>>) target(%dma_start3A_60 : memref<10000x128xf32, #tpu.memory_space<vmem_shared>>) offsets(%dma_start3A_57 : memref<64xi32, #tpu.memory_space<vmem>>) semaphore(%arg19 : memref<!tpu.dma_semaphore, #tpu.memory_space<semaphore_mem>>) {add = true}
    %dma_wait3A_61 = arith.constant 0 : i32
    %dma_wait3A_62 = arith.constant 0 : i32
    %dma_wait3A_63 = tpu.memref_slice %arg2[%dma_wait3A_61, %dma_wait3A_62] : memref<10496x128xf32, #tpu.memory_space<hbm>> -> memref<64x128xf32, #tpu.memory_space<hbm>>
    %dma_wait3A_64 = arith.constant 0 : i32
    %dma_wait3A_65 = arith.constant 0 : i32
    %dma_wait3A_66 = tpu.memref_slice %arg2[%dma_wait3A_64, %dma_wait3A_65] : memref<10496x128xf32, #tpu.memory_space<hbm>> -> memref<64x128xf32, #tpu.memory_space<hbm>>
    tpu.wait_dma2 semaphore(%arg16 : memref<!tpu.dma_semaphore, #tpu.memory_space<semaphore_mem>>) src(%dma_wait3A_66 : memref<64x128xf32, #tpu.memory_space<hbm>>) dst(%arg9 : memref<64x128xf32, #tpu.memory_space<vmem>>)
    %dma_start3A_67 = arith.constant 2 : i32
    %dma_start3A_68 = arith.constant 0 : i32
    %dma_start3A_69 = tpu.memref_slice %arg8[%dma_start3A_67, %dma_start3A_68] : memref<80x64xi32, #tpu.memory_space<vmem>> -> memref<1x64xi32, #tpu.memory_space<vmem>>
    %dma_start3A_70 = tpu.memref_squeeze %dma_start3A_69 : memref<1x64xi32, #tpu.memory_space<vmem>> -> memref<64xi32, #tpu.memory_space<vmem>>
    %dma_start3A_71 = arith.constant 0 : i32
    %dma_start3A_72 = arith.constant 0 : i32
    %dma_start3A_73 = tpu.memref_slice %arg13[%dma_start3A_71, %dma_start3A_72] : memref<10000x128xf32, #tpu.memory_space<vmem_shared>> -> memref<10000x128xf32, #tpu.memory_space<vmem_shared>>
    tpu.enqueue_indirect_dma source(%arg11 : memref<64x128xf32, #tpu.memory_space<vmem>>) target(%dma_start3A_73 : memref<10000x128xf32, #tpu.memory_space<vmem_shared>>) offsets(%dma_start3A_70 : memref<64xi32, #tpu.memory_space<vmem>>) semaphore(%arg20 : memref<!tpu.dma_semaphore, #tpu.memory_space<semaphore_mem>>) {add = true}
    %dma_wait3A_74 = arith.constant 0 : i32
    %dma_wait3A_75 = arith.constant 0 : i32
    %dma_wait3A_76 = tpu.memref_slice %arg2[%dma_wait3A_74, %dma_wait3A_75] : memref<10496x128xf32, #tpu.memory_space<hbm>> -> memref<64x128xf32, #tpu.memory_space<hbm>>
    %dma_wait3A_77 = arith.constant 0 : i32
    %dma_wait3A_78 = arith.constant 0 : i32
    %dma_wait3A_79 = tpu.memref_slice %arg2[%dma_wait3A_77, %dma_wait3A_78] : memref<10496x128xf32, #tpu.memory_space<hbm>> -> memref<64x128xf32, #tpu.memory_space<hbm>>
    tpu.wait_dma2 semaphore(%arg17 : memref<!tpu.dma_semaphore, #tpu.memory_space<semaphore_mem>>) src(%dma_wait3A_79 : memref<64x128xf32, #tpu.memory_space<hbm>>) dst(%arg9 : memref<64x128xf32, #tpu.memory_space<vmem>>)
    %dma_start3A_80 = arith.constant 3 : i32
    %dma_start3A_81 = arith.constant 0 : i32
    %dma_start3A_82 = tpu.memref_slice %arg8[%dma_start3A_80, %dma_start3A_81] : memref<80x64xi32, #tpu.memory_space<vmem>> -> memref<1x64xi32, #tpu.memory_space<vmem>>
    %dma_start3A_83 = tpu.memref_squeeze %dma_start3A_82 : memref<1x64xi32, #tpu.memory_space<vmem>> -> memref<64xi32, #tpu.memory_space<vmem>>
    %dma_start3A_84 = arith.constant 0 : i32
    %dma_start3A_85 = arith.constant 0 : i32
    %dma_start3A_86 = tpu.memref_slice %arg13[%dma_start3A_84, %dma_start3A_85] : memref<10000x128xf32, #tpu.memory_space<vmem_shared>> -> memref<10000x128xf32, #tpu.memory_space<vmem_shared>>
    tpu.enqueue_indirect_dma source(%arg12 : memref<64x128xf32, #tpu.memory_space<vmem>>) target(%dma_start3A_86 : memref<10000x128xf32, #tpu.memory_space<vmem_shared>>) offsets(%dma_start3A_83 : memref<64xi32, #tpu.memory_space<vmem>>) semaphore(%arg21 : memref<!tpu.dma_semaphore, #tpu.memory_space<semaphore_mem>>) {add = true}
    %scan3A = arith.constant 0 : i32
    %scan3A_87 = arith.constant 19 : i32
    %scan3A_88 = arith.addi %scan3A, %scan3A_87 : i32
    %scan3A_89 = arith.constant 1 : i32
    scf.for %scan3A_235 = %scan3A to %scan3A_88 step %scan3A_89  : i32 {
      %mul3A_236 = arith.constant 1 : i32
      %mul3A_237 = arith.muli %scan3A_235, %mul3A_236 : i32
      %add3A_238 = arith.constant 1 : i32
      %add3A_239 = arith.addi %add3A_238, %mul3A_237 : i32
      %mul3A_240 = arith.constant 4 : i32
      %mul3A_241 = arith.muli %add3A_239, %mul3A_240 : i32
      %dma_wait3A_242 = arith.constant 0 : i32
      %dma_wait3A_243 = arith.constant 0 : i32
      %dma_wait3A_244 = tpu.memref_slice %arg2[%dma_wait3A_242, %dma_wait3A_243] : memref<10496x128xf32, #tpu.memory_space<hbm>> -> memref<64x128xf32, #tpu.memory_space<hbm>>
      %dma_wait3A_245 = arith.constant 0 : i32
      %dma_wait3A_246 = arith.constant 0 : i32
      %dma_wait3A_247 = tpu.memref_slice %arg2[%dma_wait3A_245, %dma_wait3A_246] : memref<10496x128xf32, #tpu.memory_space<hbm>> -> memref<64x128xf32, #tpu.memory_space<hbm>>
      tpu.wait_dma2 semaphore(%arg18 : memref<!tpu.dma_semaphore, #tpu.memory_space<semaphore_mem>>) src(%dma_wait3A_247 : memref<64x128xf32, #tpu.memory_space<hbm>>) dst(%arg9 : memref<64x128xf32, #tpu.memory_space<vmem>>)
      %add3A_248 = arith.constant 0 : i32
      %add3A_249 = arith.addi %mul3A_241, %add3A_248 : i32
      %mul3A_250 = arith.constant 64 : i32
      %mul3A_251 = arith.muli %add3A_249, %mul3A_250 : i32
      %multiple_of3A_252 = tpu.assume_multiple %mul3A_251, 8 : i32
      %dma_start3A_253 = tpu.memref_slice %arg7[%multiple_of3A_252] : memref<5120xi32, #tpu.memory_space<vmem>> -> memref<64xi32, #tpu.memory_space<vmem>>
      %dma_start3A_254 = arith.constant 0 : i32
      %dma_start3A_255 = arith.constant 0 : i32
      %dma_start3A_256 = tpu.memref_slice %arg2[%dma_start3A_254, %dma_start3A_255] : memref<10496x128xf32, #tpu.memory_space<hbm>> -> memref<10496x128xf32, #tpu.memory_space<hbm>>
      tpu.enqueue_indirect_dma source(%dma_start3A_256 : memref<10496x128xf32, #tpu.memory_space<hbm>>) target(%arg9 : memref<64x128xf32, #tpu.memory_space<vmem>>) offsets(%dma_start3A_253 : memref<64xi32, #tpu.memory_space<vmem>>) semaphore(%arg14 : memref<!tpu.dma_semaphore, #tpu.memory_space<semaphore_mem>>)
      %dma_wait3A_257 = arith.constant 0 : i32
      %dma_wait3A_258 = arith.constant 0 : i32
      %dma_wait3A_259 = tpu.memref_slice %arg2[%dma_wait3A_257, %dma_wait3A_258] : memref<10496x128xf32, #tpu.memory_space<hbm>> -> memref<64x128xf32, #tpu.memory_space<hbm>>
      %dma_wait3A_260 = arith.constant 0 : i32
      %dma_wait3A_261 = arith.constant 0 : i32
      %dma_wait3A_262 = tpu.memref_slice %arg2[%dma_wait3A_260, %dma_wait3A_261] : memref<10496x128xf32, #tpu.memory_space<hbm>> -> memref<64x128xf32, #tpu.memory_space<hbm>>
      tpu.wait_dma2 semaphore(%arg19 : memref<!tpu.dma_semaphore, #tpu.memory_space<semaphore_mem>>) src(%dma_wait3A_262 : memref<64x128xf32, #tpu.memory_space<hbm>>) dst(%arg9 : memref<64x128xf32, #tpu.memory_space<vmem>>)
      %add3A_263 = arith.constant 1 : i32
      %add3A_264 = arith.addi %mul3A_241, %add3A_263 : i32
      %mul3A_265 = arith.constant 64 : i32
      %mul3A_266 = arith.muli %add3A_264, %mul3A_265 : i32
      %multiple_of3A_267 = tpu.assume_multiple %mul3A_266, 8 : i32
      %dma_start3A_268 = tpu.memref_slice %arg7[%multiple_of3A_267] : memref<5120xi32, #tpu.memory_space<vmem>> -> memref<64xi32, #tpu.memory_space<vmem>>
      %dma_start3A_269 = arith.constant 0 : i32
      %dma_start3A_270 = arith.constant 0 : i32
      %dma_start3A_271 = tpu.memref_slice %arg2[%dma_start3A_269, %dma_start3A_270] : memref<10496x128xf32, #tpu.memory_space<hbm>> -> memref<10496x128xf32, #tpu.memory_space<hbm>>
      tpu.enqueue_indirect_dma source(%dma_start3A_271 : memref<10496x128xf32, #tpu.memory_space<hbm>>) target(%arg10 : memref<64x128xf32, #tpu.memory_space<vmem>>) offsets(%dma_start3A_268 : memref<64xi32, #tpu.memory_space<vmem>>) semaphore(%arg15 : memref<!tpu.dma_semaphore, #tpu.memory_space<semaphore_mem>>)
      %dma_wait3A_272 = arith.constant 0 : i32
      %dma_wait3A_273 = arith.constant 0 : i32
      %dma_wait3A_274 = tpu.memref_slice %arg2[%dma_wait3A_272, %dma_wait3A_273] : memref<10496x128xf32, #tpu.memory_space<hbm>> -> memref<64x128xf32, #tpu.memory_space<hbm>>
      %dma_wait3A_275 = arith.constant 0 : i32
      %dma_wait3A_276 = arith.constant 0 : i32
      %dma_wait3A_277 = tpu.memref_slice %arg2[%dma_wait3A_275, %dma_wait3A_276] : memref<10496x128xf32, #tpu.memory_space<hbm>> -> memref<64x128xf32, #tpu.memory_space<hbm>>
      tpu.wait_dma2 semaphore(%arg20 : memref<!tpu.dma_semaphore, #tpu.memory_space<semaphore_mem>>) src(%dma_wait3A_277 : memref<64x128xf32, #tpu.memory_space<hbm>>) dst(%arg9 : memref<64x128xf32, #tpu.memory_space<vmem>>)
      %add3A_278 = arith.constant 2 : i32
      %add3A_279 = arith.addi %mul3A_241, %add3A_278 : i32
      %mul3A_280 = arith.constant 64 : i32
      %mul3A_281 = arith.muli %add3A_279, %mul3A_280 : i32
      %multiple_of3A_282 = tpu.assume_multiple %mul3A_281, 8 : i32
      %dma_start3A_283 = tpu.memref_slice %arg7[%multiple_of3A_282] : memref<5120xi32, #tpu.memory_space<vmem>> -> memref<64xi32, #tpu.memory_space<vmem>>
      %dma_start3A_284 = arith.constant 0 : i32
      %dma_start3A_285 = arith.constant 0 : i32
      %dma_start3A_286 = tpu.memref_slice %arg2[%dma_start3A_284, %dma_start3A_285] : memref<10496x128xf32, #tpu.memory_space<hbm>> -> memref<10496x128xf32, #tpu.memory_space<hbm>>
      tpu.enqueue_indirect_dma source(%dma_start3A_286 : memref<10496x128xf32, #tpu.memory_space<hbm>>) target(%arg11 : memref<64x128xf32, #tpu.memory_space<vmem>>) offsets(%dma_start3A_283 : memref<64xi32, #tpu.memory_space<vmem>>) semaphore(%arg16 : memref<!tpu.dma_semaphore, #tpu.memory_space<semaphore_mem>>)
      %dma_wait3A_287 = arith.constant 0 : i32
      %dma_wait3A_288 = arith.constant 0 : i32
      %dma_wait3A_289 = tpu.memref_slice %arg2[%dma_wait3A_287, %dma_wait3A_288] : memref<10496x128xf32, #tpu.memory_space<hbm>> -> memref<64x128xf32, #tpu.memory_space<hbm>>
      %dma_wait3A_290 = arith.constant 0 : i32
      %dma_wait3A_291 = arith.constant 0 : i32
      %dma_wait3A_292 = tpu.memref_slice %arg2[%dma_wait3A_290, %dma_wait3A_291] : memref<10496x128xf32, #tpu.memory_space<hbm>> -> memref<64x128xf32, #tpu.memory_space<hbm>>
      tpu.wait_dma2 semaphore(%arg21 : memref<!tpu.dma_semaphore, #tpu.memory_space<semaphore_mem>>) src(%dma_wait3A_292 : memref<64x128xf32, #tpu.memory_space<hbm>>) dst(%arg9 : memref<64x128xf32, #tpu.memory_space<vmem>>)
      %add3A_293 = arith.constant 3 : i32
      %add3A_294 = arith.addi %mul3A_241, %add3A_293 : i32
      %mul3A_295 = arith.constant 64 : i32
      %mul3A_296 = arith.muli %add3A_294, %mul3A_295 : i32
      %multiple_of3A_297 = tpu.assume_multiple %mul3A_296, 8 : i32
      %dma_start3A_298 = tpu.memref_slice %arg7[%multiple_of3A_297] : memref<5120xi32, #tpu.memory_space<vmem>> -> memref<64xi32, #tpu.memory_space<vmem>>
      %dma_start3A_299 = arith.constant 0 : i32
      %dma_start3A_300 = arith.constant 0 : i32
      %dma_start3A_301 = tpu.memref_slice %arg2[%dma_start3A_299, %dma_start3A_300] : memref<10496x128xf32, #tpu.memory_space<hbm>> -> memref<10496x128xf32, #tpu.memory_space<hbm>>
      tpu.enqueue_indirect_dma source(%dma_start3A_301 : memref<10496x128xf32, #tpu.memory_space<hbm>>) target(%arg12 : memref<64x128xf32, #tpu.memory_space<vmem>>) offsets(%dma_start3A_298 : memref<64xi32, #tpu.memory_space<vmem>>) semaphore(%arg17 : memref<!tpu.dma_semaphore, #tpu.memory_space<semaphore_mem>>)
      %dma_wait3A_302 = arith.constant 0 : i32
      %dma_wait3A_303 = arith.constant 0 : i32
      %dma_wait3A_304 = tpu.memref_slice %arg2[%dma_wait3A_302, %dma_wait3A_303] : memref<10496x128xf32, #tpu.memory_space<hbm>> -> memref<64x128xf32, #tpu.memory_space<hbm>>
      %dma_wait3A_305 = arith.constant 0 : i32
      %dma_wait3A_306 = arith.constant 0 : i32
      %dma_wait3A_307 = tpu.memref_slice %arg2[%dma_wait3A_305, %dma_wait3A_306] : memref<10496x128xf32, #tpu.memory_space<hbm>> -> memref<64x128xf32, #tpu.memory_space<hbm>>
      tpu.wait_dma2 semaphore(%arg14 : memref<!tpu.dma_semaphore, #tpu.memory_space<semaphore_mem>>) src(%dma_wait3A_307 : memref<64x128xf32, #tpu.memory_space<hbm>>) dst(%arg9 : memref<64x128xf32, #tpu.memory_space<vmem>>)
      %add3A_308 = arith.constant 0 : i32
      %add3A_309 = arith.addi %mul3A_241, %add3A_308 : i32
      %dma_start3A_310 = arith.constant 0 : i32
      %dma_start3A_311 = tpu.memref_slice %arg8[%add3A_309, %dma_start3A_310] : memref<80x64xi32, #tpu.memory_space<vmem>> -> memref<1x64xi32, #tpu.memory_space<vmem>>
      %dma_start3A_312 = tpu.memref_squeeze %dma_start3A_311 : memref<1x64xi32, #tpu.memory_space<vmem>> -> memref<64xi32, #tpu.memory_space<vmem>>
      %dma_start3A_313 = arith.constant 0 : i32
      %dma_start3A_314 = arith.constant 0 : i32
      %dma_start3A_315 = tpu.memref_slice %arg13[%dma_start3A_313, %dma_start3A_314] : memref<10000x128xf32, #tpu.memory_space<vmem_shared>> -> memref<10000x128xf32, #tpu.memory_space<vmem_shared>>
      tpu.enqueue_indirect_dma source(%arg9 : memref<64x128xf32, #tpu.memory_space<vmem>>) target(%dma_start3A_315 : memref<10000x128xf32, #tpu.memory_space<vmem_shared>>) offsets(%dma_start3A_312 : memref<64xi32, #tpu.memory_space<vmem>>) semaphore(%arg18 : memref<!tpu.dma_semaphore, #tpu.memory_space<semaphore_mem>>) {add = true}
      %dma_wait3A_316 = arith.constant 0 : i32
      %dma_wait3A_317 = arith.constant 0 : i32
      %dma_wait3A_318 = tpu.memref_slice %arg2[%dma_wait3A_316, %dma_wait3A_317] : memref<10496x128xf32, #tpu.memory_space<hbm>> -> memref<64x128xf32, #tpu.memory_space<hbm>>
      %dma_wait3A_319 = arith.constant 0 : i32
      %dma_wait3A_320 = arith.constant 0 : i32
      %dma_wait3A_321 = tpu.memref_slice %arg2[%dma_wait3A_319, %dma_wait3A_320] : memref<10496x128xf32, #tpu.memory_space<hbm>> -> memref<64x128xf32, #tpu.memory_space<hbm>>
      tpu.wait_dma2 semaphore(%arg15 : memref<!tpu.dma_semaphore, #tpu.memory_space<semaphore_mem>>) src(%dma_wait3A_321 : memref<64x128xf32, #tpu.memory_space<hbm>>) dst(%arg9 : memref<64x128xf32, #tpu.memory_space<vmem>>)
      %add3A_322 = arith.constant 1 : i32
      %add3A_323 = arith.addi %mul3A_241, %add3A_322 : i32
      %dma_start3A_324 = arith.constant 0 : i32
      %dma_start3A_325 = tpu.memref_slice %arg8[%add3A_323, %dma_start3A_324] : memref<80x64xi32, #tpu.memory_space<vmem>> -> memref<1x64xi32, #tpu.memory_space<vmem>>
      %dma_start3A_326 = tpu.memref_squeeze %dma_start3A_325 : memref<1x64xi32, #tpu.memory_space<vmem>> -> memref<64xi32, #tpu.memory_space<vmem>>
      %dma_start3A_327 = arith.constant 0 : i32
      %dma_start3A_328 = arith.constant 0 : i32
      %dma_start3A_329 = tpu.memref_slice %arg13[%dma_start3A_327, %dma_start3A_328] : memref<10000x128xf32, #tpu.memory_space<vmem_shared>> -> memref<10000x128xf32, #tpu.memory_space<vmem_shared>>
      tpu.enqueue_indirect_dma source(%arg10 : memref<64x128xf32, #tpu.memory_space<vmem>>) target(%dma_start3A_329 : memref<10000x128xf32, #tpu.memory_space<vmem_shared>>) offsets(%dma_start3A_326 : memref<64xi32, #tpu.memory_space<vmem>>) semaphore(%arg19 : memref<!tpu.dma_semaphore, #tpu.memory_space<semaphore_mem>>) {add = true}
      %dma_wait3A_330 = arith.constant 0 : i32
      %dma_wait3A_331 = arith.constant 0 : i32
      %dma_wait3A_332 = tpu.memref_slice %arg2[%dma_wait3A_330, %dma_wait3A_331] : memref<10496x128xf32, #tpu.memory_space<hbm>> -> memref<64x128xf32, #tpu.memory_space<hbm>>
      %dma_wait3A_333 = arith.constant 0 : i32
      %dma_wait3A_334 = arith.constant 0 : i32
      %dma_wait3A_335 = tpu.memref_slice %arg2[%dma_wait3A_333, %dma_wait3A_334] : memref<10496x128xf32, #tpu.memory_space<hbm>> -> memref<64x128xf32, #tpu.memory_space<hbm>>
      tpu.wait_dma2 semaphore(%arg16 : memref<!tpu.dma_semaphore, #tpu.memory_space<semaphore_mem>>) src(%dma_wait3A_335 : memref<64x128xf32, #tpu.memory_space<hbm>>) dst(%arg9 : memref<64x128xf32, #tpu.memory_space<vmem>>)
      %add3A_336 = arith.constant 2 : i32
      %add3A_337 = arith.addi %mul3A_241, %add3A_336 : i32
      %dma_start3A_338 = arith.constant 0 : i32
      %dma_start3A_339 = tpu.memref_slice %arg8[%add3A_337, %dma_start3A_338] : memref<80x64xi32, #tpu.memory_space<vmem>> -> memref<1x64xi32, #tpu.memory_space<vmem>>
      %dma_start3A_340 = tpu.memref_squeeze %dma_start3A_339 : memref<1x64xi32, #tpu.memory_space<vmem>> -> memref<64xi32, #tpu.memory_space<vmem>>
      %dma_start3A_341 = arith.constant 0 : i32
      %dma_start3A_342 = arith.constant 0 : i32
      %dma_start3A_343 = tpu.memref_slice %arg13[%dma_start3A_341, %dma_start3A_342] : memref<10000x128xf32, #tpu.memory_space<vmem_shared>> -> memref<10000x128xf32, #tpu.memory_space<vmem_shared>>
      tpu.enqueue_indirect_dma source(%arg11 : memref<64x128xf32, #tpu.memory_space<vmem>>) target(%dma_start3A_343 : memref<10000x128xf32, #tpu.memory_space<vmem_shared>>) offsets(%dma_start3A_340 : memref<64xi32, #tpu.memory_space<vmem>>) semaphore(%arg20 : memref<!tpu.dma_semaphore, #tpu.memory_space<semaphore_mem>>) {add = true}
      %dma_wait3A_344 = arith.constant 0 : i32
      %dma_wait3A_345 = arith.constant 0 : i32
      %dma_wait3A_346 = tpu.memref_slice %arg2[%dma_wait3A_344, %dma_wait3A_345] : memref<10496x128xf32, #tpu.memory_space<hbm>> -> memref<64x128xf32, #tpu.memory_space<hbm>>
      %dma_wait3A_347 = arith.constant 0 : i32
      %dma_wait3A_348 = arith.constant 0 : i32
      %dma_wait3A_349 = tpu.memref_slice %arg2[%dma_wait3A_347, %dma_wait3A_348] : memref<10496x128xf32, #tpu.memory_space<hbm>> -> memref<64x128xf32, #tpu.memory_space<hbm>>
      tpu.wait_dma2 semaphore(%arg17 : memref<!tpu.dma_semaphore, #tpu.memory_space<semaphore_mem>>) src(%dma_wait3A_349 : memref<64x128xf32, #tpu.memory_space<hbm>>) dst(%arg9 : memref<64x128xf32, #tpu.memory_space<vmem>>)
      %add3A_350 = arith.constant 3 : i32
      %add3A_351 = arith.addi %mul3A_241, %add3A_350 : i32
      %dma_start3A_352 = arith.constant 0 : i32
      %dma_start3A_353 = tpu.memref_slice %arg8[%add3A_351, %dma_start3A_352] : memref<80x64xi32, #tpu.memory_space<vmem>> -> memref<1x64xi32, #tpu.memory_space<vmem>>
      %dma_start3A_354 = tpu.memref_squeeze %dma_start3A_353 : memref<1x64xi32, #tpu.memory_space<vmem>> -> memref<64xi32, #tpu.memory_space<vmem>>
      %dma_start3A_355 = arith.constant 0 : i32
      %dma_start3A_356 = arith.constant 0 : i32
      %dma_start3A_357 = tpu.memref_slice %arg13[%dma_start3A_355, %dma_start3A_356] : memref<10000x128xf32, #tpu.memory_space<vmem_shared>> -> memref<10000x128xf32, #tpu.memory_space<vmem_shared>>
      tpu.enqueue_indirect_dma source(%arg12 : memref<64x128xf32, #tpu.memory_space<vmem>>) target(%dma_start3A_357 : memref<10000x128xf32, #tpu.memory_space<vmem_shared>>) offsets(%dma_start3A_354 : memref<64xi32, #tpu.memory_space<vmem>>) semaphore(%arg21 : memref<!tpu.dma_semaphore, #tpu.memory_space<semaphore_mem>>) {add = true}
    }
    %scan3A_90 = arith.constant 19 : i32
    %dma_wait3A_91 = arith.constant 0 : i32
    %dma_wait3A_92 = arith.constant 0 : i32
    %dma_wait3A_93 = tpu.memref_slice %arg2[%dma_wait3A_91, %dma_wait3A_92] : memref<10496x128xf32, #tpu.memory_space<hbm>> -> memref<64x128xf32, #tpu.memory_space<hbm>>
    %dma_wait3A_94 = arith.constant 0 : i32
    %dma_wait3A_95 = arith.constant 0 : i32
    %dma_wait3A_96 = tpu.memref_slice %arg2[%dma_wait3A_94, %dma_wait3A_95] : memref<10496x128xf32, #tpu.memory_space<hbm>> -> memref<64x128xf32, #tpu.memory_space<hbm>>
    tpu.wait_dma2 semaphore(%arg18 : memref<!tpu.dma_semaphore, #tpu.memory_space<semaphore_mem>>) src(%dma_wait3A_96 : memref<64x128xf32, #tpu.memory_space<hbm>>) dst(%arg9 : memref<64x128xf32, #tpu.memory_space<vmem>>)
    %dma_wait3A_97 = arith.constant 0 : i32
    %dma_wait3A_98 = arith.constant 0 : i32
    %dma_wait3A_99 = tpu.memref_slice %arg2[%dma_wait3A_97, %dma_wait3A_98] : memref<10496x128xf32, #tpu.memory_space<hbm>> -> memref<64x128xf32, #tpu.memory_space<hbm>>
    %dma_wait3A_100 = arith.constant 0 : i32
    %dma_wait3A_101 = arith.constant 0 : i32
    %dma_wait3A_102 = tpu.memref_slice %arg2[%dma_wait3A_100, %dma_wait3A_101] : memref<10496x128xf32, #tpu.memory_space<hbm>> -> memref<64x128xf32, #tpu.memory_space<hbm>>
    tpu.wait_dma2 semaphore(%arg19 : memref<!tpu.dma_semaphore, #tpu.memory_space<semaphore_mem>>) src(%dma_wait3A_102 : memref<64x128xf32, #tpu.memory_space<hbm>>) dst(%arg9 : memref<64x128xf32, #tpu.memory_space<vmem>>)
    %dma_wait3A_103 = arith.constant 0 : i32
    %dma_wait3A_104 = arith.constant 0 : i32
    %dma_wait3A_105 = tpu.memref_slice %arg2[%dma_wait3A_103, %dma_wait3A_104] : memref<10496x128xf32, #tpu.memory_space<hbm>> -> memref<64x128xf32, #tpu.memory_space<hbm>>
    %dma_wait3A_106 = arith.constant 0 : i32
    %dma_wait3A_107 = arith.constant 0 : i32
    %dma_wait3A_108 = tpu.memref_slice %arg2[%dma_wait3A_106, %dma_wait3A_107] : memref<10496x128xf32, #tpu.memory_space<hbm>> -> memref<64x128xf32, #tpu.memory_space<hbm>>
    tpu.wait_dma2 semaphore(%arg20 : memref<!tpu.dma_semaphore, #tpu.memory_space<semaphore_mem>>) src(%dma_wait3A_108 : memref<64x128xf32, #tpu.memory_space<hbm>>) dst(%arg9 : memref<64x128xf32, #tpu.memory_space<vmem>>)
    %dma_wait3A_109 = arith.constant 0 : i32
    %dma_wait3A_110 = arith.constant 0 : i32
    %dma_wait3A_111 = tpu.memref_slice %arg2[%dma_wait3A_109, %dma_wait3A_110] : memref<10496x128xf32, #tpu.memory_space<hbm>> -> memref<64x128xf32, #tpu.memory_space<hbm>>
    %dma_wait3A_112 = arith.constant 0 : i32
    %dma_wait3A_113 = arith.constant 0 : i32
    %dma_wait3A_114 = tpu.memref_slice %arg2[%dma_wait3A_112, %dma_wait3A_113] : memref<10496x128xf32, #tpu.memory_space<hbm>> -> memref<64x128xf32, #tpu.memory_space<hbm>>
    tpu.wait_dma2 semaphore(%arg21 : memref<!tpu.dma_semaphore, #tpu.memory_space<semaphore_mem>>) src(%dma_wait3A_114 : memref<64x128xf32, #tpu.memory_space<hbm>>) dst(%arg9 : memref<64x128xf32, #tpu.memory_space<vmem>>)
    %mul3A_115 = arith.constant 160 : i32
    %mul3A_116 = arith.muli %add3A, %mul3A_115 : i32
    %add3A_117 = arith.constant 80 : i32
    %add3A_118 = arith.addi %mul3A_116, %add3A_117 : i32
    %mul3A_119 = arith.constant 64 : i32
    %mul3A_120 = arith.muli %add3A_118, %mul3A_119 : i32
    %multiple_of3A_121 = tpu.assume_multiple %mul3A_120, 8 : i32
    "tpu.region"() ({
      %run_scoped3A = tpu.sem_alloc : memref<!tpu.dma_semaphore, #tpu.memory_space<semaphore_mem>>
      %dma_start3A_235 = tpu.memref_slice %arg3[%multiple_of3A_121] : memref<327680xi32, #tpu.memory_space<hbm>> -> memref<5120xi32, #tpu.memory_space<hbm>>
      %dma_start3A_236 = tpu.memref_slice %arg3[%multiple_of3A_121] : memref<327680xi32, #tpu.memory_space<hbm>> -> memref<5120xi32, #tpu.memory_space<hbm>>
      tpu.enqueue_dma source(%dma_start3A_236 : memref<5120xi32, #tpu.memory_space<hbm>>) target(%arg7 : memref<5120xi32, #tpu.memory_space<vmem>>) target_semaphore(%run_scoped3A : memref<!tpu.dma_semaphore, #tpu.memory_space<semaphore_mem>>)
      %dma_wait3A_237 = tpu.memref_slice %arg3[%multiple_of3A_121] : memref<327680xi32, #tpu.memory_space<hbm>> -> memref<5120xi32, #tpu.memory_space<hbm>>
      %dma_wait3A_238 = tpu.memref_slice %arg3[%multiple_of3A_121] : memref<327680xi32, #tpu.memory_space<hbm>> -> memref<5120xi32, #tpu.memory_space<hbm>>
      tpu.wait_dma2 semaphore(%run_scoped3A : memref<!tpu.dma_semaphore, #tpu.memory_space<semaphore_mem>>) src(%dma_wait3A_238 : memref<5120xi32, #tpu.memory_space<hbm>>) dst(%arg7 : memref<5120xi32, #tpu.memory_space<vmem>>)
      tpu.yield
    }) : () -> ()
    %multiple_of3A_122 = tpu.assume_multiple %add3A_118, 8 : i32
    "tpu.region"() ({
      %run_scoped3A = tpu.sem_alloc : memref<!tpu.dma_semaphore, #tpu.memory_space<semaphore_mem>>
      %dma_start3A_235 = arith.constant 0 : i32
      %dma_start3A_236 = tpu.memref_slice %arg4[%multiple_of3A_122, %dma_start3A_235] : memref<5120x64xi32, #tpu.memory_space<hbm>> -> memref<80x64xi32, #tpu.memory_space<hbm>>
      %dma_start3A_237 = arith.constant 0 : i32
      %dma_start3A_238 = tpu.memref_slice %arg4[%multiple_of3A_122, %dma_start3A_237] : memref<5120x64xi32, #tpu.memory_space<hbm>> -> memref<80x64xi32, #tpu.memory_space<hbm>>
      tpu.enqueue_dma source(%dma_start3A_238 : memref<80x64xi32, #tpu.memory_space<hbm>>) target(%arg8 : memref<80x64xi32, #tpu.memory_space<vmem>>) target_semaphore(%run_scoped3A : memref<!tpu.dma_semaphore, #tpu.memory_space<semaphore_mem>>)
      %dma_wait3A_239 = arith.constant 0 : i32
      %dma_wait3A_240 = tpu.memref_slice %arg4[%multiple_of3A_122, %dma_wait3A_239] : memref<5120x64xi32, #tpu.memory_space<hbm>> -> memref<80x64xi32, #tpu.memory_space<hbm>>
      %dma_wait3A_241 = arith.constant 0 : i32
      %dma_wait3A_242 = tpu.memref_slice %arg4[%multiple_of3A_122, %dma_wait3A_241] : memref<5120x64xi32, #tpu.memory_space<hbm>> -> memref<80x64xi32, #tpu.memory_space<hbm>>
      tpu.wait_dma2 semaphore(%run_scoped3A : memref<!tpu.dma_semaphore, #tpu.memory_space<semaphore_mem>>) src(%dma_wait3A_242 : memref<80x64xi32, #tpu.memory_space<hbm>>) dst(%arg8 : memref<80x64xi32, #tpu.memory_space<vmem>>)
      tpu.yield
    }) : () -> ()
    %dma_start3A_123 = arith.constant 0 : i32
    %dma_start3A_124 = tpu.memref_slice %arg7[%dma_start3A_123] : memref<5120xi32, #tpu.memory_space<vmem>> -> memref<64xi32, #tpu.memory_space<vmem>>
    %dma_start3A_125 = arith.constant 0 : i32
    %dma_start3A_126 = arith.constant 0 : i32
    %dma_start3A_127 = tpu.memref_slice %arg2[%dma_start3A_125, %dma_start3A_126] : memref<10496x128xf32, #tpu.memory_space<hbm>> -> memref<10496x128xf32, #tpu.memory_space<hbm>>
    tpu.enqueue_indirect_dma source(%dma_start3A_127 : memref<10496x128xf32, #tpu.memory_space<hbm>>) target(%arg9 : memref<64x128xf32, #tpu.memory_space<vmem>>) offsets(%dma_start3A_124 : memref<64xi32, #tpu.memory_space<vmem>>) semaphore(%arg14 : memref<!tpu.dma_semaphore, #tpu.memory_space<semaphore_mem>>)
    %dma_start3A_128 = arith.constant 64 : i32
    %dma_start3A_129 = tpu.memref_slice %arg7[%dma_start3A_128] : memref<5120xi32, #tpu.memory_space<vmem>> -> memref<64xi32, #tpu.memory_space<vmem>>
    %dma_start3A_130 = arith.constant 0 : i32
    %dma_start3A_131 = arith.constant 0 : i32
    %dma_start3A_132 = tpu.memref_slice %arg2[%dma_start3A_130, %dma_start3A_131] : memref<10496x128xf32, #tpu.memory_space<hbm>> -> memref<10496x128xf32, #tpu.memory_space<hbm>>
    tpu.enqueue_indirect_dma source(%dma_start3A_132 : memref<10496x128xf32, #tpu.memory_space<hbm>>) target(%arg10 : memref<64x128xf32, #tpu.memory_space<vmem>>) offsets(%dma_start3A_129 : memref<64xi32, #tpu.memory_space<vmem>>) semaphore(%arg15 : memref<!tpu.dma_semaphore, #tpu.memory_space<semaphore_mem>>)
    %dma_start3A_133 = arith.constant 128 : i32
    %dma_start3A_134 = tpu.memref_slice %arg7[%dma_start3A_133] : memref<5120xi32, #tpu.memory_space<vmem>> -> memref<64xi32, #tpu.memory_space<vmem>>
    %dma_start3A_135 = arith.constant 0 : i32
    %dma_start3A_136 = arith.constant 0 : i32
    %dma_start3A_137 = tpu.memref_slice %arg2[%dma_start3A_135, %dma_start3A_136] : memref<10496x128xf32, #tpu.memory_space<hbm>> -> memref<10496x128xf32, #tpu.memory_space<hbm>>
    tpu.enqueue_indirect_dma source(%dma_start3A_137 : memref<10496x128xf32, #tpu.memory_space<hbm>>) target(%arg11 : memref<64x128xf32, #tpu.memory_space<vmem>>) offsets(%dma_start3A_134 : memref<64xi32, #tpu.memory_space<vmem>>) semaphore(%arg16 : memref<!tpu.dma_semaphore, #tpu.memory_space<semaphore_mem>>)
    %dma_start3A_138 = arith.constant 192 : i32
    %dma_start3A_139 = tpu.memref_slice %arg7[%dma_start3A_138] : memref<5120xi32, #tpu.memory_space<vmem>> -> memref<64xi32, #tpu.memory_space<vmem>>
    %dma_start3A_140 = arith.constant 0 : i32
    %dma_start3A_141 = arith.constant 0 : i32
    %dma_start3A_142 = tpu.memref_slice %arg2[%dma_start3A_140, %dma_start3A_141] : memref<10496x128xf32, #tpu.memory_space<hbm>> -> memref<10496x128xf32, #tpu.memory_space<hbm>>
    tpu.enqueue_indirect_dma source(%dma_start3A_142 : memref<10496x128xf32, #tpu.memory_space<hbm>>) target(%arg12 : memref<64x128xf32, #tpu.memory_space<vmem>>) offsets(%dma_start3A_139 : memref<64xi32, #tpu.memory_space<vmem>>) semaphore(%arg17 : memref<!tpu.dma_semaphore, #tpu.memory_space<semaphore_mem>>)
    %dma_wait3A_143 = arith.constant 0 : i32
    %dma_wait3A_144 = arith.constant 0 : i32
    %dma_wait3A_145 = tpu.memref_slice %arg2[%dma_wait3A_143, %dma_wait3A_144] : memref<10496x128xf32, #tpu.memory_space<hbm>> -> memref<64x128xf32, #tpu.memory_space<hbm>>
    %dma_wait3A_146 = arith.constant 0 : i32
    %dma_wait3A_147 = arith.constant 0 : i32
    %dma_wait3A_148 = tpu.memref_slice %arg2[%dma_wait3A_146, %dma_wait3A_147] : memref<10496x128xf32, #tpu.memory_space<hbm>> -> memref<64x128xf32, #tpu.memory_space<hbm>>
    tpu.wait_dma2 semaphore(%arg14 : memref<!tpu.dma_semaphore, #tpu.memory_space<semaphore_mem>>) src(%dma_wait3A_148 : memref<64x128xf32, #tpu.memory_space<hbm>>) dst(%arg9 : memref<64x128xf32, #tpu.memory_space<vmem>>)
    %dma_start3A_149 = arith.constant 0 : i32
    %dma_start3A_150 = arith.constant 0 : i32
    %dma_start3A_151 = tpu.memref_slice %arg8[%dma_start3A_149, %dma_start3A_150] : memref<80x64xi32, #tpu.memory_space<vmem>> -> memref<1x64xi32, #tpu.memory_space<vmem>>
    %dma_start3A_152 = tpu.memref_squeeze %dma_start3A_151 : memref<1x64xi32, #tpu.memory_space<vmem>> -> memref<64xi32, #tpu.memory_space<vmem>>
    %dma_start3A_153 = arith.constant 0 : i32
    %dma_start3A_154 = arith.constant 0 : i32
    %dma_start3A_155 = tpu.memref_slice %arg13[%dma_start3A_153, %dma_start3A_154] : memref<10000x128xf32, #tpu.memory_space<vmem_shared>> -> memref<10000x128xf32, #tpu.memory_space<vmem_shared>>
    tpu.enqueue_indirect_dma source(%arg9 : memref<64x128xf32, #tpu.memory_space<vmem>>) target(%dma_start3A_155 : memref<10000x128xf32, #tpu.memory_space<vmem_shared>>) offsets(%dma_start3A_152 : memref<64xi32, #tpu.memory_space<vmem>>) semaphore(%arg18 : memref<!tpu.dma_semaphore, #tpu.memory_space<semaphore_mem>>) {add = true}
    %dma_wait3A_156 = arith.constant 0 : i32
    %dma_wait3A_157 = arith.constant 0 : i32
    %dma_wait3A_158 = tpu.memref_slice %arg2[%dma_wait3A_156, %dma_wait3A_157] : memref<10496x128xf32, #tpu.memory_space<hbm>> -> memref<64x128xf32, #tpu.memory_space<hbm>>
    %dma_wait3A_159 = arith.constant 0 : i32
    %dma_wait3A_160 = arith.constant 0 : i32
    %dma_wait3A_161 = tpu.memref_slice %arg2[%dma_wait3A_159, %dma_wait3A_160] : memref<10496x128xf32, #tpu.memory_space<hbm>> -> memref<64x128xf32, #tpu.memory_space<hbm>>
    tpu.wait_dma2 semaphore(%arg15 : memref<!tpu.dma_semaphore, #tpu.memory_space<semaphore_mem>>) src(%dma_wait3A_161 : memref<64x128xf32, #tpu.memory_space<hbm>>) dst(%arg9 : memref<64x128xf32, #tpu.memory_space<vmem>>)
    %dma_start3A_162 = arith.constant 1 : i32
    %dma_start3A_163 = arith.constant 0 : i32
    %dma_start3A_164 = tpu.memref_slice %arg8[%dma_start3A_162, %dma_start3A_163] : memref<80x64xi32, #tpu.memory_space<vmem>> -> memref<1x64xi32, #tpu.memory_space<vmem>>
    %dma_start3A_165 = tpu.memref_squeeze %dma_start3A_164 : memref<1x64xi32, #tpu.memory_space<vmem>> -> memref<64xi32, #tpu.memory_space<vmem>>
    %dma_start3A_166 = arith.constant 0 : i32
    %dma_start3A_167 = arith.constant 0 : i32
    %dma_start3A_168 = tpu.memref_slice %arg13[%dma_start3A_166, %dma_start3A_167] : memref<10000x128xf32, #tpu.memory_space<vmem_shared>> -> memref<10000x128xf32, #tpu.memory_space<vmem_shared>>
    tpu.enqueue_indirect_dma source(%arg10 : memref<64x128xf32, #tpu.memory_space<vmem>>) target(%dma_start3A_168 : memref<10000x128xf32, #tpu.memory_space<vmem_shared>>) offsets(%dma_start3A_165 : memref<64xi32, #tpu.memory_space<vmem>>) semaphore(%arg19 : memref<!tpu.dma_semaphore, #tpu.memory_space<semaphore_mem>>) {add = true}
    %dma_wait3A_169 = arith.constant 0 : i32
    %dma_wait3A_170 = arith.constant 0 : i32
    %dma_wait3A_171 = tpu.memref_slice %arg2[%dma_wait3A_169, %dma_wait3A_170] : memref<10496x128xf32, #tpu.memory_space<hbm>> -> memref<64x128xf32, #tpu.memory_space<hbm>>
    %dma_wait3A_172 = arith.constant 0 : i32
    %dma_wait3A_173 = arith.constant 0 : i32
    %dma_wait3A_174 = tpu.memref_slice %arg2[%dma_wait3A_172, %dma_wait3A_173] : memref<10496x128xf32, #tpu.memory_space<hbm>> -> memref<64x128xf32, #tpu.memory_space<hbm>>
    tpu.wait_dma2 semaphore(%arg16 : memref<!tpu.dma_semaphore, #tpu.memory_space<semaphore_mem>>) src(%dma_wait3A_174 : memref<64x128xf32, #tpu.memory_space<hbm>>) dst(%arg9 : memref<64x128xf32, #tpu.memory_space<vmem>>)
    %dma_start3A_175 = arith.constant 2 : i32
    %dma_start3A_176 = arith.constant 0 : i32
    %dma_start3A_177 = tpu.memref_slice %arg8[%dma_start3A_175, %dma_start3A_176] : memref<80x64xi32, #tpu.memory_space<vmem>> -> memref<1x64xi32, #tpu.memory_space<vmem>>
    %dma_start3A_178 = tpu.memref_squeeze %dma_start3A_177 : memref<1x64xi32, #tpu.memory_space<vmem>> -> memref<64xi32, #tpu.memory_space<vmem>>
    %dma_start3A_179 = arith.constant 0 : i32
    %dma_start3A_180 = arith.constant 0 : i32
    %dma_start3A_181 = tpu.memref_slice %arg13[%dma_start3A_179, %dma_start3A_180] : memref<10000x128xf32, #tpu.memory_space<vmem_shared>> -> memref<10000x128xf32, #tpu.memory_space<vmem_shared>>
    tpu.enqueue_indirect_dma source(%arg11 : memref<64x128xf32, #tpu.memory_space<vmem>>) target(%dma_start3A_181 : memref<10000x128xf32, #tpu.memory_space<vmem_shared>>) offsets(%dma_start3A_178 : memref<64xi32, #tpu.memory_space<vmem>>) semaphore(%arg20 : memref<!tpu.dma_semaphore, #tpu.memory_space<semaphore_mem>>) {add = true}
    %dma_wait3A_182 = arith.constant 0 : i32
    %dma_wait3A_183 = arith.constant 0 : i32
    %dma_wait3A_184 = tpu.memref_slice %arg2[%dma_wait3A_182, %dma_wait3A_183] : memref<10496x128xf32, #tpu.memory_space<hbm>> -> memref<64x128xf32, #tpu.memory_space<hbm>>
    %dma_wait3A_185 = arith.constant 0 : i32
    %dma_wait3A_186 = arith.constant 0 : i32
    %dma_wait3A_187 = tpu.memref_slice %arg2[%dma_wait3A_185, %dma_wait3A_186] : memref<10496x128xf32, #tpu.memory_space<hbm>> -> memref<64x128xf32, #tpu.memory_space<hbm>>
    tpu.wait_dma2 semaphore(%arg17 : memref<!tpu.dma_semaphore, #tpu.memory_space<semaphore_mem>>) src(%dma_wait3A_187 : memref<64x128xf32, #tpu.memory_space<hbm>>) dst(%arg9 : memref<64x128xf32, #tpu.memory_space<vmem>>)
    %dma_start3A_188 = arith.constant 3 : i32
    %dma_start3A_189 = arith.constant 0 : i32
    %dma_start3A_190 = tpu.memref_slice %arg8[%dma_start3A_188, %dma_start3A_189] : memref<80x64xi32, #tpu.memory_space<vmem>> -> memref<1x64xi32, #tpu.memory_space<vmem>>
    %dma_start3A_191 = tpu.memref_squeeze %dma_start3A_190 : memref<1x64xi32, #tpu.memory_space<vmem>> -> memref<64xi32, #tpu.memory_space<vmem>>
    %dma_start3A_192 = arith.constant 0 : i32
    %dma_start3A_193 = arith.constant 0 : i32
    %dma_start3A_194 = tpu.memref_slice %arg13[%dma_start3A_192, %dma_start3A_193] : memref<10000x128xf32, #tpu.memory_space<vmem_shared>> -> memref<10000x128xf32, #tpu.memory_space<vmem_shared>>
    tpu.enqueue_indirect_dma source(%arg12 : memref<64x128xf32, #tpu.memory_space<vmem>>) target(%dma_start3A_194 : memref<10000x128xf32, #tpu.memory_space<vmem_shared>>) offsets(%dma_start3A_191 : memref<64xi32, #tpu.memory_space<vmem>>) semaphore(%arg21 : memref<!tpu.dma_semaphore, #tpu.memory_space<semaphore_mem>>) {add = true}
    %scan3A_195 = arith.constant 0 : i32
    %scan3A_196 = arith.constant 19 : i32
    %scan3A_197 = arith.addi %scan3A_195, %scan3A_196 : i32
    %scan3A_198 = arith.constant 1 : i32
    scf.for %scan3A_235 = %scan3A_195 to %scan3A_197 step %scan3A_198  : i32 {
      %mul3A_236 = arith.constant 1 : i32
      %mul3A_237 = arith.muli %scan3A_235, %mul3A_236 : i32
      %add3A_238 = arith.constant 1 : i32
      %add3A_239 = arith.addi %add3A_238, %mul3A_237 : i32
      %mul3A_240 = arith.constant 4 : i32
      %mul3A_241 = arith.muli %add3A_239, %mul3A_240 : i32
      %dma_wait3A_242 = arith.constant 0 : i32
      %dma_wait3A_243 = arith.constant 0 : i32
      %dma_wait3A_244 = tpu.memref_slice %arg2[%dma_wait3A_242, %dma_wait3A_243] : memref<10496x128xf32, #tpu.memory_space<hbm>> -> memref<64x128xf32, #tpu.memory_space<hbm>>
      %dma_wait3A_245 = arith.constant 0 : i32
      %dma_wait3A_246 = arith.constant 0 : i32
      %dma_wait3A_247 = tpu.memref_slice %arg2[%dma_wait3A_245, %dma_wait3A_246] : memref<10496x128xf32, #tpu.memory_space<hbm>> -> memref<64x128xf32, #tpu.memory_space<hbm>>
      tpu.wait_dma2 semaphore(%arg18 : memref<!tpu.dma_semaphore, #tpu.memory_space<semaphore_mem>>) src(%dma_wait3A_247 : memref<64x128xf32, #tpu.memory_space<hbm>>) dst(%arg9 : memref<64x128xf32, #tpu.memory_space<vmem>>)
      %add3A_248 = arith.constant 0 : i32
      %add3A_249 = arith.addi %mul3A_241, %add3A_248 : i32
      %mul3A_250 = arith.constant 64 : i32
      %mul3A_251 = arith.muli %add3A_249, %mul3A_250 : i32
      %multiple_of3A_252 = tpu.assume_multiple %mul3A_251, 8 : i32
      %dma_start3A_253 = tpu.memref_slice %arg7[%multiple_of3A_252] : memref<5120xi32, #tpu.memory_space<vmem>> -> memref<64xi32, #tpu.memory_space<vmem>>
      %dma_start3A_254 = arith.constant 0 : i32
      %dma_start3A_255 = arith.constant 0 : i32
      %dma_start3A_256 = tpu.memref_slice %arg2[%dma_start3A_254, %dma_start3A_255] : memref<10496x128xf32, #tpu.memory_space<hbm>> -> memref<10496x128xf32, #tpu.memory_space<hbm>>
      tpu.enqueue_indirect_dma source(%dma_start3A_256 : memref<10496x128xf32, #tpu.memory_space<hbm>>) target(%arg9 : memref<64x128xf32, #tpu.memory_space<vmem>>) offsets(%dma_start3A_253 : memref<64xi32, #tpu.memory_space<vmem>>) semaphore(%arg14 : memref<!tpu.dma_semaphore, #tpu.memory_space<semaphore_mem>>)
      %dma_wait3A_257 = arith.constant 0 : i32
      %dma_wait3A_258 = arith.constant 0 : i32
      %dma_wait3A_259 = tpu.memref_slice %arg2[%dma_wait3A_257, %dma_wait3A_258] : memref<10496x128xf32, #tpu.memory_space<hbm>> -> memref<64x128xf32, #tpu.memory_space<hbm>>
      %dma_wait3A_260 = arith.constant 0 : i32
      %dma_wait3A_261 = arith.constant 0 : i32
      %dma_wait3A_262 = tpu.memref_slice %arg2[%dma_wait3A_260, %dma_wait3A_261] : memref<10496x128xf32, #tpu.memory_space<hbm>> -> memref<64x128xf32, #tpu.memory_space<hbm>>
      tpu.wait_dma2 semaphore(%arg19 : memref<!tpu.dma_semaphore, #tpu.memory_space<semaphore_mem>>) src(%dma_wait3A_262 : memref<64x128xf32, #tpu.memory_space<hbm>>) dst(%arg9 : memref<64x128xf32, #tpu.memory_space<vmem>>)
      %add3A_263 = arith.constant 1 : i32
      %add3A_264 = arith.addi %mul3A_241, %add3A_263 : i32
      %mul3A_265 = arith.constant 64 : i32
      %mul3A_266 = arith.muli %add3A_264, %mul3A_265 : i32
      %multiple_of3A_267 = tpu.assume_multiple %mul3A_266, 8 : i32
      %dma_start3A_268 = tpu.memref_slice %arg7[%multiple_of3A_267] : memref<5120xi32, #tpu.memory_space<vmem>> -> memref<64xi32, #tpu.memory_space<vmem>>
      %dma_start3A_269 = arith.constant 0 : i32
      %dma_start3A_270 = arith.constant 0 : i32
      %dma_start3A_271 = tpu.memref_slice %arg2[%dma_start3A_269, %dma_start3A_270] : memref<10496x128xf32, #tpu.memory_space<hbm>> -> memref<10496x128xf32, #tpu.memory_space<hbm>>
      tpu.enqueue_indirect_dma source(%dma_start3A_271 : memref<10496x128xf32, #tpu.memory_space<hbm>>) target(%arg10 : memref<64x128xf32, #tpu.memory_space<vmem>>) offsets(%dma_start3A_268 : memref<64xi32, #tpu.memory_space<vmem>>) semaphore(%arg15 : memref<!tpu.dma_semaphore, #tpu.memory_space<semaphore_mem>>)
      %dma_wait3A_272 = arith.constant 0 : i32
      %dma_wait3A_273 = arith.constant 0 : i32
      %dma_wait3A_274 = tpu.memref_slice %arg2[%dma_wait3A_272, %dma_wait3A_273] : memref<10496x128xf32, #tpu.memory_space<hbm>> -> memref<64x128xf32, #tpu.memory_space<hbm>>
      %dma_wait3A_275 = arith.constant 0 : i32
      %dma_wait3A_276 = arith.constant 0 : i32
      %dma_wait3A_277 = tpu.memref_slice %arg2[%dma_wait3A_275, %dma_wait3A_276] : memref<10496x128xf32, #tpu.memory_space<hbm>> -> memref<64x128xf32, #tpu.memory_space<hbm>>
      tpu.wait_dma2 semaphore(%arg20 : memref<!tpu.dma_semaphore, #tpu.memory_space<semaphore_mem>>) src(%dma_wait3A_277 : memref<64x128xf32, #tpu.memory_space<hbm>>) dst(%arg9 : memref<64x128xf32, #tpu.memory_space<vmem>>)
      %add3A_278 = arith.constant 2 : i32
      %add3A_279 = arith.addi %mul3A_241, %add3A_278 : i32
      %mul3A_280 = arith.constant 64 : i32
      %mul3A_281 = arith.muli %add3A_279, %mul3A_280 : i32
      %multiple_of3A_282 = tpu.assume_multiple %mul3A_281, 8 : i32
      %dma_start3A_283 = tpu.memref_slice %arg7[%multiple_of3A_282] : memref<5120xi32, #tpu.memory_space<vmem>> -> memref<64xi32, #tpu.memory_space<vmem>>
      %dma_start3A_284 = arith.constant 0 : i32
      %dma_start3A_285 = arith.constant 0 : i32
      %dma_start3A_286 = tpu.memref_slice %arg2[%dma_start3A_284, %dma_start3A_285] : memref<10496x128xf32, #tpu.memory_space<hbm>> -> memref<10496x128xf32, #tpu.memory_space<hbm>>
      tpu.enqueue_indirect_dma source(%dma_start3A_286 : memref<10496x128xf32, #tpu.memory_space<hbm>>) target(%arg11 : memref<64x128xf32, #tpu.memory_space<vmem>>) offsets(%dma_start3A_283 : memref<64xi32, #tpu.memory_space<vmem>>) semaphore(%arg16 : memref<!tpu.dma_semaphore, #tpu.memory_space<semaphore_mem>>)
      %dma_wait3A_287 = arith.constant 0 : i32
      %dma_wait3A_288 = arith.constant 0 : i32
      %dma_wait3A_289 = tpu.memref_slice %arg2[%dma_wait3A_287, %dma_wait3A_288] : memref<10496x128xf32, #tpu.memory_space<hbm>> -> memref<64x128xf32, #tpu.memory_space<hbm>>
      %dma_wait3A_290 = arith.constant 0 : i32
      %dma_wait3A_291 = arith.constant 0 : i32
      %dma_wait3A_292 = tpu.memref_slice %arg2[%dma_wait3A_290, %dma_wait3A_291] : memref<10496x128xf32, #tpu.memory_space<hbm>> -> memref<64x128xf32, #tpu.memory_space<hbm>>
      tpu.wait_dma2 semaphore(%arg21 : memref<!tpu.dma_semaphore, #tpu.memory_space<semaphore_mem>>) src(%dma_wait3A_292 : memref<64x128xf32, #tpu.memory_space<hbm>>) dst(%arg9 : memref<64x128xf32, #tpu.memory_space<vmem>>)
      %add3A_293 = arith.constant 3 : i32
      %add3A_294 = arith.addi %mul3A_241, %add3A_293 : i32
      %mul3A_295 = arith.constant 64 : i32
      %mul3A_296 = arith.muli %add3A_294, %mul3A_295 : i32
      %multiple_of3A_297 = tpu.assume_multiple %mul3A_296, 8 : i32
      %dma_start3A_298 = tpu.memref_slice %arg7[%multiple_of3A_297] : memref<5120xi32, #tpu.memory_space<vmem>> -> memref<64xi32, #tpu.memory_space<vmem>>
      %dma_start3A_299 = arith.constant 0 : i32
      %dma_start3A_300 = arith.constant 0 : i32
      %dma_start3A_301 = tpu.memref_slice %arg2[%dma_start3A_299, %dma_start3A_300] : memref<10496x128xf32, #tpu.memory_space<hbm>> -> memref<10496x128xf32, #tpu.memory_space<hbm>>
      tpu.enqueue_indirect_dma source(%dma_start3A_301 : memref<10496x128xf32, #tpu.memory_space<hbm>>) target(%arg12 : memref<64x128xf32, #tpu.memory_space<vmem>>) offsets(%dma_start3A_298 : memref<64xi32, #tpu.memory_space<vmem>>) semaphore(%arg17 : memref<!tpu.dma_semaphore, #tpu.memory_space<semaphore_mem>>)
      %dma_wait3A_302 = arith.constant 0 : i32
      %dma_wait3A_303 = arith.constant 0 : i32
      %dma_wait3A_304 = tpu.memref_slice %arg2[%dma_wait3A_302, %dma_wait3A_303] : memref<10496x128xf32, #tpu.memory_space<hbm>> -> memref<64x128xf32, #tpu.memory_space<hbm>>
      %dma_wait3A_305 = arith.constant 0 : i32
      %dma_wait3A_306 = arith.constant 0 : i32
      %dma_wait3A_307 = tpu.memref_slice %arg2[%dma_wait3A_305, %dma_wait3A_306] : memref<10496x128xf32, #tpu.memory_space<hbm>> -> memref<64x128xf32, #tpu.memory_space<hbm>>
      tpu.wait_dma2 semaphore(%arg14 : memref<!tpu.dma_semaphore, #tpu.memory_space<semaphore_mem>>) src(%dma_wait3A_307 : memref<64x128xf32, #tpu.memory_space<hbm>>) dst(%arg9 : memref<64x128xf32, #tpu.memory_space<vmem>>)
      %add3A_308 = arith.constant 0 : i32
      %add3A_309 = arith.addi %mul3A_241, %add3A_308 : i32
      %dma_start3A_310 = arith.constant 0 : i32
      %dma_start3A_311 = tpu.memref_slice %arg8[%add3A_309, %dma_start3A_310] : memref<80x64xi32, #tpu.memory_space<vmem>> -> memref<1x64xi32, #tpu.memory_space<vmem>>
      %dma_start3A_312 = tpu.memref_squeeze %dma_start3A_311 : memref<1x64xi32, #tpu.memory_space<vmem>> -> memref<64xi32, #tpu.memory_space<vmem>>
      %dma_start3A_313 = arith.constant 0 : i32
      %dma_start3A_314 = arith.constant 0 : i32
      %dma_start3A_315 = tpu.memref_slice %arg13[%dma_start3A_313, %dma_start3A_314] : memref<10000x128xf32, #tpu.memory_space<vmem_shared>> -> memref<10000x128xf32, #tpu.memory_space<vmem_shared>>
      tpu.enqueue_indirect_dma source(%arg9 : memref<64x128xf32, #tpu.memory_space<vmem>>) target(%dma_start3A_315 : memref<10000x128xf32, #tpu.memory_space<vmem_shared>>) offsets(%dma_start3A_312 : memref<64xi32, #tpu.memory_space<vmem>>) semaphore(%arg18 : memref<!tpu.dma_semaphore, #tpu.memory_space<semaphore_mem>>) {add = true}
      %dma_wait3A_316 = arith.constant 0 : i32
      %dma_wait3A_317 = arith.constant 0 : i32
      %dma_wait3A_318 = tpu.memref_slice %arg2[%dma_wait3A_316, %dma_wait3A_317] : memref<10496x128xf32, #tpu.memory_space<hbm>> -> memref<64x128xf32, #tpu.memory_space<hbm>>
      %dma_wait3A_319 = arith.constant 0 : i32
      %dma_wait3A_320 = arith.constant 0 : i32
      %dma_wait3A_321 = tpu.memref_slice %arg2[%dma_wait3A_319, %dma_wait3A_320] : memref<10496x128xf32, #tpu.memory_space<hbm>> -> memref<64x128xf32, #tpu.memory_space<hbm>>
      tpu.wait_dma2 semaphore(%arg15 : memref<!tpu.dma_semaphore, #tpu.memory_space<semaphore_mem>>) src(%dma_wait3A_321 : memref<64x128xf32, #tpu.memory_space<hbm>>) dst(%arg9 : memref<64x128xf32, #tpu.memory_space<vmem>>)
      %add3A_322 = arith.constant 1 : i32
      %add3A_323 = arith.addi %mul3A_241, %add3A_322 : i32
      %dma_start3A_324 = arith.constant 0 : i32
      %dma_start3A_325 = tpu.memref_slice %arg8[%add3A_323, %dma_start3A_324] : memref<80x64xi32, #tpu.memory_space<vmem>> -> memref<1x64xi32, #tpu.memory_space<vmem>>
      %dma_start3A_326 = tpu.memref_squeeze %dma_start3A_325 : memref<1x64xi32, #tpu.memory_space<vmem>> -> memref<64xi32, #tpu.memory_space<vmem>>
      %dma_start3A_327 = arith.constant 0 : i32
      %dma_start3A_328 = arith.constant 0 : i32
      %dma_start3A_329 = tpu.memref_slice %arg13[%dma_start3A_327, %dma_start3A_328] : memref<10000x128xf32, #tpu.memory_space<vmem_shared>> -> memref<10000x128xf32, #tpu.memory_space<vmem_shared>>
      tpu.enqueue_indirect_dma source(%arg10 : memref<64x128xf32, #tpu.memory_space<vmem>>) target(%dma_start3A_329 : memref<10000x128xf32, #tpu.memory_space<vmem_shared>>) offsets(%dma_start3A_326 : memref<64xi32, #tpu.memory_space<vmem>>) semaphore(%arg19 : memref<!tpu.dma_semaphore, #tpu.memory_space<semaphore_mem>>) {add = true}
      %dma_wait3A_330 = arith.constant 0 : i32
      %dma_wait3A_331 = arith.constant 0 : i32
      %dma_wait3A_332 = tpu.memref_slice %arg2[%dma_wait3A_330, %dma_wait3A_331] : memref<10496x128xf32, #tpu.memory_space<hbm>> -> memref<64x128xf32, #tpu.memory_space<hbm>>
      %dma_wait3A_333 = arith.constant 0 : i32
      %dma_wait3A_334 = arith.constant 0 : i32
      %dma_wait3A_335 = tpu.memref_slice %arg2[%dma_wait3A_333, %dma_wait3A_334] : memref<10496x128xf32, #tpu.memory_space<hbm>> -> memref<64x128xf32, #tpu.memory_space<hbm>>
      tpu.wait_dma2 semaphore(%arg16 : memref<!tpu.dma_semaphore, #tpu.memory_space<semaphore_mem>>) src(%dma_wait3A_335 : memref<64x128xf32, #tpu.memory_space<hbm>>) dst(%arg9 : memref<64x128xf32, #tpu.memory_space<vmem>>)
      %add3A_336 = arith.constant 2 : i32
      %add3A_337 = arith.addi %mul3A_241, %add3A_336 : i32
      %dma_start3A_338 = arith.constant 0 : i32
      %dma_start3A_339 = tpu.memref_slice %arg8[%add3A_337, %dma_start3A_338] : memref<80x64xi32, #tpu.memory_space<vmem>> -> memref<1x64xi32, #tpu.memory_space<vmem>>
      %dma_start3A_340 = tpu.memref_squeeze %dma_start3A_339 : memref<1x64xi32, #tpu.memory_space<vmem>> -> memref<64xi32, #tpu.memory_space<vmem>>
      %dma_start3A_341 = arith.constant 0 : i32
      %dma_start3A_342 = arith.constant 0 : i32
      %dma_start3A_343 = tpu.memref_slice %arg13[%dma_start3A_341, %dma_start3A_342] : memref<10000x128xf32, #tpu.memory_space<vmem_shared>> -> memref<10000x128xf32, #tpu.memory_space<vmem_shared>>
      tpu.enqueue_indirect_dma source(%arg11 : memref<64x128xf32, #tpu.memory_space<vmem>>) target(%dma_start3A_343 : memref<10000x128xf32, #tpu.memory_space<vmem_shared>>) offsets(%dma_start3A_340 : memref<64xi32, #tpu.memory_space<vmem>>) semaphore(%arg20 : memref<!tpu.dma_semaphore, #tpu.memory_space<semaphore_mem>>) {add = true}
      %dma_wait3A_344 = arith.constant 0 : i32
      %dma_wait3A_345 = arith.constant 0 : i32
      %dma_wait3A_346 = tpu.memref_slice %arg2[%dma_wait3A_344, %dma_wait3A_345] : memref<10496x128xf32, #tpu.memory_space<hbm>> -> memref<64x128xf32, #tpu.memory_space<hbm>>
      %dma_wait3A_347 = arith.constant 0 : i32
      %dma_wait3A_348 = arith.constant 0 : i32
      %dma_wait3A_349 = tpu.memref_slice %arg2[%dma_wait3A_347, %dma_wait3A_348] : memref<10496x128xf32, #tpu.memory_space<hbm>> -> memref<64x128xf32, #tpu.memory_space<hbm>>
      tpu.wait_dma2 semaphore(%arg17 : memref<!tpu.dma_semaphore, #tpu.memory_space<semaphore_mem>>) src(%dma_wait3A_349 : memref<64x128xf32, #tpu.memory_space<hbm>>) dst(%arg9 : memref<64x128xf32, #tpu.memory_space<vmem>>)
      %add3A_350 = arith.constant 3 : i32
      %add3A_351 = arith.addi %mul3A_241, %add3A_350 : i32
      %dma_start3A_352 = arith.constant 0 : i32
      %dma_start3A_353 = tpu.memref_slice %arg8[%add3A_351, %dma_start3A_352] : memref<80x64xi32, #tpu.memory_space<vmem>> -> memref<1x64xi32, #tpu.memory_space<vmem>>
      %dma_start3A_354 = tpu.memref_squeeze %dma_start3A_353 : memref<1x64xi32, #tpu.memory_space<vmem>> -> memref<64xi32, #tpu.memory_space<vmem>>
      %dma_start3A_355 = arith.constant 0 : i32
      %dma_start3A_356 = arith.constant 0 : i32
      %dma_start3A_357 = tpu.memref_slice %arg13[%dma_start3A_355, %dma_start3A_356] : memref<10000x128xf32, #tpu.memory_space<vmem_shared>> -> memref<10000x128xf32, #tpu.memory_space<vmem_shared>>
      tpu.enqueue_indirect_dma source(%arg12 : memref<64x128xf32, #tpu.memory_space<vmem>>) target(%dma_start3A_357 : memref<10000x128xf32, #tpu.memory_space<vmem_shared>>) offsets(%dma_start3A_354 : memref<64xi32, #tpu.memory_space<vmem>>) semaphore(%arg21 : memref<!tpu.dma_semaphore, #tpu.memory_space<semaphore_mem>>) {add = true}
    }
    %scan3A_199 = arith.constant 19 : i32
    %dma_wait3A_200 = arith.constant 0 : i32
    %dma_wait3A_201 = arith.constant 0 : i32
    %dma_wait3A_202 = tpu.memref_slice %arg2[%dma_wait3A_200, %dma_wait3A_201] : memref<10496x128xf32, #tpu.memory_space<hbm>> -> memref<64x128xf32, #tpu.memory_space<hbm>>
    %dma_wait3A_203 = arith.constant 0 : i32
    %dma_wait3A_204 = arith.constant 0 : i32
    %dma_wait3A_205 = tpu.memref_slice %arg2[%dma_wait3A_203, %dma_wait3A_204] : memref<10496x128xf32, #tpu.memory_space<hbm>> -> memref<64x128xf32, #tpu.memory_space<hbm>>
    tpu.wait_dma2 semaphore(%arg18 : memref<!tpu.dma_semaphore, #tpu.memory_space<semaphore_mem>>) src(%dma_wait3A_205 : memref<64x128xf32, #tpu.memory_space<hbm>>) dst(%arg9 : memref<64x128xf32, #tpu.memory_space<vmem>>)
    %dma_wait3A_206 = arith.constant 0 : i32
    %dma_wait3A_207 = arith.constant 0 : i32
    %dma_wait3A_208 = tpu.memref_slice %arg2[%dma_wait3A_206, %dma_wait3A_207] : memref<10496x128xf32, #tpu.memory_space<hbm>> -> memref<64x128xf32, #tpu.memory_space<hbm>>
    %dma_wait3A_209 = arith.constant 0 : i32
    %dma_wait3A_210 = arith.constant 0 : i32
    %dma_wait3A_211 = tpu.memref_slice %arg2[%dma_wait3A_209, %dma_wait3A_210] : memref<10496x128xf32, #tpu.memory_space<hbm>> -> memref<64x128xf32, #tpu.memory_space<hbm>>
    tpu.wait_dma2 semaphore(%arg19 : memref<!tpu.dma_semaphore, #tpu.memory_space<semaphore_mem>>) src(%dma_wait3A_211 : memref<64x128xf32, #tpu.memory_space<hbm>>) dst(%arg9 : memref<64x128xf32, #tpu.memory_space<vmem>>)
    %dma_wait3A_212 = arith.constant 0 : i32
    %dma_wait3A_213 = arith.constant 0 : i32
    %dma_wait3A_214 = tpu.memref_slice %arg2[%dma_wait3A_212, %dma_wait3A_213] : memref<10496x128xf32, #tpu.memory_space<hbm>> -> memref<64x128xf32, #tpu.memory_space<hbm>>
    %dma_wait3A_215 = arith.constant 0 : i32
    %dma_wait3A_216 = arith.constant 0 : i32
    %dma_wait3A_217 = tpu.memref_slice %arg2[%dma_wait3A_215, %dma_wait3A_216] : memref<10496x128xf32, #tpu.memory_space<hbm>> -> memref<64x128xf32, #tpu.memory_space<hbm>>
    tpu.wait_dma2 semaphore(%arg20 : memref<!tpu.dma_semaphore, #tpu.memory_space<semaphore_mem>>) src(%dma_wait3A_217 : memref<64x128xf32, #tpu.memory_space<hbm>>) dst(%arg9 : memref<64x128xf32, #tpu.memory_space<vmem>>)
    %dma_wait3A_218 = arith.constant 0 : i32
    %dma_wait3A_219 = arith.constant 0 : i32
    %dma_wait3A_220 = tpu.memref_slice %arg2[%dma_wait3A_218, %dma_wait3A_219] : memref<10496x128xf32, #tpu.memory_space<hbm>> -> memref<64x128xf32, #tpu.memory_space<hbm>>
    %dma_wait3A_221 = arith.constant 0 : i32
    %dma_wait3A_222 = arith.constant 0 : i32
    %dma_wait3A_223 = tpu.memref_slice %arg2[%dma_wait3A_221, %dma_wait3A_222] : memref<10496x128xf32, #tpu.memory_space<hbm>> -> memref<64x128xf32, #tpu.memory_space<hbm>>
    tpu.wait_dma2 semaphore(%arg21 : memref<!tpu.dma_semaphore, #tpu.memory_space<semaphore_mem>>) src(%dma_wait3A_223 : memref<64x128xf32, #tpu.memory_space<hbm>>) dst(%arg9 : memref<64x128xf32, #tpu.memory_space<vmem>>)
    %barrier3A_224 = arith.constant 0 : index
    tpu.barrier barrier_id(%barrier3A_224)
    %lt3A_225 = arith.constant 15 : i32
    %lt3A_226 = arith.cmpi slt, %arg1, %lt3A_225 : i32
    %convert_element_type3A_227 = arith.extui %lt3A_226 : i1 to i32
    %cond3A_228 = arith.constant 0 : i32
    %cond3A_229 = arith.cmpi ne, %convert_element_type3A_227, %cond3A_228 : i32
    scf.if %cond3A_229 {
      "tpu.region"() ({
        %run_scoped3A = tpu.sem_alloc : memref<!tpu.dma_semaphore, #tpu.memory_space<semaphore_mem>>
        %dma_start3A_235 = arith.constant 0 : i32
        %dma_start3A_236 = tpu.memref_slice %arg6[%arg0, %multiple_of3A, %dma_start3A_235] : memref<2x10000x128xf32, #tpu.memory_space<hbm>> -> memref<1x624x128xf32, #tpu.memory_space<hbm>>
        %dma_start3A_237 = tpu.memref_squeeze %dma_start3A_236 : memref<1x624x128xf32, #tpu.memory_space<hbm>> -> memref<624x128xf32, #tpu.memory_space<hbm>>
        %dma_start3A_238 = arith.constant 0 : i32
        %dma_start3A_239 = tpu.memref_slice %arg13[%multiple_of3A, %dma_start3A_238] : memref<10000x128xf32, #tpu.memory_space<vmem_shared>> -> memref<624x128xf32, #tpu.memory_space<vmem_shared>>
        tpu.enqueue_dma source(%dma_start3A_239 : memref<624x128xf32, #tpu.memory_space<vmem_shared>>) target(%dma_start3A_237 : memref<624x128xf32, #tpu.memory_space<hbm>>) target_semaphore(%run_scoped3A : memref<!tpu.dma_semaphore, #tpu.memory_space<semaphore_mem>>)
        %dma_wait3A_240 = arith.constant 0 : i32
        %dma_wait3A_241 = tpu.memref_slice %arg6[%arg0, %multiple_of3A, %dma_wait3A_240] : memref<2x10000x128xf32, #tpu.memory_space<hbm>> -> memref<1x624x128xf32, #tpu.memory_space<hbm>>
        %dma_wait3A_242 = tpu.memref_squeeze %dma_wait3A_241 : memref<1x624x128xf32, #tpu.memory_space<hbm>> -> memref<624x128xf32, #tpu.memory_space<hbm>>
        %dma_wait3A_243 = arith.constant 0 : i32
        %dma_wait3A_244 = tpu.memref_slice %arg13[%multiple_of3A, %dma_wait3A_243] : memref<10000x128xf32, #tpu.memory_space<vmem_shared>> -> memref<624x128xf32, #tpu.memory_space<vmem_shared>>
        tpu.wait_dma2 semaphore(%run_scoped3A : memref<!tpu.dma_semaphore, #tpu.memory_space<semaphore_mem>>) src(%dma_wait3A_244 : memref<624x128xf32, #tpu.memory_space<vmem_shared>>) dst(%dma_wait3A_242 : memref<624x128xf32, #tpu.memory_space<hbm>>)
        tpu.yield
      }) : () -> ()
    } else {
    }
    %eq3A_230 = arith.constant 15 : i32
    %eq3A_231 = arith.cmpi eq, %arg1, %eq3A_230 : i32
    %convert_element_type3A_232 = arith.extui %eq3A_231 : i1 to i32
    %cond3A_233 = arith.constant 0 : i32
    %cond3A_234 = arith.cmpi ne, %convert_element_type3A_232, %cond3A_233 : i32
    scf.if %cond3A_234 {
      "tpu.region"() ({
        %run_scoped3A = tpu.sem_alloc : memref<!tpu.dma_semaphore, #tpu.memory_space<semaphore_mem>>
        %dma_start3A_235 = arith.constant 0 : i32
        %dma_start3A_236 = tpu.memref_slice %arg6[%arg0, %multiple_of3A, %dma_start3A_235] : memref<2x10000x128xf32, #tpu.memory_space<hbm>> -> memref<1x640x128xf32, #tpu.memory_space<hbm>>
        %dma_start3A_237 = tpu.memref_squeeze %dma_start3A_236 : memref<1x640x128xf32, #tpu.memory_space<hbm>> -> memref<640x128xf32, #tpu.memory_space<hbm>>
        %dma_start3A_238 = arith.constant 0 : i32
        %dma_start3A_239 = tpu.memref_slice %arg13[%multiple_of3A, %dma_start3A_238] : memref<10000x128xf32, #tpu.memory_space<vmem_shared>> -> memref<640x128xf32, #tpu.memory_space<vmem_shared>>
        tpu.enqueue_dma source(%dma_start3A_239 : memref<640x128xf32, #tpu.memory_space<vmem_shared>>) target(%dma_start3A_237 : memref<640x128xf32, #tpu.memory_space<hbm>>) target_semaphore(%run_scoped3A : memref<!tpu.dma_semaphore, #tpu.memory_space<semaphore_mem>>)
        %dma_wait3A_240 = arith.constant 0 : i32
        %dma_wait3A_241 = tpu.memref_slice %arg6[%arg0, %multiple_of3A, %dma_wait3A_240] : memref<2x10000x128xf32, #tpu.memory_space<hbm>> -> memref<1x640x128xf32, #tpu.memory_space<hbm>>
        %dma_wait3A_242 = tpu.memref_squeeze %dma_wait3A_241 : memref<1x640x128xf32, #tpu.memory_space<hbm>> -> memref<640x128xf32, #tpu.memory_space<hbm>>
        %dma_wait3A_243 = arith.constant 0 : i32
        %dma_wait3A_244 = tpu.memref_slice %arg13[%multiple_of3A, %dma_wait3A_243] : memref<10000x128xf32, #tpu.memory_space<vmem_shared>> -> memref<640x128xf32, #tpu.memory_space<vmem_shared>>
        tpu.wait_dma2 semaphore(%run_scoped3A : memref<!tpu.dma_semaphore, #tpu.memory_space<semaphore_mem>>) src(%dma_wait3A_244 : memref<640x128xf32, #tpu.memory_space<vmem_shared>>) dst(%dma_wait3A_242 : memref<640x128xf32, #tpu.memory_space<hbm>>)
        tpu.yield
      }) : () -> ()
    } else {
    }
    return
  }
}

#map = affine_map<(d0, d1) -> (0, 0)>
#map1 = affine_map<(d0, d1) -> (0)>
#map2 = affine_map<(d0, d1) -> (0, 0, 0)>
module attributes {stable_mosaic.version = 14 : i64} {
  func.func @agg(%arg0: i32, %arg1: i32, %arg2: memref<10496x128xf32, #tpu.memory_space<hbm>>, %arg3: memref<327680xi32, #tpu.memory_space<hbm>>, %arg4: memref<5120x64xi32, #tpu.memory_space<hbm>>, %arg5: memref<640x128xf32, #tpu.memory_space<hbm>>, %arg6: memref<2x10000x128xf32, #tpu.memory_space<hbm>>, %arg7: memref<5120xi32, #tpu.memory_space<vmem>>, %arg8: memref<80x64xi32, #tpu.memory_space<vmem>>, %arg9: memref<64x128xf32, #tpu.memory_space<vmem>>, %arg10: memref<64x128xf32, #tpu.memory_space<vmem>>, %arg11: memref<64x128xf32, #tpu.memory_space<vmem>>, %arg12: memref<64x128xf32, #tpu.memory_space<vmem>>, %arg13: memref<10000x128xf32, #tpu.memory_space<vmem_shared>>, %arg14: memref<!tpu.dma_semaphore, #tpu.memory_space<semaphore_mem>>, %arg15: memref<!tpu.dma_semaphore, #tpu.memory_space<semaphore_mem>>, %arg16: memref<!tpu.dma_semaphore, #tpu.memory_space<semaphore_mem>>, %arg17: memref<!tpu.dma_semaphore, #tpu.memory_space<semaphore_mem>>, %arg18: memref<!tpu.dma_semaphore, #tpu.memory_space<semaphore_mem>>, %arg19: memref<!tpu.dma_semaphore, #tpu.memory_space<semaphore_mem>>, %arg20: memref<!tpu.dma_semaphore, #tpu.memory_space<semaphore_mem>>, %arg21: memref<!tpu.dma_semaphore, #tpu.memory_space<semaphore_mem>>) attributes {dimension_semantics = [#tpu.dimension_semantics<core_parallel>, #tpu.dimension_semantics<subcore_parallel>], iteration_bounds = array<i64: 2, 16>, scalar_prefetch = 0 : i64, scratch_operands = 15 : i64, tpu.core_type = #tpu.core_type<sc_vector_subcore>, window_params = [{transform_indices = #map}, {transform_indices = #map1}, {transform_indices = #map}, {transform_indices = #map}, {transform_indices = #map2}]} {
    %mul3A = arith.constant 2 : i32
    %mul3A_0 = arith.muli %arg1, %mul3A : i32
    %add3A = arith.addi %mul3A_0, %arg0 : i32
    %mul3A_1 = arith.constant 624 : i32
    %mul3A_2 = arith.muli %arg1, %mul3A_1 : i32
    %multiple_of3A = tpu.assume_multiple %mul3A_2, 8 : i32
    %lt3A = arith.constant 15 : i32
    %lt3A_3 = arith.cmpi slt, %arg1, %lt3A : i32
    %convert_element_type3A = arith.extui %lt3A_3 : i1 to i32
    %cond3A = arith.constant 0 : i32
    %cond3A_4 = arith.cmpi ne, %convert_element_type3A, %cond3A : i32
    scf.if %cond3A_4 {
      "tpu.region"() ({
        %run_scoped3A = tpu.sem_alloc : memref<!tpu.dma_semaphore, #tpu.memory_space<semaphore_mem>>
        %dma_start3A_235 = arith.constant 0 : i32
        %dma_start3A_236 = tpu.memref_slice %arg13[%multiple_of3A, %dma_start3A_235] : memref<10000x128xf32, #tpu.memory_space<vmem_shared>> -> memref<624x128xf32, #tpu.memory_space<vmem_shared>>
        %dma_start3A_237 = arith.constant 0 : i32
        %dma_start3A_238 = arith.constant 0 : i32
        %dma_start3A_239 = tpu.memref_slice %arg5[%dma_start3A_237, %dma_start3A_238] : memref<640x128xf32, #tpu.memory_space<hbm>> -> memref<624x128xf32, #tpu.memory_space<hbm>>
        tpu.enqueue_dma source(%dma_start3A_239 : memref<624x128xf32, #tpu.memory_space<hbm>>) target(%dma_start3A_236 : memref<624x128xf32, #tpu.memory_space<vmem_shared>>) target_semaphore(%run_scoped3A : memref<!tpu.dma_semaphore, #tpu.memory_space<semaphore_mem>>)
        %dma_wait3A_240 = arith.constant 0 : i32
        %dma_wait3A_241 = tpu.memref_slice %arg13[%multiple_of3A, %dma_wait3A_240] : memref<10000x128xf32, #tpu.memory_space<vmem_shared>> -> memref<624x128xf32, #tpu.memory_space<vmem_shared>>
        %dma_wait3A_242 = arith.constant 0 : i32
        %dma_wait3A_243 = arith.constant 0 : i32
        %dma_wait3A_244 = tpu.memref_slice %arg5[%dma_wait3A_242, %dma_wait3A_243] : memref<640x128xf32, #tpu.memory_space<hbm>> -> memref<624x128xf32, #tpu.memory_space<hbm>>
        tpu.wait_dma2 semaphore(%run_scoped3A : memref<!tpu.dma_semaphore, #tpu.memory_space<semaphore_mem>>) src(%dma_wait3A_244 : memref<624x128xf32, #tpu.memory_space<hbm>>) dst(%dma_wait3A_241 : memref<624x128xf32, #tpu.memory_space<vmem_shared>>)
        tpu.yield
      }) : () -> ()
    } else {
    }
    %eq3A = arith.constant 15 : i32
    %eq3A_5 = arith.cmpi eq, %arg1, %eq3A : i32
    %convert_element_type3A_6 = arith.extui %eq3A_5 : i1 to i32
    %cond3A_7 = arith.constant 0 : i32
    %cond3A_8 = arith.cmpi ne, %convert_element_type3A_6, %cond3A_7 : i32
    scf.if %cond3A_8 {
      "tpu.region"() ({
        %run_scoped3A = tpu.sem_alloc : memref<!tpu.dma_semaphore, #tpu.memory_space<semaphore_mem>>
        %dma_start3A_235 = arith.constant 0 : i32
        %dma_start3A_236 = tpu.memref_slice %arg13[%multiple_of3A, %dma_start3A_235] : memref<10000x128xf32, #tpu.memory_space<vmem_shared>> -> memref<640x128xf32, #tpu.memory_space<vmem_shared>>
        tpu.enqueue_dma source(%arg5 : memref<640x128xf32, #tpu.memory_space<hbm>>) target(%dma_start3A_236 : memref<640x128xf32, #tpu.memory_space<vmem_shared>>) target_semaphore(%run_scoped3A : memref<!tpu.dma_semaphore, #tpu.memory_space<semaphore_mem>>)
        %dma_wait3A_237 = arith.constant 0 : i32
        %dma_wait3A_238 = tpu.memref_slice %arg13[%multiple_of3A, %dma_wait3A_237] : memref<10000x128xf32, #tpu.memory_space<vmem_shared>> -> memref<640x128xf32, #tpu.memory_space<vmem_shared>>
        tpu.wait_dma2 semaphore(%run_scoped3A : memref<!tpu.dma_semaphore, #tpu.memory_space<semaphore_mem>>) src(%arg5 : memref<640x128xf32, #tpu.memory_space<hbm>>) dst(%dma_wait3A_238 : memref<640x128xf32, #tpu.memory_space<vmem_shared>>)
        tpu.yield
      }) : () -> ()
    } else {
    }
    %barrier3A = arith.constant 0 : index
    tpu.barrier barrier_id(%barrier3A)
    %mul3A_9 = arith.constant 160 : i32
    %mul3A_10 = arith.muli %add3A, %mul3A_9 : i32
    %add3A_11 = arith.constant 0 : i32
    %add3A_12 = arith.addi %mul3A_10, %add3A_11 : i32
    %mul3A_13 = arith.constant 64 : i32
    %mul3A_14 = arith.muli %add3A_12, %mul3A_13 : i32
    %multiple_of3A_15 = tpu.assume_multiple %mul3A_14, 8 : i32
    "tpu.region"() ({
      %run_scoped3A = tpu.sem_alloc : memref<!tpu.dma_semaphore, #tpu.memory_space<semaphore_mem>>
      %dma_start3A_235 = tpu.memref_slice %arg3[%multiple_of3A_15] : memref<327680xi32, #tpu.memory_space<hbm>> -> memref<5120xi32, #tpu.memory_space<hbm>>
      %dma_start3A_236 = tpu.memref_slice %arg3[%multiple_of3A_15] : memref<327680xi32, #tpu.memory_space<hbm>> -> memref<5120xi32, #tpu.memory_space<hbm>>
      tpu.enqueue_dma source(%dma_start3A_236 : memref<5120xi32, #tpu.memory_space<hbm>>) target(%arg7 : memref<5120xi32, #tpu.memory_space<vmem>>) target_semaphore(%run_scoped3A : memref<!tpu.dma_semaphore, #tpu.memory_space<semaphore_mem>>)
      %dma_wait3A_237 = tpu.memref_slice %arg3[%multiple_of3A_15] : memref<327680xi32, #tpu.memory_space<hbm>> -> memref<5120xi32, #tpu.memory_space<hbm>>
      %dma_wait3A_238 = tpu.memref_slice %arg3[%multiple_of3A_15] : memref<327680xi32, #tpu.memory_space<hbm>> -> memref<5120xi32, #tpu.memory_space<hbm>>
      tpu.wait_dma2 semaphore(%run_scoped3A : memref<!tpu.dma_semaphore, #tpu.memory_space<semaphore_mem>>) src(%dma_wait3A_238 : memref<5120xi32, #tpu.memory_space<hbm>>) dst(%arg7 : memref<5120xi32, #tpu.memory_space<vmem>>)
      tpu.yield
    }) : () -> ()
    %multiple_of3A_16 = tpu.assume_multiple %add3A_12, 8 : i32
    "tpu.region"() ({
      %run_scoped3A = tpu.sem_alloc : memref<!tpu.dma_semaphore, #tpu.memory_space<semaphore_mem>>
      %dma_start3A_235 = arith.constant 0 : i32
      %dma_start3A_236 = tpu.memref_slice %arg4[%multiple_of3A_16, %dma_start3A_235] : memref<5120x64xi32, #tpu.memory_space<hbm>> -> memref<80x64xi32, #tpu.memory_space<hbm>>
      %dma_start3A_237 = arith.constant 0 : i32
      %dma_start3A_238 = tpu.memref_slice %arg4[%multiple_of3A_16, %dma_start3A_237] : memref<5120x64xi32, #tpu.memory_space<hbm>> -> memref<80x64xi32, #tpu.memory_space<hbm>>
      tpu.enqueue_dma source(%dma_start3A_238 : memref<80x64xi32, #tpu.memory_space<hbm>>) target(%arg8 : memref<80x64xi32, #tpu.memory_space<vmem>>) target_semaphore(%run_scoped3A : memref<!tpu.dma_semaphore, #tpu.memory_space<semaphore_mem>>)
      %dma_wait3A_239 = arith.constant 0 : i32
      %dma_wait3A_240 = tpu.memref_slice %arg4[%multiple_of3A_16, %dma_wait3A_239] : memref<5120x64xi32, #tpu.memory_space<hbm>> -> memref<80x64xi32, #tpu.memory_space<hbm>>
      %dma_wait3A_241 = arith.constant 0 : i32
      %dma_wait3A_242 = tpu.memref_slice %arg4[%multiple_of3A_16, %dma_wait3A_241] : memref<5120x64xi32, #tpu.memory_space<hbm>> -> memref<80x64xi32, #tpu.memory_space<hbm>>
      tpu.wait_dma2 semaphore(%run_scoped3A : memref<!tpu.dma_semaphore, #tpu.memory_space<semaphore_mem>>) src(%dma_wait3A_242 : memref<80x64xi32, #tpu.memory_space<hbm>>) dst(%arg8 : memref<80x64xi32, #tpu.memory_space<vmem>>)
      tpu.yield
    }) : () -> ()
    %dma_start3A = arith.constant 0 : i32
    %dma_start3A_17 = tpu.memref_slice %arg7[%dma_start3A] : memref<5120xi32, #tpu.memory_space<vmem>> -> memref<64xi32, #tpu.memory_space<vmem>>
    %dma_start3A_18 = arith.constant 0 : i32
    %dma_start3A_19 = arith.constant 0 : i32
    %dma_start3A_20 = tpu.memref_slice %arg2[%dma_start3A_18, %dma_start3A_19] : memref<10496x128xf32, #tpu.memory_space<hbm>> -> memref<10496x128xf32, #tpu.memory_space<hbm>>
    tpu.enqueue_indirect_dma source(%dma_start3A_20 : memref<10496x128xf32, #tpu.memory_space<hbm>>) target(%arg9 : memref<64x128xf32, #tpu.memory_space<vmem>>) offsets(%dma_start3A_17 : memref<64xi32, #tpu.memory_space<vmem>>) semaphore(%arg14 : memref<!tpu.dma_semaphore, #tpu.memory_space<semaphore_mem>>)
    %dma_start3A_21 = arith.constant 64 : i32
    %dma_start3A_22 = tpu.memref_slice %arg7[%dma_start3A_21] : memref<5120xi32, #tpu.memory_space<vmem>> -> memref<64xi32, #tpu.memory_space<vmem>>
    %dma_start3A_23 = arith.constant 0 : i32
    %dma_start3A_24 = arith.constant 0 : i32
    %dma_start3A_25 = tpu.memref_slice %arg2[%dma_start3A_23, %dma_start3A_24] : memref<10496x128xf32, #tpu.memory_space<hbm>> -> memref<10496x128xf32, #tpu.memory_space<hbm>>
    tpu.enqueue_indirect_dma source(%dma_start3A_25 : memref<10496x128xf32, #tpu.memory_space<hbm>>) target(%arg10 : memref<64x128xf32, #tpu.memory_space<vmem>>) offsets(%dma_start3A_22 : memref<64xi32, #tpu.memory_space<vmem>>) semaphore(%arg15 : memref<!tpu.dma_semaphore, #tpu.memory_space<semaphore_mem>>)
    %dma_start3A_26 = arith.constant 128 : i32
    %dma_start3A_27 = tpu.memref_slice %arg7[%dma_start3A_26] : memref<5120xi32, #tpu.memory_space<vmem>> -> memref<64xi32, #tpu.memory_space<vmem>>
    %dma_start3A_28 = arith.constant 0 : i32
    %dma_start3A_29 = arith.constant 0 : i32
    %dma_start3A_30 = tpu.memref_slice %arg2[%dma_start3A_28, %dma_start3A_29] : memref<10496x128xf32, #tpu.memory_space<hbm>> -> memref<10496x128xf32, #tpu.memory_space<hbm>>
    tpu.enqueue_indirect_dma source(%dma_start3A_30 : memref<10496x128xf32, #tpu.memory_space<hbm>>) target(%arg11 : memref<64x128xf32, #tpu.memory_space<vmem>>) offsets(%dma_start3A_27 : memref<64xi32, #tpu.memory_space<vmem>>) semaphore(%arg16 : memref<!tpu.dma_semaphore, #tpu.memory_space<semaphore_mem>>)
    %dma_start3A_31 = arith.constant 192 : i32
    %dma_start3A_32 = tpu.memref_slice %arg7[%dma_start3A_31] : memref<5120xi32, #tpu.memory_space<vmem>> -> memref<64xi32, #tpu.memory_space<vmem>>
    %dma_start3A_33 = arith.constant 0 : i32
    %dma_start3A_34 = arith.constant 0 : i32
    %dma_start3A_35 = tpu.memref_slice %arg2[%dma_start3A_33, %dma_start3A_34] : memref<10496x128xf32, #tpu.memory_space<hbm>> -> memref<10496x128xf32, #tpu.memory_space<hbm>>
    tpu.enqueue_indirect_dma source(%dma_start3A_35 : memref<10496x128xf32, #tpu.memory_space<hbm>>) target(%arg12 : memref<64x128xf32, #tpu.memory_space<vmem>>) offsets(%dma_start3A_32 : memref<64xi32, #tpu.memory_space<vmem>>) semaphore(%arg17 : memref<!tpu.dma_semaphore, #tpu.memory_space<semaphore_mem>>)
    %dma_wait3A = arith.constant 0 : i32
    %dma_wait3A_36 = arith.constant 0 : i32
    %dma_wait3A_37 = tpu.memref_slice %arg2[%dma_wait3A, %dma_wait3A_36] : memref<10496x128xf32, #tpu.memory_space<hbm>> -> memref<64x128xf32, #tpu.memory_space<hbm>>
    %dma_wait3A_38 = arith.constant 0 : i32
    %dma_wait3A_39 = arith.constant 0 : i32
    %dma_wait3A_40 = tpu.memref_slice %arg2[%dma_wait3A_38, %dma_wait3A_39] : memref<10496x128xf32, #tpu.memory_space<hbm>> -> memref<64x128xf32, #tpu.memory_space<hbm>>
    tpu.wait_dma2 semaphore(%arg14 : memref<!tpu.dma_semaphore, #tpu.memory_space<semaphore_mem>>) src(%dma_wait3A_40 : memref<64x128xf32, #tpu.memory_space<hbm>>) dst(%arg9 : memref<64x128xf32, #tpu.memory_space<vmem>>)
    %dma_start3A_41 = arith.constant 0 : i32
    %dma_start3A_42 = arith.constant 0 : i32
    %dma_start3A_43 = tpu.memref_slice %arg8[%dma_start3A_41, %dma_start3A_42] : memref<80x64xi32, #tpu.memory_space<vmem>> -> memref<1x64xi32, #tpu.memory_space<vmem>>
    %dma_start3A_44 = tpu.memref_squeeze %dma_start3A_43 : memref<1x64xi32, #tpu.memory_space<vmem>> -> memref<64xi32, #tpu.memory_space<vmem>>
    %dma_start3A_45 = arith.constant 0 : i32
    %dma_start3A_46 = arith.constant 0 : i32
    %dma_start3A_47 = tpu.memref_slice %arg13[%dma_start3A_45, %dma_start3A_46] : memref<10000x128xf32, #tpu.memory_space<vmem_shared>> -> memref<10000x128xf32, #tpu.memory_space<vmem_shared>>
    tpu.enqueue_indirect_dma source(%arg9 : memref<64x128xf32, #tpu.memory_space<vmem>>) target(%dma_start3A_47 : memref<10000x128xf32, #tpu.memory_space<vmem_shared>>) offsets(%dma_start3A_44 : memref<64xi32, #tpu.memory_space<vmem>>) semaphore(%arg18 : memref<!tpu.dma_semaphore, #tpu.memory_space<semaphore_mem>>) {add = true}
    %dma_wait3A_48 = arith.constant 0 : i32
    %dma_wait3A_49 = arith.constant 0 : i32
    %dma_wait3A_50 = tpu.memref_slice %arg2[%dma_wait3A_48, %dma_wait3A_49] : memref<10496x128xf32, #tpu.memory_space<hbm>> -> memref<64x128xf32, #tpu.memory_space<hbm>>
    %dma_wait3A_51 = arith.constant 0 : i32
    %dma_wait3A_52 = arith.constant 0 : i32
    %dma_wait3A_53 = tpu.memref_slice %arg2[%dma_wait3A_51, %dma_wait3A_52] : memref<10496x128xf32, #tpu.memory_space<hbm>> -> memref<64x128xf32, #tpu.memory_space<hbm>>
    tpu.wait_dma2 semaphore(%arg15 : memref<!tpu.dma_semaphore, #tpu.memory_space<semaphore_mem>>) src(%dma_wait3A_53 : memref<64x128xf32, #tpu.memory_space<hbm>>) dst(%arg9 : memref<64x128xf32, #tpu.memory_space<vmem>>)
    %dma_start3A_54 = arith.constant 1 : i32
    %dma_start3A_55 = arith.constant 0 : i32
    %dma_start3A_56 = tpu.memref_slice %arg8[%dma_start3A_54, %dma_start3A_55] : memref<80x64xi32, #tpu.memory_space<vmem>> -> memref<1x64xi32, #tpu.memory_space<vmem>>
    %dma_start3A_57 = tpu.memref_squeeze %dma_start3A_56 : memref<1x64xi32, #tpu.memory_space<vmem>> -> memref<64xi32, #tpu.memory_space<vmem>>
    %dma_start3A_58 = arith.constant 0 : i32
    %dma_start3A_59 = arith.constant 0 : i32
    %dma_start3A_60 = tpu.memref_slice %arg13[%dma_start3A_58, %dma_start3A_59] : memref<10000x128xf32, #tpu.memory_space<vmem_shared>> -> memref<10000x128xf32, #tpu.memory_space<vmem_shared>>
    tpu.enqueue_indirect_dma source(%arg10 : memref<64x128xf32, #tpu.memory_space<vmem>>) target(%dma_start3A_60 : memref<10000x128xf32, #tpu.memory_space<vmem_shared>>) offsets(%dma_start3A_57 : memref<64xi32, #tpu.memory_space<vmem>>) semaphore(%arg19 : memref<!tpu.dma_semaphore, #tpu.memory_space<semaphore_mem>>) {add = true}
    %dma_wait3A_61 = arith.constant 0 : i32
    %dma_wait3A_62 = arith.constant 0 : i32
    %dma_wait3A_63 = tpu.memref_slice %arg2[%dma_wait3A_61, %dma_wait3A_62] : memref<10496x128xf32, #tpu.memory_space<hbm>> -> memref<64x128xf32, #tpu.memory_space<hbm>>
    %dma_wait3A_64 = arith.constant 0 : i32
    %dma_wait3A_65 = arith.constant 0 : i32
    %dma_wait3A_66 = tpu.memref_slice %arg2[%dma_wait3A_64, %dma_wait3A_65] : memref<10496x128xf32, #tpu.memory_space<hbm>> -> memref<64x128xf32, #tpu.memory_space<hbm>>
    tpu.wait_dma2 semaphore(%arg16 : memref<!tpu.dma_semaphore, #tpu.memory_space<semaphore_mem>>) src(%dma_wait3A_66 : memref<64x128xf32, #tpu.memory_space<hbm>>) dst(%arg9 : memref<64x128xf32, #tpu.memory_space<vmem>>)
    %dma_start3A_67 = arith.constant 2 : i32
    %dma_start3A_68 = arith.constant 0 : i32
    %dma_start3A_69 = tpu.memref_slice %arg8[%dma_start3A_67, %dma_start3A_68] : memref<80x64xi32, #tpu.memory_space<vmem>> -> memref<1x64xi32, #tpu.memory_space<vmem>>
    %dma_start3A_70 = tpu.memref_squeeze %dma_start3A_69 : memref<1x64xi32, #tpu.memory_space<vmem>> -> memref<64xi32, #tpu.memory_space<vmem>>
    %dma_start3A_71 = arith.constant 0 : i32
    %dma_start3A_72 = arith.constant 0 : i32
    %dma_start3A_73 = tpu.memref_slice %arg13[%dma_start3A_71, %dma_start3A_72] : memref<10000x128xf32, #tpu.memory_space<vmem_shared>> -> memref<10000x128xf32, #tpu.memory_space<vmem_shared>>
    tpu.enqueue_indirect_dma source(%arg11 : memref<64x128xf32, #tpu.memory_space<vmem>>) target(%dma_start3A_73 : memref<10000x128xf32, #tpu.memory_space<vmem_shared>>) offsets(%dma_start3A_70 : memref<64xi32, #tpu.memory_space<vmem>>) semaphore(%arg20 : memref<!tpu.dma_semaphore, #tpu.memory_space<semaphore_mem>>) {add = true}
    %dma_wait3A_74 = arith.constant 0 : i32
    %dma_wait3A_75 = arith.constant 0 : i32
    %dma_wait3A_76 = tpu.memref_slice %arg2[%dma_wait3A_74, %dma_wait3A_75] : memref<10496x128xf32, #tpu.memory_space<hbm>> -> memref<64x128xf32, #tpu.memory_space<hbm>>
    %dma_wait3A_77 = arith.constant 0 : i32
    %dma_wait3A_78 = arith.constant 0 : i32
    %dma_wait3A_79 = tpu.memref_slice %arg2[%dma_wait3A_77, %dma_wait3A_78] : memref<10496x128xf32, #tpu.memory_space<hbm>> -> memref<64x128xf32, #tpu.memory_space<hbm>>
    tpu.wait_dma2 semaphore(%arg17 : memref<!tpu.dma_semaphore, #tpu.memory_space<semaphore_mem>>) src(%dma_wait3A_79 : memref<64x128xf32, #tpu.memory_space<hbm>>) dst(%arg9 : memref<64x128xf32, #tpu.memory_space<vmem>>)
    %dma_start3A_80 = arith.constant 3 : i32
    %dma_start3A_81 = arith.constant 0 : i32
    %dma_start3A_82 = tpu.memref_slice %arg8[%dma_start3A_80, %dma_start3A_81] : memref<80x64xi32, #tpu.memory_space<vmem>> -> memref<1x64xi32, #tpu.memory_space<vmem>>
    %dma_start3A_83 = tpu.memref_squeeze %dma_start3A_82 : memref<1x64xi32, #tpu.memory_space<vmem>> -> memref<64xi32, #tpu.memory_space<vmem>>
    %dma_start3A_84 = arith.constant 0 : i32
    %dma_start3A_85 = arith.constant 0 : i32
    %dma_start3A_86 = tpu.memref_slice %arg13[%dma_start3A_84, %dma_start3A_85] : memref<10000x128xf32, #tpu.memory_space<vmem_shared>> -> memref<10000x128xf32, #tpu.memory_space<vmem_shared>>
    tpu.enqueue_indirect_dma source(%arg12 : memref<64x128xf32, #tpu.memory_space<vmem>>) target(%dma_start3A_86 : memref<10000x128xf32, #tpu.memory_space<vmem_shared>>) offsets(%dma_start3A_83 : memref<64xi32, #tpu.memory_space<vmem>>) semaphore(%arg21 : memref<!tpu.dma_semaphore, #tpu.memory_space<semaphore_mem>>) {add = true}
    %scan3A = arith.constant 0 : i32
    %scan3A_87 = arith.constant 19 : i32
    %scan3A_88 = arith.addi %scan3A, %scan3A_87 : i32
    %scan3A_89 = arith.constant 1 : i32
    scf.for %scan3A_235 = %scan3A to %scan3A_88 step %scan3A_89  : i32 {
      %mul3A_236 = arith.constant 1 : i32
      %mul3A_237 = arith.muli %scan3A_235, %mul3A_236 : i32
      %add3A_238 = arith.constant 1 : i32
      %add3A_239 = arith.addi %add3A_238, %mul3A_237 : i32
      %mul3A_240 = arith.constant 4 : i32
      %mul3A_241 = arith.muli %add3A_239, %mul3A_240 : i32
      %dma_wait3A_242 = arith.constant 0 : i32
      %dma_wait3A_243 = arith.constant 0 : i32
      %dma_wait3A_244 = tpu.memref_slice %arg2[%dma_wait3A_242, %dma_wait3A_243] : memref<10496x128xf32, #tpu.memory_space<hbm>> -> memref<64x128xf32, #tpu.memory_space<hbm>>
      %dma_wait3A_245 = arith.constant 0 : i32
      %dma_wait3A_246 = arith.constant 0 : i32
      %dma_wait3A_247 = tpu.memref_slice %arg2[%dma_wait3A_245, %dma_wait3A_246] : memref<10496x128xf32, #tpu.memory_space<hbm>> -> memref<64x128xf32, #tpu.memory_space<hbm>>
      tpu.wait_dma2 semaphore(%arg18 : memref<!tpu.dma_semaphore, #tpu.memory_space<semaphore_mem>>) src(%dma_wait3A_247 : memref<64x128xf32, #tpu.memory_space<hbm>>) dst(%arg9 : memref<64x128xf32, #tpu.memory_space<vmem>>)
      %add3A_248 = arith.constant 0 : i32
      %add3A_249 = arith.addi %mul3A_241, %add3A_248 : i32
      %mul3A_250 = arith.constant 64 : i32
      %mul3A_251 = arith.muli %add3A_249, %mul3A_250 : i32
      %multiple_of3A_252 = tpu.assume_multiple %mul3A_251, 8 : i32
      %dma_start3A_253 = tpu.memref_slice %arg7[%multiple_of3A_252] : memref<5120xi32, #tpu.memory_space<vmem>> -> memref<64xi32, #tpu.memory_space<vmem>>
      %dma_start3A_254 = arith.constant 0 : i32
      %dma_start3A_255 = arith.constant 0 : i32
      %dma_start3A_256 = tpu.memref_slice %arg2[%dma_start3A_254, %dma_start3A_255] : memref<10496x128xf32, #tpu.memory_space<hbm>> -> memref<10496x128xf32, #tpu.memory_space<hbm>>
      tpu.enqueue_indirect_dma source(%dma_start3A_256 : memref<10496x128xf32, #tpu.memory_space<hbm>>) target(%arg9 : memref<64x128xf32, #tpu.memory_space<vmem>>) offsets(%dma_start3A_253 : memref<64xi32, #tpu.memory_space<vmem>>) semaphore(%arg14 : memref<!tpu.dma_semaphore, #tpu.memory_space<semaphore_mem>>)
      %dma_wait3A_257 = arith.constant 0 : i32
      %dma_wait3A_258 = arith.constant 0 : i32
      %dma_wait3A_259 = tpu.memref_slice %arg2[%dma_wait3A_257, %dma_wait3A_258] : memref<10496x128xf32, #tpu.memory_space<hbm>> -> memref<64x128xf32, #tpu.memory_space<hbm>>
      %dma_wait3A_260 = arith.constant 0 : i32
      %dma_wait3A_261 = arith.constant 0 : i32
      %dma_wait3A_262 = tpu.memref_slice %arg2[%dma_wait3A_260, %dma_wait3A_261] : memref<10496x128xf32, #tpu.memory_space<hbm>> -> memref<64x128xf32, #tpu.memory_space<hbm>>
      tpu.wait_dma2 semaphore(%arg19 : memref<!tpu.dma_semaphore, #tpu.memory_space<semaphore_mem>>) src(%dma_wait3A_262 : memref<64x128xf32, #tpu.memory_space<hbm>>) dst(%arg9 : memref<64x128xf32, #tpu.memory_space<vmem>>)
      %add3A_263 = arith.constant 1 : i32
      %add3A_264 = arith.addi %mul3A_241, %add3A_263 : i32
      %mul3A_265 = arith.constant 64 : i32
      %mul3A_266 = arith.muli %add3A_264, %mul3A_265 : i32
      %multiple_of3A_267 = tpu.assume_multiple %mul3A_266, 8 : i32
      %dma_start3A_268 = tpu.memref_slice %arg7[%multiple_of3A_267] : memref<5120xi32, #tpu.memory_space<vmem>> -> memref<64xi32, #tpu.memory_space<vmem>>
      %dma_start3A_269 = arith.constant 0 : i32
      %dma_start3A_270 = arith.constant 0 : i32
      %dma_start3A_271 = tpu.memref_slice %arg2[%dma_start3A_269, %dma_start3A_270] : memref<10496x128xf32, #tpu.memory_space<hbm>> -> memref<10496x128xf32, #tpu.memory_space<hbm>>
      tpu.enqueue_indirect_dma source(%dma_start3A_271 : memref<10496x128xf32, #tpu.memory_space<hbm>>) target(%arg10 : memref<64x128xf32, #tpu.memory_space<vmem>>) offsets(%dma_start3A_268 : memref<64xi32, #tpu.memory_space<vmem>>) semaphore(%arg15 : memref<!tpu.dma_semaphore, #tpu.memory_space<semaphore_mem>>)
      %dma_wait3A_272 = arith.constant 0 : i32
      %dma_wait3A_273 = arith.constant 0 : i32
      %dma_wait3A_274 = tpu.memref_slice %arg2[%dma_wait3A_272, %dma_wait3A_273] : memref<10496x128xf32, #tpu.memory_space<hbm>> -> memref<64x128xf32, #tpu.memory_space<hbm>>
      %dma_wait3A_275 = arith.constant 0 : i32
      %dma_wait3A_276 = arith.constant 0 : i32
      %dma_wait3A_277 = tpu.memref_slice %arg2[%dma_wait3A_275, %dma_wait3A_276] : memref<10496x128xf32, #tpu.memory_space<hbm>> -> memref<64x128xf32, #tpu.memory_space<hbm>>
      tpu.wait_dma2 semaphore(%arg20 : memref<!tpu.dma_semaphore, #tpu.memory_space<semaphore_mem>>) src(%dma_wait3A_277 : memref<64x128xf32, #tpu.memory_space<hbm>>) dst(%arg9 : memref<64x128xf32, #tpu.memory_space<vmem>>)
      %add3A_278 = arith.constant 2 : i32
      %add3A_279 = arith.addi %mul3A_241, %add3A_278 : i32
      %mul3A_280 = arith.constant 64 : i32
      %mul3A_281 = arith.muli %add3A_279, %mul3A_280 : i32
      %multiple_of3A_282 = tpu.assume_multiple %mul3A_281, 8 : i32
      %dma_start3A_283 = tpu.memref_slice %arg7[%multiple_of3A_282] : memref<5120xi32, #tpu.memory_space<vmem>> -> memref<64xi32, #tpu.memory_space<vmem>>
      %dma_start3A_284 = arith.constant 0 : i32
      %dma_start3A_285 = arith.constant 0 : i32
      %dma_start3A_286 = tpu.memref_slice %arg2[%dma_start3A_284, %dma_start3A_285] : memref<10496x128xf32, #tpu.memory_space<hbm>> -> memref<10496x128xf32, #tpu.memory_space<hbm>>
      tpu.enqueue_indirect_dma source(%dma_start3A_286 : memref<10496x128xf32, #tpu.memory_space<hbm>>) target(%arg11 : memref<64x128xf32, #tpu.memory_space<vmem>>) offsets(%dma_start3A_283 : memref<64xi32, #tpu.memory_space<vmem>>) semaphore(%arg16 : memref<!tpu.dma_semaphore, #tpu.memory_space<semaphore_mem>>)
      %dma_wait3A_287 = arith.constant 0 : i32
      %dma_wait3A_288 = arith.constant 0 : i32
      %dma_wait3A_289 = tpu.memref_slice %arg2[%dma_wait3A_287, %dma_wait3A_288] : memref<10496x128xf32, #tpu.memory_space<hbm>> -> memref<64x128xf32, #tpu.memory_space<hbm>>
      %dma_wait3A_290 = arith.constant 0 : i32
      %dma_wait3A_291 = arith.constant 0 : i32
      %dma_wait3A_292 = tpu.memref_slice %arg2[%dma_wait3A_290, %dma_wait3A_291] : memref<10496x128xf32, #tpu.memory_space<hbm>> -> memref<64x128xf32, #tpu.memory_space<hbm>>
      tpu.wait_dma2 semaphore(%arg21 : memref<!tpu.dma_semaphore, #tpu.memory_space<semaphore_mem>>) src(%dma_wait3A_292 : memref<64x128xf32, #tpu.memory_space<hbm>>) dst(%arg9 : memref<64x128xf32, #tpu.memory_space<vmem>>)
      %add3A_293 = arith.constant 3 : i32
      %add3A_294 = arith.addi %mul3A_241, %add3A_293 : i32
      %mul3A_295 = arith.constant 64 : i32
      %mul3A_296 = arith.muli %add3A_294, %mul3A_295 : i32
      %multiple_of3A_297 = tpu.assume_multiple %mul3A_296, 8 : i32
      %dma_start3A_298 = tpu.memref_slice %arg7[%multiple_of3A_297] : memref<5120xi32, #tpu.memory_space<vmem>> -> memref<64xi32, #tpu.memory_space<vmem>>
      %dma_start3A_299 = arith.constant 0 : i32
      %dma_start3A_300 = arith.constant 0 : i32
      %dma_start3A_301 = tpu.memref_slice %arg2[%dma_start3A_299, %dma_start3A_300] : memref<10496x128xf32, #tpu.memory_space<hbm>> -> memref<10496x128xf32, #tpu.memory_space<hbm>>
      tpu.enqueue_indirect_dma source(%dma_start3A_301 : memref<10496x128xf32, #tpu.memory_space<hbm>>) target(%arg12 : memref<64x128xf32, #tpu.memory_space<vmem>>) offsets(%dma_start3A_298 : memref<64xi32, #tpu.memory_space<vmem>>) semaphore(%arg17 : memref<!tpu.dma_semaphore, #tpu.memory_space<semaphore_mem>>)
      %dma_wait3A_302 = arith.constant 0 : i32
      %dma_wait3A_303 = arith.constant 0 : i32
      %dma_wait3A_304 = tpu.memref_slice %arg2[%dma_wait3A_302, %dma_wait3A_303] : memref<10496x128xf32, #tpu.memory_space<hbm>> -> memref<64x128xf32, #tpu.memory_space<hbm>>
      %dma_wait3A_305 = arith.constant 0 : i32
      %dma_wait3A_306 = arith.constant 0 : i32
      %dma_wait3A_307 = tpu.memref_slice %arg2[%dma_wait3A_305, %dma_wait3A_306] : memref<10496x128xf32, #tpu.memory_space<hbm>> -> memref<64x128xf32, #tpu.memory_space<hbm>>
      tpu.wait_dma2 semaphore(%arg14 : memref<!tpu.dma_semaphore, #tpu.memory_space<semaphore_mem>>) src(%dma_wait3A_307 : memref<64x128xf32, #tpu.memory_space<hbm>>) dst(%arg9 : memref<64x128xf32, #tpu.memory_space<vmem>>)
      %add3A_308 = arith.constant 0 : i32
      %add3A_309 = arith.addi %mul3A_241, %add3A_308 : i32
      %dma_start3A_310 = arith.constant 0 : i32
      %dma_start3A_311 = tpu.memref_slice %arg8[%add3A_309, %dma_start3A_310] : memref<80x64xi32, #tpu.memory_space<vmem>> -> memref<1x64xi32, #tpu.memory_space<vmem>>
      %dma_start3A_312 = tpu.memref_squeeze %dma_start3A_311 : memref<1x64xi32, #tpu.memory_space<vmem>> -> memref<64xi32, #tpu.memory_space<vmem>>
      %dma_start3A_313 = arith.constant 0 : i32
      %dma_start3A_314 = arith.constant 0 : i32
      %dma_start3A_315 = tpu.memref_slice %arg13[%dma_start3A_313, %dma_start3A_314] : memref<10000x128xf32, #tpu.memory_space<vmem_shared>> -> memref<10000x128xf32, #tpu.memory_space<vmem_shared>>
      tpu.enqueue_indirect_dma source(%arg9 : memref<64x128xf32, #tpu.memory_space<vmem>>) target(%dma_start3A_315 : memref<10000x128xf32, #tpu.memory_space<vmem_shared>>) offsets(%dma_start3A_312 : memref<64xi32, #tpu.memory_space<vmem>>) semaphore(%arg18 : memref<!tpu.dma_semaphore, #tpu.memory_space<semaphore_mem>>) {add = true}
      %dma_wait3A_316 = arith.constant 0 : i32
      %dma_wait3A_317 = arith.constant 0 : i32
      %dma_wait3A_318 = tpu.memref_slice %arg2[%dma_wait3A_316, %dma_wait3A_317] : memref<10496x128xf32, #tpu.memory_space<hbm>> -> memref<64x128xf32, #tpu.memory_space<hbm>>
      %dma_wait3A_319 = arith.constant 0 : i32
      %dma_wait3A_320 = arith.constant 0 : i32
      %dma_wait3A_321 = tpu.memref_slice %arg2[%dma_wait3A_319, %dma_wait3A_320] : memref<10496x128xf32, #tpu.memory_space<hbm>> -> memref<64x128xf32, #tpu.memory_space<hbm>>
      tpu.wait_dma2 semaphore(%arg15 : memref<!tpu.dma_semaphore, #tpu.memory_space<semaphore_mem>>) src(%dma_wait3A_321 : memref<64x128xf32, #tpu.memory_space<hbm>>) dst(%arg9 : memref<64x128xf32, #tpu.memory_space<vmem>>)
      %add3A_322 = arith.constant 1 : i32
      %add3A_323 = arith.addi %mul3A_241, %add3A_322 : i32
      %dma_start3A_324 = arith.constant 0 : i32
      %dma_start3A_325 = tpu.memref_slice %arg8[%add3A_323, %dma_start3A_324] : memref<80x64xi32, #tpu.memory_space<vmem>> -> memref<1x64xi32, #tpu.memory_space<vmem>>
      %dma_start3A_326 = tpu.memref_squeeze %dma_start3A_325 : memref<1x64xi32, #tpu.memory_space<vmem>> -> memref<64xi32, #tpu.memory_space<vmem>>
      %dma_start3A_327 = arith.constant 0 : i32
      %dma_start3A_328 = arith.constant 0 : i32
      %dma_start3A_329 = tpu.memref_slice %arg13[%dma_start3A_327, %dma_start3A_328] : memref<10000x128xf32, #tpu.memory_space<vmem_shared>> -> memref<10000x128xf32, #tpu.memory_space<vmem_shared>>
      tpu.enqueue_indirect_dma source(%arg10 : memref<64x128xf32, #tpu.memory_space<vmem>>) target(%dma_start3A_329 : memref<10000x128xf32, #tpu.memory_space<vmem_shared>>) offsets(%dma_start3A_326 : memref<64xi32, #tpu.memory_space<vmem>>) semaphore(%arg19 : memref<!tpu.dma_semaphore, #tpu.memory_space<semaphore_mem>>) {add = true}
      %dma_wait3A_330 = arith.constant 0 : i32
      %dma_wait3A_331 = arith.constant 0 : i32
      %dma_wait3A_332 = tpu.memref_slice %arg2[%dma_wait3A_330, %dma_wait3A_331] : memref<10496x128xf32, #tpu.memory_space<hbm>> -> memref<64x128xf32, #tpu.memory_space<hbm>>
      %dma_wait3A_333 = arith.constant 0 : i32
      %dma_wait3A_334 = arith.constant 0 : i32
      %dma_wait3A_335 = tpu.memref_slice %arg2[%dma_wait3A_333, %dma_wait3A_334] : memref<10496x128xf32, #tpu.memory_space<hbm>> -> memref<64x128xf32, #tpu.memory_space<hbm>>
      tpu.wait_dma2 semaphore(%arg16 : memref<!tpu.dma_semaphore, #tpu.memory_space<semaphore_mem>>) src(%dma_wait3A_335 : memref<64x128xf32, #tpu.memory_space<hbm>>) dst(%arg9 : memref<64x128xf32, #tpu.memory_space<vmem>>)
      %add3A_336 = arith.constant 2 : i32
      %add3A_337 = arith.addi %mul3A_241, %add3A_336 : i32
      %dma_start3A_338 = arith.constant 0 : i32
      %dma_start3A_339 = tpu.memref_slice %arg8[%add3A_337, %dma_start3A_338] : memref<80x64xi32, #tpu.memory_space<vmem>> -> memref<1x64xi32, #tpu.memory_space<vmem>>
      %dma_start3A_340 = tpu.memref_squeeze %dma_start3A_339 : memref<1x64xi32, #tpu.memory_space<vmem>> -> memref<64xi32, #tpu.memory_space<vmem>>
      %dma_start3A_341 = arith.constant 0 : i32
      %dma_start3A_342 = arith.constant 0 : i32
      %dma_start3A_343 = tpu.memref_slice %arg13[%dma_start3A_341, %dma_start3A_342] : memref<10000x128xf32, #tpu.memory_space<vmem_shared>> -> memref<10000x128xf32, #tpu.memory_space<vmem_shared>>
      tpu.enqueue_indirect_dma source(%arg11 : memref<64x128xf32, #tpu.memory_space<vmem>>) target(%dma_start3A_343 : memref<10000x128xf32, #tpu.memory_space<vmem_shared>>) offsets(%dma_start3A_340 : memref<64xi32, #tpu.memory_space<vmem>>) semaphore(%arg20 : memref<!tpu.dma_semaphore, #tpu.memory_space<semaphore_mem>>) {add = true}
      %dma_wait3A_344 = arith.constant 0 : i32
      %dma_wait3A_345 = arith.constant 0 : i32
      %dma_wait3A_346 = tpu.memref_slice %arg2[%dma_wait3A_344, %dma_wait3A_345] : memref<10496x128xf32, #tpu.memory_space<hbm>> -> memref<64x128xf32, #tpu.memory_space<hbm>>
      %dma_wait3A_347 = arith.constant 0 : i32
      %dma_wait3A_348 = arith.constant 0 : i32
      %dma_wait3A_349 = tpu.memref_slice %arg2[%dma_wait3A_347, %dma_wait3A_348] : memref<10496x128xf32, #tpu.memory_space<hbm>> -> memref<64x128xf32, #tpu.memory_space<hbm>>
      tpu.wait_dma2 semaphore(%arg17 : memref<!tpu.dma_semaphore, #tpu.memory_space<semaphore_mem>>) src(%dma_wait3A_349 : memref<64x128xf32, #tpu.memory_space<hbm>>) dst(%arg9 : memref<64x128xf32, #tpu.memory_space<vmem>>)
      %add3A_350 = arith.constant 3 : i32
      %add3A_351 = arith.addi %mul3A_241, %add3A_350 : i32
      %dma_start3A_352 = arith.constant 0 : i32
      %dma_start3A_353 = tpu.memref_slice %arg8[%add3A_351, %dma_start3A_352] : memref<80x64xi32, #tpu.memory_space<vmem>> -> memref<1x64xi32, #tpu.memory_space<vmem>>
      %dma_start3A_354 = tpu.memref_squeeze %dma_start3A_353 : memref<1x64xi32, #tpu.memory_space<vmem>> -> memref<64xi32, #tpu.memory_space<vmem>>
      %dma_start3A_355 = arith.constant 0 : i32
      %dma_start3A_356 = arith.constant 0 : i32
      %dma_start3A_357 = tpu.memref_slice %arg13[%dma_start3A_355, %dma_start3A_356] : memref<10000x128xf32, #tpu.memory_space<vmem_shared>> -> memref<10000x128xf32, #tpu.memory_space<vmem_shared>>
      tpu.enqueue_indirect_dma source(%arg12 : memref<64x128xf32, #tpu.memory_space<vmem>>) target(%dma_start3A_357 : memref<10000x128xf32, #tpu.memory_space<vmem_shared>>) offsets(%dma_start3A_354 : memref<64xi32, #tpu.memory_space<vmem>>) semaphore(%arg21 : memref<!tpu.dma_semaphore, #tpu.memory_space<semaphore_mem>>) {add = true}
    }
    %scan3A_90 = arith.constant 19 : i32
    %dma_wait3A_91 = arith.constant 0 : i32
    %dma_wait3A_92 = arith.constant 0 : i32
    %dma_wait3A_93 = tpu.memref_slice %arg2[%dma_wait3A_91, %dma_wait3A_92] : memref<10496x128xf32, #tpu.memory_space<hbm>> -> memref<64x128xf32, #tpu.memory_space<hbm>>
    %dma_wait3A_94 = arith.constant 0 : i32
    %dma_wait3A_95 = arith.constant 0 : i32
    %dma_wait3A_96 = tpu.memref_slice %arg2[%dma_wait3A_94, %dma_wait3A_95] : memref<10496x128xf32, #tpu.memory_space<hbm>> -> memref<64x128xf32, #tpu.memory_space<hbm>>
    tpu.wait_dma2 semaphore(%arg18 : memref<!tpu.dma_semaphore, #tpu.memory_space<semaphore_mem>>) src(%dma_wait3A_96 : memref<64x128xf32, #tpu.memory_space<hbm>>) dst(%arg9 : memref<64x128xf32, #tpu.memory_space<vmem>>)
    %dma_wait3A_97 = arith.constant 0 : i32
    %dma_wait3A_98 = arith.constant 0 : i32
    %dma_wait3A_99 = tpu.memref_slice %arg2[%dma_wait3A_97, %dma_wait3A_98] : memref<10496x128xf32, #tpu.memory_space<hbm>> -> memref<64x128xf32, #tpu.memory_space<hbm>>
    %dma_wait3A_100 = arith.constant 0 : i32
    %dma_wait3A_101 = arith.constant 0 : i32
    %dma_wait3A_102 = tpu.memref_slice %arg2[%dma_wait3A_100, %dma_wait3A_101] : memref<10496x128xf32, #tpu.memory_space<hbm>> -> memref<64x128xf32, #tpu.memory_space<hbm>>
    tpu.wait_dma2 semaphore(%arg19 : memref<!tpu.dma_semaphore, #tpu.memory_space<semaphore_mem>>) src(%dma_wait3A_102 : memref<64x128xf32, #tpu.memory_space<hbm>>) dst(%arg9 : memref<64x128xf32, #tpu.memory_space<vmem>>)
    %dma_wait3A_103 = arith.constant 0 : i32
    %dma_wait3A_104 = arith.constant 0 : i32
    %dma_wait3A_105 = tpu.memref_slice %arg2[%dma_wait3A_103, %dma_wait3A_104] : memref<10496x128xf32, #tpu.memory_space<hbm>> -> memref<64x128xf32, #tpu.memory_space<hbm>>
    %dma_wait3A_106 = arith.constant 0 : i32
    %dma_wait3A_107 = arith.constant 0 : i32
    %dma_wait3A_108 = tpu.memref_slice %arg2[%dma_wait3A_106, %dma_wait3A_107] : memref<10496x128xf32, #tpu.memory_space<hbm>> -> memref<64x128xf32, #tpu.memory_space<hbm>>
    tpu.wait_dma2 semaphore(%arg20 : memref<!tpu.dma_semaphore, #tpu.memory_space<semaphore_mem>>) src(%dma_wait3A_108 : memref<64x128xf32, #tpu.memory_space<hbm>>) dst(%arg9 : memref<64x128xf32, #tpu.memory_space<vmem>>)
    %dma_wait3A_109 = arith.constant 0 : i32
    %dma_wait3A_110 = arith.constant 0 : i32
    %dma_wait3A_111 = tpu.memref_slice %arg2[%dma_wait3A_109, %dma_wait3A_110] : memref<10496x128xf32, #tpu.memory_space<hbm>> -> memref<64x128xf32, #tpu.memory_space<hbm>>
    %dma_wait3A_112 = arith.constant 0 : i32
    %dma_wait3A_113 = arith.constant 0 : i32
    %dma_wait3A_114 = tpu.memref_slice %arg2[%dma_wait3A_112, %dma_wait3A_113] : memref<10496x128xf32, #tpu.memory_space<hbm>> -> memref<64x128xf32, #tpu.memory_space<hbm>>
    tpu.wait_dma2 semaphore(%arg21 : memref<!tpu.dma_semaphore, #tpu.memory_space<semaphore_mem>>) src(%dma_wait3A_114 : memref<64x128xf32, #tpu.memory_space<hbm>>) dst(%arg9 : memref<64x128xf32, #tpu.memory_space<vmem>>)
    %mul3A_115 = arith.constant 160 : i32
    %mul3A_116 = arith.muli %add3A, %mul3A_115 : i32
    %add3A_117 = arith.constant 80 : i32
    %add3A_118 = arith.addi %mul3A_116, %add3A_117 : i32
    %mul3A_119 = arith.constant 64 : i32
    %mul3A_120 = arith.muli %add3A_118, %mul3A_119 : i32
    %multiple_of3A_121 = tpu.assume_multiple %mul3A_120, 8 : i32
    "tpu.region"() ({
      %run_scoped3A = tpu.sem_alloc : memref<!tpu.dma_semaphore, #tpu.memory_space<semaphore_mem>>
      %dma_start3A_235 = tpu.memref_slice %arg3[%multiple_of3A_121] : memref<327680xi32, #tpu.memory_space<hbm>> -> memref<5120xi32, #tpu.memory_space<hbm>>
      %dma_start3A_236 = tpu.memref_slice %arg3[%multiple_of3A_121] : memref<327680xi32, #tpu.memory_space<hbm>> -> memref<5120xi32, #tpu.memory_space<hbm>>
      tpu.enqueue_dma source(%dma_start3A_236 : memref<5120xi32, #tpu.memory_space<hbm>>) target(%arg7 : memref<5120xi32, #tpu.memory_space<vmem>>) target_semaphore(%run_scoped3A : memref<!tpu.dma_semaphore, #tpu.memory_space<semaphore_mem>>)
      %dma_wait3A_237 = tpu.memref_slice %arg3[%multiple_of3A_121] : memref<327680xi32, #tpu.memory_space<hbm>> -> memref<5120xi32, #tpu.memory_space<hbm>>
      %dma_wait3A_238 = tpu.memref_slice %arg3[%multiple_of3A_121] : memref<327680xi32, #tpu.memory_space<hbm>> -> memref<5120xi32, #tpu.memory_space<hbm>>
      tpu.wait_dma2 semaphore(%run_scoped3A : memref<!tpu.dma_semaphore, #tpu.memory_space<semaphore_mem>>) src(%dma_wait3A_238 : memref<5120xi32, #tpu.memory_space<hbm>>) dst(%arg7 : memref<5120xi32, #tpu.memory_space<vmem>>)
      tpu.yield
    }) : () -> ()
    %multiple_of3A_122 = tpu.assume_multiple %add3A_118, 8 : i32
    "tpu.region"() ({
      %run_scoped3A = tpu.sem_alloc : memref<!tpu.dma_semaphore, #tpu.memory_space<semaphore_mem>>
      %dma_start3A_235 = arith.constant 0 : i32
      %dma_start3A_236 = tpu.memref_slice %arg4[%multiple_of3A_122, %dma_start3A_235] : memref<5120x64xi32, #tpu.memory_space<hbm>> -> memref<80x64xi32, #tpu.memory_space<hbm>>
      %dma_start3A_237 = arith.constant 0 : i32
      %dma_start3A_238 = tpu.memref_slice %arg4[%multiple_of3A_122, %dma_start3A_237] : memref<5120x64xi32, #tpu.memory_space<hbm>> -> memref<80x64xi32, #tpu.memory_space<hbm>>
      tpu.enqueue_dma source(%dma_start3A_238 : memref<80x64xi32, #tpu.memory_space<hbm>>) target(%arg8 : memref<80x64xi32, #tpu.memory_space<vmem>>) target_semaphore(%run_scoped3A : memref<!tpu.dma_semaphore, #tpu.memory_space<semaphore_mem>>)
      %dma_wait3A_239 = arith.constant 0 : i32
      %dma_wait3A_240 = tpu.memref_slice %arg4[%multiple_of3A_122, %dma_wait3A_239] : memref<5120x64xi32, #tpu.memory_space<hbm>> -> memref<80x64xi32, #tpu.memory_space<hbm>>
      %dma_wait3A_241 = arith.constant 0 : i32
      %dma_wait3A_242 = tpu.memref_slice %arg4[%multiple_of3A_122, %dma_wait3A_241] : memref<5120x64xi32, #tpu.memory_space<hbm>> -> memref<80x64xi32, #tpu.memory_space<hbm>>
      tpu.wait_dma2 semaphore(%run_scoped3A : memref<!tpu.dma_semaphore, #tpu.memory_space<semaphore_mem>>) src(%dma_wait3A_242 : memref<80x64xi32, #tpu.memory_space<hbm>>) dst(%arg8 : memref<80x64xi32, #tpu.memory_space<vmem>>)
      tpu.yield
    }) : () -> ()
    %dma_start3A_123 = arith.constant 0 : i32
    %dma_start3A_124 = tpu.memref_slice %arg7[%dma_start3A_123] : memref<5120xi32, #tpu.memory_space<vmem>> -> memref<64xi32, #tpu.memory_space<vmem>>
    %dma_start3A_125 = arith.constant 0 : i32
    %dma_start3A_126 = arith.constant 0 : i32
    %dma_start3A_127 = tpu.memref_slice %arg2[%dma_start3A_125, %dma_start3A_126] : memref<10496x128xf32, #tpu.memory_space<hbm>> -> memref<10496x128xf32, #tpu.memory_space<hbm>>
    tpu.enqueue_indirect_dma source(%dma_start3A_127 : memref<10496x128xf32, #tpu.memory_space<hbm>>) target(%arg9 : memref<64x128xf32, #tpu.memory_space<vmem>>) offsets(%dma_start3A_124 : memref<64xi32, #tpu.memory_space<vmem>>) semaphore(%arg14 : memref<!tpu.dma_semaphore, #tpu.memory_space<semaphore_mem>>)
    %dma_start3A_128 = arith.constant 64 : i32
    %dma_start3A_129 = tpu.memref_slice %arg7[%dma_start3A_128] : memref<5120xi32, #tpu.memory_space<vmem>> -> memref<64xi32, #tpu.memory_space<vmem>>
    %dma_start3A_130 = arith.constant 0 : i32
    %dma_start3A_131 = arith.constant 0 : i32
    %dma_start3A_132 = tpu.memref_slice %arg2[%dma_start3A_130, %dma_start3A_131] : memref<10496x128xf32, #tpu.memory_space<hbm>> -> memref<10496x128xf32, #tpu.memory_space<hbm>>
    tpu.enqueue_indirect_dma source(%dma_start3A_132 : memref<10496x128xf32, #tpu.memory_space<hbm>>) target(%arg10 : memref<64x128xf32, #tpu.memory_space<vmem>>) offsets(%dma_start3A_129 : memref<64xi32, #tpu.memory_space<vmem>>) semaphore(%arg15 : memref<!tpu.dma_semaphore, #tpu.memory_space<semaphore_mem>>)
    %dma_start3A_133 = arith.constant 128 : i32
    %dma_start3A_134 = tpu.memref_slice %arg7[%dma_start3A_133] : memref<5120xi32, #tpu.memory_space<vmem>> -> memref<64xi32, #tpu.memory_space<vmem>>
    %dma_start3A_135 = arith.constant 0 : i32
    %dma_start3A_136 = arith.constant 0 : i32
    %dma_start3A_137 = tpu.memref_slice %arg2[%dma_start3A_135, %dma_start3A_136] : memref<10496x128xf32, #tpu.memory_space<hbm>> -> memref<10496x128xf32, #tpu.memory_space<hbm>>
    tpu.enqueue_indirect_dma source(%dma_start3A_137 : memref<10496x128xf32, #tpu.memory_space<hbm>>) target(%arg11 : memref<64x128xf32, #tpu.memory_space<vmem>>) offsets(%dma_start3A_134 : memref<64xi32, #tpu.memory_space<vmem>>) semaphore(%arg16 : memref<!tpu.dma_semaphore, #tpu.memory_space<semaphore_mem>>)
    %dma_start3A_138 = arith.constant 192 : i32
    %dma_start3A_139 = tpu.memref_slice %arg7[%dma_start3A_138] : memref<5120xi32, #tpu.memory_space<vmem>> -> memref<64xi32, #tpu.memory_space<vmem>>
    %dma_start3A_140 = arith.constant 0 : i32
    %dma_start3A_141 = arith.constant 0 : i32
    %dma_start3A_142 = tpu.memref_slice %arg2[%dma_start3A_140, %dma_start3A_141] : memref<10496x128xf32, #tpu.memory_space<hbm>> -> memref<10496x128xf32, #tpu.memory_space<hbm>>
    tpu.enqueue_indirect_dma source(%dma_start3A_142 : memref<10496x128xf32, #tpu.memory_space<hbm>>) target(%arg12 : memref<64x128xf32, #tpu.memory_space<vmem>>) offsets(%dma_start3A_139 : memref<64xi32, #tpu.memory_space<vmem>>) semaphore(%arg17 : memref<!tpu.dma_semaphore, #tpu.memory_space<semaphore_mem>>)
    %dma_wait3A_143 = arith.constant 0 : i32
    %dma_wait3A_144 = arith.constant 0 : i32
    %dma_wait3A_145 = tpu.memref_slice %arg2[%dma_wait3A_143, %dma_wait3A_144] : memref<10496x128xf32, #tpu.memory_space<hbm>> -> memref<64x128xf32, #tpu.memory_space<hbm>>
    %dma_wait3A_146 = arith.constant 0 : i32
    %dma_wait3A_147 = arith.constant 0 : i32
    %dma_wait3A_148 = tpu.memref_slice %arg2[%dma_wait3A_146, %dma_wait3A_147] : memref<10496x128xf32, #tpu.memory_space<hbm>> -> memref<64x128xf32, #tpu.memory_space<hbm>>
    tpu.wait_dma2 semaphore(%arg14 : memref<!tpu.dma_semaphore, #tpu.memory_space<semaphore_mem>>) src(%dma_wait3A_148 : memref<64x128xf32, #tpu.memory_space<hbm>>) dst(%arg9 : memref<64x128xf32, #tpu.memory_space<vmem>>)
    %dma_start3A_149 = arith.constant 0 : i32
    %dma_start3A_150 = arith.constant 0 : i32
    %dma_start3A_151 = tpu.memref_slice %arg8[%dma_start3A_149, %dma_start3A_150] : memref<80x64xi32, #tpu.memory_space<vmem>> -> memref<1x64xi32, #tpu.memory_space<vmem>>
    %dma_start3A_152 = tpu.memref_squeeze %dma_start3A_151 : memref<1x64xi32, #tpu.memory_space<vmem>> -> memref<64xi32, #tpu.memory_space<vmem>>
    %dma_start3A_153 = arith.constant 0 : i32
    %dma_start3A_154 = arith.constant 0 : i32
    %dma_start3A_155 = tpu.memref_slice %arg13[%dma_start3A_153, %dma_start3A_154] : memref<10000x128xf32, #tpu.memory_space<vmem_shared>> -> memref<10000x128xf32, #tpu.memory_space<vmem_shared>>
    tpu.enqueue_indirect_dma source(%arg9 : memref<64x128xf32, #tpu.memory_space<vmem>>) target(%dma_start3A_155 : memref<10000x128xf32, #tpu.memory_space<vmem_shared>>) offsets(%dma_start3A_152 : memref<64xi32, #tpu.memory_space<vmem>>) semaphore(%arg18 : memref<!tpu.dma_semaphore, #tpu.memory_space<semaphore_mem>>) {add = true}
    %dma_wait3A_156 = arith.constant 0 : i32
    %dma_wait3A_157 = arith.constant 0 : i32
    %dma_wait3A_158 = tpu.memref_slice %arg2[%dma_wait3A_156, %dma_wait3A_157] : memref<10496x128xf32, #tpu.memory_space<hbm>> -> memref<64x128xf32, #tpu.memory_space<hbm>>
    %dma_wait3A_159 = arith.constant 0 : i32
    %dma_wait3A_160 = arith.constant 0 : i32
    %dma_wait3A_161 = tpu.memref_slice %arg2[%dma_wait3A_159, %dma_wait3A_160] : memref<10496x128xf32, #tpu.memory_space<hbm>> -> memref<64x128xf32, #tpu.memory_space<hbm>>
    tpu.wait_dma2 semaphore(%arg15 : memref<!tpu.dma_semaphore, #tpu.memory_space<semaphore_mem>>) src(%dma_wait3A_161 : memref<64x128xf32, #tpu.memory_space<hbm>>) dst(%arg9 : memref<64x128xf32, #tpu.memory_space<vmem>>)
    %dma_start3A_162 = arith.constant 1 : i32
    %dma_start3A_163 = arith.constant 0 : i32
    %dma_start3A_164 = tpu.memref_slice %arg8[%dma_start3A_162, %dma_start3A_163] : memref<80x64xi32, #tpu.memory_space<vmem>> -> memref<1x64xi32, #tpu.memory_space<vmem>>
    %dma_start3A_165 = tpu.memref_squeeze %dma_start3A_164 : memref<1x64xi32, #tpu.memory_space<vmem>> -> memref<64xi32, #tpu.memory_space<vmem>>
    %dma_start3A_166 = arith.constant 0 : i32
    %dma_start3A_167 = arith.constant 0 : i32
    %dma_start3A_168 = tpu.memref_slice %arg13[%dma_start3A_166, %dma_start3A_167] : memref<10000x128xf32, #tpu.memory_space<vmem_shared>> -> memref<10000x128xf32, #tpu.memory_space<vmem_shared>>
    tpu.enqueue_indirect_dma source(%arg10 : memref<64x128xf32, #tpu.memory_space<vmem>>) target(%dma_start3A_168 : memref<10000x128xf32, #tpu.memory_space<vmem_shared>>) offsets(%dma_start3A_165 : memref<64xi32, #tpu.memory_space<vmem>>) semaphore(%arg19 : memref<!tpu.dma_semaphore, #tpu.memory_space<semaphore_mem>>) {add = true}
    %dma_wait3A_169 = arith.constant 0 : i32
    %dma_wait3A_170 = arith.constant 0 : i32
    %dma_wait3A_171 = tpu.memref_slice %arg2[%dma_wait3A_169, %dma_wait3A_170] : memref<10496x128xf32, #tpu.memory_space<hbm>> -> memref<64x128xf32, #tpu.memory_space<hbm>>
    %dma_wait3A_172 = arith.constant 0 : i32
    %dma_wait3A_173 = arith.constant 0 : i32
    %dma_wait3A_174 = tpu.memref_slice %arg2[%dma_wait3A_172, %dma_wait3A_173] : memref<10496x128xf32, #tpu.memory_space<hbm>> -> memref<64x128xf32, #tpu.memory_space<hbm>>
    tpu.wait_dma2 semaphore(%arg16 : memref<!tpu.dma_semaphore, #tpu.memory_space<semaphore_mem>>) src(%dma_wait3A_174 : memref<64x128xf32, #tpu.memory_space<hbm>>) dst(%arg9 : memref<64x128xf32, #tpu.memory_space<vmem>>)
    %dma_start3A_175 = arith.constant 2 : i32
    %dma_start3A_176 = arith.constant 0 : i32
    %dma_start3A_177 = tpu.memref_slice %arg8[%dma_start3A_175, %dma_start3A_176] : memref<80x64xi32, #tpu.memory_space<vmem>> -> memref<1x64xi32, #tpu.memory_space<vmem>>
    %dma_start3A_178 = tpu.memref_squeeze %dma_start3A_177 : memref<1x64xi32, #tpu.memory_space<vmem>> -> memref<64xi32, #tpu.memory_space<vmem>>
    %dma_start3A_179 = arith.constant 0 : i32
    %dma_start3A_180 = arith.constant 0 : i32
    %dma_start3A_181 = tpu.memref_slice %arg13[%dma_start3A_179, %dma_start3A_180] : memref<10000x128xf32, #tpu.memory_space<vmem_shared>> -> memref<10000x128xf32, #tpu.memory_space<vmem_shared>>
    tpu.enqueue_indirect_dma source(%arg11 : memref<64x128xf32, #tpu.memory_space<vmem>>) target(%dma_start3A_181 : memref<10000x128xf32, #tpu.memory_space<vmem_shared>>) offsets(%dma_start3A_178 : memref<64xi32, #tpu.memory_space<vmem>>) semaphore(%arg20 : memref<!tpu.dma_semaphore, #tpu.memory_space<semaphore_mem>>) {add = true}
    %dma_wait3A_182 = arith.constant 0 : i32
    %dma_wait3A_183 = arith.constant 0 : i32
    %dma_wait3A_184 = tpu.memref_slice %arg2[%dma_wait3A_182, %dma_wait3A_183] : memref<10496x128xf32, #tpu.memory_space<hbm>> -> memref<64x128xf32, #tpu.memory_space<hbm>>
    %dma_wait3A_185 = arith.constant 0 : i32
    %dma_wait3A_186 = arith.constant 0 : i32
    %dma_wait3A_187 = tpu.memref_slice %arg2[%dma_wait3A_185, %dma_wait3A_186] : memref<10496x128xf32, #tpu.memory_space<hbm>> -> memref<64x128xf32, #tpu.memory_space<hbm>>
    tpu.wait_dma2 semaphore(%arg17 : memref<!tpu.dma_semaphore, #tpu.memory_space<semaphore_mem>>) src(%dma_wait3A_187 : memref<64x128xf32, #tpu.memory_space<hbm>>) dst(%arg9 : memref<64x128xf32, #tpu.memory_space<vmem>>)
    %dma_start3A_188 = arith.constant 3 : i32
    %dma_start3A_189 = arith.constant 0 : i32
    %dma_start3A_190 = tpu.memref_slice %arg8[%dma_start3A_188, %dma_start3A_189] : memref<80x64xi32, #tpu.memory_space<vmem>> -> memref<1x64xi32, #tpu.memory_space<vmem>>
    %dma_start3A_191 = tpu.memref_squeeze %dma_start3A_190 : memref<1x64xi32, #tpu.memory_space<vmem>> -> memref<64xi32, #tpu.memory_space<vmem>>
    %dma_start3A_192 = arith.constant 0 : i32
    %dma_start3A_193 = arith.constant 0 : i32
    %dma_start3A_194 = tpu.memref_slice %arg13[%dma_start3A_192, %dma_start3A_193] : memref<10000x128xf32, #tpu.memory_space<vmem_shared>> -> memref<10000x128xf32, #tpu.memory_space<vmem_shared>>
    tpu.enqueue_indirect_dma source(%arg12 : memref<64x128xf32, #tpu.memory_space<vmem>>) target(%dma_start3A_194 : memref<10000x128xf32, #tpu.memory_space<vmem_shared>>) offsets(%dma_start3A_191 : memref<64xi32, #tpu.memory_space<vmem>>) semaphore(%arg21 : memref<!tpu.dma_semaphore, #tpu.memory_space<semaphore_mem>>) {add = true}
    %scan3A_195 = arith.constant 0 : i32
    %scan3A_196 = arith.constant 19 : i32
    %scan3A_197 = arith.addi %scan3A_195, %scan3A_196 : i32
    %scan3A_198 = arith.constant 1 : i32
    scf.for %scan3A_235 = %scan3A_195 to %scan3A_197 step %scan3A_198  : i32 {
      %mul3A_236 = arith.constant 1 : i32
      %mul3A_237 = arith.muli %scan3A_235, %mul3A_236 : i32
      %add3A_238 = arith.constant 1 : i32
      %add3A_239 = arith.addi %add3A_238, %mul3A_237 : i32
      %mul3A_240 = arith.constant 4 : i32
      %mul3A_241 = arith.muli %add3A_239, %mul3A_240 : i32
      %dma_wait3A_242 = arith.constant 0 : i32
      %dma_wait3A_243 = arith.constant 0 : i32
      %dma_wait3A_244 = tpu.memref_slice %arg2[%dma_wait3A_242, %dma_wait3A_243] : memref<10496x128xf32, #tpu.memory_space<hbm>> -> memref<64x128xf32, #tpu.memory_space<hbm>>
      %dma_wait3A_245 = arith.constant 0 : i32
      %dma_wait3A_246 = arith.constant 0 : i32
      %dma_wait3A_247 = tpu.memref_slice %arg2[%dma_wait3A_245, %dma_wait3A_246] : memref<10496x128xf32, #tpu.memory_space<hbm>> -> memref<64x128xf32, #tpu.memory_space<hbm>>
      tpu.wait_dma2 semaphore(%arg18 : memref<!tpu.dma_semaphore, #tpu.memory_space<semaphore_mem>>) src(%dma_wait3A_247 : memref<64x128xf32, #tpu.memory_space<hbm>>) dst(%arg9 : memref<64x128xf32, #tpu.memory_space<vmem>>)
      %add3A_248 = arith.constant 0 : i32
      %add3A_249 = arith.addi %mul3A_241, %add3A_248 : i32
      %mul3A_250 = arith.constant 64 : i32
      %mul3A_251 = arith.muli %add3A_249, %mul3A_250 : i32
      %multiple_of3A_252 = tpu.assume_multiple %mul3A_251, 8 : i32
      %dma_start3A_253 = tpu.memref_slice %arg7[%multiple_of3A_252] : memref<5120xi32, #tpu.memory_space<vmem>> -> memref<64xi32, #tpu.memory_space<vmem>>
      %dma_start3A_254 = arith.constant 0 : i32
      %dma_start3A_255 = arith.constant 0 : i32
      %dma_start3A_256 = tpu.memref_slice %arg2[%dma_start3A_254, %dma_start3A_255] : memref<10496x128xf32, #tpu.memory_space<hbm>> -> memref<10496x128xf32, #tpu.memory_space<hbm>>
      tpu.enqueue_indirect_dma source(%dma_start3A_256 : memref<10496x128xf32, #tpu.memory_space<hbm>>) target(%arg9 : memref<64x128xf32, #tpu.memory_space<vmem>>) offsets(%dma_start3A_253 : memref<64xi32, #tpu.memory_space<vmem>>) semaphore(%arg14 : memref<!tpu.dma_semaphore, #tpu.memory_space<semaphore_mem>>)
      %dma_wait3A_257 = arith.constant 0 : i32
      %dma_wait3A_258 = arith.constant 0 : i32
      %dma_wait3A_259 = tpu.memref_slice %arg2[%dma_wait3A_257, %dma_wait3A_258] : memref<10496x128xf32, #tpu.memory_space<hbm>> -> memref<64x128xf32, #tpu.memory_space<hbm>>
      %dma_wait3A_260 = arith.constant 0 : i32
      %dma_wait3A_261 = arith.constant 0 : i32
      %dma_wait3A_262 = tpu.memref_slice %arg2[%dma_wait3A_260, %dma_wait3A_261] : memref<10496x128xf32, #tpu.memory_space<hbm>> -> memref<64x128xf32, #tpu.memory_space<hbm>>
      tpu.wait_dma2 semaphore(%arg19 : memref<!tpu.dma_semaphore, #tpu.memory_space<semaphore_mem>>) src(%dma_wait3A_262 : memref<64x128xf32, #tpu.memory_space<hbm>>) dst(%arg9 : memref<64x128xf32, #tpu.memory_space<vmem>>)
      %add3A_263 = arith.constant 1 : i32
      %add3A_264 = arith.addi %mul3A_241, %add3A_263 : i32
      %mul3A_265 = arith.constant 64 : i32
      %mul3A_266 = arith.muli %add3A_264, %mul3A_265 : i32
      %multiple_of3A_267 = tpu.assume_multiple %mul3A_266, 8 : i32
      %dma_start3A_268 = tpu.memref_slice %arg7[%multiple_of3A_267] : memref<5120xi32, #tpu.memory_space<vmem>> -> memref<64xi32, #tpu.memory_space<vmem>>
      %dma_start3A_269 = arith.constant 0 : i32
      %dma_start3A_270 = arith.constant 0 : i32
      %dma_start3A_271 = tpu.memref_slice %arg2[%dma_start3A_269, %dma_start3A_270] : memref<10496x128xf32, #tpu.memory_space<hbm>> -> memref<10496x128xf32, #tpu.memory_space<hbm>>
      tpu.enqueue_indirect_dma source(%dma_start3A_271 : memref<10496x128xf32, #tpu.memory_space<hbm>>) target(%arg10 : memref<64x128xf32, #tpu.memory_space<vmem>>) offsets(%dma_start3A_268 : memref<64xi32, #tpu.memory_space<vmem>>) semaphore(%arg15 : memref<!tpu.dma_semaphore, #tpu.memory_space<semaphore_mem>>)
      %dma_wait3A_272 = arith.constant 0 : i32
      %dma_wait3A_273 = arith.constant 0 : i32
      %dma_wait3A_274 = tpu.memref_slice %arg2[%dma_wait3A_272, %dma_wait3A_273] : memref<10496x128xf32, #tpu.memory_space<hbm>> -> memref<64x128xf32, #tpu.memory_space<hbm>>
      %dma_wait3A_275 = arith.constant 0 : i32
      %dma_wait3A_276 = arith.constant 0 : i32
      %dma_wait3A_277 = tpu.memref_slice %arg2[%dma_wait3A_275, %dma_wait3A_276] : memref<10496x128xf32, #tpu.memory_space<hbm>> -> memref<64x128xf32, #tpu.memory_space<hbm>>
      tpu.wait_dma2 semaphore(%arg20 : memref<!tpu.dma_semaphore, #tpu.memory_space<semaphore_mem>>) src(%dma_wait3A_277 : memref<64x128xf32, #tpu.memory_space<hbm>>) dst(%arg9 : memref<64x128xf32, #tpu.memory_space<vmem>>)
      %add3A_278 = arith.constant 2 : i32
      %add3A_279 = arith.addi %mul3A_241, %add3A_278 : i32
      %mul3A_280 = arith.constant 64 : i32
      %mul3A_281 = arith.muli %add3A_279, %mul3A_280 : i32
      %multiple_of3A_282 = tpu.assume_multiple %mul3A_281, 8 : i32
      %dma_start3A_283 = tpu.memref_slice %arg7[%multiple_of3A_282] : memref<5120xi32, #tpu.memory_space<vmem>> -> memref<64xi32, #tpu.memory_space<vmem>>
      %dma_start3A_284 = arith.constant 0 : i32
      %dma_start3A_285 = arith.constant 0 : i32
      %dma_start3A_286 = tpu.memref_slice %arg2[%dma_start3A_284, %dma_start3A_285] : memref<10496x128xf32, #tpu.memory_space<hbm>> -> memref<10496x128xf32, #tpu.memory_space<hbm>>
      tpu.enqueue_indirect_dma source(%dma_start3A_286 : memref<10496x128xf32, #tpu.memory_space<hbm>>) target(%arg11 : memref<64x128xf32, #tpu.memory_space<vmem>>) offsets(%dma_start3A_283 : memref<64xi32, #tpu.memory_space<vmem>>) semaphore(%arg16 : memref<!tpu.dma_semaphore, #tpu.memory_space<semaphore_mem>>)
      %dma_wait3A_287 = arith.constant 0 : i32
      %dma_wait3A_288 = arith.constant 0 : i32
      %dma_wait3A_289 = tpu.memref_slice %arg2[%dma_wait3A_287, %dma_wait3A_288] : memref<10496x128xf32, #tpu.memory_space<hbm>> -> memref<64x128xf32, #tpu.memory_space<hbm>>
      %dma_wait3A_290 = arith.constant 0 : i32
      %dma_wait3A_291 = arith.constant 0 : i32
      %dma_wait3A_292 = tpu.memref_slice %arg2[%dma_wait3A_290, %dma_wait3A_291] : memref<10496x128xf32, #tpu.memory_space<hbm>> -> memref<64x128xf32, #tpu.memory_space<hbm>>
      tpu.wait_dma2 semaphore(%arg21 : memref<!tpu.dma_semaphore, #tpu.memory_space<semaphore_mem>>) src(%dma_wait3A_292 : memref<64x128xf32, #tpu.memory_space<hbm>>) dst(%arg9 : memref<64x128xf32, #tpu.memory_space<vmem>>)
      %add3A_293 = arith.constant 3 : i32
      %add3A_294 = arith.addi %mul3A_241, %add3A_293 : i32
      %mul3A_295 = arith.constant 64 : i32
      %mul3A_296 = arith.muli %add3A_294, %mul3A_295 : i32
      %multiple_of3A_297 = tpu.assume_multiple %mul3A_296, 8 : i32
      %dma_start3A_298 = tpu.memref_slice %arg7[%multiple_of3A_297] : memref<5120xi32, #tpu.memory_space<vmem>> -> memref<64xi32, #tpu.memory_space<vmem>>
      %dma_start3A_299 = arith.constant 0 : i32
      %dma_start3A_300 = arith.constant 0 : i32
      %dma_start3A_301 = tpu.memref_slice %arg2[%dma_start3A_299, %dma_start3A_300] : memref<10496x128xf32, #tpu.memory_space<hbm>> -> memref<10496x128xf32, #tpu.memory_space<hbm>>
      tpu.enqueue_indirect_dma source(%dma_start3A_301 : memref<10496x128xf32, #tpu.memory_space<hbm>>) target(%arg12 : memref<64x128xf32, #tpu.memory_space<vmem>>) offsets(%dma_start3A_298 : memref<64xi32, #tpu.memory_space<vmem>>) semaphore(%arg17 : memref<!tpu.dma_semaphore, #tpu.memory_space<semaphore_mem>>)
      %dma_wait3A_302 = arith.constant 0 : i32
      %dma_wait3A_303 = arith.constant 0 : i32
      %dma_wait3A_304 = tpu.memref_slice %arg2[%dma_wait3A_302, %dma_wait3A_303] : memref<10496x128xf32, #tpu.memory_space<hbm>> -> memref<64x128xf32, #tpu.memory_space<hbm>>
      %dma_wait3A_305 = arith.constant 0 : i32
      %dma_wait3A_306 = arith.constant 0 : i32
      %dma_wait3A_307 = tpu.memref_slice %arg2[%dma_wait3A_305, %dma_wait3A_306] : memref<10496x128xf32, #tpu.memory_space<hbm>> -> memref<64x128xf32, #tpu.memory_space<hbm>>
      tpu.wait_dma2 semaphore(%arg14 : memref<!tpu.dma_semaphore, #tpu.memory_space<semaphore_mem>>) src(%dma_wait3A_307 : memref<64x128xf32, #tpu.memory_space<hbm>>) dst(%arg9 : memref<64x128xf32, #tpu.memory_space<vmem>>)
      %add3A_308 = arith.constant 0 : i32
      %add3A_309 = arith.addi %mul3A_241, %add3A_308 : i32
      %dma_start3A_310 = arith.constant 0 : i32
      %dma_start3A_311 = tpu.memref_slice %arg8[%add3A_309, %dma_start3A_310] : memref<80x64xi32, #tpu.memory_space<vmem>> -> memref<1x64xi32, #tpu.memory_space<vmem>>
      %dma_start3A_312 = tpu.memref_squeeze %dma_start3A_311 : memref<1x64xi32, #tpu.memory_space<vmem>> -> memref<64xi32, #tpu.memory_space<vmem>>
      %dma_start3A_313 = arith.constant 0 : i32
      %dma_start3A_314 = arith.constant 0 : i32
      %dma_start3A_315 = tpu.memref_slice %arg13[%dma_start3A_313, %dma_start3A_314] : memref<10000x128xf32, #tpu.memory_space<vmem_shared>> -> memref<10000x128xf32, #tpu.memory_space<vmem_shared>>
      tpu.enqueue_indirect_dma source(%arg9 : memref<64x128xf32, #tpu.memory_space<vmem>>) target(%dma_start3A_315 : memref<10000x128xf32, #tpu.memory_space<vmem_shared>>) offsets(%dma_start3A_312 : memref<64xi32, #tpu.memory_space<vmem>>) semaphore(%arg18 : memref<!tpu.dma_semaphore, #tpu.memory_space<semaphore_mem>>) {add = true}
      %dma_wait3A_316 = arith.constant 0 : i32
      %dma_wait3A_317 = arith.constant 0 : i32
      %dma_wait3A_318 = tpu.memref_slice %arg2[%dma_wait3A_316, %dma_wait3A_317] : memref<10496x128xf32, #tpu.memory_space<hbm>> -> memref<64x128xf32, #tpu.memory_space<hbm>>
      %dma_wait3A_319 = arith.constant 0 : i32
      %dma_wait3A_320 = arith.constant 0 : i32
      %dma_wait3A_321 = tpu.memref_slice %arg2[%dma_wait3A_319, %dma_wait3A_320] : memref<10496x128xf32, #tpu.memory_space<hbm>> -> memref<64x128xf32, #tpu.memory_space<hbm>>
      tpu.wait_dma2 semaphore(%arg15 : memref<!tpu.dma_semaphore, #tpu.memory_space<semaphore_mem>>) src(%dma_wait3A_321 : memref<64x128xf32, #tpu.memory_space<hbm>>) dst(%arg9 : memref<64x128xf32, #tpu.memory_space<vmem>>)
      %add3A_322 = arith.constant 1 : i32
      %add3A_323 = arith.addi %mul3A_241, %add3A_322 : i32
      %dma_start3A_324 = arith.constant 0 : i32
      %dma_start3A_325 = tpu.memref_slice %arg8[%add3A_323, %dma_start3A_324] : memref<80x64xi32, #tpu.memory_space<vmem>> -> memref<1x64xi32, #tpu.memory_space<vmem>>
      %dma_start3A_326 = tpu.memref_squeeze %dma_start3A_325 : memref<1x64xi32, #tpu.memory_space<vmem>> -> memref<64xi32, #tpu.memory_space<vmem>>
      %dma_start3A_327 = arith.constant 0 : i32
      %dma_start3A_328 = arith.constant 0 : i32
      %dma_start3A_329 = tpu.memref_slice %arg13[%dma_start3A_327, %dma_start3A_328] : memref<10000x128xf32, #tpu.memory_space<vmem_shared>> -> memref<10000x128xf32, #tpu.memory_space<vmem_shared>>
      tpu.enqueue_indirect_dma source(%arg10 : memref<64x128xf32, #tpu.memory_space<vmem>>) target(%dma_start3A_329 : memref<10000x128xf32, #tpu.memory_space<vmem_shared>>) offsets(%dma_start3A_326 : memref<64xi32, #tpu.memory_space<vmem>>) semaphore(%arg19 : memref<!tpu.dma_semaphore, #tpu.memory_space<semaphore_mem>>) {add = true}
      %dma_wait3A_330 = arith.constant 0 : i32
      %dma_wait3A_331 = arith.constant 0 : i32
      %dma_wait3A_332 = tpu.memref_slice %arg2[%dma_wait3A_330, %dma_wait3A_331] : memref<10496x128xf32, #tpu.memory_space<hbm>> -> memref<64x128xf32, #tpu.memory_space<hbm>>
      %dma_wait3A_333 = arith.constant 0 : i32
      %dma_wait3A_334 = arith.constant 0 : i32
      %dma_wait3A_335 = tpu.memref_slice %arg2[%dma_wait3A_333, %dma_wait3A_334] : memref<10496x128xf32, #tpu.memory_space<hbm>> -> memref<64x128xf32, #tpu.memory_space<hbm>>
      tpu.wait_dma2 semaphore(%arg16 : memref<!tpu.dma_semaphore, #tpu.memory_space<semaphore_mem>>) src(%dma_wait3A_335 : memref<64x128xf32, #tpu.memory_space<hbm>>) dst(%arg9 : memref<64x128xf32, #tpu.memory_space<vmem>>)
      %add3A_336 = arith.constant 2 : i32
      %add3A_337 = arith.addi %mul3A_241, %add3A_336 : i32
      %dma_start3A_338 = arith.constant 0 : i32
      %dma_start3A_339 = tpu.memref_slice %arg8[%add3A_337, %dma_start3A_338] : memref<80x64xi32, #tpu.memory_space<vmem>> -> memref<1x64xi32, #tpu.memory_space<vmem>>
      %dma_start3A_340 = tpu.memref_squeeze %dma_start3A_339 : memref<1x64xi32, #tpu.memory_space<vmem>> -> memref<64xi32, #tpu.memory_space<vmem>>
      %dma_start3A_341 = arith.constant 0 : i32
      %dma_start3A_342 = arith.constant 0 : i32
      %dma_start3A_343 = tpu.memref_slice %arg13[%dma_start3A_341, %dma_start3A_342] : memref<10000x128xf32, #tpu.memory_space<vmem_shared>> -> memref<10000x128xf32, #tpu.memory_space<vmem_shared>>
      tpu.enqueue_indirect_dma source(%arg11 : memref<64x128xf32, #tpu.memory_space<vmem>>) target(%dma_start3A_343 : memref<10000x128xf32, #tpu.memory_space<vmem_shared>>) offsets(%dma_start3A_340 : memref<64xi32, #tpu.memory_space<vmem>>) semaphore(%arg20 : memref<!tpu.dma_semaphore, #tpu.memory_space<semaphore_mem>>) {add = true}
      %dma_wait3A_344 = arith.constant 0 : i32
      %dma_wait3A_345 = arith.constant 0 : i32
      %dma_wait3A_346 = tpu.memref_slice %arg2[%dma_wait3A_344, %dma_wait3A_345] : memref<10496x128xf32, #tpu.memory_space<hbm>> -> memref<64x128xf32, #tpu.memory_space<hbm>>
      %dma_wait3A_347 = arith.constant 0 : i32
      %dma_wait3A_348 = arith.constant 0 : i32
      %dma_wait3A_349 = tpu.memref_slice %arg2[%dma_wait3A_347, %dma_wait3A_348] : memref<10496x128xf32, #tpu.memory_space<hbm>> -> memref<64x128xf32, #tpu.memory_space<hbm>>
      tpu.wait_dma2 semaphore(%arg17 : memref<!tpu.dma_semaphore, #tpu.memory_space<semaphore_mem>>) src(%dma_wait3A_349 : memref<64x128xf32, #tpu.memory_space<hbm>>) dst(%arg9 : memref<64x128xf32, #tpu.memory_space<vmem>>)
      %add3A_350 = arith.constant 3 : i32
      %add3A_351 = arith.addi %mul3A_241, %add3A_350 : i32
      %dma_start3A_352 = arith.constant 0 : i32
      %dma_start3A_353 = tpu.memref_slice %arg8[%add3A_351, %dma_start3A_352] : memref<80x64xi32, #tpu.memory_space<vmem>> -> memref<1x64xi32, #tpu.memory_space<vmem>>
      %dma_start3A_354 = tpu.memref_squeeze %dma_start3A_353 : memref<1x64xi32, #tpu.memory_space<vmem>> -> memref<64xi32, #tpu.memory_space<vmem>>
      %dma_start3A_355 = arith.constant 0 : i32
      %dma_start3A_356 = arith.constant 0 : i32
      %dma_start3A_357 = tpu.memref_slice %arg13[%dma_start3A_355, %dma_start3A_356] : memref<10000x128xf32, #tpu.memory_space<vmem_shared>> -> memref<10000x128xf32, #tpu.memory_space<vmem_shared>>
      tpu.enqueue_indirect_dma source(%arg12 : memref<64x128xf32, #tpu.memory_space<vmem>>) target(%dma_start3A_357 : memref<10000x128xf32, #tpu.memory_space<vmem_shared>>) offsets(%dma_start3A_354 : memref<64xi32, #tpu.memory_space<vmem>>) semaphore(%arg21 : memref<!tpu.dma_semaphore, #tpu.memory_space<semaphore_mem>>) {add = true}
    }
    %scan3A_199 = arith.constant 19 : i32
    %dma_wait3A_200 = arith.constant 0 : i32
    %dma_wait3A_201 = arith.constant 0 : i32
    %dma_wait3A_202 = tpu.memref_slice %arg2[%dma_wait3A_200, %dma_wait3A_201] : memref<10496x128xf32, #tpu.memory_space<hbm>> -> memref<64x128xf32, #tpu.memory_space<hbm>>
    %dma_wait3A_203 = arith.constant 0 : i32
    %dma_wait3A_204 = arith.constant 0 : i32
    %dma_wait3A_205 = tpu.memref_slice %arg2[%dma_wait3A_203, %dma_wait3A_204] : memref<10496x128xf32, #tpu.memory_space<hbm>> -> memref<64x128xf32, #tpu.memory_space<hbm>>
    tpu.wait_dma2 semaphore(%arg18 : memref<!tpu.dma_semaphore, #tpu.memory_space<semaphore_mem>>) src(%dma_wait3A_205 : memref<64x128xf32, #tpu.memory_space<hbm>>) dst(%arg9 : memref<64x128xf32, #tpu.memory_space<vmem>>)
    %dma_wait3A_206 = arith.constant 0 : i32
    %dma_wait3A_207 = arith.constant 0 : i32
    %dma_wait3A_208 = tpu.memref_slice %arg2[%dma_wait3A_206, %dma_wait3A_207] : memref<10496x128xf32, #tpu.memory_space<hbm>> -> memref<64x128xf32, #tpu.memory_space<hbm>>
    %dma_wait3A_209 = arith.constant 0 : i32
    %dma_wait3A_210 = arith.constant 0 : i32
    %dma_wait3A_211 = tpu.memref_slice %arg2[%dma_wait3A_209, %dma_wait3A_210] : memref<10496x128xf32, #tpu.memory_space<hbm>> -> memref<64x128xf32, #tpu.memory_space<hbm>>
    tpu.wait_dma2 semaphore(%arg19 : memref<!tpu.dma_semaphore, #tpu.memory_space<semaphore_mem>>) src(%dma_wait3A_211 : memref<64x128xf32, #tpu.memory_space<hbm>>) dst(%arg9 : memref<64x128xf32, #tpu.memory_space<vmem>>)
    %dma_wait3A_212 = arith.constant 0 : i32
    %dma_wait3A_213 = arith.constant 0 : i32
    %dma_wait3A_214 = tpu.memref_slice %arg2[%dma_wait3A_212, %dma_wait3A_213] : memref<10496x128xf32, #tpu.memory_space<hbm>> -> memref<64x128xf32, #tpu.memory_space<hbm>>
    %dma_wait3A_215 = arith.constant 0 : i32
    %dma_wait3A_216 = arith.constant 0 : i32
    %dma_wait3A_217 = tpu.memref_slice %arg2[%dma_wait3A_215, %dma_wait3A_216] : memref<10496x128xf32, #tpu.memory_space<hbm>> -> memref<64x128xf32, #tpu.memory_space<hbm>>
    tpu.wait_dma2 semaphore(%arg20 : memref<!tpu.dma_semaphore, #tpu.memory_space<semaphore_mem>>) src(%dma_wait3A_217 : memref<64x128xf32, #tpu.memory_space<hbm>>) dst(%arg9 : memref<64x128xf32, #tpu.memory_space<vmem>>)
    %dma_wait3A_218 = arith.constant 0 : i32
    %dma_wait3A_219 = arith.constant 0 : i32
    %dma_wait3A_220 = tpu.memref_slice %arg2[%dma_wait3A_218, %dma_wait3A_219] : memref<10496x128xf32, #tpu.memory_space<hbm>> -> memref<64x128xf32, #tpu.memory_space<hbm>>
    %dma_wait3A_221 = arith.constant 0 : i32
    %dma_wait3A_222 = arith.constant 0 : i32
    %dma_wait3A_223 = tpu.memref_slice %arg2[%dma_wait3A_221, %dma_wait3A_222] : memref<10496x128xf32, #tpu.memory_space<hbm>> -> memref<64x128xf32, #tpu.memory_space<hbm>>
    tpu.wait_dma2 semaphore(%arg21 : memref<!tpu.dma_semaphore, #tpu.memory_space<semaphore_mem>>) src(%dma_wait3A_223 : memref<64x128xf32, #tpu.memory_space<hbm>>) dst(%arg9 : memref<64x128xf32, #tpu.memory_space<vmem>>)
    %barrier3A_224 = arith.constant 0 : index
    tpu.barrier barrier_id(%barrier3A_224)
    %lt3A_225 = arith.constant 15 : i32
    %lt3A_226 = arith.cmpi slt, %arg1, %lt3A_225 : i32
    %convert_element_type3A_227 = arith.extui %lt3A_226 : i1 to i32
    %cond3A_228 = arith.constant 0 : i32
    %cond3A_229 = arith.cmpi ne, %convert_element_type3A_227, %cond3A_228 : i32
    scf.if %cond3A_229 {
      "tpu.region"() ({
        %run_scoped3A = tpu.sem_alloc : memref<!tpu.dma_semaphore, #tpu.memory_space<semaphore_mem>>
        %dma_start3A_235 = arith.constant 0 : i32
        %dma_start3A_236 = tpu.memref_slice %arg6[%arg0, %multiple_of3A, %dma_start3A_235] : memref<2x10000x128xf32, #tpu.memory_space<hbm>> -> memref<1x624x128xf32, #tpu.memory_space<hbm>>
        %dma_start3A_237 = tpu.memref_squeeze %dma_start3A_236 : memref<1x624x128xf32, #tpu.memory_space<hbm>> -> memref<624x128xf32, #tpu.memory_space<hbm>>
        %dma_start3A_238 = arith.constant 0 : i32
        %dma_start3A_239 = tpu.memref_slice %arg13[%multiple_of3A, %dma_start3A_238] : memref<10000x128xf32, #tpu.memory_space<vmem_shared>> -> memref<624x128xf32, #tpu.memory_space<vmem_shared>>
        tpu.enqueue_dma source(%dma_start3A_239 : memref<624x128xf32, #tpu.memory_space<vmem_shared>>) target(%dma_start3A_237 : memref<624x128xf32, #tpu.memory_space<hbm>>) target_semaphore(%run_scoped3A : memref<!tpu.dma_semaphore, #tpu.memory_space<semaphore_mem>>)
        %dma_wait3A_240 = arith.constant 0 : i32
        %dma_wait3A_241 = tpu.memref_slice %arg6[%arg0, %multiple_of3A, %dma_wait3A_240] : memref<2x10000x128xf32, #tpu.memory_space<hbm>> -> memref<1x624x128xf32, #tpu.memory_space<hbm>>
        %dma_wait3A_242 = tpu.memref_squeeze %dma_wait3A_241 : memref<1x624x128xf32, #tpu.memory_space<hbm>> -> memref<624x128xf32, #tpu.memory_space<hbm>>
        %dma_wait3A_243 = arith.constant 0 : i32
        %dma_wait3A_244 = tpu.memref_slice %arg13[%multiple_of3A, %dma_wait3A_243] : memref<10000x128xf32, #tpu.memory_space<vmem_shared>> -> memref<624x128xf32, #tpu.memory_space<vmem_shared>>
        tpu.wait_dma2 semaphore(%run_scoped3A : memref<!tpu.dma_semaphore, #tpu.memory_space<semaphore_mem>>) src(%dma_wait3A_244 : memref<624x128xf32, #tpu.memory_space<vmem_shared>>) dst(%dma_wait3A_242 : memref<624x128xf32, #tpu.memory_space<hbm>>)
        tpu.yield
      }) : () -> ()
    } else {
    }
    %eq3A_230 = arith.constant 15 : i32
    %eq3A_231 = arith.cmpi eq, %arg1, %eq3A_230 : i32
    %convert_element_type3A_232 = arith.extui %eq3A_231 : i1 to i32
    %cond3A_233 = arith.constant 0 : i32
    %cond3A_234 = arith.cmpi ne, %convert_element_type3A_232, %cond3A_233 : i32
    scf.if %cond3A_234 {
      "tpu.region"() ({
        %run_scoped3A = tpu.sem_alloc : memref<!tpu.dma_semaphore, #tpu.memory_space<semaphore_mem>>
        %dma_start3A_235 = arith.constant 0 : i32
        %dma_start3A_236 = tpu.memref_slice %arg6[%arg0, %multiple_of3A, %dma_start3A_235] : memref<2x10000x128xf32, #tpu.memory_space<hbm>> -> memref<1x640x128xf32, #tpu.memory_space<hbm>>
        %dma_start3A_237 = tpu.memref_squeeze %dma_start3A_236 : memref<1x640x128xf32, #tpu.memory_space<hbm>> -> memref<640x128xf32, #tpu.memory_space<hbm>>
        %dma_start3A_238 = arith.constant 0 : i32
        %dma_start3A_239 = tpu.memref_slice %arg13[%multiple_of3A, %dma_start3A_238] : memref<10000x128xf32, #tpu.memory_space<vmem_shared>> -> memref<640x128xf32, #tpu.memory_space<vmem_shared>>
        tpu.enqueue_dma source(%dma_start3A_239 : memref<640x128xf32, #tpu.memory_space<vmem_shared>>) target(%dma_start3A_237 : memref<640x128xf32, #tpu.memory_space<hbm>>) target_semaphore(%run_scoped3A : memref<!tpu.dma_semaphore, #tpu.memory_space<semaphore_mem>>)
        %dma_wait3A_240 = arith.constant 0 : i32
        %dma_wait3A_241 = tpu.memref_slice %arg6[%arg0, %multiple_of3A, %dma_wait3A_240] : memref<2x10000x128xf32, #tpu.memory_space<hbm>> -> memref<1x640x128xf32, #tpu.memory_space<hbm>>
        %dma_wait3A_242 = tpu.memref_squeeze %dma_wait3A_241 : memref<1x640x128xf32, #tpu.memory_space<hbm>> -> memref<640x128xf32, #tpu.memory_space<hbm>>
        %dma_wait3A_243 = arith.constant 0 : i32
        %dma_wait3A_244 = tpu.memref_slice %arg13[%multiple_of3A, %dma_wait3A_243] : memref<10000x128xf32, #tpu.memory_space<vmem_shared>> -> memref<640x128xf32, #tpu.memory_space<vmem_shared>>
        tpu.wait_dma2 semaphore(%run_scoped3A : memref<!tpu.dma_semaphore, #tpu.memory_space<semaphore_mem>>) src(%dma_wait3A_244 : memref<640x128xf32, #tpu.memory_space<vmem_shared>>) dst(%dma_wait3A_242 : memref<640x128xf32, #tpu.memory_space<hbm>>)
        tpu.yield
      }) : () -> ()
    } else {
    }
    return
  }
}

#map = affine_map<(d0, d1) -> (0, 0)>
#map1 = affine_map<(d0, d1) -> (0)>
#map2 = affine_map<(d0, d1) -> (0, 0, 0)>
module attributes {stable_mosaic.version = 14 : i64} {
  func.func @agg(%arg0: i32, %arg1: i32, %arg2: memref<10496x128xf32, #tpu.memory_space<hbm>>, %arg3: memref<327680xi32, #tpu.memory_space<hbm>>, %arg4: memref<5120x64xi32, #tpu.memory_space<hbm>>, %arg5: memref<640x128xf32, #tpu.memory_space<hbm>>, %arg6: memref<2x10000x128xf32, #tpu.memory_space<hbm>>, %arg7: memref<5120xi32, #tpu.memory_space<vmem>>, %arg8: memref<80x64xi32, #tpu.memory_space<vmem>>, %arg9: memref<64x128xf32, #tpu.memory_space<vmem>>, %arg10: memref<64x128xf32, #tpu.memory_space<vmem>>, %arg11: memref<64x128xf32, #tpu.memory_space<vmem>>, %arg12: memref<64x128xf32, #tpu.memory_space<vmem>>, %arg13: memref<10000x128xf32, #tpu.memory_space<vmem_shared>>, %arg14: memref<!tpu.dma_semaphore, #tpu.memory_space<semaphore_mem>>, %arg15: memref<!tpu.dma_semaphore, #tpu.memory_space<semaphore_mem>>, %arg16: memref<!tpu.dma_semaphore, #tpu.memory_space<semaphore_mem>>, %arg17: memref<!tpu.dma_semaphore, #tpu.memory_space<semaphore_mem>>, %arg18: memref<!tpu.dma_semaphore, #tpu.memory_space<semaphore_mem>>, %arg19: memref<!tpu.dma_semaphore, #tpu.memory_space<semaphore_mem>>, %arg20: memref<!tpu.dma_semaphore, #tpu.memory_space<semaphore_mem>>, %arg21: memref<!tpu.dma_semaphore, #tpu.memory_space<semaphore_mem>>) attributes {dimension_semantics = [#tpu.dimension_semantics<core_parallel>, #tpu.dimension_semantics<subcore_parallel>], iteration_bounds = array<i64: 2, 16>, scalar_prefetch = 0 : i64, scratch_operands = 15 : i64, tpu.core_type = #tpu.core_type<sc_vector_subcore>, window_params = [{transform_indices = #map}, {transform_indices = #map1}, {transform_indices = #map}, {transform_indices = #map}, {transform_indices = #map2}]} {
    %mul3A = arith.constant 2 : i32
    %mul3A_0 = arith.muli %arg1, %mul3A : i32
    %add3A = arith.addi %mul3A_0, %arg0 : i32
    %mul3A_1 = arith.constant 624 : i32
    %mul3A_2 = arith.muli %arg1, %mul3A_1 : i32
    %multiple_of3A = tpu.assume_multiple %mul3A_2, 8 : i32
    %lt3A = arith.constant 15 : i32
    %lt3A_3 = arith.cmpi slt, %arg1, %lt3A : i32
    %convert_element_type3A = arith.extui %lt3A_3 : i1 to i32
    %cond3A = arith.constant 0 : i32
    %cond3A_4 = arith.cmpi ne, %convert_element_type3A, %cond3A : i32
    scf.if %cond3A_4 {
      "tpu.region"() ({
        %run_scoped3A = tpu.sem_alloc : memref<!tpu.dma_semaphore, #tpu.memory_space<semaphore_mem>>
        %dma_start3A_235 = arith.constant 0 : i32
        %dma_start3A_236 = tpu.memref_slice %arg13[%multiple_of3A, %dma_start3A_235] : memref<10000x128xf32, #tpu.memory_space<vmem_shared>> -> memref<624x128xf32, #tpu.memory_space<vmem_shared>>
        %dma_start3A_237 = arith.constant 0 : i32
        %dma_start3A_238 = arith.constant 0 : i32
        %dma_start3A_239 = tpu.memref_slice %arg5[%dma_start3A_237, %dma_start3A_238] : memref<640x128xf32, #tpu.memory_space<hbm>> -> memref<624x128xf32, #tpu.memory_space<hbm>>
        tpu.enqueue_dma source(%dma_start3A_239 : memref<624x128xf32, #tpu.memory_space<hbm>>) target(%dma_start3A_236 : memref<624x128xf32, #tpu.memory_space<vmem_shared>>) target_semaphore(%run_scoped3A : memref<!tpu.dma_semaphore, #tpu.memory_space<semaphore_mem>>)
        %dma_wait3A_240 = arith.constant 0 : i32
        %dma_wait3A_241 = tpu.memref_slice %arg13[%multiple_of3A, %dma_wait3A_240] : memref<10000x128xf32, #tpu.memory_space<vmem_shared>> -> memref<624x128xf32, #tpu.memory_space<vmem_shared>>
        %dma_wait3A_242 = arith.constant 0 : i32
        %dma_wait3A_243 = arith.constant 0 : i32
        %dma_wait3A_244 = tpu.memref_slice %arg5[%dma_wait3A_242, %dma_wait3A_243] : memref<640x128xf32, #tpu.memory_space<hbm>> -> memref<624x128xf32, #tpu.memory_space<hbm>>
        tpu.wait_dma2 semaphore(%run_scoped3A : memref<!tpu.dma_semaphore, #tpu.memory_space<semaphore_mem>>) src(%dma_wait3A_244 : memref<624x128xf32, #tpu.memory_space<hbm>>) dst(%dma_wait3A_241 : memref<624x128xf32, #tpu.memory_space<vmem_shared>>)
        tpu.yield
      }) : () -> ()
    } else {
    }
    %eq3A = arith.constant 15 : i32
    %eq3A_5 = arith.cmpi eq, %arg1, %eq3A : i32
    %convert_element_type3A_6 = arith.extui %eq3A_5 : i1 to i32
    %cond3A_7 = arith.constant 0 : i32
    %cond3A_8 = arith.cmpi ne, %convert_element_type3A_6, %cond3A_7 : i32
    scf.if %cond3A_8 {
      "tpu.region"() ({
        %run_scoped3A = tpu.sem_alloc : memref<!tpu.dma_semaphore, #tpu.memory_space<semaphore_mem>>
        %dma_start3A_235 = arith.constant 0 : i32
        %dma_start3A_236 = tpu.memref_slice %arg13[%multiple_of3A, %dma_start3A_235] : memref<10000x128xf32, #tpu.memory_space<vmem_shared>> -> memref<640x128xf32, #tpu.memory_space<vmem_shared>>
        tpu.enqueue_dma source(%arg5 : memref<640x128xf32, #tpu.memory_space<hbm>>) target(%dma_start3A_236 : memref<640x128xf32, #tpu.memory_space<vmem_shared>>) target_semaphore(%run_scoped3A : memref<!tpu.dma_semaphore, #tpu.memory_space<semaphore_mem>>)
        %dma_wait3A_237 = arith.constant 0 : i32
        %dma_wait3A_238 = tpu.memref_slice %arg13[%multiple_of3A, %dma_wait3A_237] : memref<10000x128xf32, #tpu.memory_space<vmem_shared>> -> memref<640x128xf32, #tpu.memory_space<vmem_shared>>
        tpu.wait_dma2 semaphore(%run_scoped3A : memref<!tpu.dma_semaphore, #tpu.memory_space<semaphore_mem>>) src(%arg5 : memref<640x128xf32, #tpu.memory_space<hbm>>) dst(%dma_wait3A_238 : memref<640x128xf32, #tpu.memory_space<vmem_shared>>)
        tpu.yield
      }) : () -> ()
    } else {
    }
    %barrier3A = arith.constant 0 : index
    tpu.barrier barrier_id(%barrier3A)
    %mul3A_9 = arith.constant 160 : i32
    %mul3A_10 = arith.muli %add3A, %mul3A_9 : i32
    %add3A_11 = arith.constant 0 : i32
    %add3A_12 = arith.addi %mul3A_10, %add3A_11 : i32
    %mul3A_13 = arith.constant 64 : i32
    %mul3A_14 = arith.muli %add3A_12, %mul3A_13 : i32
    %multiple_of3A_15 = tpu.assume_multiple %mul3A_14, 8 : i32
    "tpu.region"() ({
      %run_scoped3A = tpu.sem_alloc : memref<!tpu.dma_semaphore, #tpu.memory_space<semaphore_mem>>
      %dma_start3A_235 = tpu.memref_slice %arg3[%multiple_of3A_15] : memref<327680xi32, #tpu.memory_space<hbm>> -> memref<5120xi32, #tpu.memory_space<hbm>>
      %dma_start3A_236 = tpu.memref_slice %arg3[%multiple_of3A_15] : memref<327680xi32, #tpu.memory_space<hbm>> -> memref<5120xi32, #tpu.memory_space<hbm>>
      tpu.enqueue_dma source(%dma_start3A_236 : memref<5120xi32, #tpu.memory_space<hbm>>) target(%arg7 : memref<5120xi32, #tpu.memory_space<vmem>>) target_semaphore(%run_scoped3A : memref<!tpu.dma_semaphore, #tpu.memory_space<semaphore_mem>>)
      %dma_wait3A_237 = tpu.memref_slice %arg3[%multiple_of3A_15] : memref<327680xi32, #tpu.memory_space<hbm>> -> memref<5120xi32, #tpu.memory_space<hbm>>
      %dma_wait3A_238 = tpu.memref_slice %arg3[%multiple_of3A_15] : memref<327680xi32, #tpu.memory_space<hbm>> -> memref<5120xi32, #tpu.memory_space<hbm>>
      tpu.wait_dma2 semaphore(%run_scoped3A : memref<!tpu.dma_semaphore, #tpu.memory_space<semaphore_mem>>) src(%dma_wait3A_238 : memref<5120xi32, #tpu.memory_space<hbm>>) dst(%arg7 : memref<5120xi32, #tpu.memory_space<vmem>>)
      tpu.yield
    }) : () -> ()
    %multiple_of3A_16 = tpu.assume_multiple %add3A_12, 8 : i32
    "tpu.region"() ({
      %run_scoped3A = tpu.sem_alloc : memref<!tpu.dma_semaphore, #tpu.memory_space<semaphore_mem>>
      %dma_start3A_235 = arith.constant 0 : i32
      %dma_start3A_236 = tpu.memref_slice %arg4[%multiple_of3A_16, %dma_start3A_235] : memref<5120x64xi32, #tpu.memory_space<hbm>> -> memref<80x64xi32, #tpu.memory_space<hbm>>
      %dma_start3A_237 = arith.constant 0 : i32
      %dma_start3A_238 = tpu.memref_slice %arg4[%multiple_of3A_16, %dma_start3A_237] : memref<5120x64xi32, #tpu.memory_space<hbm>> -> memref<80x64xi32, #tpu.memory_space<hbm>>
      tpu.enqueue_dma source(%dma_start3A_238 : memref<80x64xi32, #tpu.memory_space<hbm>>) target(%arg8 : memref<80x64xi32, #tpu.memory_space<vmem>>) target_semaphore(%run_scoped3A : memref<!tpu.dma_semaphore, #tpu.memory_space<semaphore_mem>>)
      %dma_wait3A_239 = arith.constant 0 : i32
      %dma_wait3A_240 = tpu.memref_slice %arg4[%multiple_of3A_16, %dma_wait3A_239] : memref<5120x64xi32, #tpu.memory_space<hbm>> -> memref<80x64xi32, #tpu.memory_space<hbm>>
      %dma_wait3A_241 = arith.constant 0 : i32
      %dma_wait3A_242 = tpu.memref_slice %arg4[%multiple_of3A_16, %dma_wait3A_241] : memref<5120x64xi32, #tpu.memory_space<hbm>> -> memref<80x64xi32, #tpu.memory_space<hbm>>
      tpu.wait_dma2 semaphore(%run_scoped3A : memref<!tpu.dma_semaphore, #tpu.memory_space<semaphore_mem>>) src(%dma_wait3A_242 : memref<80x64xi32, #tpu.memory_space<hbm>>) dst(%arg8 : memref<80x64xi32, #tpu.memory_space<vmem>>)
      tpu.yield
    }) : () -> ()
    %dma_start3A = arith.constant 0 : i32
    %dma_start3A_17 = tpu.memref_slice %arg7[%dma_start3A] : memref<5120xi32, #tpu.memory_space<vmem>> -> memref<64xi32, #tpu.memory_space<vmem>>
    %dma_start3A_18 = arith.constant 0 : i32
    %dma_start3A_19 = arith.constant 0 : i32
    %dma_start3A_20 = tpu.memref_slice %arg2[%dma_start3A_18, %dma_start3A_19] : memref<10496x128xf32, #tpu.memory_space<hbm>> -> memref<10496x128xf32, #tpu.memory_space<hbm>>
    tpu.enqueue_indirect_dma source(%dma_start3A_20 : memref<10496x128xf32, #tpu.memory_space<hbm>>) target(%arg9 : memref<64x128xf32, #tpu.memory_space<vmem>>) offsets(%dma_start3A_17 : memref<64xi32, #tpu.memory_space<vmem>>) semaphore(%arg14 : memref<!tpu.dma_semaphore, #tpu.memory_space<semaphore_mem>>)
    %dma_start3A_21 = arith.constant 64 : i32
    %dma_start3A_22 = tpu.memref_slice %arg7[%dma_start3A_21] : memref<5120xi32, #tpu.memory_space<vmem>> -> memref<64xi32, #tpu.memory_space<vmem>>
    %dma_start3A_23 = arith.constant 0 : i32
    %dma_start3A_24 = arith.constant 0 : i32
    %dma_start3A_25 = tpu.memref_slice %arg2[%dma_start3A_23, %dma_start3A_24] : memref<10496x128xf32, #tpu.memory_space<hbm>> -> memref<10496x128xf32, #tpu.memory_space<hbm>>
    tpu.enqueue_indirect_dma source(%dma_start3A_25 : memref<10496x128xf32, #tpu.memory_space<hbm>>) target(%arg10 : memref<64x128xf32, #tpu.memory_space<vmem>>) offsets(%dma_start3A_22 : memref<64xi32, #tpu.memory_space<vmem>>) semaphore(%arg15 : memref<!tpu.dma_semaphore, #tpu.memory_space<semaphore_mem>>)
    %dma_start3A_26 = arith.constant 128 : i32
    %dma_start3A_27 = tpu.memref_slice %arg7[%dma_start3A_26] : memref<5120xi32, #tpu.memory_space<vmem>> -> memref<64xi32, #tpu.memory_space<vmem>>
    %dma_start3A_28 = arith.constant 0 : i32
    %dma_start3A_29 = arith.constant 0 : i32
    %dma_start3A_30 = tpu.memref_slice %arg2[%dma_start3A_28, %dma_start3A_29] : memref<10496x128xf32, #tpu.memory_space<hbm>> -> memref<10496x128xf32, #tpu.memory_space<hbm>>
    tpu.enqueue_indirect_dma source(%dma_start3A_30 : memref<10496x128xf32, #tpu.memory_space<hbm>>) target(%arg11 : memref<64x128xf32, #tpu.memory_space<vmem>>) offsets(%dma_start3A_27 : memref<64xi32, #tpu.memory_space<vmem>>) semaphore(%arg16 : memref<!tpu.dma_semaphore, #tpu.memory_space<semaphore_mem>>)
    %dma_start3A_31 = arith.constant 192 : i32
    %dma_start3A_32 = tpu.memref_slice %arg7[%dma_start3A_31] : memref<5120xi32, #tpu.memory_space<vmem>> -> memref<64xi32, #tpu.memory_space<vmem>>
    %dma_start3A_33 = arith.constant 0 : i32
    %dma_start3A_34 = arith.constant 0 : i32
    %dma_start3A_35 = tpu.memref_slice %arg2[%dma_start3A_33, %dma_start3A_34] : memref<10496x128xf32, #tpu.memory_space<hbm>> -> memref<10496x128xf32, #tpu.memory_space<hbm>>
    tpu.enqueue_indirect_dma source(%dma_start3A_35 : memref<10496x128xf32, #tpu.memory_space<hbm>>) target(%arg12 : memref<64x128xf32, #tpu.memory_space<vmem>>) offsets(%dma_start3A_32 : memref<64xi32, #tpu.memory_space<vmem>>) semaphore(%arg17 : memref<!tpu.dma_semaphore, #tpu.memory_space<semaphore_mem>>)
    %dma_wait3A = arith.constant 0 : i32
    %dma_wait3A_36 = arith.constant 0 : i32
    %dma_wait3A_37 = tpu.memref_slice %arg2[%dma_wait3A, %dma_wait3A_36] : memref<10496x128xf32, #tpu.memory_space<hbm>> -> memref<64x128xf32, #tpu.memory_space<hbm>>
    %dma_wait3A_38 = arith.constant 0 : i32
    %dma_wait3A_39 = arith.constant 0 : i32
    %dma_wait3A_40 = tpu.memref_slice %arg2[%dma_wait3A_38, %dma_wait3A_39] : memref<10496x128xf32, #tpu.memory_space<hbm>> -> memref<64x128xf32, #tpu.memory_space<hbm>>
    tpu.wait_dma2 semaphore(%arg14 : memref<!tpu.dma_semaphore, #tpu.memory_space<semaphore_mem>>) src(%dma_wait3A_40 : memref<64x128xf32, #tpu.memory_space<hbm>>) dst(%arg9 : memref<64x128xf32, #tpu.memory_space<vmem>>)
    %dma_start3A_41 = arith.constant 0 : i32
    %dma_start3A_42 = arith.constant 0 : i32
    %dma_start3A_43 = tpu.memref_slice %arg8[%dma_start3A_41, %dma_start3A_42] : memref<80x64xi32, #tpu.memory_space<vmem>> -> memref<1x64xi32, #tpu.memory_space<vmem>>
    %dma_start3A_44 = tpu.memref_squeeze %dma_start3A_43 : memref<1x64xi32, #tpu.memory_space<vmem>> -> memref<64xi32, #tpu.memory_space<vmem>>
    %dma_start3A_45 = arith.constant 0 : i32
    %dma_start3A_46 = arith.constant 0 : i32
    %dma_start3A_47 = tpu.memref_slice %arg13[%dma_start3A_45, %dma_start3A_46] : memref<10000x128xf32, #tpu.memory_space<vmem_shared>> -> memref<10000x128xf32, #tpu.memory_space<vmem_shared>>
    tpu.enqueue_indirect_dma source(%arg9 : memref<64x128xf32, #tpu.memory_space<vmem>>) target(%dma_start3A_47 : memref<10000x128xf32, #tpu.memory_space<vmem_shared>>) offsets(%dma_start3A_44 : memref<64xi32, #tpu.memory_space<vmem>>) semaphore(%arg18 : memref<!tpu.dma_semaphore, #tpu.memory_space<semaphore_mem>>) {add = true}
    %dma_wait3A_48 = arith.constant 0 : i32
    %dma_wait3A_49 = arith.constant 0 : i32
    %dma_wait3A_50 = tpu.memref_slice %arg2[%dma_wait3A_48, %dma_wait3A_49] : memref<10496x128xf32, #tpu.memory_space<hbm>> -> memref<64x128xf32, #tpu.memory_space<hbm>>
    %dma_wait3A_51 = arith.constant 0 : i32
    %dma_wait3A_52 = arith.constant 0 : i32
    %dma_wait3A_53 = tpu.memref_slice %arg2[%dma_wait3A_51, %dma_wait3A_52] : memref<10496x128xf32, #tpu.memory_space<hbm>> -> memref<64x128xf32, #tpu.memory_space<hbm>>
    tpu.wait_dma2 semaphore(%arg15 : memref<!tpu.dma_semaphore, #tpu.memory_space<semaphore_mem>>) src(%dma_wait3A_53 : memref<64x128xf32, #tpu.memory_space<hbm>>) dst(%arg9 : memref<64x128xf32, #tpu.memory_space<vmem>>)
    %dma_start3A_54 = arith.constant 1 : i32
    %dma_start3A_55 = arith.constant 0 : i32
    %dma_start3A_56 = tpu.memref_slice %arg8[%dma_start3A_54, %dma_start3A_55] : memref<80x64xi32, #tpu.memory_space<vmem>> -> memref<1x64xi32, #tpu.memory_space<vmem>>
    %dma_start3A_57 = tpu.memref_squeeze %dma_start3A_56 : memref<1x64xi32, #tpu.memory_space<vmem>> -> memref<64xi32, #tpu.memory_space<vmem>>
    %dma_start3A_58 = arith.constant 0 : i32
    %dma_start3A_59 = arith.constant 0 : i32
    %dma_start3A_60 = tpu.memref_slice %arg13[%dma_start3A_58, %dma_start3A_59] : memref<10000x128xf32, #tpu.memory_space<vmem_shared>> -> memref<10000x128xf32, #tpu.memory_space<vmem_shared>>
    tpu.enqueue_indirect_dma source(%arg10 : memref<64x128xf32, #tpu.memory_space<vmem>>) target(%dma_start3A_60 : memref<10000x128xf32, #tpu.memory_space<vmem_shared>>) offsets(%dma_start3A_57 : memref<64xi32, #tpu.memory_space<vmem>>) semaphore(%arg19 : memref<!tpu.dma_semaphore, #tpu.memory_space<semaphore_mem>>) {add = true}
    %dma_wait3A_61 = arith.constant 0 : i32
    %dma_wait3A_62 = arith.constant 0 : i32
    %dma_wait3A_63 = tpu.memref_slice %arg2[%dma_wait3A_61, %dma_wait3A_62] : memref<10496x128xf32, #tpu.memory_space<hbm>> -> memref<64x128xf32, #tpu.memory_space<hbm>>
    %dma_wait3A_64 = arith.constant 0 : i32
    %dma_wait3A_65 = arith.constant 0 : i32
    %dma_wait3A_66 = tpu.memref_slice %arg2[%dma_wait3A_64, %dma_wait3A_65] : memref<10496x128xf32, #tpu.memory_space<hbm>> -> memref<64x128xf32, #tpu.memory_space<hbm>>
    tpu.wait_dma2 semaphore(%arg16 : memref<!tpu.dma_semaphore, #tpu.memory_space<semaphore_mem>>) src(%dma_wait3A_66 : memref<64x128xf32, #tpu.memory_space<hbm>>) dst(%arg9 : memref<64x128xf32, #tpu.memory_space<vmem>>)
    %dma_start3A_67 = arith.constant 2 : i32
    %dma_start3A_68 = arith.constant 0 : i32
    %dma_start3A_69 = tpu.memref_slice %arg8[%dma_start3A_67, %dma_start3A_68] : memref<80x64xi32, #tpu.memory_space<vmem>> -> memref<1x64xi32, #tpu.memory_space<vmem>>
    %dma_start3A_70 = tpu.memref_squeeze %dma_start3A_69 : memref<1x64xi32, #tpu.memory_space<vmem>> -> memref<64xi32, #tpu.memory_space<vmem>>
    %dma_start3A_71 = arith.constant 0 : i32
    %dma_start3A_72 = arith.constant 0 : i32
    %dma_start3A_73 = tpu.memref_slice %arg13[%dma_start3A_71, %dma_start3A_72] : memref<10000x128xf32, #tpu.memory_space<vmem_shared>> -> memref<10000x128xf32, #tpu.memory_space<vmem_shared>>
    tpu.enqueue_indirect_dma source(%arg11 : memref<64x128xf32, #tpu.memory_space<vmem>>) target(%dma_start3A_73 : memref<10000x128xf32, #tpu.memory_space<vmem_shared>>) offsets(%dma_start3A_70 : memref<64xi32, #tpu.memory_space<vmem>>) semaphore(%arg20 : memref<!tpu.dma_semaphore, #tpu.memory_space<semaphore_mem>>) {add = true}
    %dma_wait3A_74 = arith.constant 0 : i32
    %dma_wait3A_75 = arith.constant 0 : i32
    %dma_wait3A_76 = tpu.memref_slice %arg2[%dma_wait3A_74, %dma_wait3A_75] : memref<10496x128xf32, #tpu.memory_space<hbm>> -> memref<64x128xf32, #tpu.memory_space<hbm>>
    %dma_wait3A_77 = arith.constant 0 : i32
    %dma_wait3A_78 = arith.constant 0 : i32
    %dma_wait3A_79 = tpu.memref_slice %arg2[%dma_wait3A_77, %dma_wait3A_78] : memref<10496x128xf32, #tpu.memory_space<hbm>> -> memref<64x128xf32, #tpu.memory_space<hbm>>
    tpu.wait_dma2 semaphore(%arg17 : memref<!tpu.dma_semaphore, #tpu.memory_space<semaphore_mem>>) src(%dma_wait3A_79 : memref<64x128xf32, #tpu.memory_space<hbm>>) dst(%arg9 : memref<64x128xf32, #tpu.memory_space<vmem>>)
    %dma_start3A_80 = arith.constant 3 : i32
    %dma_start3A_81 = arith.constant 0 : i32
    %dma_start3A_82 = tpu.memref_slice %arg8[%dma_start3A_80, %dma_start3A_81] : memref<80x64xi32, #tpu.memory_space<vmem>> -> memref<1x64xi32, #tpu.memory_space<vmem>>
    %dma_start3A_83 = tpu.memref_squeeze %dma_start3A_82 : memref<1x64xi32, #tpu.memory_space<vmem>> -> memref<64xi32, #tpu.memory_space<vmem>>
    %dma_start3A_84 = arith.constant 0 : i32
    %dma_start3A_85 = arith.constant 0 : i32
    %dma_start3A_86 = tpu.memref_slice %arg13[%dma_start3A_84, %dma_start3A_85] : memref<10000x128xf32, #tpu.memory_space<vmem_shared>> -> memref<10000x128xf32, #tpu.memory_space<vmem_shared>>
    tpu.enqueue_indirect_dma source(%arg12 : memref<64x128xf32, #tpu.memory_space<vmem>>) target(%dma_start3A_86 : memref<10000x128xf32, #tpu.memory_space<vmem_shared>>) offsets(%dma_start3A_83 : memref<64xi32, #tpu.memory_space<vmem>>) semaphore(%arg21 : memref<!tpu.dma_semaphore, #tpu.memory_space<semaphore_mem>>) {add = true}
    %scan3A = arith.constant 0 : i32
    %scan3A_87 = arith.constant 19 : i32
    %scan3A_88 = arith.addi %scan3A, %scan3A_87 : i32
    %scan3A_89 = arith.constant 1 : i32
    scf.for %scan3A_235 = %scan3A to %scan3A_88 step %scan3A_89  : i32 {
      %mul3A_236 = arith.constant 1 : i32
      %mul3A_237 = arith.muli %scan3A_235, %mul3A_236 : i32
      %add3A_238 = arith.constant 1 : i32
      %add3A_239 = arith.addi %add3A_238, %mul3A_237 : i32
      %mul3A_240 = arith.constant 4 : i32
      %mul3A_241 = arith.muli %add3A_239, %mul3A_240 : i32
      %dma_wait3A_242 = arith.constant 0 : i32
      %dma_wait3A_243 = arith.constant 0 : i32
      %dma_wait3A_244 = tpu.memref_slice %arg2[%dma_wait3A_242, %dma_wait3A_243] : memref<10496x128xf32, #tpu.memory_space<hbm>> -> memref<64x128xf32, #tpu.memory_space<hbm>>
      %dma_wait3A_245 = arith.constant 0 : i32
      %dma_wait3A_246 = arith.constant 0 : i32
      %dma_wait3A_247 = tpu.memref_slice %arg2[%dma_wait3A_245, %dma_wait3A_246] : memref<10496x128xf32, #tpu.memory_space<hbm>> -> memref<64x128xf32, #tpu.memory_space<hbm>>
      tpu.wait_dma2 semaphore(%arg18 : memref<!tpu.dma_semaphore, #tpu.memory_space<semaphore_mem>>) src(%dma_wait3A_247 : memref<64x128xf32, #tpu.memory_space<hbm>>) dst(%arg9 : memref<64x128xf32, #tpu.memory_space<vmem>>)
      %add3A_248 = arith.constant 0 : i32
      %add3A_249 = arith.addi %mul3A_241, %add3A_248 : i32
      %mul3A_250 = arith.constant 64 : i32
      %mul3A_251 = arith.muli %add3A_249, %mul3A_250 : i32
      %multiple_of3A_252 = tpu.assume_multiple %mul3A_251, 8 : i32
      %dma_start3A_253 = tpu.memref_slice %arg7[%multiple_of3A_252] : memref<5120xi32, #tpu.memory_space<vmem>> -> memref<64xi32, #tpu.memory_space<vmem>>
      %dma_start3A_254 = arith.constant 0 : i32
      %dma_start3A_255 = arith.constant 0 : i32
      %dma_start3A_256 = tpu.memref_slice %arg2[%dma_start3A_254, %dma_start3A_255] : memref<10496x128xf32, #tpu.memory_space<hbm>> -> memref<10496x128xf32, #tpu.memory_space<hbm>>
      tpu.enqueue_indirect_dma source(%dma_start3A_256 : memref<10496x128xf32, #tpu.memory_space<hbm>>) target(%arg9 : memref<64x128xf32, #tpu.memory_space<vmem>>) offsets(%dma_start3A_253 : memref<64xi32, #tpu.memory_space<vmem>>) semaphore(%arg14 : memref<!tpu.dma_semaphore, #tpu.memory_space<semaphore_mem>>)
      %dma_wait3A_257 = arith.constant 0 : i32
      %dma_wait3A_258 = arith.constant 0 : i32
      %dma_wait3A_259 = tpu.memref_slice %arg2[%dma_wait3A_257, %dma_wait3A_258] : memref<10496x128xf32, #tpu.memory_space<hbm>> -> memref<64x128xf32, #tpu.memory_space<hbm>>
      %dma_wait3A_260 = arith.constant 0 : i32
      %dma_wait3A_261 = arith.constant 0 : i32
      %dma_wait3A_262 = tpu.memref_slice %arg2[%dma_wait3A_260, %dma_wait3A_261] : memref<10496x128xf32, #tpu.memory_space<hbm>> -> memref<64x128xf32, #tpu.memory_space<hbm>>
      tpu.wait_dma2 semaphore(%arg19 : memref<!tpu.dma_semaphore, #tpu.memory_space<semaphore_mem>>) src(%dma_wait3A_262 : memref<64x128xf32, #tpu.memory_space<hbm>>) dst(%arg9 : memref<64x128xf32, #tpu.memory_space<vmem>>)
      %add3A_263 = arith.constant 1 : i32
      %add3A_264 = arith.addi %mul3A_241, %add3A_263 : i32
      %mul3A_265 = arith.constant 64 : i32
      %mul3A_266 = arith.muli %add3A_264, %mul3A_265 : i32
      %multiple_of3A_267 = tpu.assume_multiple %mul3A_266, 8 : i32
      %dma_start3A_268 = tpu.memref_slice %arg7[%multiple_of3A_267] : memref<5120xi32, #tpu.memory_space<vmem>> -> memref<64xi32, #tpu.memory_space<vmem>>
      %dma_start3A_269 = arith.constant 0 : i32
      %dma_start3A_270 = arith.constant 0 : i32
      %dma_start3A_271 = tpu.memref_slice %arg2[%dma_start3A_269, %dma_start3A_270] : memref<10496x128xf32, #tpu.memory_space<hbm>> -> memref<10496x128xf32, #tpu.memory_space<hbm>>
      tpu.enqueue_indirect_dma source(%dma_start3A_271 : memref<10496x128xf32, #tpu.memory_space<hbm>>) target(%arg10 : memref<64x128xf32, #tpu.memory_space<vmem>>) offsets(%dma_start3A_268 : memref<64xi32, #tpu.memory_space<vmem>>) semaphore(%arg15 : memref<!tpu.dma_semaphore, #tpu.memory_space<semaphore_mem>>)
      %dma_wait3A_272 = arith.constant 0 : i32
      %dma_wait3A_273 = arith.constant 0 : i32
      %dma_wait3A_274 = tpu.memref_slice %arg2[%dma_wait3A_272, %dma_wait3A_273] : memref<10496x128xf32, #tpu.memory_space<hbm>> -> memref<64x128xf32, #tpu.memory_space<hbm>>
      %dma_wait3A_275 = arith.constant 0 : i32
      %dma_wait3A_276 = arith.constant 0 : i32
      %dma_wait3A_277 = tpu.memref_slice %arg2[%dma_wait3A_275, %dma_wait3A_276] : memref<10496x128xf32, #tpu.memory_space<hbm>> -> memref<64x128xf32, #tpu.memory_space<hbm>>
      tpu.wait_dma2 semaphore(%arg20 : memref<!tpu.dma_semaphore, #tpu.memory_space<semaphore_mem>>) src(%dma_wait3A_277 : memref<64x128xf32, #tpu.memory_space<hbm>>) dst(%arg9 : memref<64x128xf32, #tpu.memory_space<vmem>>)
      %add3A_278 = arith.constant 2 : i32
      %add3A_279 = arith.addi %mul3A_241, %add3A_278 : i32
      %mul3A_280 = arith.constant 64 : i32
      %mul3A_281 = arith.muli %add3A_279, %mul3A_280 : i32
      %multiple_of3A_282 = tpu.assume_multiple %mul3A_281, 8 : i32
      %dma_start3A_283 = tpu.memref_slice %arg7[%multiple_of3A_282] : memref<5120xi32, #tpu.memory_space<vmem>> -> memref<64xi32, #tpu.memory_space<vmem>>
      %dma_start3A_284 = arith.constant 0 : i32
      %dma_start3A_285 = arith.constant 0 : i32
      %dma_start3A_286 = tpu.memref_slice %arg2[%dma_start3A_284, %dma_start3A_285] : memref<10496x128xf32, #tpu.memory_space<hbm>> -> memref<10496x128xf32, #tpu.memory_space<hbm>>
      tpu.enqueue_indirect_dma source(%dma_start3A_286 : memref<10496x128xf32, #tpu.memory_space<hbm>>) target(%arg11 : memref<64x128xf32, #tpu.memory_space<vmem>>) offsets(%dma_start3A_283 : memref<64xi32, #tpu.memory_space<vmem>>) semaphore(%arg16 : memref<!tpu.dma_semaphore, #tpu.memory_space<semaphore_mem>>)
      %dma_wait3A_287 = arith.constant 0 : i32
      %dma_wait3A_288 = arith.constant 0 : i32
      %dma_wait3A_289 = tpu.memref_slice %arg2[%dma_wait3A_287, %dma_wait3A_288] : memref<10496x128xf32, #tpu.memory_space<hbm>> -> memref<64x128xf32, #tpu.memory_space<hbm>>
      %dma_wait3A_290 = arith.constant 0 : i32
      %dma_wait3A_291 = arith.constant 0 : i32
      %dma_wait3A_292 = tpu.memref_slice %arg2[%dma_wait3A_290, %dma_wait3A_291] : memref<10496x128xf32, #tpu.memory_space<hbm>> -> memref<64x128xf32, #tpu.memory_space<hbm>>
      tpu.wait_dma2 semaphore(%arg21 : memref<!tpu.dma_semaphore, #tpu.memory_space<semaphore_mem>>) src(%dma_wait3A_292 : memref<64x128xf32, #tpu.memory_space<hbm>>) dst(%arg9 : memref<64x128xf32, #tpu.memory_space<vmem>>)
      %add3A_293 = arith.constant 3 : i32
      %add3A_294 = arith.addi %mul3A_241, %add3A_293 : i32
      %mul3A_295 = arith.constant 64 : i32
      %mul3A_296 = arith.muli %add3A_294, %mul3A_295 : i32
      %multiple_of3A_297 = tpu.assume_multiple %mul3A_296, 8 : i32
      %dma_start3A_298 = tpu.memref_slice %arg7[%multiple_of3A_297] : memref<5120xi32, #tpu.memory_space<vmem>> -> memref<64xi32, #tpu.memory_space<vmem>>
      %dma_start3A_299 = arith.constant 0 : i32
      %dma_start3A_300 = arith.constant 0 : i32
      %dma_start3A_301 = tpu.memref_slice %arg2[%dma_start3A_299, %dma_start3A_300] : memref<10496x128xf32, #tpu.memory_space<hbm>> -> memref<10496x128xf32, #tpu.memory_space<hbm>>
      tpu.enqueue_indirect_dma source(%dma_start3A_301 : memref<10496x128xf32, #tpu.memory_space<hbm>>) target(%arg12 : memref<64x128xf32, #tpu.memory_space<vmem>>) offsets(%dma_start3A_298 : memref<64xi32, #tpu.memory_space<vmem>>) semaphore(%arg17 : memref<!tpu.dma_semaphore, #tpu.memory_space<semaphore_mem>>)
      %dma_wait3A_302 = arith.constant 0 : i32
      %dma_wait3A_303 = arith.constant 0 : i32
      %dma_wait3A_304 = tpu.memref_slice %arg2[%dma_wait3A_302, %dma_wait3A_303] : memref<10496x128xf32, #tpu.memory_space<hbm>> -> memref<64x128xf32, #tpu.memory_space<hbm>>
      %dma_wait3A_305 = arith.constant 0 : i32
      %dma_wait3A_306 = arith.constant 0 : i32
      %dma_wait3A_307 = tpu.memref_slice %arg2[%dma_wait3A_305, %dma_wait3A_306] : memref<10496x128xf32, #tpu.memory_space<hbm>> -> memref<64x128xf32, #tpu.memory_space<hbm>>
      tpu.wait_dma2 semaphore(%arg14 : memref<!tpu.dma_semaphore, #tpu.memory_space<semaphore_mem>>) src(%dma_wait3A_307 : memref<64x128xf32, #tpu.memory_space<hbm>>) dst(%arg9 : memref<64x128xf32, #tpu.memory_space<vmem>>)
      %add3A_308 = arith.constant 0 : i32
      %add3A_309 = arith.addi %mul3A_241, %add3A_308 : i32
      %dma_start3A_310 = arith.constant 0 : i32
      %dma_start3A_311 = tpu.memref_slice %arg8[%add3A_309, %dma_start3A_310] : memref<80x64xi32, #tpu.memory_space<vmem>> -> memref<1x64xi32, #tpu.memory_space<vmem>>
      %dma_start3A_312 = tpu.memref_squeeze %dma_start3A_311 : memref<1x64xi32, #tpu.memory_space<vmem>> -> memref<64xi32, #tpu.memory_space<vmem>>
      %dma_start3A_313 = arith.constant 0 : i32
      %dma_start3A_314 = arith.constant 0 : i32
      %dma_start3A_315 = tpu.memref_slice %arg13[%dma_start3A_313, %dma_start3A_314] : memref<10000x128xf32, #tpu.memory_space<vmem_shared>> -> memref<10000x128xf32, #tpu.memory_space<vmem_shared>>
      tpu.enqueue_indirect_dma source(%arg9 : memref<64x128xf32, #tpu.memory_space<vmem>>) target(%dma_start3A_315 : memref<10000x128xf32, #tpu.memory_space<vmem_shared>>) offsets(%dma_start3A_312 : memref<64xi32, #tpu.memory_space<vmem>>) semaphore(%arg18 : memref<!tpu.dma_semaphore, #tpu.memory_space<semaphore_mem>>) {add = true}
      %dma_wait3A_316 = arith.constant 0 : i32
      %dma_wait3A_317 = arith.constant 0 : i32
      %dma_wait3A_318 = tpu.memref_slice %arg2[%dma_wait3A_316, %dma_wait3A_317] : memref<10496x128xf32, #tpu.memory_space<hbm>> -> memref<64x128xf32, #tpu.memory_space<hbm>>
      %dma_wait3A_319 = arith.constant 0 : i32
      %dma_wait3A_320 = arith.constant 0 : i32
      %dma_wait3A_321 = tpu.memref_slice %arg2[%dma_wait3A_319, %dma_wait3A_320] : memref<10496x128xf32, #tpu.memory_space<hbm>> -> memref<64x128xf32, #tpu.memory_space<hbm>>
      tpu.wait_dma2 semaphore(%arg15 : memref<!tpu.dma_semaphore, #tpu.memory_space<semaphore_mem>>) src(%dma_wait3A_321 : memref<64x128xf32, #tpu.memory_space<hbm>>) dst(%arg9 : memref<64x128xf32, #tpu.memory_space<vmem>>)
      %add3A_322 = arith.constant 1 : i32
      %add3A_323 = arith.addi %mul3A_241, %add3A_322 : i32
      %dma_start3A_324 = arith.constant 0 : i32
      %dma_start3A_325 = tpu.memref_slice %arg8[%add3A_323, %dma_start3A_324] : memref<80x64xi32, #tpu.memory_space<vmem>> -> memref<1x64xi32, #tpu.memory_space<vmem>>
      %dma_start3A_326 = tpu.memref_squeeze %dma_start3A_325 : memref<1x64xi32, #tpu.memory_space<vmem>> -> memref<64xi32, #tpu.memory_space<vmem>>
      %dma_start3A_327 = arith.constant 0 : i32
      %dma_start3A_328 = arith.constant 0 : i32
      %dma_start3A_329 = tpu.memref_slice %arg13[%dma_start3A_327, %dma_start3A_328] : memref<10000x128xf32, #tpu.memory_space<vmem_shared>> -> memref<10000x128xf32, #tpu.memory_space<vmem_shared>>
      tpu.enqueue_indirect_dma source(%arg10 : memref<64x128xf32, #tpu.memory_space<vmem>>) target(%dma_start3A_329 : memref<10000x128xf32, #tpu.memory_space<vmem_shared>>) offsets(%dma_start3A_326 : memref<64xi32, #tpu.memory_space<vmem>>) semaphore(%arg19 : memref<!tpu.dma_semaphore, #tpu.memory_space<semaphore_mem>>) {add = true}
      %dma_wait3A_330 = arith.constant 0 : i32
      %dma_wait3A_331 = arith.constant 0 : i32
      %dma_wait3A_332 = tpu.memref_slice %arg2[%dma_wait3A_330, %dma_wait3A_331] : memref<10496x128xf32, #tpu.memory_space<hbm>> -> memref<64x128xf32, #tpu.memory_space<hbm>>
      %dma_wait3A_333 = arith.constant 0 : i32
      %dma_wait3A_334 = arith.constant 0 : i32
      %dma_wait3A_335 = tpu.memref_slice %arg2[%dma_wait3A_333, %dma_wait3A_334] : memref<10496x128xf32, #tpu.memory_space<hbm>> -> memref<64x128xf32, #tpu.memory_space<hbm>>
      tpu.wait_dma2 semaphore(%arg16 : memref<!tpu.dma_semaphore, #tpu.memory_space<semaphore_mem>>) src(%dma_wait3A_335 : memref<64x128xf32, #tpu.memory_space<hbm>>) dst(%arg9 : memref<64x128xf32, #tpu.memory_space<vmem>>)
      %add3A_336 = arith.constant 2 : i32
      %add3A_337 = arith.addi %mul3A_241, %add3A_336 : i32
      %dma_start3A_338 = arith.constant 0 : i32
      %dma_start3A_339 = tpu.memref_slice %arg8[%add3A_337, %dma_start3A_338] : memref<80x64xi32, #tpu.memory_space<vmem>> -> memref<1x64xi32, #tpu.memory_space<vmem>>
      %dma_start3A_340 = tpu.memref_squeeze %dma_start3A_339 : memref<1x64xi32, #tpu.memory_space<vmem>> -> memref<64xi32, #tpu.memory_space<vmem>>
      %dma_start3A_341 = arith.constant 0 : i32
      %dma_start3A_342 = arith.constant 0 : i32
      %dma_start3A_343 = tpu.memref_slice %arg13[%dma_start3A_341, %dma_start3A_342] : memref<10000x128xf32, #tpu.memory_space<vmem_shared>> -> memref<10000x128xf32, #tpu.memory_space<vmem_shared>>
      tpu.enqueue_indirect_dma source(%arg11 : memref<64x128xf32, #tpu.memory_space<vmem>>) target(%dma_start3A_343 : memref<10000x128xf32, #tpu.memory_space<vmem_shared>>) offsets(%dma_start3A_340 : memref<64xi32, #tpu.memory_space<vmem>>) semaphore(%arg20 : memref<!tpu.dma_semaphore, #tpu.memory_space<semaphore_mem>>) {add = true}
      %dma_wait3A_344 = arith.constant 0 : i32
      %dma_wait3A_345 = arith.constant 0 : i32
      %dma_wait3A_346 = tpu.memref_slice %arg2[%dma_wait3A_344, %dma_wait3A_345] : memref<10496x128xf32, #tpu.memory_space<hbm>> -> memref<64x128xf32, #tpu.memory_space<hbm>>
      %dma_wait3A_347 = arith.constant 0 : i32
      %dma_wait3A_348 = arith.constant 0 : i32
      %dma_wait3A_349 = tpu.memref_slice %arg2[%dma_wait3A_347, %dma_wait3A_348] : memref<10496x128xf32, #tpu.memory_space<hbm>> -> memref<64x128xf32, #tpu.memory_space<hbm>>
      tpu.wait_dma2 semaphore(%arg17 : memref<!tpu.dma_semaphore, #tpu.memory_space<semaphore_mem>>) src(%dma_wait3A_349 : memref<64x128xf32, #tpu.memory_space<hbm>>) dst(%arg9 : memref<64x128xf32, #tpu.memory_space<vmem>>)
      %add3A_350 = arith.constant 3 : i32
      %add3A_351 = arith.addi %mul3A_241, %add3A_350 : i32
      %dma_start3A_352 = arith.constant 0 : i32
      %dma_start3A_353 = tpu.memref_slice %arg8[%add3A_351, %dma_start3A_352] : memref<80x64xi32, #tpu.memory_space<vmem>> -> memref<1x64xi32, #tpu.memory_space<vmem>>
      %dma_start3A_354 = tpu.memref_squeeze %dma_start3A_353 : memref<1x64xi32, #tpu.memory_space<vmem>> -> memref<64xi32, #tpu.memory_space<vmem>>
      %dma_start3A_355 = arith.constant 0 : i32
      %dma_start3A_356 = arith.constant 0 : i32
      %dma_start3A_357 = tpu.memref_slice %arg13[%dma_start3A_355, %dma_start3A_356] : memref<10000x128xf32, #tpu.memory_space<vmem_shared>> -> memref<10000x128xf32, #tpu.memory_space<vmem_shared>>
      tpu.enqueue_indirect_dma source(%arg12 : memref<64x128xf32, #tpu.memory_space<vmem>>) target(%dma_start3A_357 : memref<10000x128xf32, #tpu.memory_space<vmem_shared>>) offsets(%dma_start3A_354 : memref<64xi32, #tpu.memory_space<vmem>>) semaphore(%arg21 : memref<!tpu.dma_semaphore, #tpu.memory_space<semaphore_mem>>) {add = true}
    }
    %scan3A_90 = arith.constant 19 : i32
    %dma_wait3A_91 = arith.constant 0 : i32
    %dma_wait3A_92 = arith.constant 0 : i32
    %dma_wait3A_93 = tpu.memref_slice %arg2[%dma_wait3A_91, %dma_wait3A_92] : memref<10496x128xf32, #tpu.memory_space<hbm>> -> memref<64x128xf32, #tpu.memory_space<hbm>>
    %dma_wait3A_94 = arith.constant 0 : i32
    %dma_wait3A_95 = arith.constant 0 : i32
    %dma_wait3A_96 = tpu.memref_slice %arg2[%dma_wait3A_94, %dma_wait3A_95] : memref<10496x128xf32, #tpu.memory_space<hbm>> -> memref<64x128xf32, #tpu.memory_space<hbm>>
    tpu.wait_dma2 semaphore(%arg18 : memref<!tpu.dma_semaphore, #tpu.memory_space<semaphore_mem>>) src(%dma_wait3A_96 : memref<64x128xf32, #tpu.memory_space<hbm>>) dst(%arg9 : memref<64x128xf32, #tpu.memory_space<vmem>>)
    %dma_wait3A_97 = arith.constant 0 : i32
    %dma_wait3A_98 = arith.constant 0 : i32
    %dma_wait3A_99 = tpu.memref_slice %arg2[%dma_wait3A_97, %dma_wait3A_98] : memref<10496x128xf32, #tpu.memory_space<hbm>> -> memref<64x128xf32, #tpu.memory_space<hbm>>
    %dma_wait3A_100 = arith.constant 0 : i32
    %dma_wait3A_101 = arith.constant 0 : i32
    %dma_wait3A_102 = tpu.memref_slice %arg2[%dma_wait3A_100, %dma_wait3A_101] : memref<10496x128xf32, #tpu.memory_space<hbm>> -> memref<64x128xf32, #tpu.memory_space<hbm>>
    tpu.wait_dma2 semaphore(%arg19 : memref<!tpu.dma_semaphore, #tpu.memory_space<semaphore_mem>>) src(%dma_wait3A_102 : memref<64x128xf32, #tpu.memory_space<hbm>>) dst(%arg9 : memref<64x128xf32, #tpu.memory_space<vmem>>)
    %dma_wait3A_103 = arith.constant 0 : i32
    %dma_wait3A_104 = arith.constant 0 : i32
    %dma_wait3A_105 = tpu.memref_slice %arg2[%dma_wait3A_103, %dma_wait3A_104] : memref<10496x128xf32, #tpu.memory_space<hbm>> -> memref<64x128xf32, #tpu.memory_space<hbm>>
    %dma_wait3A_106 = arith.constant 0 : i32
    %dma_wait3A_107 = arith.constant 0 : i32
    %dma_wait3A_108 = tpu.memref_slice %arg2[%dma_wait3A_106, %dma_wait3A_107] : memref<10496x128xf32, #tpu.memory_space<hbm>> -> memref<64x128xf32, #tpu.memory_space<hbm>>
    tpu.wait_dma2 semaphore(%arg20 : memref<!tpu.dma_semaphore, #tpu.memory_space<semaphore_mem>>) src(%dma_wait3A_108 : memref<64x128xf32, #tpu.memory_space<hbm>>) dst(%arg9 : memref<64x128xf32, #tpu.memory_space<vmem>>)
    %dma_wait3A_109 = arith.constant 0 : i32
    %dma_wait3A_110 = arith.constant 0 : i32
    %dma_wait3A_111 = tpu.memref_slice %arg2[%dma_wait3A_109, %dma_wait3A_110] : memref<10496x128xf32, #tpu.memory_space<hbm>> -> memref<64x128xf32, #tpu.memory_space<hbm>>
    %dma_wait3A_112 = arith.constant 0 : i32
    %dma_wait3A_113 = arith.constant 0 : i32
    %dma_wait3A_114 = tpu.memref_slice %arg2[%dma_wait3A_112, %dma_wait3A_113] : memref<10496x128xf32, #tpu.memory_space<hbm>> -> memref<64x128xf32, #tpu.memory_space<hbm>>
    tpu.wait_dma2 semaphore(%arg21 : memref<!tpu.dma_semaphore, #tpu.memory_space<semaphore_mem>>) src(%dma_wait3A_114 : memref<64x128xf32, #tpu.memory_space<hbm>>) dst(%arg9 : memref<64x128xf32, #tpu.memory_space<vmem>>)
    %mul3A_115 = arith.constant 160 : i32
    %mul3A_116 = arith.muli %add3A, %mul3A_115 : i32
    %add3A_117 = arith.constant 80 : i32
    %add3A_118 = arith.addi %mul3A_116, %add3A_117 : i32
    %mul3A_119 = arith.constant 64 : i32
    %mul3A_120 = arith.muli %add3A_118, %mul3A_119 : i32
    %multiple_of3A_121 = tpu.assume_multiple %mul3A_120, 8 : i32
    "tpu.region"() ({
      %run_scoped3A = tpu.sem_alloc : memref<!tpu.dma_semaphore, #tpu.memory_space<semaphore_mem>>
      %dma_start3A_235 = tpu.memref_slice %arg3[%multiple_of3A_121] : memref<327680xi32, #tpu.memory_space<hbm>> -> memref<5120xi32, #tpu.memory_space<hbm>>
      %dma_start3A_236 = tpu.memref_slice %arg3[%multiple_of3A_121] : memref<327680xi32, #tpu.memory_space<hbm>> -> memref<5120xi32, #tpu.memory_space<hbm>>
      tpu.enqueue_dma source(%dma_start3A_236 : memref<5120xi32, #tpu.memory_space<hbm>>) target(%arg7 : memref<5120xi32, #tpu.memory_space<vmem>>) target_semaphore(%run_scoped3A : memref<!tpu.dma_semaphore, #tpu.memory_space<semaphore_mem>>)
      %dma_wait3A_237 = tpu.memref_slice %arg3[%multiple_of3A_121] : memref<327680xi32, #tpu.memory_space<hbm>> -> memref<5120xi32, #tpu.memory_space<hbm>>
      %dma_wait3A_238 = tpu.memref_slice %arg3[%multiple_of3A_121] : memref<327680xi32, #tpu.memory_space<hbm>> -> memref<5120xi32, #tpu.memory_space<hbm>>
      tpu.wait_dma2 semaphore(%run_scoped3A : memref<!tpu.dma_semaphore, #tpu.memory_space<semaphore_mem>>) src(%dma_wait3A_238 : memref<5120xi32, #tpu.memory_space<hbm>>) dst(%arg7 : memref<5120xi32, #tpu.memory_space<vmem>>)
      tpu.yield
    }) : () -> ()
    %multiple_of3A_122 = tpu.assume_multiple %add3A_118, 8 : i32
    "tpu.region"() ({
      %run_scoped3A = tpu.sem_alloc : memref<!tpu.dma_semaphore, #tpu.memory_space<semaphore_mem>>
      %dma_start3A_235 = arith.constant 0 : i32
      %dma_start3A_236 = tpu.memref_slice %arg4[%multiple_of3A_122, %dma_start3A_235] : memref<5120x64xi32, #tpu.memory_space<hbm>> -> memref<80x64xi32, #tpu.memory_space<hbm>>
      %dma_start3A_237 = arith.constant 0 : i32
      %dma_start3A_238 = tpu.memref_slice %arg4[%multiple_of3A_122, %dma_start3A_237] : memref<5120x64xi32, #tpu.memory_space<hbm>> -> memref<80x64xi32, #tpu.memory_space<hbm>>
      tpu.enqueue_dma source(%dma_start3A_238 : memref<80x64xi32, #tpu.memory_space<hbm>>) target(%arg8 : memref<80x64xi32, #tpu.memory_space<vmem>>) target_semaphore(%run_scoped3A : memref<!tpu.dma_semaphore, #tpu.memory_space<semaphore_mem>>)
      %dma_wait3A_239 = arith.constant 0 : i32
      %dma_wait3A_240 = tpu.memref_slice %arg4[%multiple_of3A_122, %dma_wait3A_239] : memref<5120x64xi32, #tpu.memory_space<hbm>> -> memref<80x64xi32, #tpu.memory_space<hbm>>
      %dma_wait3A_241 = arith.constant 0 : i32
      %dma_wait3A_242 = tpu.memref_slice %arg4[%multiple_of3A_122, %dma_wait3A_241] : memref<5120x64xi32, #tpu.memory_space<hbm>> -> memref<80x64xi32, #tpu.memory_space<hbm>>
      tpu.wait_dma2 semaphore(%run_scoped3A : memref<!tpu.dma_semaphore, #tpu.memory_space<semaphore_mem>>) src(%dma_wait3A_242 : memref<80x64xi32, #tpu.memory_space<hbm>>) dst(%arg8 : memref<80x64xi32, #tpu.memory_space<vmem>>)
      tpu.yield
    }) : () -> ()
    %dma_start3A_123 = arith.constant 0 : i32
    %dma_start3A_124 = tpu.memref_slice %arg7[%dma_start3A_123] : memref<5120xi32, #tpu.memory_space<vmem>> -> memref<64xi32, #tpu.memory_space<vmem>>
    %dma_start3A_125 = arith.constant 0 : i32
    %dma_start3A_126 = arith.constant 0 : i32
    %dma_start3A_127 = tpu.memref_slice %arg2[%dma_start3A_125, %dma_start3A_126] : memref<10496x128xf32, #tpu.memory_space<hbm>> -> memref<10496x128xf32, #tpu.memory_space<hbm>>
    tpu.enqueue_indirect_dma source(%dma_start3A_127 : memref<10496x128xf32, #tpu.memory_space<hbm>>) target(%arg9 : memref<64x128xf32, #tpu.memory_space<vmem>>) offsets(%dma_start3A_124 : memref<64xi32, #tpu.memory_space<vmem>>) semaphore(%arg14 : memref<!tpu.dma_semaphore, #tpu.memory_space<semaphore_mem>>)
    %dma_start3A_128 = arith.constant 64 : i32
    %dma_start3A_129 = tpu.memref_slice %arg7[%dma_start3A_128] : memref<5120xi32, #tpu.memory_space<vmem>> -> memref<64xi32, #tpu.memory_space<vmem>>
    %dma_start3A_130 = arith.constant 0 : i32
    %dma_start3A_131 = arith.constant 0 : i32
    %dma_start3A_132 = tpu.memref_slice %arg2[%dma_start3A_130, %dma_start3A_131] : memref<10496x128xf32, #tpu.memory_space<hbm>> -> memref<10496x128xf32, #tpu.memory_space<hbm>>
    tpu.enqueue_indirect_dma source(%dma_start3A_132 : memref<10496x128xf32, #tpu.memory_space<hbm>>) target(%arg10 : memref<64x128xf32, #tpu.memory_space<vmem>>) offsets(%dma_start3A_129 : memref<64xi32, #tpu.memory_space<vmem>>) semaphore(%arg15 : memref<!tpu.dma_semaphore, #tpu.memory_space<semaphore_mem>>)
    %dma_start3A_133 = arith.constant 128 : i32
    %dma_start3A_134 = tpu.memref_slice %arg7[%dma_start3A_133] : memref<5120xi32, #tpu.memory_space<vmem>> -> memref<64xi32, #tpu.memory_space<vmem>>
    %dma_start3A_135 = arith.constant 0 : i32
    %dma_start3A_136 = arith.constant 0 : i32
    %dma_start3A_137 = tpu.memref_slice %arg2[%dma_start3A_135, %dma_start3A_136] : memref<10496x128xf32, #tpu.memory_space<hbm>> -> memref<10496x128xf32, #tpu.memory_space<hbm>>
    tpu.enqueue_indirect_dma source(%dma_start3A_137 : memref<10496x128xf32, #tpu.memory_space<hbm>>) target(%arg11 : memref<64x128xf32, #tpu.memory_space<vmem>>) offsets(%dma_start3A_134 : memref<64xi32, #tpu.memory_space<vmem>>) semaphore(%arg16 : memref<!tpu.dma_semaphore, #tpu.memory_space<semaphore_mem>>)
    %dma_start3A_138 = arith.constant 192 : i32
    %dma_start3A_139 = tpu.memref_slice %arg7[%dma_start3A_138] : memref<5120xi32, #tpu.memory_space<vmem>> -> memref<64xi32, #tpu.memory_space<vmem>>
    %dma_start3A_140 = arith.constant 0 : i32
    %dma_start3A_141 = arith.constant 0 : i32
    %dma_start3A_142 = tpu.memref_slice %arg2[%dma_start3A_140, %dma_start3A_141] : memref<10496x128xf32, #tpu.memory_space<hbm>> -> memref<10496x128xf32, #tpu.memory_space<hbm>>
    tpu.enqueue_indirect_dma source(%dma_start3A_142 : memref<10496x128xf32, #tpu.memory_space<hbm>>) target(%arg12 : memref<64x128xf32, #tpu.memory_space<vmem>>) offsets(%dma_start3A_139 : memref<64xi32, #tpu.memory_space<vmem>>) semaphore(%arg17 : memref<!tpu.dma_semaphore, #tpu.memory_space<semaphore_mem>>)
    %dma_wait3A_143 = arith.constant 0 : i32
    %dma_wait3A_144 = arith.constant 0 : i32
    %dma_wait3A_145 = tpu.memref_slice %arg2[%dma_wait3A_143, %dma_wait3A_144] : memref<10496x128xf32, #tpu.memory_space<hbm>> -> memref<64x128xf32, #tpu.memory_space<hbm>>
    %dma_wait3A_146 = arith.constant 0 : i32
    %dma_wait3A_147 = arith.constant 0 : i32
    %dma_wait3A_148 = tpu.memref_slice %arg2[%dma_wait3A_146, %dma_wait3A_147] : memref<10496x128xf32, #tpu.memory_space<hbm>> -> memref<64x128xf32, #tpu.memory_space<hbm>>
    tpu.wait_dma2 semaphore(%arg14 : memref<!tpu.dma_semaphore, #tpu.memory_space<semaphore_mem>>) src(%dma_wait3A_148 : memref<64x128xf32, #tpu.memory_space<hbm>>) dst(%arg9 : memref<64x128xf32, #tpu.memory_space<vmem>>)
    %dma_start3A_149 = arith.constant 0 : i32
    %dma_start3A_150 = arith.constant 0 : i32
    %dma_start3A_151 = tpu.memref_slice %arg8[%dma_start3A_149, %dma_start3A_150] : memref<80x64xi32, #tpu.memory_space<vmem>> -> memref<1x64xi32, #tpu.memory_space<vmem>>
    %dma_start3A_152 = tpu.memref_squeeze %dma_start3A_151 : memref<1x64xi32, #tpu.memory_space<vmem>> -> memref<64xi32, #tpu.memory_space<vmem>>
    %dma_start3A_153 = arith.constant 0 : i32
    %dma_start3A_154 = arith.constant 0 : i32
    %dma_start3A_155 = tpu.memref_slice %arg13[%dma_start3A_153, %dma_start3A_154] : memref<10000x128xf32, #tpu.memory_space<vmem_shared>> -> memref<10000x128xf32, #tpu.memory_space<vmem_shared>>
    tpu.enqueue_indirect_dma source(%arg9 : memref<64x128xf32, #tpu.memory_space<vmem>>) target(%dma_start3A_155 : memref<10000x128xf32, #tpu.memory_space<vmem_shared>>) offsets(%dma_start3A_152 : memref<64xi32, #tpu.memory_space<vmem>>) semaphore(%arg18 : memref<!tpu.dma_semaphore, #tpu.memory_space<semaphore_mem>>) {add = true}
    %dma_wait3A_156 = arith.constant 0 : i32
    %dma_wait3A_157 = arith.constant 0 : i32
    %dma_wait3A_158 = tpu.memref_slice %arg2[%dma_wait3A_156, %dma_wait3A_157] : memref<10496x128xf32, #tpu.memory_space<hbm>> -> memref<64x128xf32, #tpu.memory_space<hbm>>
    %dma_wait3A_159 = arith.constant 0 : i32
    %dma_wait3A_160 = arith.constant 0 : i32
    %dma_wait3A_161 = tpu.memref_slice %arg2[%dma_wait3A_159, %dma_wait3A_160] : memref<10496x128xf32, #tpu.memory_space<hbm>> -> memref<64x128xf32, #tpu.memory_space<hbm>>
    tpu.wait_dma2 semaphore(%arg15 : memref<!tpu.dma_semaphore, #tpu.memory_space<semaphore_mem>>) src(%dma_wait3A_161 : memref<64x128xf32, #tpu.memory_space<hbm>>) dst(%arg9 : memref<64x128xf32, #tpu.memory_space<vmem>>)
    %dma_start3A_162 = arith.constant 1 : i32
    %dma_start3A_163 = arith.constant 0 : i32
    %dma_start3A_164 = tpu.memref_slice %arg8[%dma_start3A_162, %dma_start3A_163] : memref<80x64xi32, #tpu.memory_space<vmem>> -> memref<1x64xi32, #tpu.memory_space<vmem>>
    %dma_start3A_165 = tpu.memref_squeeze %dma_start3A_164 : memref<1x64xi32, #tpu.memory_space<vmem>> -> memref<64xi32, #tpu.memory_space<vmem>>
    %dma_start3A_166 = arith.constant 0 : i32
    %dma_start3A_167 = arith.constant 0 : i32
    %dma_start3A_168 = tpu.memref_slice %arg13[%dma_start3A_166, %dma_start3A_167] : memref<10000x128xf32, #tpu.memory_space<vmem_shared>> -> memref<10000x128xf32, #tpu.memory_space<vmem_shared>>
    tpu.enqueue_indirect_dma source(%arg10 : memref<64x128xf32, #tpu.memory_space<vmem>>) target(%dma_start3A_168 : memref<10000x128xf32, #tpu.memory_space<vmem_shared>>) offsets(%dma_start3A_165 : memref<64xi32, #tpu.memory_space<vmem>>) semaphore(%arg19 : memref<!tpu.dma_semaphore, #tpu.memory_space<semaphore_mem>>) {add = true}
    %dma_wait3A_169 = arith.constant 0 : i32
    %dma_wait3A_170 = arith.constant 0 : i32
    %dma_wait3A_171 = tpu.memref_slice %arg2[%dma_wait3A_169, %dma_wait3A_170] : memref<10496x128xf32, #tpu.memory_space<hbm>> -> memref<64x128xf32, #tpu.memory_space<hbm>>
    %dma_wait3A_172 = arith.constant 0 : i32
    %dma_wait3A_173 = arith.constant 0 : i32
    %dma_wait3A_174 = tpu.memref_slice %arg2[%dma_wait3A_172, %dma_wait3A_173] : memref<10496x128xf32, #tpu.memory_space<hbm>> -> memref<64x128xf32, #tpu.memory_space<hbm>>
    tpu.wait_dma2 semaphore(%arg16 : memref<!tpu.dma_semaphore, #tpu.memory_space<semaphore_mem>>) src(%dma_wait3A_174 : memref<64x128xf32, #tpu.memory_space<hbm>>) dst(%arg9 : memref<64x128xf32, #tpu.memory_space<vmem>>)
    %dma_start3A_175 = arith.constant 2 : i32
    %dma_start3A_176 = arith.constant 0 : i32
    %dma_start3A_177 = tpu.memref_slice %arg8[%dma_start3A_175, %dma_start3A_176] : memref<80x64xi32, #tpu.memory_space<vmem>> -> memref<1x64xi32, #tpu.memory_space<vmem>>
    %dma_start3A_178 = tpu.memref_squeeze %dma_start3A_177 : memref<1x64xi32, #tpu.memory_space<vmem>> -> memref<64xi32, #tpu.memory_space<vmem>>
    %dma_start3A_179 = arith.constant 0 : i32
    %dma_start3A_180 = arith.constant 0 : i32
    %dma_start3A_181 = tpu.memref_slice %arg13[%dma_start3A_179, %dma_start3A_180] : memref<10000x128xf32, #tpu.memory_space<vmem_shared>> -> memref<10000x128xf32, #tpu.memory_space<vmem_shared>>
    tpu.enqueue_indirect_dma source(%arg11 : memref<64x128xf32, #tpu.memory_space<vmem>>) target(%dma_start3A_181 : memref<10000x128xf32, #tpu.memory_space<vmem_shared>>) offsets(%dma_start3A_178 : memref<64xi32, #tpu.memory_space<vmem>>) semaphore(%arg20 : memref<!tpu.dma_semaphore, #tpu.memory_space<semaphore_mem>>) {add = true}
    %dma_wait3A_182 = arith.constant 0 : i32
    %dma_wait3A_183 = arith.constant 0 : i32
    %dma_wait3A_184 = tpu.memref_slice %arg2[%dma_wait3A_182, %dma_wait3A_183] : memref<10496x128xf32, #tpu.memory_space<hbm>> -> memref<64x128xf32, #tpu.memory_space<hbm>>
    %dma_wait3A_185 = arith.constant 0 : i32
    %dma_wait3A_186 = arith.constant 0 : i32
    %dma_wait3A_187 = tpu.memref_slice %arg2[%dma_wait3A_185, %dma_wait3A_186] : memref<10496x128xf32, #tpu.memory_space<hbm>> -> memref<64x128xf32, #tpu.memory_space<hbm>>
    tpu.wait_dma2 semaphore(%arg17 : memref<!tpu.dma_semaphore, #tpu.memory_space<semaphore_mem>>) src(%dma_wait3A_187 : memref<64x128xf32, #tpu.memory_space<hbm>>) dst(%arg9 : memref<64x128xf32, #tpu.memory_space<vmem>>)
    %dma_start3A_188 = arith.constant 3 : i32
    %dma_start3A_189 = arith.constant 0 : i32
    %dma_start3A_190 = tpu.memref_slice %arg8[%dma_start3A_188, %dma_start3A_189] : memref<80x64xi32, #tpu.memory_space<vmem>> -> memref<1x64xi32, #tpu.memory_space<vmem>>
    %dma_start3A_191 = tpu.memref_squeeze %dma_start3A_190 : memref<1x64xi32, #tpu.memory_space<vmem>> -> memref<64xi32, #tpu.memory_space<vmem>>
    %dma_start3A_192 = arith.constant 0 : i32
    %dma_start3A_193 = arith.constant 0 : i32
    %dma_start3A_194 = tpu.memref_slice %arg13[%dma_start3A_192, %dma_start3A_193] : memref<10000x128xf32, #tpu.memory_space<vmem_shared>> -> memref<10000x128xf32, #tpu.memory_space<vmem_shared>>
    tpu.enqueue_indirect_dma source(%arg12 : memref<64x128xf32, #tpu.memory_space<vmem>>) target(%dma_start3A_194 : memref<10000x128xf32, #tpu.memory_space<vmem_shared>>) offsets(%dma_start3A_191 : memref<64xi32, #tpu.memory_space<vmem>>) semaphore(%arg21 : memref<!tpu.dma_semaphore, #tpu.memory_space<semaphore_mem>>) {add = true}
    %scan3A_195 = arith.constant 0 : i32
    %scan3A_196 = arith.constant 19 : i32
    %scan3A_197 = arith.addi %scan3A_195, %scan3A_196 : i32
    %scan3A_198 = arith.constant 1 : i32
    scf.for %scan3A_235 = %scan3A_195 to %scan3A_197 step %scan3A_198  : i32 {
      %mul3A_236 = arith.constant 1 : i32
      %mul3A_237 = arith.muli %scan3A_235, %mul3A_236 : i32
      %add3A_238 = arith.constant 1 : i32
      %add3A_239 = arith.addi %add3A_238, %mul3A_237 : i32
      %mul3A_240 = arith.constant 4 : i32
      %mul3A_241 = arith.muli %add3A_239, %mul3A_240 : i32
      %dma_wait3A_242 = arith.constant 0 : i32
      %dma_wait3A_243 = arith.constant 0 : i32
      %dma_wait3A_244 = tpu.memref_slice %arg2[%dma_wait3A_242, %dma_wait3A_243] : memref<10496x128xf32, #tpu.memory_space<hbm>> -> memref<64x128xf32, #tpu.memory_space<hbm>>
      %dma_wait3A_245 = arith.constant 0 : i32
      %dma_wait3A_246 = arith.constant 0 : i32
      %dma_wait3A_247 = tpu.memref_slice %arg2[%dma_wait3A_245, %dma_wait3A_246] : memref<10496x128xf32, #tpu.memory_space<hbm>> -> memref<64x128xf32, #tpu.memory_space<hbm>>
      tpu.wait_dma2 semaphore(%arg18 : memref<!tpu.dma_semaphore, #tpu.memory_space<semaphore_mem>>) src(%dma_wait3A_247 : memref<64x128xf32, #tpu.memory_space<hbm>>) dst(%arg9 : memref<64x128xf32, #tpu.memory_space<vmem>>)
      %add3A_248 = arith.constant 0 : i32
      %add3A_249 = arith.addi %mul3A_241, %add3A_248 : i32
      %mul3A_250 = arith.constant 64 : i32
      %mul3A_251 = arith.muli %add3A_249, %mul3A_250 : i32
      %multiple_of3A_252 = tpu.assume_multiple %mul3A_251, 8 : i32
      %dma_start3A_253 = tpu.memref_slice %arg7[%multiple_of3A_252] : memref<5120xi32, #tpu.memory_space<vmem>> -> memref<64xi32, #tpu.memory_space<vmem>>
      %dma_start3A_254 = arith.constant 0 : i32
      %dma_start3A_255 = arith.constant 0 : i32
      %dma_start3A_256 = tpu.memref_slice %arg2[%dma_start3A_254, %dma_start3A_255] : memref<10496x128xf32, #tpu.memory_space<hbm>> -> memref<10496x128xf32, #tpu.memory_space<hbm>>
      tpu.enqueue_indirect_dma source(%dma_start3A_256 : memref<10496x128xf32, #tpu.memory_space<hbm>>) target(%arg9 : memref<64x128xf32, #tpu.memory_space<vmem>>) offsets(%dma_start3A_253 : memref<64xi32, #tpu.memory_space<vmem>>) semaphore(%arg14 : memref<!tpu.dma_semaphore, #tpu.memory_space<semaphore_mem>>)
      %dma_wait3A_257 = arith.constant 0 : i32
      %dma_wait3A_258 = arith.constant 0 : i32
      %dma_wait3A_259 = tpu.memref_slice %arg2[%dma_wait3A_257, %dma_wait3A_258] : memref<10496x128xf32, #tpu.memory_space<hbm>> -> memref<64x128xf32, #tpu.memory_space<hbm>>
      %dma_wait3A_260 = arith.constant 0 : i32
      %dma_wait3A_261 = arith.constant 0 : i32
      %dma_wait3A_262 = tpu.memref_slice %arg2[%dma_wait3A_260, %dma_wait3A_261] : memref<10496x128xf32, #tpu.memory_space<hbm>> -> memref<64x128xf32, #tpu.memory_space<hbm>>
      tpu.wait_dma2 semaphore(%arg19 : memref<!tpu.dma_semaphore, #tpu.memory_space<semaphore_mem>>) src(%dma_wait3A_262 : memref<64x128xf32, #tpu.memory_space<hbm>>) dst(%arg9 : memref<64x128xf32, #tpu.memory_space<vmem>>)
      %add3A_263 = arith.constant 1 : i32
      %add3A_264 = arith.addi %mul3A_241, %add3A_263 : i32
      %mul3A_265 = arith.constant 64 : i32
      %mul3A_266 = arith.muli %add3A_264, %mul3A_265 : i32
      %multiple_of3A_267 = tpu.assume_multiple %mul3A_266, 8 : i32
      %dma_start3A_268 = tpu.memref_slice %arg7[%multiple_of3A_267] : memref<5120xi32, #tpu.memory_space<vmem>> -> memref<64xi32, #tpu.memory_space<vmem>>
      %dma_start3A_269 = arith.constant 0 : i32
      %dma_start3A_270 = arith.constant 0 : i32
      %dma_start3A_271 = tpu.memref_slice %arg2[%dma_start3A_269, %dma_start3A_270] : memref<10496x128xf32, #tpu.memory_space<hbm>> -> memref<10496x128xf32, #tpu.memory_space<hbm>>
      tpu.enqueue_indirect_dma source(%dma_start3A_271 : memref<10496x128xf32, #tpu.memory_space<hbm>>) target(%arg10 : memref<64x128xf32, #tpu.memory_space<vmem>>) offsets(%dma_start3A_268 : memref<64xi32, #tpu.memory_space<vmem>>) semaphore(%arg15 : memref<!tpu.dma_semaphore, #tpu.memory_space<semaphore_mem>>)
      %dma_wait3A_272 = arith.constant 0 : i32
      %dma_wait3A_273 = arith.constant 0 : i32
      %dma_wait3A_274 = tpu.memref_slice %arg2[%dma_wait3A_272, %dma_wait3A_273] : memref<10496x128xf32, #tpu.memory_space<hbm>> -> memref<64x128xf32, #tpu.memory_space<hbm>>
      %dma_wait3A_275 = arith.constant 0 : i32
      %dma_wait3A_276 = arith.constant 0 : i32
      %dma_wait3A_277 = tpu.memref_slice %arg2[%dma_wait3A_275, %dma_wait3A_276] : memref<10496x128xf32, #tpu.memory_space<hbm>> -> memref<64x128xf32, #tpu.memory_space<hbm>>
      tpu.wait_dma2 semaphore(%arg20 : memref<!tpu.dma_semaphore, #tpu.memory_space<semaphore_mem>>) src(%dma_wait3A_277 : memref<64x128xf32, #tpu.memory_space<hbm>>) dst(%arg9 : memref<64x128xf32, #tpu.memory_space<vmem>>)
      %add3A_278 = arith.constant 2 : i32
      %add3A_279 = arith.addi %mul3A_241, %add3A_278 : i32
      %mul3A_280 = arith.constant 64 : i32
      %mul3A_281 = arith.muli %add3A_279, %mul3A_280 : i32
      %multiple_of3A_282 = tpu.assume_multiple %mul3A_281, 8 : i32
      %dma_start3A_283 = tpu.memref_slice %arg7[%multiple_of3A_282] : memref<5120xi32, #tpu.memory_space<vmem>> -> memref<64xi32, #tpu.memory_space<vmem>>
      %dma_start3A_284 = arith.constant 0 : i32
      %dma_start3A_285 = arith.constant 0 : i32
      %dma_start3A_286 = tpu.memref_slice %arg2[%dma_start3A_284, %dma_start3A_285] : memref<10496x128xf32, #tpu.memory_space<hbm>> -> memref<10496x128xf32, #tpu.memory_space<hbm>>
      tpu.enqueue_indirect_dma source(%dma_start3A_286 : memref<10496x128xf32, #tpu.memory_space<hbm>>) target(%arg11 : memref<64x128xf32, #tpu.memory_space<vmem>>) offsets(%dma_start3A_283 : memref<64xi32, #tpu.memory_space<vmem>>) semaphore(%arg16 : memref<!tpu.dma_semaphore, #tpu.memory_space<semaphore_mem>>)
      %dma_wait3A_287 = arith.constant 0 : i32
      %dma_wait3A_288 = arith.constant 0 : i32
      %dma_wait3A_289 = tpu.memref_slice %arg2[%dma_wait3A_287, %dma_wait3A_288] : memref<10496x128xf32, #tpu.memory_space<hbm>> -> memref<64x128xf32, #tpu.memory_space<hbm>>
      %dma_wait3A_290 = arith.constant 0 : i32
      %dma_wait3A_291 = arith.constant 0 : i32
      %dma_wait3A_292 = tpu.memref_slice %arg2[%dma_wait3A_290, %dma_wait3A_291] : memref<10496x128xf32, #tpu.memory_space<hbm>> -> memref<64x128xf32, #tpu.memory_space<hbm>>
      tpu.wait_dma2 semaphore(%arg21 : memref<!tpu.dma_semaphore, #tpu.memory_space<semaphore_mem>>) src(%dma_wait3A_292 : memref<64x128xf32, #tpu.memory_space<hbm>>) dst(%arg9 : memref<64x128xf32, #tpu.memory_space<vmem>>)
      %add3A_293 = arith.constant 3 : i32
      %add3A_294 = arith.addi %mul3A_241, %add3A_293 : i32
      %mul3A_295 = arith.constant 64 : i32
      %mul3A_296 = arith.muli %add3A_294, %mul3A_295 : i32
      %multiple_of3A_297 = tpu.assume_multiple %mul3A_296, 8 : i32
      %dma_start3A_298 = tpu.memref_slice %arg7[%multiple_of3A_297] : memref<5120xi32, #tpu.memory_space<vmem>> -> memref<64xi32, #tpu.memory_space<vmem>>
      %dma_start3A_299 = arith.constant 0 : i32
      %dma_start3A_300 = arith.constant 0 : i32
      %dma_start3A_301 = tpu.memref_slice %arg2[%dma_start3A_299, %dma_start3A_300] : memref<10496x128xf32, #tpu.memory_space<hbm>> -> memref<10496x128xf32, #tpu.memory_space<hbm>>
      tpu.enqueue_indirect_dma source(%dma_start3A_301 : memref<10496x128xf32, #tpu.memory_space<hbm>>) target(%arg12 : memref<64x128xf32, #tpu.memory_space<vmem>>) offsets(%dma_start3A_298 : memref<64xi32, #tpu.memory_space<vmem>>) semaphore(%arg17 : memref<!tpu.dma_semaphore, #tpu.memory_space<semaphore_mem>>)
      %dma_wait3A_302 = arith.constant 0 : i32
      %dma_wait3A_303 = arith.constant 0 : i32
      %dma_wait3A_304 = tpu.memref_slice %arg2[%dma_wait3A_302, %dma_wait3A_303] : memref<10496x128xf32, #tpu.memory_space<hbm>> -> memref<64x128xf32, #tpu.memory_space<hbm>>
      %dma_wait3A_305 = arith.constant 0 : i32
      %dma_wait3A_306 = arith.constant 0 : i32
      %dma_wait3A_307 = tpu.memref_slice %arg2[%dma_wait3A_305, %dma_wait3A_306] : memref<10496x128xf32, #tpu.memory_space<hbm>> -> memref<64x128xf32, #tpu.memory_space<hbm>>
      tpu.wait_dma2 semaphore(%arg14 : memref<!tpu.dma_semaphore, #tpu.memory_space<semaphore_mem>>) src(%dma_wait3A_307 : memref<64x128xf32, #tpu.memory_space<hbm>>) dst(%arg9 : memref<64x128xf32, #tpu.memory_space<vmem>>)
      %add3A_308 = arith.constant 0 : i32
      %add3A_309 = arith.addi %mul3A_241, %add3A_308 : i32
      %dma_start3A_310 = arith.constant 0 : i32
      %dma_start3A_311 = tpu.memref_slice %arg8[%add3A_309, %dma_start3A_310] : memref<80x64xi32, #tpu.memory_space<vmem>> -> memref<1x64xi32, #tpu.memory_space<vmem>>
      %dma_start3A_312 = tpu.memref_squeeze %dma_start3A_311 : memref<1x64xi32, #tpu.memory_space<vmem>> -> memref<64xi32, #tpu.memory_space<vmem>>
      %dma_start3A_313 = arith.constant 0 : i32
      %dma_start3A_314 = arith.constant 0 : i32
      %dma_start3A_315 = tpu.memref_slice %arg13[%dma_start3A_313, %dma_start3A_314] : memref<10000x128xf32, #tpu.memory_space<vmem_shared>> -> memref<10000x128xf32, #tpu.memory_space<vmem_shared>>
      tpu.enqueue_indirect_dma source(%arg9 : memref<64x128xf32, #tpu.memory_space<vmem>>) target(%dma_start3A_315 : memref<10000x128xf32, #tpu.memory_space<vmem_shared>>) offsets(%dma_start3A_312 : memref<64xi32, #tpu.memory_space<vmem>>) semaphore(%arg18 : memref<!tpu.dma_semaphore, #tpu.memory_space<semaphore_mem>>) {add = true}
      %dma_wait3A_316 = arith.constant 0 : i32
      %dma_wait3A_317 = arith.constant 0 : i32
      %dma_wait3A_318 = tpu.memref_slice %arg2[%dma_wait3A_316, %dma_wait3A_317] : memref<10496x128xf32, #tpu.memory_space<hbm>> -> memref<64x128xf32, #tpu.memory_space<hbm>>
      %dma_wait3A_319 = arith.constant 0 : i32
      %dma_wait3A_320 = arith.constant 0 : i32
      %dma_wait3A_321 = tpu.memref_slice %arg2[%dma_wait3A_319, %dma_wait3A_320] : memref<10496x128xf32, #tpu.memory_space<hbm>> -> memref<64x128xf32, #tpu.memory_space<hbm>>
      tpu.wait_dma2 semaphore(%arg15 : memref<!tpu.dma_semaphore, #tpu.memory_space<semaphore_mem>>) src(%dma_wait3A_321 : memref<64x128xf32, #tpu.memory_space<hbm>>) dst(%arg9 : memref<64x128xf32, #tpu.memory_space<vmem>>)
      %add3A_322 = arith.constant 1 : i32
      %add3A_323 = arith.addi %mul3A_241, %add3A_322 : i32
      %dma_start3A_324 = arith.constant 0 : i32
      %dma_start3A_325 = tpu.memref_slice %arg8[%add3A_323, %dma_start3A_324] : memref<80x64xi32, #tpu.memory_space<vmem>> -> memref<1x64xi32, #tpu.memory_space<vmem>>
      %dma_start3A_326 = tpu.memref_squeeze %dma_start3A_325 : memref<1x64xi32, #tpu.memory_space<vmem>> -> memref<64xi32, #tpu.memory_space<vmem>>
      %dma_start3A_327 = arith.constant 0 : i32
      %dma_start3A_328 = arith.constant 0 : i32
      %dma_start3A_329 = tpu.memref_slice %arg13[%dma_start3A_327, %dma_start3A_328] : memref<10000x128xf32, #tpu.memory_space<vmem_shared>> -> memref<10000x128xf32, #tpu.memory_space<vmem_shared>>
      tpu.enqueue_indirect_dma source(%arg10 : memref<64x128xf32, #tpu.memory_space<vmem>>) target(%dma_start3A_329 : memref<10000x128xf32, #tpu.memory_space<vmem_shared>>) offsets(%dma_start3A_326 : memref<64xi32, #tpu.memory_space<vmem>>) semaphore(%arg19 : memref<!tpu.dma_semaphore, #tpu.memory_space<semaphore_mem>>) {add = true}
      %dma_wait3A_330 = arith.constant 0 : i32
      %dma_wait3A_331 = arith.constant 0 : i32
      %dma_wait3A_332 = tpu.memref_slice %arg2[%dma_wait3A_330, %dma_wait3A_331] : memref<10496x128xf32, #tpu.memory_space<hbm>> -> memref<64x128xf32, #tpu.memory_space<hbm>>
      %dma_wait3A_333 = arith.constant 0 : i32
      %dma_wait3A_334 = arith.constant 0 : i32
      %dma_wait3A_335 = tpu.memref_slice %arg2[%dma_wait3A_333, %dma_wait3A_334] : memref<10496x128xf32, #tpu.memory_space<hbm>> -> memref<64x128xf32, #tpu.memory_space<hbm>>
      tpu.wait_dma2 semaphore(%arg16 : memref<!tpu.dma_semaphore, #tpu.memory_space<semaphore_mem>>) src(%dma_wait3A_335 : memref<64x128xf32, #tpu.memory_space<hbm>>) dst(%arg9 : memref<64x128xf32, #tpu.memory_space<vmem>>)
      %add3A_336 = arith.constant 2 : i32
      %add3A_337 = arith.addi %mul3A_241, %add3A_336 : i32
      %dma_start3A_338 = arith.constant 0 : i32
      %dma_start3A_339 = tpu.memref_slice %arg8[%add3A_337, %dma_start3A_338] : memref<80x64xi32, #tpu.memory_space<vmem>> -> memref<1x64xi32, #tpu.memory_space<vmem>>
      %dma_start3A_340 = tpu.memref_squeeze %dma_start3A_339 : memref<1x64xi32, #tpu.memory_space<vmem>> -> memref<64xi32, #tpu.memory_space<vmem>>
      %dma_start3A_341 = arith.constant 0 : i32
      %dma_start3A_342 = arith.constant 0 : i32
      %dma_start3A_343 = tpu.memref_slice %arg13[%dma_start3A_341, %dma_start3A_342] : memref<10000x128xf32, #tpu.memory_space<vmem_shared>> -> memref<10000x128xf32, #tpu.memory_space<vmem_shared>>
      tpu.enqueue_indirect_dma source(%arg11 : memref<64x128xf32, #tpu.memory_space<vmem>>) target(%dma_start3A_343 : memref<10000x128xf32, #tpu.memory_space<vmem_shared>>) offsets(%dma_start3A_340 : memref<64xi32, #tpu.memory_space<vmem>>) semaphore(%arg20 : memref<!tpu.dma_semaphore, #tpu.memory_space<semaphore_mem>>) {add = true}
      %dma_wait3A_344 = arith.constant 0 : i32
      %dma_wait3A_345 = arith.constant 0 : i32
      %dma_wait3A_346 = tpu.memref_slice %arg2[%dma_wait3A_344, %dma_wait3A_345] : memref<10496x128xf32, #tpu.memory_space<hbm>> -> memref<64x128xf32, #tpu.memory_space<hbm>>
      %dma_wait3A_347 = arith.constant 0 : i32
      %dma_wait3A_348 = arith.constant 0 : i32
      %dma_wait3A_349 = tpu.memref_slice %arg2[%dma_wait3A_347, %dma_wait3A_348] : memref<10496x128xf32, #tpu.memory_space<hbm>> -> memref<64x128xf32, #tpu.memory_space<hbm>>
      tpu.wait_dma2 semaphore(%arg17 : memref<!tpu.dma_semaphore, #tpu.memory_space<semaphore_mem>>) src(%dma_wait3A_349 : memref<64x128xf32, #tpu.memory_space<hbm>>) dst(%arg9 : memref<64x128xf32, #tpu.memory_space<vmem>>)
      %add3A_350 = arith.constant 3 : i32
      %add3A_351 = arith.addi %mul3A_241, %add3A_350 : i32
      %dma_start3A_352 = arith.constant 0 : i32
      %dma_start3A_353 = tpu.memref_slice %arg8[%add3A_351, %dma_start3A_352] : memref<80x64xi32, #tpu.memory_space<vmem>> -> memref<1x64xi32, #tpu.memory_space<vmem>>
      %dma_start3A_354 = tpu.memref_squeeze %dma_start3A_353 : memref<1x64xi32, #tpu.memory_space<vmem>> -> memref<64xi32, #tpu.memory_space<vmem>>
      %dma_start3A_355 = arith.constant 0 : i32
      %dma_start3A_356 = arith.constant 0 : i32
      %dma_start3A_357 = tpu.memref_slice %arg13[%dma_start3A_355, %dma_start3A_356] : memref<10000x128xf32, #tpu.memory_space<vmem_shared>> -> memref<10000x128xf32, #tpu.memory_space<vmem_shared>>
      tpu.enqueue_indirect_dma source(%arg12 : memref<64x128xf32, #tpu.memory_space<vmem>>) target(%dma_start3A_357 : memref<10000x128xf32, #tpu.memory_space<vmem_shared>>) offsets(%dma_start3A_354 : memref<64xi32, #tpu.memory_space<vmem>>) semaphore(%arg21 : memref<!tpu.dma_semaphore, #tpu.memory_space<semaphore_mem>>) {add = true}
    }
    %scan3A_199 = arith.constant 19 : i32
    %dma_wait3A_200 = arith.constant 0 : i32
    %dma_wait3A_201 = arith.constant 0 : i32
    %dma_wait3A_202 = tpu.memref_slice %arg2[%dma_wait3A_200, %dma_wait3A_201] : memref<10496x128xf32, #tpu.memory_space<hbm>> -> memref<64x128xf32, #tpu.memory_space<hbm>>
    %dma_wait3A_203 = arith.constant 0 : i32
    %dma_wait3A_204 = arith.constant 0 : i32
    %dma_wait3A_205 = tpu.memref_slice %arg2[%dma_wait3A_203, %dma_wait3A_204] : memref<10496x128xf32, #tpu.memory_space<hbm>> -> memref<64x128xf32, #tpu.memory_space<hbm>>
    tpu.wait_dma2 semaphore(%arg18 : memref<!tpu.dma_semaphore, #tpu.memory_space<semaphore_mem>>) src(%dma_wait3A_205 : memref<64x128xf32, #tpu.memory_space<hbm>>) dst(%arg9 : memref<64x128xf32, #tpu.memory_space<vmem>>)
    %dma_wait3A_206 = arith.constant 0 : i32
    %dma_wait3A_207 = arith.constant 0 : i32
    %dma_wait3A_208 = tpu.memref_slice %arg2[%dma_wait3A_206, %dma_wait3A_207] : memref<10496x128xf32, #tpu.memory_space<hbm>> -> memref<64x128xf32, #tpu.memory_space<hbm>>
    %dma_wait3A_209 = arith.constant 0 : i32
    %dma_wait3A_210 = arith.constant 0 : i32
    %dma_wait3A_211 = tpu.memref_slice %arg2[%dma_wait3A_209, %dma_wait3A_210] : memref<10496x128xf32, #tpu.memory_space<hbm>> -> memref<64x128xf32, #tpu.memory_space<hbm>>
    tpu.wait_dma2 semaphore(%arg19 : memref<!tpu.dma_semaphore, #tpu.memory_space<semaphore_mem>>) src(%dma_wait3A_211 : memref<64x128xf32, #tpu.memory_space<hbm>>) dst(%arg9 : memref<64x128xf32, #tpu.memory_space<vmem>>)
    %dma_wait3A_212 = arith.constant 0 : i32
    %dma_wait3A_213 = arith.constant 0 : i32
    %dma_wait3A_214 = tpu.memref_slice %arg2[%dma_wait3A_212, %dma_wait3A_213] : memref<10496x128xf32, #tpu.memory_space<hbm>> -> memref<64x128xf32, #tpu.memory_space<hbm>>
    %dma_wait3A_215 = arith.constant 0 : i32
    %dma_wait3A_216 = arith.constant 0 : i32
    %dma_wait3A_217 = tpu.memref_slice %arg2[%dma_wait3A_215, %dma_wait3A_216] : memref<10496x128xf32, #tpu.memory_space<hbm>> -> memref<64x128xf32, #tpu.memory_space<hbm>>
    tpu.wait_dma2 semaphore(%arg20 : memref<!tpu.dma_semaphore, #tpu.memory_space<semaphore_mem>>) src(%dma_wait3A_217 : memref<64x128xf32, #tpu.memory_space<hbm>>) dst(%arg9 : memref<64x128xf32, #tpu.memory_space<vmem>>)
    %dma_wait3A_218 = arith.constant 0 : i32
    %dma_wait3A_219 = arith.constant 0 : i32
    %dma_wait3A_220 = tpu.memref_slice %arg2[%dma_wait3A_218, %dma_wait3A_219] : memref<10496x128xf32, #tpu.memory_space<hbm>> -> memref<64x128xf32, #tpu.memory_space<hbm>>
    %dma_wait3A_221 = arith.constant 0 : i32
    %dma_wait3A_222 = arith.constant 0 : i32
    %dma_wait3A_223 = tpu.memref_slice %arg2[%dma_wait3A_221, %dma_wait3A_222] : memref<10496x128xf32, #tpu.memory_space<hbm>> -> memref<64x128xf32, #tpu.memory_space<hbm>>
    tpu.wait_dma2 semaphore(%arg21 : memref<!tpu.dma_semaphore, #tpu.memory_space<semaphore_mem>>) src(%dma_wait3A_223 : memref<64x128xf32, #tpu.memory_space<hbm>>) dst(%arg9 : memref<64x128xf32, #tpu.memory_space<vmem>>)
    %barrier3A_224 = arith.constant 0 : index
    tpu.barrier barrier_id(%barrier3A_224)
    %lt3A_225 = arith.constant 15 : i32
    %lt3A_226 = arith.cmpi slt, %arg1, %lt3A_225 : i32
    %convert_element_type3A_227 = arith.extui %lt3A_226 : i1 to i32
    %cond3A_228 = arith.constant 0 : i32
    %cond3A_229 = arith.cmpi ne, %convert_element_type3A_227, %cond3A_228 : i32
    scf.if %cond3A_229 {
      "tpu.region"() ({
        %run_scoped3A = tpu.sem_alloc : memref<!tpu.dma_semaphore, #tpu.memory_space<semaphore_mem>>
        %dma_start3A_235 = arith.constant 0 : i32
        %dma_start3A_236 = tpu.memref_slice %arg6[%arg0, %multiple_of3A, %dma_start3A_235] : memref<2x10000x128xf32, #tpu.memory_space<hbm>> -> memref<1x624x128xf32, #tpu.memory_space<hbm>>
        %dma_start3A_237 = tpu.memref_squeeze %dma_start3A_236 : memref<1x624x128xf32, #tpu.memory_space<hbm>> -> memref<624x128xf32, #tpu.memory_space<hbm>>
        %dma_start3A_238 = arith.constant 0 : i32
        %dma_start3A_239 = tpu.memref_slice %arg13[%multiple_of3A, %dma_start3A_238] : memref<10000x128xf32, #tpu.memory_space<vmem_shared>> -> memref<624x128xf32, #tpu.memory_space<vmem_shared>>
        tpu.enqueue_dma source(%dma_start3A_239 : memref<624x128xf32, #tpu.memory_space<vmem_shared>>) target(%dma_start3A_237 : memref<624x128xf32, #tpu.memory_space<hbm>>) target_semaphore(%run_scoped3A : memref<!tpu.dma_semaphore, #tpu.memory_space<semaphore_mem>>)
        %dma_wait3A_240 = arith.constant 0 : i32
        %dma_wait3A_241 = tpu.memref_slice %arg6[%arg0, %multiple_of3A, %dma_wait3A_240] : memref<2x10000x128xf32, #tpu.memory_space<hbm>> -> memref<1x624x128xf32, #tpu.memory_space<hbm>>
        %dma_wait3A_242 = tpu.memref_squeeze %dma_wait3A_241 : memref<1x624x128xf32, #tpu.memory_space<hbm>> -> memref<624x128xf32, #tpu.memory_space<hbm>>
        %dma_wait3A_243 = arith.constant 0 : i32
        %dma_wait3A_244 = tpu.memref_slice %arg13[%multiple_of3A, %dma_wait3A_243] : memref<10000x128xf32, #tpu.memory_space<vmem_shared>> -> memref<624x128xf32, #tpu.memory_space<vmem_shared>>
        tpu.wait_dma2 semaphore(%run_scoped3A : memref<!tpu.dma_semaphore, #tpu.memory_space<semaphore_mem>>) src(%dma_wait3A_244 : memref<624x128xf32, #tpu.memory_space<vmem_shared>>) dst(%dma_wait3A_242 : memref<624x128xf32, #tpu.memory_space<hbm>>)
        tpu.yield
      }) : () -> ()
    } else {
    }
    %eq3A_230 = arith.constant 15 : i32
    %eq3A_231 = arith.cmpi eq, %arg1, %eq3A_230 : i32
    %convert_element_type3A_232 = arith.extui %eq3A_231 : i1 to i32
    %cond3A_233 = arith.constant 0 : i32
    %cond3A_234 = arith.cmpi ne, %convert_element_type3A_232, %cond3A_233 : i32
    scf.if %cond3A_234 {
      "tpu.region"() ({
        %run_scoped3A = tpu.sem_alloc : memref<!tpu.dma_semaphore, #tpu.memory_space<semaphore_mem>>
        %dma_start3A_235 = arith.constant 0 : i32
        %dma_start3A_236 = tpu.memref_slice %arg6[%arg0, %multiple_of3A, %dma_start3A_235] : memref<2x10000x128xf32, #tpu.memory_space<hbm>> -> memref<1x640x128xf32, #tpu.memory_space<hbm>>
        %dma_start3A_237 = tpu.memref_squeeze %dma_start3A_236 : memref<1x640x128xf32, #tpu.memory_space<hbm>> -> memref<640x128xf32, #tpu.memory_space<hbm>>
        %dma_start3A_238 = arith.constant 0 : i32
        %dma_start3A_239 = tpu.memref_slice %arg13[%multiple_of3A, %dma_start3A_238] : memref<10000x128xf32, #tpu.memory_space<vmem_shared>> -> memref<640x128xf32, #tpu.memory_space<vmem_shared>>
        tpu.enqueue_dma source(%dma_start3A_239 : memref<640x128xf32, #tpu.memory_space<vmem_shared>>) target(%dma_start3A_237 : memref<640x128xf32, #tpu.memory_space<hbm>>) target_semaphore(%run_scoped3A : memref<!tpu.dma_semaphore, #tpu.memory_space<semaphore_mem>>)
        %dma_wait3A_240 = arith.constant 0 : i32
        %dma_wait3A_241 = tpu.memref_slice %arg6[%arg0, %multiple_of3A, %dma_wait3A_240] : memref<2x10000x128xf32, #tpu.memory_space<hbm>> -> memref<1x640x128xf32, #tpu.memory_space<hbm>>
        %dma_wait3A_242 = tpu.memref_squeeze %dma_wait3A_241 : memref<1x640x128xf32, #tpu.memory_space<hbm>> -> memref<640x128xf32, #tpu.memory_space<hbm>>
        %dma_wait3A_243 = arith.constant 0 : i32
        %dma_wait3A_244 = tpu.memref_slice %arg13[%multiple_of3A, %dma_wait3A_243] : memref<10000x128xf32, #tpu.memory_space<vmem_shared>> -> memref<640x128xf32, #tpu.memory_space<vmem_shared>>
        tpu.wait_dma2 semaphore(%run_scoped3A : memref<!tpu.dma_semaphore, #tpu.memory_space<semaphore_mem>>) src(%dma_wait3A_244 : memref<640x128xf32, #tpu.memory_space<vmem_shared>>) dst(%dma_wait3A_242 : memref<640x128xf32, #tpu.memory_space<hbm>>)
        tpu.yield
      }) : () -> ()
    } else {
    }
    return
  }
}

module attributes {stable_mosaic.version = 14 : i64} {
  func.func @_mm1_body(%arg0: i32, %arg1: memref<2000x128xf32, #tpu.memory_space<vmem>>, %arg2: memref<128x128xf32, #tpu.memory_space<vmem>>, %arg3: memref<2000x1xf32, #tpu.memory_space<vmem>>, %arg4: memref<2000x128xf32, #tpu.memory_space<vmem>>) attributes {dimension_semantics = [#tpu.dimension_semantics<arbitrary>], iteration_bounds = array<i64: 5>, scalar_prefetch = 0 : i64, scratch_operands = 0 : i64, tpu.core_type = #tpu.core_type<tc>, window_params = [{transform_indices = @transform_0, window_bounds = array<i64: 2000, 128>}, {pipeline_mode = #tpu.pipeline_mode<synchronous>, transform_indices = @transform_1, window_bounds = array<i64: 128, 128>}, {transform_indices = @transform_2, window_bounds = array<i64: 2000, 1>}, {transform_indices = @transform_3, window_bounds = array<i64: 2000, 128>}]} {
    %get3A = arith.constant 0 : index
    %get3A_0 = arith.constant 0 : index
    %get3A_1 = vector.load %arg1[%get3A, %get3A_0] : memref<2000x128xf32, #tpu.memory_space<vmem>>, vector<2000x128xf32>
    %get3A_2 = arith.constant 0 : index
    %get3A_3 = arith.constant 0 : index
    %get3A_4 = vector.load %arg2[%get3A_2, %get3A_3] : memref<128x128xf32, #tpu.memory_space<vmem>>, vector<128x128xf32>
    %dot_general3A = arith.constant dense<0.000000e+00> : vector<2000x128xf32>
    %dot_general3A_5 = tpu.matmul %get3A_1, %get3A_4, %dot_general3A {dimension_numbers = #tpu.dot_dimension_numbers<[1], [0], [0], [1], [0, 0, 1, 1], [], []>, transpose_lhs_hint = false} : vector<2000x128xf32>, vector<128x128xf32>, vector<2000x128xf32> -> vector<2000x128xf32>
    %get3A_6 = arith.constant 0 : index
    %get3A_7 = arith.constant 0 : index
    %get3A_8 = vector.load %arg3[%get3A_6, %get3A_7] : memref<2000x1xf32, #tpu.memory_space<vmem>>, vector<2000x1xf32>
    %mul3A = vector.broadcast %get3A_8 : vector<2000x1xf32> to vector<2000x128xf32>
    %mul3A_9 = arith.mulf %dot_general3A_5, %mul3A : vector<2000x128xf32>
    %swap3A = arith.constant 0 : index
    %swap3A_10 = arith.constant 0 : index
    %swap3A_11 = vector.load %arg4[%swap3A, %swap3A_10] : memref<2000x128xf32, #tpu.memory_space<vmem>>, vector<2000x128xf32>
    tpu.vector_store %arg4[%swap3A, %swap3A_10], %mul3A_9 {strides = array<i32>} : memref<2000x128xf32, #tpu.memory_space<vmem>>, vector<2000x128xf32>,
    return
  }
  func.func @transform_0(%arg0: i32) -> (i32, i32) {
    %c0_i32 = arith.constant 0 : i32
    %c0_i32_0 = arith.constant 0 : i32
    return %arg0, %c0_i32 : i32, i32
  }
  func.func @transform_1(%arg0: i32) -> (i32, i32) {
    %c0_i32 = arith.constant 0 : i32
    %c0_i32_0 = arith.constant 0 : i32
    %c0_i32_1 = arith.constant 0 : i32
    return %c0_i32, %c0_i32_0 : i32, i32
  }
  func.func @transform_2(%arg0: i32) -> (i32, i32) {
    %c0_i32 = arith.constant 0 : i32
    %c0_i32_0 = arith.constant 0 : i32
    return %arg0, %c0_i32 : i32, i32
  }
  func.func @transform_3(%arg0: i32) -> (i32, i32) {
    %c0_i32 = arith.constant 0 : i32
    %c0_i32_0 = arith.constant 0 : i32
    return %arg0, %c0_i32 : i32, i32
  }
}

module attributes {stable_mosaic.version = 14 : i64} {
  func.func @_mm2_body(%arg0: i32, %arg1: memref<2x2000x128xf32, #tpu.memory_space<vmem>>, %arg2: memref<1x128xf32, #tpu.memory_space<vmem>>, %arg3: memref<128x128xf32, #tpu.memory_space<vmem>>, %arg4: memref<2000x1xf32, #tpu.memory_space<vmem>>, %arg5: memref<2000x128xf32, #tpu.memory_space<vmem>>) attributes {dimension_semantics = [#tpu.dimension_semantics<arbitrary>], iteration_bounds = array<i64: 5>, scalar_prefetch = 0 : i64, scratch_operands = 0 : i64, tpu.core_type = #tpu.core_type<tc>, window_params = [{transform_indices = @transform_0, window_bounds = array<i64: 2, 2000, 128>}, {pipeline_mode = #tpu.pipeline_mode<synchronous>, transform_indices = @transform_1, window_bounds = array<i64: 1, 128>}, {pipeline_mode = #tpu.pipeline_mode<synchronous>, transform_indices = @transform_2, window_bounds = array<i64: 128, 128>}, {transform_indices = @transform_3, window_bounds = array<i64: 2000, 1>}, {transform_indices = @transform_4, window_bounds = array<i64: 2000, 128>}]} {
    %get3A = arith.constant 0 : index
    %get3A_0 = arith.constant 0 : index
    %get3A_1 = arith.constant 0 : index
    %get3A_2 = vector.load %arg1[%get3A, %get3A_0, %get3A_1] : memref<2x2000x128xf32, #tpu.memory_space<vmem>>, vector<1x2000x128xf32>
    %get3A_3 = vector.shape_cast %get3A_2 : vector<1x2000x128xf32> to vector<2000x128xf32>
    %get3A_4 = arith.constant 1 : index
    %get3A_5 = arith.constant 0 : index
    %get3A_6 = arith.constant 0 : index
    %get3A_7 = vector.load %arg1[%get3A_4, %get3A_5, %get3A_6] : memref<2x2000x128xf32, #tpu.memory_space<vmem>>, vector<1x2000x128xf32>
    %get3A_8 = vector.shape_cast %get3A_7 : vector<1x2000x128xf32> to vector<2000x128xf32>
    %add3A = arith.addf %get3A_3, %get3A_8 : vector<2000x128xf32>
    %get3A_9 = arith.constant 0 : index
    %get3A_10 = arith.constant 0 : index
    %get3A_11 = vector.load %arg2[%get3A_9, %get3A_10] : memref<1x128xf32, #tpu.memory_space<vmem>>, vector<1x128xf32>
    %add3A_12 = vector.broadcast %get3A_11 : vector<1x128xf32> to vector<2000x128xf32>
    %add3A_13 = arith.addf %add3A, %add3A_12 : vector<2000x128xf32>
    %max3A = arith.constant 0.000000e+00 : f32
    %max3A_14 = vector.broadcast %max3A : f32 to vector<2000x128xf32>
    %max3A_15 = arith.maximumf %add3A_13, %max3A_14 : vector<2000x128xf32>
    %get3A_16 = arith.constant 0 : index
    %get3A_17 = arith.constant 0 : index
    %get3A_18 = vector.load %arg3[%get3A_16, %get3A_17] : memref<128x128xf32, #tpu.memory_space<vmem>>, vector<128x128xf32>
    %dot_general3A = arith.constant dense<0.000000e+00> : vector<2000x128xf32>
    %dot_general3A_19 = tpu.matmul %max3A_15, %get3A_18, %dot_general3A {dimension_numbers = #tpu.dot_dimension_numbers<[1], [0], [0], [1], [0, 0, 1, 1], [], []>, transpose_lhs_hint = false} : vector<2000x128xf32>, vector<128x128xf32>, vector<2000x128xf32> -> vector<2000x128xf32>
    %get3A_20 = arith.constant 0 : index
    %get3A_21 = arith.constant 0 : index
    %get3A_22 = vector.load %arg4[%get3A_20, %get3A_21] : memref<2000x1xf32, #tpu.memory_space<vmem>>, vector<2000x1xf32>
    %mul3A = vector.broadcast %get3A_22 : vector<2000x1xf32> to vector<2000x128xf32>
    %mul3A_23 = arith.mulf %dot_general3A_19, %mul3A : vector<2000x128xf32>
    %swap3A = arith.constant 0 : index
    %swap3A_24 = arith.constant 0 : index
    %swap3A_25 = vector.load %arg5[%swap3A, %swap3A_24] : memref<2000x128xf32, #tpu.memory_space<vmem>>, vector<2000x128xf32>
    tpu.vector_store %arg5[%swap3A, %swap3A_24], %mul3A_23 {strides = array<i32>} : memref<2000x128xf32, #tpu.memory_space<vmem>>, vector<2000x128xf32>,
    return
  }
  func.func @transform_0(%arg0: i32) -> (i32, i32, i32) {
    %c0_i32 = arith.constant 0 : i32
    %c0_i32_0 = arith.constant 0 : i32
    %c0_i32_1 = arith.constant 0 : i32
    return %c0_i32, %arg0, %c0_i32_0 : i32, i32, i32
  }
  func.func @transform_1(%arg0: i32) -> (i32, i32) {
    %c0_i32 = arith.constant 0 : i32
    %c0_i32_0 = arith.constant 0 : i32
    %c0_i32_1 = arith.constant 0 : i32
    return %c0_i32, %c0_i32_0 : i32, i32
  }
  func.func @transform_2(%arg0: i32) -> (i32, i32) {
    %c0_i32 = arith.constant 0 : i32
    %c0_i32_0 = arith.constant 0 : i32
    %c0_i32_1 = arith.constant 0 : i32
    return %c0_i32, %c0_i32_0 : i32, i32
  }
  func.func @transform_3(%arg0: i32) -> (i32, i32) {
    %c0_i32 = arith.constant 0 : i32
    %c0_i32_0 = arith.constant 0 : i32
    return %arg0, %c0_i32 : i32, i32
  }
  func.func @transform_4(%arg0: i32) -> (i32, i32) {
    %c0_i32 = arith.constant 0 : i32
    %c0_i32_0 = arith.constant 0 : i32
    return %arg0, %c0_i32 : i32, i32
  }
}

module attributes {stable_mosaic.version = 14 : i64} {
  func.func @_scale_body(%arg0: i32, %arg1: memref<2x2000x128xf32, #tpu.memory_space<vmem>>, %arg2: memref<1x128xf32, #tpu.memory_space<vmem>>, %arg3: memref<2000x1xf32, #tpu.memory_space<vmem>>, %arg4: memref<2000x128xf32, #tpu.memory_space<vmem>>) attributes {dimension_semantics = [#tpu.dimension_semantics<arbitrary>], iteration_bounds = array<i64: 5>, scalar_prefetch = 0 : i64, scratch_operands = 0 : i64, tpu.core_type = #tpu.core_type<tc>, window_params = [{transform_indices = @transform_0, window_bounds = array<i64: 2, 2000, 128>}, {pipeline_mode = #tpu.pipeline_mode<synchronous>, transform_indices = @transform_1, window_bounds = array<i64: 1, 128>}, {transform_indices = @transform_2, window_bounds = array<i64: 2000, 1>}, {transform_indices = @transform_3, window_bounds = array<i64: 2000, 128>}]} {
    %get3A = arith.constant 0 : index
    %get3A_0 = arith.constant 0 : index
    %get3A_1 = arith.constant 0 : index
    %get3A_2 = vector.load %arg1[%get3A, %get3A_0, %get3A_1] : memref<2x2000x128xf32, #tpu.memory_space<vmem>>, vector<1x2000x128xf32>
    %get3A_3 = vector.shape_cast %get3A_2 : vector<1x2000x128xf32> to vector<2000x128xf32>
    %get3A_4 = arith.constant 1 : index
    %get3A_5 = arith.constant 0 : index
    %get3A_6 = arith.constant 0 : index
    %get3A_7 = vector.load %arg1[%get3A_4, %get3A_5, %get3A_6] : memref<2x2000x128xf32, #tpu.memory_space<vmem>>, vector<1x2000x128xf32>
    %get3A_8 = vector.shape_cast %get3A_7 : vector<1x2000x128xf32> to vector<2000x128xf32>
    %add3A = arith.addf %get3A_3, %get3A_8 : vector<2000x128xf32>
    %get3A_9 = arith.constant 0 : index
    %get3A_10 = arith.constant 0 : index
    %get3A_11 = vector.load %arg2[%get3A_9, %get3A_10] : memref<1x128xf32, #tpu.memory_space<vmem>>, vector<1x128xf32>
    %add3A_12 = vector.broadcast %get3A_11 : vector<1x128xf32> to vector<2000x128xf32>
    %add3A_13 = arith.addf %add3A, %add3A_12 : vector<2000x128xf32>
    %max3A = arith.constant 0.000000e+00 : f32
    %max3A_14 = vector.broadcast %max3A : f32 to vector<2000x128xf32>
    %max3A_15 = arith.maximumf %add3A_13, %max3A_14 : vector<2000x128xf32>
    %get3A_16 = arith.constant 0 : index
    %get3A_17 = arith.constant 0 : index
    %get3A_18 = vector.load %arg3[%get3A_16, %get3A_17] : memref<2000x1xf32, #tpu.memory_space<vmem>>, vector<2000x1xf32>
    %mul3A = vector.broadcast %get3A_18 : vector<2000x1xf32> to vector<2000x128xf32>
    %mul3A_19 = arith.mulf %max3A_15, %mul3A : vector<2000x128xf32>
    %swap3A = arith.constant 0 : index
    %swap3A_20 = arith.constant 0 : index
    %swap3A_21 = vector.load %arg4[%swap3A, %swap3A_20] : memref<2000x128xf32, #tpu.memory_space<vmem>>, vector<2000x128xf32>
    tpu.vector_store %arg4[%swap3A, %swap3A_20], %mul3A_19 {strides = array<i32>} : memref<2000x128xf32, #tpu.memory_space<vmem>>, vector<2000x128xf32>,
    return
  }
  func.func @transform_0(%arg0: i32) -> (i32, i32, i32) {
    %c0_i32 = arith.constant 0 : i32
    %c0_i32_0 = arith.constant 0 : i32
    %c0_i32_1 = arith.constant 0 : i32
    return %c0_i32, %arg0, %c0_i32_0 : i32, i32, i32
  }
  func.func @transform_1(%arg0: i32) -> (i32, i32) {
    %c0_i32 = arith.constant 0 : i32
    %c0_i32_0 = arith.constant 0 : i32
    %c0_i32_1 = arith.constant 0 : i32
    return %c0_i32, %c0_i32_0 : i32, i32
  }
  func.func @transform_2(%arg0: i32) -> (i32, i32) {
    %c0_i32 = arith.constant 0 : i32
    %c0_i32_0 = arith.constant 0 : i32
    return %arg0, %c0_i32 : i32, i32
  }
  func.func @transform_3(%arg0: i32) -> (i32, i32) {
    %c0_i32 = arith.constant 0 : i32
    %c0_i32_0 = arith.constant 0 : i32
    return %arg0, %c0_i32 : i32, i32
  }
}

module attributes {stable_mosaic.version = 14 : i64} {
  func.func @_final_body(%arg0: i32, %arg1: memref<2x2000x128xf32, #tpu.memory_space<vmem>>, %arg2: memref<128x64xf32, #tpu.memory_space<vmem>>, %arg3: memref<1x64xf32, #tpu.memory_space<vmem>>, %arg4: memref<2000x64xf32, #tpu.memory_space<vmem>>) attributes {dimension_semantics = [#tpu.dimension_semantics<arbitrary>], iteration_bounds = array<i64: 5>, scalar_prefetch = 0 : i64, scratch_operands = 0 : i64, tpu.core_type = #tpu.core_type<tc>, window_params = [{transform_indices = @transform_0, window_bounds = array<i64: 2, 2000, 128>}, {pipeline_mode = #tpu.pipeline_mode<synchronous>, transform_indices = @transform_1, window_bounds = array<i64: 128, 64>}, {pipeline_mode = #tpu.pipeline_mode<synchronous>, transform_indices = @transform_2, window_bounds = array<i64: 1, 64>}, {transform_indices = @transform_3, window_bounds = array<i64: 2000, 64>}]} {
    %get3A = arith.constant 0 : index
    %get3A_0 = arith.constant 0 : index
    %get3A_1 = arith.constant 0 : index
    %get3A_2 = vector.load %arg1[%get3A, %get3A_0, %get3A_1] : memref<2x2000x128xf32, #tpu.memory_space<vmem>>, vector<1x2000x128xf32>
    %get3A_3 = vector.shape_cast %get3A_2 : vector<1x2000x128xf32> to vector<2000x128xf32>
    %get3A_4 = arith.constant 1 : index
    %get3A_5 = arith.constant 0 : index
    %get3A_6 = arith.constant 0 : index
    %get3A_7 = vector.load %arg1[%get3A_4, %get3A_5, %get3A_6] : memref<2x2000x128xf32, #tpu.memory_space<vmem>>, vector<1x2000x128xf32>
    %get3A_8 = vector.shape_cast %get3A_7 : vector<1x2000x128xf32> to vector<2000x128xf32>
    %add3A = arith.addf %get3A_3, %get3A_8 : vector<2000x128xf32>
    %get3A_9 = arith.constant 0 : index
    %get3A_10 = arith.constant 0 : index
    %get3A_11 = vector.load %arg2[%get3A_9, %get3A_10] : memref<128x64xf32, #tpu.memory_space<vmem>>, vector<128x64xf32>
    %dot_general3A = arith.constant dense<0.000000e+00> : vector<2000x64xf32>
    %dot_general3A_12 = tpu.matmul %add3A, %get3A_11, %dot_general3A {dimension_numbers = #tpu.dot_dimension_numbers<[1], [0], [0], [1], [0, 0, 1, 1], [], []>, transpose_lhs_hint = false} : vector<2000x128xf32>, vector<128x64xf32>, vector<2000x64xf32> -> vector<2000x64xf32>
    %get3A_13 = arith.constant 0 : index
    %get3A_14 = arith.constant 0 : index
    %get3A_15 = vector.load %arg3[%get3A_13, %get3A_14] : memref<1x64xf32, #tpu.memory_space<vmem>>, vector<1x64xf32>
    %add3A_16 = vector.broadcast %get3A_15 : vector<1x64xf32> to vector<2000x64xf32>
    %add3A_17 = arith.addf %dot_general3A_12, %add3A_16 : vector<2000x64xf32>
    %swap3A = arith.constant 0 : index
    %swap3A_18 = arith.constant 0 : index
    %swap3A_19 = vector.load %arg4[%swap3A, %swap3A_18] : memref<2000x64xf32, #tpu.memory_space<vmem>>, vector<2000x64xf32>
    tpu.vector_store %arg4[%swap3A, %swap3A_18], %add3A_17 {strides = array<i32>} : memref<2000x64xf32, #tpu.memory_space<vmem>>, vector<2000x64xf32>,
    return
  }
  func.func @transform_0(%arg0: i32) -> (i32, i32, i32) {
    %c0_i32 = arith.constant 0 : i32
    %c0_i32_0 = arith.constant 0 : i32
    %c0_i32_1 = arith.constant 0 : i32
    return %c0_i32, %arg0, %c0_i32_0 : i32, i32, i32
  }
  func.func @transform_1(%arg0: i32) -> (i32, i32) {
    %c0_i32 = arith.constant 0 : i32
    %c0_i32_0 = arith.constant 0 : i32
    %c0_i32_1 = arith.constant 0 : i32
    return %c0_i32, %c0_i32_0 : i32, i32
  }
  func.func @transform_2(%arg0: i32) -> (i32, i32) {
    %c0_i32 = arith.constant 0 : i32
    %c0_i32_0 = arith.constant 0 : i32
    %c0_i32_1 = arith.constant 0 : i32
    return %c0_i32, %c0_i32_0 : i32, i32
  }
  func.func @transform_3(%arg0: i32) -> (i32, i32) {
    %c0_i32 = arith.constant 0 : i32
    %c0_i32_0 = arith.constant 0 : i32
    return %arg0, %c0_i32 : i32, i32
  }
}

</mosaic_0001>

<sc_bundles>
// kernel: kernel.12.cloned.1.call-start
scs
__scs_entry_jumppad:
0x0: {  	(pc) =	sbr.rel $0x88, $3  }
0x1: {  	(tag) =	ssettag $0x0;
	lr =	simm.s32 $0x1  }
0x2: {  	[smem:$0x3F98] =	sst lr;
	_ =	strace $0xD0000000  }
0x3: {  	_ = 	snop  }
0x4: {  	_ = 	snop  }
0x5: {  	_ = 	snop  }
0x6: {  	_ = 	snop  }
0x7: {  	_ = 	snop  }
__scs_overlays_trampoline_lowered:
0x8: {  	[smem:$0x3FA7] =	sst s0  }
0x9: {  	[smem:$0x3FA8] =	sst s1  }
0xa: {  	[smem:$0x3FA9] =	sst s2  }
0xb: {  	[smem:$0x3FAA] =	sst s3  }
0xc: {  	[smem:$0x3FAB] =	sst s4  }
0xd: {  	[smem:$0x3FAC] =	sst s5  }
0xe: {  	[smem:$0x3FAD] =	sst s6  }
0xf: {  	[smem:$0x3FAE] =	sst s7  }
0x10: {  	[smem:$0x3FAF] =	sst s8  }
0x11: {  	[smem:$0x3FB0] =	sst s9;
	s0 =	simm.s32 @!p0 $0x0  }
0x12: {  	s1 =	sld [smem:$0x3F96];
	s0 =	simm.s32 @p0 $0x1  }
0x13: {  	[smem:$0x3FB1] =	sst s0;
	s0 =	simm.s32 @!p1 $0x0  }
0x14: {  	s2 =	sld [smem:$0x3F95];
	s0 =	simm.s32 @p1 $0x1  }
0x15: {  	[smem:$0x3FB2] =	sst s0;
	s0 =	simm.s32 @!p2 $0x0  }
0x16: {  	s3 =	sld [smem:$0x3FDB];
	s0 =	simm.s32 @p2 $0x1  }
0x17: {  	s4 =	simm.s32 $0x1BF5;
	[smem:$0x3FB4] =	sst s0  }
0x18: {  	s0 =	sld [smem:$0x3F97];
	_ =	swait.ge [sflag:s4], $0x0  }
0x19: {  	s7 =	sld [smem:$0x3F98]  }
0x1a: {  	s8 =	sadd.s32 $0xFFFFE003, lr  }
0x1b: {  	s9 =	sadd.s32 $0xFFFFFEF7, lr;
	s5 =	simm.s32 $0xFFFFFFFF;
	p2 =	slt.u32 s8, $0xFFFFF086  }
0x1c: {  	p1 =	slt.u32 s9, $0xF7A;
	s5 =	simm.s32 @!p2 $0x0  }
0x1d: {  	s5 =	simm.s32 @p1 $0x1;
	p0 =	seq.s32 s7, s2  }
0x1e: {  	s7 =	smul.u32 @!p0 $0xF7A, s2;
	p2 =	seq.s32 @!p0 s5, $0x0  }
0x1f: {  	s9 =	smul.u32 $0xF7A, s1;
	s8 =	simm.s32 @!p0 $0x1BF5;
	p2 =	por !p2, p0  }
0x20: {  	[sflag:s8] =	ssyncset.s32 @!p0 $0xFFFFF086;
	s6 =	sadd.s32 @!p0 s3, s7;
	s7 =	simm.s32 @!p0 $0x108  }
0x21: {  	s3 =	sadd.s32 s3, s9;
	s6 =	sadd.s32 @!p0 $0x88, s6;
	s7 =	simm.s32 @p2 $0x1082  }
0x22: {  	[simem:s7], [sflag:s8] =	dma.local @!p0 [hbm:s6], $0xF7A  }
0x23: {  	s9 =	sor.u32 $0xD0000000, s2;
	s6 =	simm.s32 $0x108;
	_ =	swait.ge @!p0 [sflag:s8], $0x0  }
0x24: {  	s3 =	sadd.s32 $0x88, s3;
	s6 =	simm.s32 @!p1 $0x1082;
	[sflag:s4] =	ssyncset.s32 $0xFFFFF086  }
0x25: {  	[simem:s6], [sflag:s4] =	dma.local [hbm:s3], $0xF7A  }
0x26: {  	[smem:$0x3F98] =	sst s1;
	(tag) =	ssettag s2;
	_ =	strace s9  }
0x27: {  	s1 =	sld [smem:$0x3FA8]  }
0x28: {  	s2 =	sld [smem:$0x3FA9]  }
0x29: {  	s4 =	sld [smem:$0x3FAB]  }
0x2a: {  	p0 =	seq.s32 s5, $0x0;
	s5 =	sld [smem:$0x3FAC]  }
0x2b: {  	s6 =	sld [smem:$0x3FAD]  }
0x2c: {  	s7 =	sld [smem:$0x3FAE]  }
0x2d: {  	s3 =	simm.s32 $0x108;
	s8 =	sld [smem:$0x3FAF]  }
0x2e: {  	s3 =	simm.s32 @!p0 $0x1082;
	s9 =	sld [smem:$0x3FB0]  }
0x2f: {  	lr =	sadd.s32 s0, s3;
	s0 =	sld [smem:$0x3FA7]  }
0x30: {  	s3 =	sld [smem:$0x3FAA]  }
0x31: {  	[smem:$0x3FB3] =	sst s10  }
0x32: {  	s10 =	sld [smem:$0x3FB1];
	_ =	sdelay $0x3  }
0x33: {  	p0 =	seq.s32 s10, $0x1;
	s10 =	sld [smem:$0x3FB3];
	_ =	sdelay $0x3  }
0x34: {  	[smem:$0x3FB3] =	sst s10  }
0x35: {  	s10 =	sld [smem:$0x3FB2];
	_ =	sdelay $0x3  }
0x36: {  	p1 =	seq.s32 s10, $0x1;
	s10 =	sld [smem:$0x3FB3];
	_ =	sdelay $0x3  }
0x37: {  	[smem:$0x3FB3] =	sst s10  }
0x38: {  	s10 =	sld [smem:$0x3FB4]  }
0x39: {  	_ = 	snop;
	(pc) =	sbr.ind lr, $3  }
0x3a: {  	_ = 	snop  }
0x3b: {  	_ = 	snop  }
0x3c: {  	p2 =	seq.s32 s10, $0x1;
	s10 =	sld [smem:$0x3FB3]  }
0x3d: {  	_ =	shalt  }
0x3e: {  	_ =	shalt  }
0x3f: {  	_ =	shalt  }
0x40: {  	_ =	shalt  }
0x41: {  	_ =	shalt  }
0x42: {  	_ =	shalt  }
0x43: {  	_ =	shalt  }
0x44: {  	_ =	shalt  }
0x45: {  	_ =	shalt  }
0x46: {  	_ =	shalt  }
0x47: {  	_ =	shalt  }
0x48: {  	_ =	shalt  }
0x49: {  	_ =	shalt  }
0x4a: {  	_ =	shalt  }
0x4b: {  	_ =	shalt  }
0x4c: {  	_ =	shalt  }
0x4d: {  	_ =	shalt  }
0x4e: {  	_ =	shalt  }
0x4f: {  	_ =	shalt  }
0x50: {  	_ =	shalt  }
0x51: {  	_ =	shalt  }
0x52: {  	_ =	shalt  }
0x53: {  	_ =	shalt  }
0x54: {  	_ =	shalt  }
0x55: {  	_ =	shalt  }
0x56: {  	_ =	shalt  }
0x57: {  	_ =	shalt  }
0x58: {  	_ =	shalt  }
0x59: {  	_ =	shalt  }
0x5a: {  	_ =	shalt  }
0x5b: {  	_ =	shalt  }
0x5c: {  	_ =	shalt  }
0x5d: {  	_ =	shalt  }
0x5e: {  	_ =	shalt  }
0x5f: {  	_ =	shalt  }
0x60: {  	_ =	shalt  }
0x61: {  	_ =	shalt  }
0x62: {  	_ =	shalt  }
0x63: {  	_ =	shalt  }
0x64: {  	_ =	shalt  }
0x65: {  	_ =	shalt  }
0x66: {  	_ =	shalt  }
0x67: {  	_ =	shalt  }
0x68: {  	_ =	shalt  }
0x69: {  	_ =	shalt  }
0x6a: {  	_ =	shalt  }
0x6b: {  	_ =	shalt  }
0x6c: {  	_ =	shalt  }
0x6d: {  	_ =	shalt  }
0x6e: {  	_ =	shalt  }
0x6f: {  	_ =	shalt  }
0x70: {  	_ =	shalt  }
0x71: {  	_ =	shalt  }
0x72: {  	_ =	shalt  }
0x73: {  	_ =	shalt  }
0x74: {  	_ =	shalt  }
0x75: {  	_ =	shalt  }
0x76: {  	_ =	shalt  }
0x77: {  	_ =	shalt  }
0x78: {  	_ =	shalt  }
0x79: {  	_ =	shalt  }
0x7a: {  	_ =	shalt  }
0x7b: {  	_ =	shalt  }
0x7c: {  	_ =	shalt  }
0x7d: {  	_ =	shalt  }
0x7e: {  	_ =	shalt  }
0x7f: {  	_ =	shalt  }
0x80: {  	_ =	shalt  }
0x81: {  	_ =	shalt  }
0x82: {  	_ =	shalt  }
0x83: {  	_ =	shalt  }
0x84: {  	_ =	shalt  }
0x85: {  	_ =	shalt  }
0x86: {  	_ =	shalt  }
0x87: {  	_ =	shalt  }
.Lfunc_end0:
.L_simem_size_0:
called_computation.1_lowered:
.L_overlay_start_0:
0x88: {  	s2 =	sld [smem:$0x3FD9]  }
0x89: {  	s3 =	sld [smem:$0x3FFE];
	_ =	sdelay $0x1  }
0x8a: {  	s1 =	srdreg.scid  }
0x8b: {  	s0 =	sand.u32 $0x1, s1  }
0x8c: {  	s17 =	sshll.u32 s0, $0xA;
	s2 =	sadd.s32 s3, s2  }
0x8d: {  	s2 =	sadd.s32 s2, s17  }
0x8e: {  	[smem:$0x3FBF] =	sst s2  }
0x8f: {  	_ = 	snop  }
0x90: {  	s2 =	sld [smem:$0x3FD0];
	(tm) =	ssettm $0x1  }
0x91: {  	s18 =	sld [smem:$0x3FFB];
	_ =	sdelay $0x3  }
0x92: {  	_ =	strace s18  }
0x93: {  	s3 =	sld [smem:$0x3FFC];
	_ =	sdelay $0x3  }
0x94: {  	_ =	strace s3  }
0x95: {  	s3 =	sld [smem:$0x3FFD];
	_ =	sdelay $0x3  }
0x96: {  	_ =	strace s3  }
0x97: {  	_ =	strace $0x8FFFFFFF  }
0x98: {  	s19 =	sld [smem:$0x3FDB];
	_ =	sdelay $0x1  }
0x99: {  	s4 =	simm.s32 $_scs_section_size  }
0x9a: {  	s5 =	simm.s32 $_size__tile_overlayer_lowered;
	s6 =	simm.s32 $_tile_overlayer_lowered  }
0x9b: {  	s22 =	simm.s32 $0x1BFF;
	s21 =	sshll.u32 s6, $0x1;
	s3 =	sadd.s32 s4, s19  }
0x9c: {  	s7 =	simm.s32 $0x0;
	s20 =	sshll.u32 s5, $0x1;
	s5 =	sadd.s32 s21, s3  }
0x9d: {  	[timem:s7], [sflag:s22] =	dma.local [hbm:s5], s20  }
0x9e: {  	_ =	swait.ge [sflag:s22], s20  }
0x9f: {  	s4 =	ssub.s32 $0x0, s20;
	[sflag:s22] =	ssyncset.done $0x0  }
0xa0: {  	[sflag:s22] =	ssyncadd.s32 s4;
	_ =	sdelay $0x1  }
0xa1: {  	s23 =	simm.s32 $0x1B8B  }
0xa2: {  	_ =	swait.ge [sflag:s23], $0x1  }
0xa3: {  	[sflag:s23] =	ssyncset.done $0x0  }
0xa4: {  	s25 =	simm.s32 $0x1B8E;
	s24 =	sld [smem:$0x3FFE];
	[sflag:s23] =	ssyncadd.s32 $0xFFFFFFFF  }
0xa5: {  	s26 =	simm.s32 $execute0_lowered;
	[smem:$0x3FD2] =	sst s25  }
0xa6: {  	s5 =	sshll.u32 s26, $0x1;
	_ =	strace $0x80000049;
	[dreg:$0x1] =	wrdreg $0xFFFFFFFF  }
0xa7: {  	s28 =	simm.s32 $_size_execute0_lowered;
	s3 =	sadd.s32 s3, s5;
	[dreg:$0x0] =	wrdreg $0x0  }
0xa8: {  	s5 =	sshll.u32 s28, $0x1;
	[dreg:$0x2] =	wrdreg s3  }
0xa9: {  	[dreg:$0x3] =	wrdreg s5  }
0xaa: {  	[dreg:$0x4] =	wrdreg $0xC0  }
0xab: {  	_ =	task [dreg:s7], $0x5FFFF  }
0xac: {  	[dreg:$0x1] =	wrdreg $0xFFFFFFFF  }
0xad: {  	[dreg:$0x0] =	wrdreg $0x60  }
0xae: {  	[dreg:$0x2] =	wrdreg s24  }
0xaf: {  	[dreg:$0x3] =	wrdreg s2  }
0xb0: {  	[dreg:$0x4] =	wrdreg $0xBC000  }
0xb1: {  	[dreg:$0x5] =	wrdreg $0x9  }
0xb2: {  	_ =	task.clear_ibuf [dreg:s7], $0x6FFFF;
	_ =	strace $0x90000049  }
0xb3: {  	s29 =	simm.s32 $0x9;
	_ =	strace $0x8000004B  }
0xb4: {  	_ =	swait.ge [sflag:s29], $0x1  }
0xb5: {  	[sflag:s29] =	ssyncadd.s32 $0xFFFFFFFF  }
0xb6: {  	_ =	strace $0x9000004B  }
0xb7: {  	_ =	sfence  }
0xb8: {  	s30 =	sld [smem:$0x0];
	_ =	sdelay $0x2  }
0xb9: {  	s31 =	sshll.u32 s1, $0xD;
	s1 =	sshrl.u32 s1, $0x2  }
0xba: {  	s3 =	sand.u32 $0x4000, s31;
	s1 =	sadd.s32 s1, s30  }
0xbb: {  	s0 =	sor.u32 s3, s0;
	s1 =	sshll.u32 s1, $0x11  }
0xbc: {  	s0 =	sor.u32 s1, s0  }
0xbd: {  	s0 =	sadd.s32 $0x8F2B, s0  }
0xbe: {  	[sflag:s0] =	ssyncadd.remote.s32 $0x1  }
0xbf: {  	_ =	sfence.sel $0xFFFF  }
0xc0: {  	[dreg:$0x0] =	wrdreg $0xFFFFFFFF;
	(pc) =	sbr.abs _section_cstart, $3  }
0xc1: {  	[dreg:$0x1] =	wrdreg $0xFFFFFFFF  }
0xc2: {  	_ =	task.clear_ibuf [dreg:s7], $0x2FFFF;
	_ =	strace $0x9FFFFFFF  }
0xc3: {  	(tm) =	ssettm $0x7FFFFFFF  }
tec
execute0_lowered:
.L_overlay_start_1:
0x0: {  	(tag) =	ssettag $0x1  }
0x1: {  	s0 =	rddreg [dreg:$0x0]  }
0x2: {  	s2 =	rddreg [dreg:$0x1]  }
0x3: {  	s1 =	rddreg [dreg:$0x2];
	s3 =	simm.s32 $0x0  }
0x4: {  	s4 =	srdreg.scid;
	s15 =	stileid.u32;
	s16 =	simm.s32 $0x9  }
0x5: {  	s17 =	simm.s32 $0x1400;
	s18 =	simm.s32 $0x40;
	s19 =	simm.s32 $0x3C00  }
0x6: {  	s20 =	simm.s32 $0x5C00;
	s28 =	simm.s32 $0x1480;
	s29 =	simm.s32 $0x3  }
0x7: {  	s30 =	simm.s32 $0x1500;
	s31 =	simm.s32 $0x4;
	[smem:$0x7FF] =	sst s3  }
0x8: {  	s6 =	sand.u32 $0x1, s4;
	s5 =	sshll.u32 s15, $0x1;
	s8 =	smul.u32 $0x4E000, s15  }
0x9: {  	s4 =	sadd.s32 $0x16200, s0;
	s9 =	sadd.s32 $0x2200, s0;
	s14 =	smul.u32 $0x13800, s15  }
0xa: {  	s7 =	sor.u32 s6, s5;
	s11 =	ssub.s32 $0x2, s6;
	s6 =	smul.u32 $0x138800, s6  }
0xb: {  	p0 =	seq.s32 s15, $0xF;
	_ =	strace $0x8000004A;
	s10 =	smul.u32 $0xA0, s7  }
0xc: {  	s5 =	sadd.s32 $0x3F200, s0;
	s0 =	sadd.s32 $0x41A00, s0;
	s12 =	smul.u32 $0x500, s7  }
0xd: {  	s13 =	sshrl.u32 s11, $0x1;
	s8 =	sshrl.u32 s8, $0x2;
	s7 =	smul.u32 $0xA00, s7  }
0xe: {  	s11 =	ssub.s32 s11, s13;
	s8 =	sadd.s32 s8, s1;
	s13 =	sadd.s32 $0x124800, s1  }
0xf: {  	s24 =	sadd.s32 s14, s6;
	s6 =	sshrl.u32 s6, $0x3;
	s10 =	sadd.s32 $0x50, s10  }
0x10: {  	s12 =	sadd.s32 s2, s12;
	s7 =	sadd.s32 s9, s7;
	s25 =	sshrl.u32 s24, $0x3  }
0x11: {  	s26 =	smax.u32 s11, $0x1;
	s13 =	sshrl.u32 @p0 s13, $0x3;
	[dreg:$0x4] =	wrdreg s12  }
0x12: {  	s24 =	simm.s32 $0x9C00;
	[dreg:$0x5] =	wrdreg s7;
	s22 =	sshll.u32 s10, $0x3  }
0x13: {  	s23 =	sshll.u32 s10, $0x4;
	[dreg:$0xa] =	wrdreg s26;
	s26 =	simm.s32 $0x2  }
0x14: {  	s7 =	simm.s32 $0x7;
	s2 =	sadd.s32 s2, s22;
	s22 =	simm.s32 $0x7C00  }
0x15: {  	[dreg:$0x6] =	wrdreg s2;
	s2 =	sadd.s32 s9, s23;
	s23 =	simm.s32 $0xC0  }
0x16: {  	s9 =	simm.s32 $0x0;
	[dreg:$0x7] =	wrdreg s2;
	s2 =	sadd.s32 s0, s25  }
0x17: {  	s0 =	sadd.s32 s0, s6;
	s25 =	simm.s32 $0x1;
	s6 =	simm.s32 $0x6  }
0x18: {  	[dreg:$0x8] =	wrdreg s2;
	s0 =	sadd.s32 $0x24900, s0;
	s2 =	simm.s32 $0x5  }
0x19: {  	[dreg:$0x9] =	wrdreg s0;
	s0 =	sshll.u32 @!p0 s15, $0x6;
	s15 =	sshrl.u32 @!p0 s8, $0x3  }
0x1a: {  	s8 =	simm.s32 $0x8;
	s14 =	sor.u32 @!p0 $0x1C09, s0;
	s0 =	simm.s32 $0x1580  }
.LBB2_1:
0x1b: {  	s10 =	simm.s32 @p0 $0x1FC9  }
0x1c: {  	[spmem:s13], [sflag:s10] =	dma.local @p0 [hbm:s5], $0x2800  }
0x1d: {  	s10 =	simm.s32 @p0 $0x9  }
0x1e: {  	_ =	swait.ge @p0 [sflag:s10], $0x2800  }
0x1f: {  	[sflag:s10] =	ssyncset.done @p0 $0x0  }
0x20: {  	[sflag:s10] =	ssyncadd.s32 @p0 $0xFFFFD800;
	s10 =	simm.s32 @!p0 $0x9  }
0x21: {  	[spmem:s15], [sflag:s14] =	dma.local @!p0 [hbm:s5], $0x2700  }
0x22: {  	_ =	swait.ge @!p0 [sflag:s10], $0x2700  }
0x23: {  	[sflag:s10] =	ssyncset.done @!p0 $0x0  }
0x24: {  	[sflag:s10] =	ssyncadd.s32 @!p0 $0xFFFFD900  }
0x25: {  	[bflag:$0x0] =	sbarrier.arrive $0xFFFF  }
0x26: {  	s21 =	rddreg [dreg:$0x4]  }
0x27: {  	[tilespmem:s3], [sflag:$0x9] =	stream.linear.gather [hbm4b:s21+s3], $0x1400, $0x38;
	[tilespmem:$0x1F480] =	vst v63  }
0x28: {  	_ =	swait.ge [sflag:s16], $0x1400  }
0x29: {  	[sflag:s16] =	ssyncset.done $0x0  }
0x2a: {  	s11 =	rddreg [dreg:$0x5];
	[sflag:s16] =	ssyncadd.s32 $0xFFFFEC00  }
0x2b: {  	[tilespmem:s17], [sflag:$0x9] =	stream.linear.gather [hbm4b:s11+s3], $0x2800, $0x38;
	[tilespmem:$0x1F480] =	vst v63  }
0x2c: {  	_ =	swait.ge [sflag:s16], $0x2800  }
0x2d: {  	[sflag:s16] =	ssyncset.done $0x0  }
0x2e: {  	[sflag:s16] =	ssyncadd.s32 $0xFFFFD800  }
0x2f: {  	[tilespmem:s19], [sflag:$0x1] =	stream.indirect.gather [hbm4b:s4+s18], $0x80, s3, s18, $0xb8;
	[tilespmem:$0x1F480] =	vst v63  }
0x30: {  	_ = 	snop  }
0x31: {  	[tilespmem:s20], [sflag:$0x2] =	stream.indirect.gather [hbm4b:s4+s18], $0x80, s18, s18, $0xb8;
	[tilespmem:$0x1F480] =	vst v63  }
0x32: {  	s12 =	simm.s32 $0x80  }
0x33: {  	[tilespmem:s22], [sflag:$0x3] =	stream.indirect.gather [hbm4b:s4+s18], $0x80, s12, s18, $0xb8;
	[tilespmem:$0x1F480] =	vst v63  }
0x34: {  	_ = 	snop  }
0x35: {  	[tilespmem:s24], [sflag:$0x4] =	stream.indirect.gather [hbm4b:s4+s18], $0x80, s23, s18, $0xb8;
	[tilespmem:$0x1F480] =	vst v63  }
0x36: {  	_ =	swait.ge [sflag:s25], $0x2000  }
0x37: {  	[sflag:s25] =	ssyncset.done $0x0  }
0x38: {  	[sflag:s25] =	ssyncadd.s32 $0xFFFFE000  }
0x39: {  	[spmem:s1] =	stream.indirect.scatter.add.f32 [tilespmem:s19], [sflag:$0x5], $0x80, s17, s18, $0xb8;
	[tilespmem:$0x1F480] =	vst v63  }
0x3a: {  	_ =	swait.ge [sflag:s26], $0x2000  }
0x3b: {  	[sflag:s26] =	ssyncset.done $0x0  }
0x3c: {  	[sflag:s26] =	ssyncadd.s32 $0xFFFFE000  }
0x3d: {  	[spmem:s1] =	stream.indirect.scatter.add.f32 [tilespmem:s20], [sflag:$0x6], $0x80, s28, s18, $0xb8;
	[tilespmem:$0x1F480] =	vst v63  }
0x3e: {  	_ =	swait.ge [sflag:s29], $0x2000  }
0x3f: {  	[sflag:s29] =	ssyncset.done $0x0  }
0x40: {  	[sflag:s29] =	ssyncadd.s32 $0xFFFFE000  }
0x41: {  	[spmem:s1] =	stream.indirect.scatter.add.f32 [tilespmem:s22], [sflag:$0x7], $0x80, s30, s18, $0xb8;
	[tilespmem:$0x1F480] =	vst v63  }
0x42: {  	_ =	swait.ge [sflag:s31], $0x2000  }
0x43: {  	[sflag:s31] =	ssyncset.done $0x0  }
0x44: {  	[sflag:s31] =	ssyncadd.s32 $0xFFFFE000  }
0x45: {  	[spmem:s1] =	stream.indirect.scatter.add.f32 [tilespmem:s24], [sflag:$0x8], $0x80, s0, s18, $0xb8;
	[tilespmem:$0x1F480] =	vst v63  }
0x46: {  	_ =	swait.ge [sflag:s2], $0x2000  }
0x47: {  	[sflag:s2] =	ssyncset.done $0x0  }
0x48: {  	s21 =	simm.s32 $0x100;
	[sflag:s2] =	ssyncadd.s32 $0xFFFFE000  }
0x49: {  	[tilespmem:s19], [sflag:$0x1] =	stream.indirect.gather [hbm4b:s4+s18], $0x80, s21, s18, $0xb8;
	[tilespmem:$0x1F480] =	vst v63  }
0x4a: {  	_ =	swait.ge [sflag:s6], $0x2000  }
0x4b: {  	[sflag:s6] =	ssyncset.done $0x0  }
0x4c: {  	s11 =	simm.s32 $0x140;
	[sflag:s6] =	ssyncadd.s32 $0xFFFFE000  }
0x4d: {  	[tilespmem:s20], [sflag:$0x2] =	stream.indirect.gather [hbm4b:s4+s18], $0x80, s11, s18, $0xb8;
	[tilespmem:$0x1F480] =	vst v63  }
0x4e: {  	_ =	swait.ge [sflag:s7], $0x2000  }
0x4f: {  	[sflag:s7] =	ssyncset.done $0x0  }
0x50: {  	s12 =	simm.s32 $0x180;
	[sflag:s7] =	ssyncadd.s32 $0xFFFFE000  }
0x51: {  	[tilespmem:s22], [sflag:$0x3] =	stream.indirect.gather [hbm4b:s4+s18], $0x80, s12, s18, $0xb8;
	[tilespmem:$0x1F480] =	vst v63  }
0x52: {  	_ =	swait.ge [sflag:s8], $0x2000  }
0x53: {  	[sflag:s8] =	ssyncset.done $0x0  }
0x54: {  	s21 =	simm.s32 $0x1C0;
	[sflag:s8] =	ssyncadd.s32 $0xFFFFE000  }
0x55: {  	[tilespmem:s24], [sflag:$0x4] =	stream.indirect.gather [hbm4b:s4+s18], $0x80, s21, s18, $0xb8;
	[tilespmem:$0x1F480] =	vst v63  }
0x56: {  	_ =	swait.ge [sflag:s25], $0x2000  }
0x57: {  	[sflag:s25] =	ssyncset.done $0x0  }
0x58: {  	s11 =	simm.s32 $0x1600;
	[sflag:s25] =	ssyncadd.s32 $0xFFFFE000  }
0x59: {  	[spmem:s1] =	stream.indirect.scatter.add.f32 [tilespmem:s19], [sflag:$0x5], $0x80, s11, s18, $0xb8;
	[tilespmem:$0x1F480] =	vst v63  }
0x5a: {  	_ =	swait.ge [sflag:s26], $0x2000  }
0x5b: {  	[sflag:s26] =	ssyncset.done $0x0  }
0x5c: {  	s12 =	simm.s32 $0x1680;
	[sflag:s26] =	ssyncadd.s32 $0xFFFFE000  }
0x5d: {  	[spmem:s1] =	stream.indirect.scatter.add.f32 [tilespmem:s20], [sflag:$0x6], $0x80, s12, s18, $0xb8;
	[tilespmem:$0x1F480] =	vst v63  }
0x5e: {  	_ =	swait.ge [sflag:s29], $0x2000  }
0x5f: {  	[sflag:s29] =	ssyncset.done $0x0  }
0x60: {  	s21 =	simm.s32 $0x1700;
	[sflag:s29] =	ssyncadd.s32 $0xFFFFE000  }
0x61: {  	[spmem:s1] =	stream.indirect.scatter.add.f32 [tilespmem:s22], [sflag:$0x7], $0x80, s21, s18, $0xb8;
	[tilespmem:$0x1F480] =	vst v63  }
0x62: {  	_ =	swait.ge [sflag:s31], $0x2000  }
0x63: {  	s10 =	simm.s32 $0x800;
	[sflag:s31] =	ssyncset.done $0x0  }
0x64: {  	s11 =	simm.s32 $0x200;
	s12 =	simm.s32 $0x1780;
	[sflag:s31] =	ssyncadd.s32 $0xFFFFE000  }
.LBB2_2:
0x65: {  	[spmem:s1] =	stream.indirect.scatter.add.f32 [tilespmem:s24], [sflag:$0x8], $0x80, s12, s18, $0xb8;
	[tilespmem:$0x1F480] =	vst v63  }
0x66: {  	s12 =	smov.u32 s10  }
0x67: {  	p1 =	sne.s32 s10, $0x9000;
	s10 =	sadd.s32 $0x800, s10;
	_ =	swait.ge [sflag:s2], $0x2000  }
0x68: {  	[sflag:s2] =	ssyncset.done $0x0  }
0x69: {  	[sflag:s2] =	ssyncadd.s32 $0xFFFFE000  }
0x6a: {  	[tilespmem:s19], [sflag:$0x1] =	stream.indirect.gather [hbm4b:s4+s18], $0x80, s11, s18, $0xb8;
	[tilespmem:$0x1F480] =	vst v63  }
0x6b: {  	_ =	swait.ge [sflag:s6], $0x2000  }
0x6c: {  	[sflag:s6] =	ssyncset.done $0x0  }
0x6d: {  	s21 =	sadd.s32 $0x40, s11;
	[sflag:s6] =	ssyncadd.s32 $0xFFFFE000  }
0x6e: {  	[tilespmem:s20], [sflag:$0x2] =	stream.indirect.gather [hbm4b:s4+s18], $0x80, s21, s18, $0xb8;
	[tilespmem:$0x1F480] =	vst v63  }
0x6f: {  	_ =	swait.ge [sflag:s7], $0x2000  }
0x70: {  	[sflag:s7] =	ssyncset.done $0x0  }
0x71: {  	s21 =	sadd.s32 $0x80, s11;
	[sflag:s7] =	ssyncadd.s32 $0xFFFFE000  }
0x72: {  	[tilespmem:s22], [sflag:$0x3] =	stream.indirect.gather [hbm4b:s4+s18], $0x80, s21, s18, $0xb8;
	[tilespmem:$0x1F480] =	vst v63  }
0x73: {  	_ =	swait.ge [sflag:s8], $0x2000  }
0x74: {  	[sflag:s8] =	ssyncset.done $0x0  }
0x75: {  	s21 =	sadd.s32 $0xC0, s11;
	[sflag:s8] =	ssyncadd.s32 $0xFFFFE000  }
0x76: {  	[tilespmem:s24], [sflag:$0x4] =	stream.indirect.gather [hbm4b:s4+s18], $0x80, s21, s18, $0xb8;
	[tilespmem:$0x1F480] =	vst v63  }
0x77: {  	_ =	swait.ge [sflag:s25], $0x2000  }
0x78: {  	s12 =	sshra.s32 s12, $0x2;
	[sflag:s25] =	ssyncset.done $0x0  }
0x79: {  	s21 =	sadd.s32 $0x1600, s12;
	[sflag:s25] =	ssyncadd.s32 $0xFFFFE000  }
0x7a: {  	[spmem:s1] =	stream.indirect.scatter.add.f32 [tilespmem:s19], [sflag:$0x5], $0x80, s21, s18, $0xb8;
	[tilespmem:$0x1F480] =	vst v63  }
0x7b: {  	_ =	swait.ge [sflag:s26], $0x2000  }
0x7c: {  	[sflag:s26] =	ssyncset.done $0x0  }
0x7d: {  	s21 =	sadd.s32 $0x1680, s12;
	[sflag:s26] =	ssyncadd.s32 $0xFFFFE000  }
0x7e: {  	[spmem:s1] =	stream.indirect.scatter.add.f32 [tilespmem:s20], [sflag:$0x6], $0x80, s21, s18, $0xb8;
	[tilespmem:$0x1F480] =	vst v63  }
0x7f: {  	_ =	swait.ge [sflag:s29], $0x2000  }
0x80: {  	[sflag:s29] =	ssyncset.done $0x0  }
.Ltmp0:
0x81: {  	s21 =	sadd.s32 $0x1700, s12;
	[sflag:s29] =	ssyncadd.s32 $0xFFFFE000;
	(pc) =	sbr.rel @p1 .LBB2_2-.Ltmp0, $4  }
0x82: {  	[spmem:s1] =	stream.indirect.scatter.add.f32 [tilespmem:s22], [sflag:$0x7], $0x80, s21, s18, $0xb8;
	[tilespmem:$0x1F480] =	vst v63  }
0x83: {  	_ =	swait.ge [sflag:s31], $0x2000  }
0x84: {  	[sflag:s31] =	ssyncset.done $0x0  }
0x85: {  	s11 =	sadd.s32 $0x100, s11;
	s12 =	sadd.s32 $0x1780, s12;
	[sflag:s31] =	ssyncadd.s32 $0xFFFFE000  }
0x86: {  	[spmem:s1] =	stream.indirect.scatter.add.f32 [tilespmem:s24], [sflag:$0x8], $0x80, s12, s18, $0xb8;
	[tilespmem:$0x1F480] =	vst v63  }
0x87: {  	_ =	swait.ge [sflag:s2], $0x2000  }
0x88: {  	[sflag:s2] =	ssyncset.done $0x0  }
0x89: {  	[sflag:s2] =	ssyncadd.s32 $0xFFFFE000  }
0x8a: {  	_ =	swait.ge [sflag:s6], $0x2000  }
0x8b: {  	[sflag:s6] =	ssyncset.done $0x0  }
0x8c: {  	[sflag:s6] =	ssyncadd.s32 $0xFFFFE000  }
0x8d: {  	_ =	swait.ge [sflag:s7], $0x2000  }
0x8e: {  	[sflag:s7] =	ssyncset.done $0x0  }
0x8f: {  	[sflag:s7] =	ssyncadd.s32 $0xFFFFE000  }
0x90: {  	_ =	swait.ge [sflag:s8], $0x2000  }
0x91: {  	[sflag:s8] =	ssyncset.done $0x0  }
0x92: {  	s10 =	simm.s32 $0x0;
	s11 =	rddreg [dreg:$0x6];
	[sflag:s8] =	ssyncadd.s32 $0xFFFFE000  }
0x93: {  	[tilespmem:s10], [sflag:$0x9] =	stream.linear.gather [hbm4b:s11+s10], $0x1400, $0x38;
	[tilespmem:$0x1F480] =	vst v63  }
0x94: {  	_ =	swait.ge [sflag:s16], $0x1400  }
0x95: {  	[sflag:s16] =	ssyncset.done $0x0  }
0x96: {  	s21 =	rddreg [dreg:$0x7];
	[sflag:s16] =	ssyncadd.s32 $0xFFFFEC00  }
0x97: {  	[tilespmem:s17], [sflag:$0x9] =	stream.linear.gather [hbm4b:s21+s10], $0x2800, $0x38;
	[tilespmem:$0x1F480] =	vst v63  }
0x98: {  	_ =	swait.ge [sflag:s16], $0x2800  }
0x99: {  	[sflag:s16] =	ssyncset.done $0x0  }
0x9a: {  	[sflag:s16] =	ssyncadd.s32 $0xFFFFD800  }
0x9b: {  	[tilespmem:s19], [sflag:$0x1] =	stream.indirect.gather [hbm4b:s4+s18], $0x80, s10, s18, $0xb8;
	[tilespmem:$0x1F480] =	vst v63  }
0x9c: {  	_ = 	snop  }
0x9d: {  	[tilespmem:s20], [sflag:$0x2] =	stream.indirect.gather [hbm4b:s4+s18], $0x80, s18, s18, $0xb8;
	[tilespmem:$0x1F480] =	vst v63  }
0x9e: {  	s12 =	simm.s32 $0x80  }
0x9f: {  	[tilespmem:s22], [sflag:$0x3] =	stream.indirect.gather [hbm4b:s4+s18], $0x80, s12, s18, $0xb8;
	[tilespmem:$0x1F480] =	vst v63  }
0xa0: {  	_ = 	snop  }
0xa1: {  	[tilespmem:s24], [sflag:$0x4] =	stream.indirect.gather [hbm4b:s4+s18], $0x80, s23, s18, $0xb8;
	[tilespmem:$0x1F480] =	vst v63  }
0xa2: {  	_ =	swait.ge [sflag:s25], $0x2000  }
0xa3: {  	[sflag:s25] =	ssyncset.done $0x0  }
0xa4: {  	[sflag:s25] =	ssyncadd.s32 $0xFFFFE000  }
0xa5: {  	[spmem:s1] =	stream.indirect.scatter.add.f32 [tilespmem:s19], [sflag:$0x5], $0x80, s17, s18, $0xb8;
	[tilespmem:$0x1F480] =	vst v63  }
0xa6: {  	_ =	swait.ge [sflag:s26], $0x2000  }
0xa7: {  	[sflag:s26] =	ssyncset.done $0x0  }
0xa8: {  	[sflag:s26] =	ssyncadd.s32 $0xFFFFE000  }
0xa9: {  	[spmem:s1] =	stream.indirect.scatter.add.f32 [tilespmem:s20], [sflag:$0x6], $0x80, s28, s18, $0xb8;
	[tilespmem:$0x1F480] =	vst v63  }
0xaa: {  	_ =	swait.ge [sflag:s29], $0x2000  }
0xab: {  	[sflag:s29] =	ssyncset.done $0x0  }
0xac: {  	[sflag:s29] =	ssyncadd.s32 $0xFFFFE000  }
0xad: {  	[spmem:s1] =	stream.indirect.scatter.add.f32 [tilespmem:s22], [sflag:$0x7], $0x80, s30, s18, $0xb8;
	[tilespmem:$0x1F480] =	vst v63  }
0xae: {  	_ =	swait.ge [sflag:s31], $0x2000  }
0xaf: {  	[sflag:s31] =	ssyncset.done $0x0  }
0xb0: {  	[sflag:s31] =	ssyncadd.s32 $0xFFFFE000  }
0xb1: {  	[spmem:s1] =	stream.indirect.scatter.add.f32 [tilespmem:s24], [sflag:$0x8], $0x80, s0, s18, $0xb8;
	[tilespmem:$0x1F480] =	vst v63  }
0xb2: {  	_ =	swait.ge [sflag:s2], $0x2000  }
0xb3: {  	[sflag:s2] =	ssyncset.done $0x0  }
0xb4: {  	s21 =	simm.s32 $0x100;
	[sflag:s2] =	ssyncadd.s32 $0xFFFFE000  }
0xb5: {  	[tilespmem:s19], [sflag:$0x1] =	stream.indirect.gather [hbm4b:s4+s18], $0x80, s21, s18, $0xb8;
	[tilespmem:$0x1F480] =	vst v63  }
0xb6: {  	_ =	swait.ge [sflag:s6], $0x2000  }
0xb7: {  	[sflag:s6] =	ssyncset.done $0x0  }
0xb8: {  	s11 =	simm.s32 $0x140;
	[sflag:s6] =	ssyncadd.s32 $0xFFFFE000  }
0xb9: {  	[tilespmem:s20], [sflag:$0x2] =	stream.indirect.gather [hbm4b:s4+s18], $0x80, s11, s18, $0xb8;
	[tilespmem:$0x1F480] =	vst v63  }
0xba: {  	_ =	swait.ge [sflag:s7], $0x2000  }
0xbb: {  	[sflag:s7] =	ssyncset.done $0x0  }
0xbc: {  	s12 =	simm.s32 $0x180;
	[sflag:s7] =	ssyncadd.s32 $0xFFFFE000  }
0xbd: {  	[tilespmem:s22], [sflag:$0x3] =	stream.indirect.gather [hbm4b:s4+s18], $0x80, s12, s18, $0xb8;
	[tilespmem:$0x1F480] =	vst v63  }
0xbe: {  	_ =	swait.ge [sflag:s8], $0x2000  }
0xbf: {  	[sflag:s8] =	ssyncset.done $0x0  }
0xc0: {  	s21 =	simm.s32 $0x1C0;
	[sflag:s8] =	ssyncadd.s32 $0xFFFFE000  }
0xc1: {  	[tilespmem:s24], [sflag:$0x4] =	stream.indirect.gather [hbm4b:s4+s18], $0x80, s21, s18, $0xb8;
	[tilespmem:$0x1F480] =	vst v63  }
0xc2: {  	_ =	swait.ge [sflag:s25], $0x2000  }
0xc3: {  	[sflag:s25] =	ssyncset.done $0x0  }
0xc4: {  	s11 =	simm.s32 $0x1600;
	[sflag:s25] =	ssyncadd.s32 $0xFFFFE000  }
0xc5: {  	[spmem:s1] =	stream.indirect.scatter.add.f32 [tilespmem:s19], [sflag:$0x5], $0x80, s11, s18, $0xb8;
	[tilespmem:$0x1F480] =	vst v63  }
0xc6: {  	_ =	swait.ge [sflag:s26], $0x2000  }
0xc7: {  	[sflag:s26] =	ssyncset.done $0x0  }
0xc8: {  	s12 =	simm.s32 $0x1680;
	[sflag:s26] =	ssyncadd.s32 $0xFFFFE000  }
0xc9: {  	[spmem:s1] =	stream.indirect.scatter.add.f32 [tilespmem:s20], [sflag:$0x6], $0x80, s12, s18, $0xb8;
	[tilespmem:$0x1F480] =	vst v63  }
0xca: {  	_ =	swait.ge [sflag:s29], $0x2000  }
0xcb: {  	[sflag:s29] =	ssyncset.done $0x0  }
0xcc: {  	s21 =	simm.s32 $0x1700;
	[sflag:s29] =	ssyncadd.s32 $0xFFFFE000  }
0xcd: {  	[spmem:s1] =	stream.indirect.scatter.add.f32 [tilespmem:s22], [sflag:$0x7], $0x80, s21, s18, $0xb8;
	[tilespmem:$0x1F480] =	vst v63  }
0xce: {  	_ =	swait.ge [sflag:s31], $0x2000  }
0xcf: {  	s10 =	simm.s32 $0x800;
	[sflag:s31] =	ssyncset.done $0x0  }
0xd0: {  	s11 =	simm.s32 $0x200;
	s12 =	simm.s32 $0x1780;
	[sflag:s31] =	ssyncadd.s32 $0xFFFFE000  }
.LBB2_4:
0xd1: {  	[spmem:s1] =	stream.indirect.scatter.add.f32 [tilespmem:s24], [sflag:$0x8], $0x80, s12, s18, $0xb8;
	[tilespmem:$0x1F480] =	vst v63  }
0xd2: {  	s12 =	smov.u32 s10  }
0xd3: {  	p1 =	sne.s32 s10, $0x9000;
	s10 =	sadd.s32 $0x800, s10;
	_ =	swait.ge [sflag:s2], $0x2000  }
0xd4: {  	[sflag:s2] =	ssyncset.done $0x0  }
0xd5: {  	[sflag:s2] =	ssyncadd.s32 $0xFFFFE000  }
0xd6: {  	[tilespmem:s19], [sflag:$0x1] =	stream.indirect.gather [hbm4b:s4+s18], $0x80, s11, s18, $0xb8;
	[tilespmem:$0x1F480] =	vst v63  }
0xd7: {  	_ =	swait.ge [sflag:s6], $0x2000  }
0xd8: {  	[sflag:s6] =	ssyncset.done $0x0  }
0xd9: {  	s21 =	sadd.s32 $0x40, s11;
	[sflag:s6] =	ssyncadd.s32 $0xFFFFE000  }
0xda: {  	[tilespmem:s20], [sflag:$0x2] =	stream.indirect.gather [hbm4b:s4+s18], $0x80, s21, s18, $0xb8;
	[tilespmem:$0x1F480] =	vst v63  }
0xdb: {  	_ =	swait.ge [sflag:s7], $0x2000  }
0xdc: {  	[sflag:s7] =	ssyncset.done $0x0  }
0xdd: {  	s21 =	sadd.s32 $0x80, s11;
	[sflag:s7] =	ssyncadd.s32 $0xFFFFE000  }
0xde: {  	[tilespmem:s22], [sflag:$0x3] =	stream.indirect.gather [hbm4b:s4+s18], $0x80, s21, s18, $0xb8;
	[tilespmem:$0x1F480] =	vst v63  }
0xdf: {  	_ =	swait.ge [sflag:s8], $0x2000  }
0xe0: {  	[sflag:s8] =	ssyncset.done $0x0  }
0xe1: {  	s21 =	sadd.s32 $0xC0, s11;
	[sflag:s8] =	ssyncadd.s32 $0xFFFFE000  }
0xe2: {  	[tilespmem:s24], [sflag:$0x4] =	stream.indirect.gather [hbm4b:s4+s18], $0x80, s21, s18, $0xb8;
	[tilespmem:$0x1F480] =	vst v63  }
0xe3: {  	_ =	swait.ge [sflag:s25], $0x2000  }
0xe4: {  	s12 =	sshra.s32 s12, $0x2;
	[sflag:s25] =	ssyncset.done $0x0  }
0xe5: {  	s21 =	sadd.s32 $0x1600, s12;
	[sflag:s25] =	ssyncadd.s32 $0xFFFFE000  }
0xe6: {  	[spmem:s1] =	stream.indirect.scatter.add.f32 [tilespmem:s19], [sflag:$0x5], $0x80, s21, s18, $0xb8;
	[tilespmem:$0x1F480] =	vst v63  }
0xe7: {  	_ =	swait.ge [sflag:s26], $0x2000  }
0xe8: {  	[sflag:s26] =	ssyncset.done $0x0  }
0xe9: {  	s21 =	sadd.s32 $0x1680, s12;
	[sflag:s26] =	ssyncadd.s32 $0xFFFFE000  }
0xea: {  	[spmem:s1] =	stream.indirect.scatter.add.f32 [tilespmem:s20], [sflag:$0x6], $0x80, s21, s18, $0xb8;
	[tilespmem:$0x1F480] =	vst v63  }
0xeb: {  	_ =	swait.ge [sflag:s29], $0x2000  }
0xec: {  	[sflag:s29] =	ssyncset.done $0x0  }
.Ltmp1:
0xed: {  	s21 =	sadd.s32 $0x1700, s12;
	[sflag:s29] =	ssyncadd.s32 $0xFFFFE000;
	(pc) =	sbr.rel @p1 .LBB2_4-.Ltmp1, $4  }
0xee: {  	[spmem:s1] =	stream.indirect.scatter.add.f32 [tilespmem:s22], [sflag:$0x7], $0x80, s21, s18, $0xb8;
	[tilespmem:$0x1F480] =	vst v63  }
0xef: {  	_ =	swait.ge [sflag:s31], $0x2000  }
0xf0: {  	[sflag:s31] =	ssyncset.done $0x0  }
0xf1: {  	s11 =	sadd.s32 $0x100, s11;
	s12 =	sadd.s32 $0x1780, s12;
	[sflag:s31] =	ssyncadd.s32 $0xFFFFE000  }
0xf2: {  	[spmem:s1] =	stream.indirect.scatter.add.f32 [tilespmem:s24], [sflag:$0x8], $0x80, s12, s18, $0xb8;
	[tilespmem:$0x1F480] =	vst v63  }
0xf3: {  	_ =	swait.ge [sflag:s2], $0x2000  }
0xf4: {  	[sflag:s2] =	ssyncset.done $0x0  }
0xf5: {  	[sflag:s2] =	ssyncadd.s32 $0xFFFFE000  }
0xf6: {  	_ =	swait.ge [sflag:s6], $0x2000  }
0xf7: {  	[sflag:s6] =	ssyncset.done $0x0  }
0xf8: {  	[sflag:s6] =	ssyncadd.s32 $0xFFFFE000  }
0xf9: {  	_ =	swait.ge [sflag:s7], $0x2000  }
0xfa: {  	[sflag:s7] =	ssyncset.done $0x0  }
0xfb: {  	[sflag:s7] =	ssyncadd.s32 $0xFFFFE000  }
0xfc: {  	_ =	swait.ge [sflag:s8], $0x2000  }
0xfd: {  	[sflag:s8] =	ssyncset.done $0x0  }
0xfe: {  	[sflag:s8] =	ssyncadd.s32 $0xFFFFE000  }
0xff: {  	[bflag:$0x0] =	sbarrier.arrive $0xFFFF  }
0x100: {  	s10 =	simm.s32 @p0 $0x1FC9;
	s11 =	rddreg [dreg:$0x9]  }
0x101: {  	[hbm:s11], [sflag:s10] =	dma.local @p0 [spmem:s13], $0x2800  }
0x102: {  	s10 =	simm.s32 @p0 $0x9  }
0x103: {  	_ =	swait.ge @p0 [sflag:s10], $0x2800  }
0x104: {  	[sflag:s10] =	ssyncset.done @p0 $0x0  }
0x105: {  	[sflag:s10] =	ssyncadd.s32 @p0 $0xFFFFD800;
	s10 =	rddreg [dreg:$0x8]  }
0x106: {  	[hbm:s10], [sflag:s14] =	dma.local @!p0 [spmem:s15], $0x2700  }
0x107: {  	s10 =	simm.s32 @!p0 $0x9  }
0x108: {  	_ =	swait.ge @!p0 [sflag:s10], $0x2700  }
0x109: {  	s9 =	sadd.s32 $0x1, s9;
	s21 =	rddreg [dreg:$0xa]  }
0x10a: {  	p1 =	sne.s32 s9, s21  }
.Ltmp2:
0x10b: {  	_ = 	snop;
	(pc) =	sbr.rel @p1 .LBB2_1-.Ltmp2, $3  }
0x10c: {  	_ =	sdelay $0x1  }
0x10d: {  	[sflag:s10] =	ssyncset.done @!p0 $0x0  }
0x10e: {  	[sflag:s10] =	ssyncadd.s32 @!p0 $0xFFFFD900  }
0x10f: {  	_ =	sfence.sel $0x180000  }
0x110: {  	[bflag:$0x0] =	sbarrier.arrive $0xFFFF  }
0x111: {  	_ =	strace $0x9000004A  }
0x112: {  	s0 =	stileid.u32;
	[bflag:$0x2] =	sbarrier.arrive $0xFFFF  }
0x113: {  	p0 =	sne.s32 s0, $0x0;
	s0 =	rddreg [dreg:$0x3]  }
0x114: {  	s0 =	sadd.s32 @!p0 $0x100000, s0  }
0x115: {  	[sflag:s0] =	ssyncadd.tile.s32 @!p0 $0x1;
	_ =	shalt  }
.Lfunc_end2:
_tile_overlayer_lowered:
.L_overlay_start_2:
0x116: {  	(tag) =	ssettag $0x2  }
0x117: {  	s0 =	rddreg [dreg:$0x0];
	s2 =	stileid.u32  }
0x118: {  	s1 =	rddreg [dreg:$0x1];
	p0 =	sne.s32 s2, $0x0  }
0x119: {  	s3 =	rddreg [dreg:$0x2];
	[bflag:$0x3] =	sbarrier.arrive $0xFFFF;
	s2 =	simm.s32 @!p0 $0x1C09  }
0x11a: {  	[timem:s3], [sflag:s2] =	dma.local @!p0 [hbm:s0], s1  }
0x11b: {  	s0 =	simm.s32 @!p0 $0x9  }
0x11c: {  	_ =	swait.ge @!p0 [sflag:s0], s1  }
0x11d: {  	s1 =	ssub.s32 @!p0 $0x0, s1;
	[sflag:s0] =	ssyncset.done @!p0 $0x0  }
0x11e: {  	[sflag:s0] =	ssyncadd.s32 @!p0 s1  }
0x11f: {  	[bflag:$0x3] =	sbarrier.arrive $0xFFFF  }
0x120: {  	_ =	shalt  }

// kernel: kernel.15.cloned.1.call-start
scs
__scs_entry_jumppad:
0x0: {  	(pc) =	sbr.rel $0x88, $3  }
0x1: {  	(tag) =	ssettag $0x0;
	lr =	simm.s32 $0x1  }
0x2: {  	[smem:$0x3F98] =	sst lr;
	_ =	strace $0xD0000000  }
0x3: {  	_ = 	snop  }
0x4: {  	_ = 	snop  }
0x5: {  	_ = 	snop  }
0x6: {  	_ = 	snop  }
0x7: {  	_ = 	snop  }
__scs_overlays_trampoline_lowered:
0x8: {  	[smem:$0x3FA7] =	sst s0  }
0x9: {  	[smem:$0x3FA8] =	sst s1  }
0xa: {  	[smem:$0x3FA9] =	sst s2  }
0xb: {  	[smem:$0x3FAA] =	sst s3  }
0xc: {  	[smem:$0x3FAB] =	sst s4  }
0xd: {  	[smem:$0x3FAC] =	sst s5  }
0xe: {  	[smem:$0x3FAD] =	sst s6  }
0xf: {  	[smem:$0x3FAE] =	sst s7  }
0x10: {  	[smem:$0x3FAF] =	sst s8  }
0x11: {  	[smem:$0x3FB0] =	sst s9;
	s0 =	simm.s32 @!p0 $0x0  }
0x12: {  	s1 =	sld [smem:$0x3F96];
	s0 =	simm.s32 @p0 $0x1  }
0x13: {  	[smem:$0x3FB1] =	sst s0;
	s0 =	simm.s32 @!p1 $0x0  }
0x14: {  	s2 =	sld [smem:$0x3F95];
	s0 =	simm.s32 @p1 $0x1  }
0x15: {  	[smem:$0x3FB2] =	sst s0;
	s0 =	simm.s32 @!p2 $0x0  }
0x16: {  	s3 =	sld [smem:$0x3FDB];
	s0 =	simm.s32 @p2 $0x1  }
0x17: {  	s4 =	simm.s32 $0x1BF5;
	[smem:$0x3FB4] =	sst s0  }
0x18: {  	s0 =	sld [smem:$0x3F97];
	_ =	swait.ge [sflag:s4], $0x0  }
0x19: {  	s7 =	sld [smem:$0x3F98]  }
0x1a: {  	s8 =	sadd.s32 $0xFFFFE003, lr  }
0x1b: {  	s9 =	sadd.s32 $0xFFFFFEF7, lr;
	s5 =	simm.s32 $0xFFFFFFFF;
	p2 =	slt.u32 s8, $0xFFFFF086  }
0x1c: {  	p1 =	slt.u32 s9, $0xF7A;
	s5 =	simm.s32 @!p2 $0x0  }
0x1d: {  	s5 =	simm.s32 @p1 $0x1;
	p0 =	seq.s32 s7, s2  }
0x1e: {  	s7 =	smul.u32 @!p0 $0xF7A, s2;
	p2 =	seq.s32 @!p0 s5, $0x0  }
0x1f: {  	s9 =	smul.u32 $0xF7A, s1;
	s8 =	simm.s32 @!p0 $0x1BF5;
	p2 =	por !p2, p0  }
0x20: {  	[sflag:s8] =	ssyncset.s32 @!p0 $0xFFFFF086;
	s6 =	sadd.s32 @!p0 s3, s7;
	s7 =	simm.s32 @!p0 $0x108  }
0x21: {  	s3 =	sadd.s32 s3, s9;
	s6 =	sadd.s32 @!p0 $0x88, s6;
	s7 =	simm.s32 @p2 $0x1082  }
0x22: {  	[simem:s7], [sflag:s8] =	dma.local @!p0 [hbm:s6], $0xF7A  }
0x23: {  	s9 =	sor.u32 $0xD0000000, s2;
	s6 =	simm.s32 $0x108;
	_ =	swait.ge @!p0 [sflag:s8], $0x0  }
0x24: {  	s3 =	sadd.s32 $0x88, s3;
	s6 =	simm.s32 @!p1 $0x1082;
	[sflag:s4] =	ssyncset.s32 $0xFFFFF086  }
0x25: {  	[simem:s6], [sflag:s4] =	dma.local [hbm:s3], $0xF7A  }
0x26: {  	[smem:$0x3F98] =	sst s1;
	(tag) =	ssettag s2;
	_ =	strace s9  }
0x27: {  	s1 =	sld [smem:$0x3FA8]  }
0x28: {  	s2 =	sld [smem:$0x3FA9]  }
0x29: {  	s4 =	sld [smem:$0x3FAB]  }
0x2a: {  	p0 =	seq.s32 s5, $0x0;
	s5 =	sld [smem:$0x3FAC]  }
0x2b: {  	s6 =	sld [smem:$0x3FAD]  }
0x2c: {  	s7 =	sld [smem:$0x3FAE]  }
0x2d: {  	s3 =	simm.s32 $0x108;
	s8 =	sld [smem:$0x3FAF]  }
0x2e: {  	s3 =	simm.s32 @!p0 $0x1082;
	s9 =	sld [smem:$0x3FB0]  }
0x2f: {  	lr =	sadd.s32 s0, s3;
	s0 =	sld [smem:$0x3FA7]  }
0x30: {  	s3 =	sld [smem:$0x3FAA]  }
0x31: {  	[smem:$0x3FB3] =	sst s10  }
0x32: {  	s10 =	sld [smem:$0x3FB1];
	_ =	sdelay $0x3  }
0x33: {  	p0 =	seq.s32 s10, $0x1;
	s10 =	sld [smem:$0x3FB3];
	_ =	sdelay $0x3  }
0x34: {  	[smem:$0x3FB3] =	sst s10  }
0x35: {  	s10 =	sld [smem:$0x3FB2];
	_ =	sdelay $0x3  }
0x36: {  	p1 =	seq.s32 s10, $0x1;
	s10 =	sld [smem:$0x3FB3];
	_ =	sdelay $0x3  }
0x37: {  	[smem:$0x3FB3] =	sst s10  }
0x38: {  	s10 =	sld [smem:$0x3FB4]  }
0x39: {  	_ = 	snop;
	(pc) =	sbr.ind lr, $3  }
0x3a: {  	_ = 	snop  }
0x3b: {  	_ = 	snop  }
0x3c: {  	p2 =	seq.s32 s10, $0x1;
	s10 =	sld [smem:$0x3FB3]  }
0x3d: {  	_ =	shalt  }
0x3e: {  	_ =	shalt  }
0x3f: {  	_ =	shalt  }
0x40: {  	_ =	shalt  }
0x41: {  	_ =	shalt  }
0x42: {  	_ =	shalt  }
0x43: {  	_ =	shalt  }
0x44: {  	_ =	shalt  }
0x45: {  	_ =	shalt  }
0x46: {  	_ =	shalt  }
0x47: {  	_ =	shalt  }
0x48: {  	_ =	shalt  }
0x49: {  	_ =	shalt  }
0x4a: {  	_ =	shalt  }
0x4b: {  	_ =	shalt  }
0x4c: {  	_ =	shalt  }
0x4d: {  	_ =	shalt  }
0x4e: {  	_ =	shalt  }
0x4f: {  	_ =	shalt  }
0x50: {  	_ =	shalt  }
0x51: {  	_ =	shalt  }
0x52: {  	_ =	shalt  }
0x53: {  	_ =	shalt  }
0x54: {  	_ =	shalt  }
0x55: {  	_ =	shalt  }
0x56: {  	_ =	shalt  }
0x57: {  	_ =	shalt  }
0x58: {  	_ =	shalt  }
0x59: {  	_ =	shalt  }
0x5a: {  	_ =	shalt  }
0x5b: {  	_ =	shalt  }
0x5c: {  	_ =	shalt  }
0x5d: {  	_ =	shalt  }
0x5e: {  	_ =	shalt  }
0x5f: {  	_ =	shalt  }
0x60: {  	_ =	shalt  }
0x61: {  	_ =	shalt  }
0x62: {  	_ =	shalt  }
0x63: {  	_ =	shalt  }
0x64: {  	_ =	shalt  }
0x65: {  	_ =	shalt  }
0x66: {  	_ =	shalt  }
0x67: {  	_ =	shalt  }
0x68: {  	_ =	shalt  }
0x69: {  	_ =	shalt  }
0x6a: {  	_ =	shalt  }
0x6b: {  	_ =	shalt  }
0x6c: {  	_ =	shalt  }
0x6d: {  	_ =	shalt  }
0x6e: {  	_ =	shalt  }
0x6f: {  	_ =	shalt  }
0x70: {  	_ =	shalt  }
0x71: {  	_ =	shalt  }
0x72: {  	_ =	shalt  }
0x73: {  	_ =	shalt  }
0x74: {  	_ =	shalt  }
0x75: {  	_ =	shalt  }
0x76: {  	_ =	shalt  }
0x77: {  	_ =	shalt  }
0x78: {  	_ =	shalt  }
0x79: {  	_ =	shalt  }
0x7a: {  	_ =	shalt  }
0x7b: {  	_ =	shalt  }
0x7c: {  	_ =	shalt  }
0x7d: {  	_ =	shalt  }
0x7e: {  	_ =	shalt  }
0x7f: {  	_ =	shalt  }
0x80: {  	_ =	shalt  }
0x81: {  	_ =	shalt  }
0x82: {  	_ =	shalt  }
0x83: {  	_ =	shalt  }
0x84: {  	_ =	shalt  }
0x85: {  	_ =	shalt  }
0x86: {  	_ =	shalt  }
0x87: {  	_ =	shalt  }
.Lfunc_end0:
.L_simem_size_0:
called_computation.2_lowered:
.L_overlay_start_0:
0x88: {  	s2 =	sld [smem:$0x3FD9]  }
0x89: {  	s3 =	sld [smem:$0x3FFE];
	_ =	sdelay $0x1  }
0x8a: {  	s1 =	srdreg.scid  }
0x8b: {  	s0 =	sand.u32 $0x1, s1  }
0x8c: {  	s17 =	sshll.u32 s0, $0xA;
	s2 =	sadd.s32 s3, s2  }
0x8d: {  	s2 =	sadd.s32 s2, s17  }
0x8e: {  	[smem:$0x3FBF] =	sst s2  }
0x8f: {  	_ = 	snop  }
0x90: {  	s2 =	sld [smem:$0x3FD0];
	(tm) =	ssettm $0x1  }
0x91: {  	s18 =	sld [smem:$0x3FFB];
	_ =	sdelay $0x3  }
0x92: {  	_ =	strace s18  }
0x93: {  	s3 =	sld [smem:$0x3FFC];
	_ =	sdelay $0x3  }
0x94: {  	_ =	strace s3  }
0x95: {  	s3 =	sld [smem:$0x3FFD];
	_ =	sdelay $0x3  }
0x96: {  	_ =	strace s3  }
0x97: {  	_ =	strace $0x8FFFFFFF  }
0x98: {  	s19 =	sld [smem:$0x3FDB];
	_ =	sdelay $0x1  }
0x99: {  	s4 =	simm.s32 $_scs_section_size  }
0x9a: {  	s5 =	simm.s32 $_size__tile_overlayer_lowered;
	s6 =	simm.s32 $_tile_overlayer_lowered  }
0x9b: {  	s22 =	simm.s32 $0x1BFF;
	s21 =	sshll.u32 s6, $0x1;
	s3 =	sadd.s32 s4, s19  }
0x9c: {  	s7 =	simm.s32 $0x0;
	s20 =	sshll.u32 s5, $0x1;
	s5 =	sadd.s32 s21, s3  }
0x9d: {  	[timem:s7], [sflag:s22] =	dma.local [hbm:s5], s20  }
0x9e: {  	_ =	swait.ge [sflag:s22], s20  }
0x9f: {  	s4 =	ssub.s32 $0x0, s20;
	[sflag:s22] =	ssyncset.done $0x0  }
0xa0: {  	[sflag:s22] =	ssyncadd.s32 s4;
	_ =	sdelay $0x1  }
0xa1: {  	s23 =	simm.s32 $0x1B8B  }
0xa2: {  	_ =	swait.ge [sflag:s23], $0x1  }
0xa3: {  	[sflag:s23] =	ssyncset.done $0x0  }
0xa4: {  	s25 =	simm.s32 $0x1B8E;
	s24 =	sld [smem:$0x3FFE];
	[sflag:s23] =	ssyncadd.s32 $0xFFFFFFFF  }
0xa5: {  	s26 =	simm.s32 $execute0_lowered;
	[smem:$0x3FD2] =	sst s25  }
0xa6: {  	s5 =	sshll.u32 s26, $0x1;
	_ =	strace $0x8000004C;
	[dreg:$0x1] =	wrdreg $0xFFFFFFFF  }
0xa7: {  	s28 =	simm.s32 $_size_execute0_lowered;
	s3 =	sadd.s32 s3, s5;
	[dreg:$0x0] =	wrdreg $0x0  }
0xa8: {  	s5 =	sshll.u32 s28, $0x1;
	[dreg:$0x2] =	wrdreg s3  }
0xa9: {  	[dreg:$0x3] =	wrdreg s5  }
0xaa: {  	[dreg:$0x4] =	wrdreg $0xC0  }
0xab: {  	_ =	task [dreg:s7], $0x5FFFF  }
0xac: {  	[dreg:$0x1] =	wrdreg $0xFFFFFFFF  }
0xad: {  	[dreg:$0x0] =	wrdreg $0x60  }
0xae: {  	[dreg:$0x2] =	wrdreg s24  }
0xaf: {  	[dreg:$0x3] =	wrdreg s2  }
0xb0: {  	[dreg:$0x4] =	wrdreg $0xBC000  }
0xb1: {  	[dreg:$0x5] =	wrdreg $0x9  }
0xb2: {  	_ =	task.clear_ibuf [dreg:s7], $0x6FFFF;
	_ =	strace $0x9000004C  }
0xb3: {  	s29 =	simm.s32 $0x9;
	_ =	strace $0x8000004E  }
0xb4: {  	_ =	swait.ge [sflag:s29], $0x1  }
0xb5: {  	[sflag:s29] =	ssyncadd.s32 $0xFFFFFFFF  }
0xb6: {  	_ =	strace $0x9000004E  }
0xb7: {  	_ =	sfence  }
0xb8: {  	s30 =	sld [smem:$0x0];
	_ =	sdelay $0x2  }
0xb9: {  	s31 =	sshll.u32 s1, $0xD;
	s1 =	sshrl.u32 s1, $0x2  }
0xba: {  	s3 =	sand.u32 $0x4000, s31;
	s1 =	sadd.s32 s1, s30  }
0xbb: {  	s0 =	sor.u32 s3, s0;
	s1 =	sshll.u32 s1, $0x11  }
0xbc: {  	s0 =	sor.u32 s1, s0  }
0xbd: {  	s0 =	sadd.s32 $0x8F2B, s0  }
0xbe: {  	[sflag:s0] =	ssyncadd.remote.s32 $0x1  }
0xbf: {  	_ =	sfence.sel $0xFFFF  }
0xc0: {  	[dreg:$0x0] =	wrdreg $0xFFFFFFFF;
	(pc) =	sbr.abs _section_cstart, $3  }
0xc1: {  	[dreg:$0x1] =	wrdreg $0xFFFFFFFF  }
0xc2: {  	_ =	task.clear_ibuf [dreg:s7], $0x2FFFF;
	_ =	strace $0x9FFFFFFF  }
0xc3: {  	(tm) =	ssettm $0x7FFFFFFF  }
tec
execute0_lowered:
.L_overlay_start_1:
0x0: {  	(tag) =	ssettag $0x1  }
0x1: {  	s0 =	rddreg [dreg:$0x0]  }
0x2: {  	s2 =	rddreg [dreg:$0x1]  }
0x3: {  	s1 =	rddreg [dreg:$0x2];
	s3 =	simm.s32 $0x0  }
0x4: {  	s4 =	srdreg.scid;
	s15 =	stileid.u32;
	s16 =	simm.s32 $0x9  }
0x5: {  	s17 =	simm.s32 $0x1400;
	s18 =	simm.s32 $0x40;
	s19 =	simm.s32 $0x3C00  }
0x6: {  	s20 =	simm.s32 $0x5C00;
	s28 =	simm.s32 $0x1480;
	s29 =	simm.s32 $0x3  }
0x7: {  	s30 =	simm.s32 $0x1500;
	s31 =	simm.s32 $0x4;
	[smem:$0x7FF] =	sst s3  }
0x8: {  	s6 =	sand.u32 $0x1, s4;
	s5 =	sshll.u32 s15, $0x1;
	s8 =	smul.u32 $0x4E000, s15  }
0x9: {  	s4 =	sadd.s32 $0x16200, s0;
	s9 =	sadd.s32 $0x2200, s0;
	s14 =	smul.u32 $0x13800, s15  }
0xa: {  	s7 =	sor.u32 s6, s5;
	s11 =	ssub.s32 $0x2, s6;
	s6 =	smul.u32 $0x138800, s6  }
0xb: {  	p0 =	seq.s32 s15, $0xF;
	_ =	strace $0x8000004D;
	s10 =	smul.u32 $0xA0, s7  }
0xc: {  	s5 =	sadd.s32 $0x3F200, s0;
	s0 =	sadd.s32 $0x41A00, s0;
	s12 =	smul.u32 $0x500, s7  }
0xd: {  	s13 =	sshrl.u32 s11, $0x1;
	s8 =	sshrl.u32 s8, $0x2;
	s7 =	smul.u32 $0xA00, s7  }
0xe: {  	s11 =	ssub.s32 s11, s13;
	s8 =	sadd.s32 s8, s1;
	s13 =	sadd.s32 $0x124800, s1  }
0xf: {  	s24 =	sadd.s32 s14, s6;
	s6 =	sshrl.u32 s6, $0x3;
	s10 =	sadd.s32 $0x50, s10  }
0x10: {  	s12 =	sadd.s32 s2, s12;
	s7 =	sadd.s32 s9, s7;
	s25 =	sshrl.u32 s24, $0x3  }
0x11: {  	s26 =	smax.u32 s11, $0x1;
	s13 =	sshrl.u32 @p0 s13, $0x3;
	[dreg:$0x4] =	wrdreg s12  }
0x12: {  	s24 =	simm.s32 $0x9C00;
	[dreg:$0x5] =	wrdreg s7;
	s22 =	sshll.u32 s10, $0x3  }
0x13: {  	s23 =	sshll.u32 s10, $0x4;
	[dreg:$0xa] =	wrdreg s26;
	s26 =	simm.s32 $0x2  }
0x14: {  	s7 =	simm.s32 $0x7;
	s2 =	sadd.s32 s2, s22;
	s22 =	simm.s32 $0x7C00  }
0x15: {  	[dreg:$0x6] =	wrdreg s2;
	s2 =	sadd.s32 s9, s23;
	s23 =	simm.s32 $0xC0  }
0x16: {  	s9 =	simm.s32 $0x0;
	[dreg:$0x7] =	wrdreg s2;
	s2 =	sadd.s32 s0, s25  }
0x17: {  	s0 =	sadd.s32 s0, s6;
	s25 =	simm.s32 $0x1;
	s6 =	simm.s32 $0x6  }
0x18: {  	[dreg:$0x8] =	wrdreg s2;
	s0 =	sadd.s32 $0x24900, s0;
	s2 =	simm.s32 $0x5  }
0x19: {  	[dreg:$0x9] =	wrdreg s0;
	s0 =	sshll.u32 @!p0 s15, $0x6;
	s15 =	sshrl.u32 @!p0 s8, $0x3  }
0x1a: {  	s8 =	simm.s32 $0x8;
	s14 =	sor.u32 @!p0 $0x1C09, s0;
	s0 =	simm.s32 $0x1580  }
.LBB2_1:
0x1b: {  	s10 =	simm.s32 @p0 $0x1FC9  }
0x1c: {  	[spmem:s13], [sflag:s10] =	dma.local @p0 [hbm:s5], $0x2800  }
0x1d: {  	s10 =	simm.s32 @p0 $0x9  }
0x1e: {  	_ =	swait.ge @p0 [sflag:s10], $0x2800  }
0x1f: {  	[sflag:s10] =	ssyncset.done @p0 $0x0  }
0x20: {  	[sflag:s10] =	ssyncadd.s32 @p0 $0xFFFFD800;
	s10 =	simm.s32 @!p0 $0x9  }
0x21: {  	[spmem:s15], [sflag:s14] =	dma.local @!p0 [hbm:s5], $0x2700  }
0x22: {  	_ =	swait.ge @!p0 [sflag:s10], $0x2700  }
0x23: {  	[sflag:s10] =	ssyncset.done @!p0 $0x0  }
0x24: {  	[sflag:s10] =	ssyncadd.s32 @!p0 $0xFFFFD900  }
0x25: {  	[bflag:$0x0] =	sbarrier.arrive $0xFFFF  }
0x26: {  	s21 =	rddreg [dreg:$0x4]  }
0x27: {  	[tilespmem:s3], [sflag:$0x9] =	stream.linear.gather [hbm4b:s21+s3], $0x1400, $0x38;
	[tilespmem:$0x1F480] =	vst v63  }
0x28: {  	_ =	swait.ge [sflag:s16], $0x1400  }
0x29: {  	[sflag:s16] =	ssyncset.done $0x0  }
0x2a: {  	s11 =	rddreg [dreg:$0x5];
	[sflag:s16] =	ssyncadd.s32 $0xFFFFEC00  }
0x2b: {  	[tilespmem:s17], [sflag:$0x9] =	stream.linear.gather [hbm4b:s11+s3], $0x2800, $0x38;
	[tilespmem:$0x1F480] =	vst v63  }
0x2c: {  	_ =	swait.ge [sflag:s16], $0x2800  }
0x2d: {  	[sflag:s16] =	ssyncset.done $0x0  }
0x2e: {  	[sflag:s16] =	ssyncadd.s32 $0xFFFFD800  }
0x2f: {  	[tilespmem:s19], [sflag:$0x1] =	stream.indirect.gather [hbm4b:s4+s18], $0x80, s3, s18, $0xb8;
	[tilespmem:$0x1F480] =	vst v63  }
0x30: {  	_ = 	snop  }
0x31: {  	[tilespmem:s20], [sflag:$0x2] =	stream.indirect.gather [hbm4b:s4+s18], $0x80, s18, s18, $0xb8;
	[tilespmem:$0x1F480] =	vst v63  }
0x32: {  	s12 =	simm.s32 $0x80  }
0x33: {  	[tilespmem:s22], [sflag:$0x3] =	stream.indirect.gather [hbm4b:s4+s18], $0x80, s12, s18, $0xb8;
	[tilespmem:$0x1F480] =	vst v63  }
0x34: {  	_ = 	snop  }
0x35: {  	[tilespmem:s24], [sflag:$0x4] =	stream.indirect.gather [hbm4b:s4+s18], $0x80, s23, s18, $0xb8;
	[tilespmem:$0x1F480] =	vst v63  }
0x36: {  	_ =	swait.ge [sflag:s25], $0x2000  }
0x37: {  	[sflag:s25] =	ssyncset.done $0x0  }
0x38: {  	[sflag:s25] =	ssyncadd.s32 $0xFFFFE000  }
0x39: {  	[spmem:s1] =	stream.indirect.scatter.add.f32 [tilespmem:s19], [sflag:$0x5], $0x80, s17, s18, $0xb8;
	[tilespmem:$0x1F480] =	vst v63  }
0x3a: {  	_ =	swait.ge [sflag:s26], $0x2000  }
0x3b: {  	[sflag:s26] =	ssyncset.done $0x0  }
0x3c: {  	[sflag:s26] =	ssyncadd.s32 $0xFFFFE000  }
0x3d: {  	[spmem:s1] =	stream.indirect.scatter.add.f32 [tilespmem:s20], [sflag:$0x6], $0x80, s28, s18, $0xb8;
	[tilespmem:$0x1F480] =	vst v63  }
0x3e: {  	_ =	swait.ge [sflag:s29], $0x2000  }
0x3f: {  	[sflag:s29] =	ssyncset.done $0x0  }
0x40: {  	[sflag:s29] =	ssyncadd.s32 $0xFFFFE000  }
0x41: {  	[spmem:s1] =	stream.indirect.scatter.add.f32 [tilespmem:s22], [sflag:$0x7], $0x80, s30, s18, $0xb8;
	[tilespmem:$0x1F480] =	vst v63  }
0x42: {  	_ =	swait.ge [sflag:s31], $0x2000  }
0x43: {  	[sflag:s31] =	ssyncset.done $0x0  }
0x44: {  	[sflag:s31] =	ssyncadd.s32 $0xFFFFE000  }
0x45: {  	[spmem:s1] =	stream.indirect.scatter.add.f32 [tilespmem:s24], [sflag:$0x8], $0x80, s0, s18, $0xb8;
	[tilespmem:$0x1F480] =	vst v63  }
0x46: {  	_ =	swait.ge [sflag:s2], $0x2000  }
0x47: {  	[sflag:s2] =	ssyncset.done $0x0  }
0x48: {  	s21 =	simm.s32 $0x100;
	[sflag:s2] =	ssyncadd.s32 $0xFFFFE000  }
0x49: {  	[tilespmem:s19], [sflag:$0x1] =	stream.indirect.gather [hbm4b:s4+s18], $0x80, s21, s18, $0xb8;
	[tilespmem:$0x1F480] =	vst v63  }
0x4a: {  	_ =	swait.ge [sflag:s6], $0x2000  }
0x4b: {  	[sflag:s6] =	ssyncset.done $0x0  }
0x4c: {  	s11 =	simm.s32 $0x140;
	[sflag:s6] =	ssyncadd.s32 $0xFFFFE000  }
0x4d: {  	[tilespmem:s20], [sflag:$0x2] =	stream.indirect.gather [hbm4b:s4+s18], $0x80, s11, s18, $0xb8;
	[tilespmem:$0x1F480] =	vst v63  }
0x4e: {  	_ =	swait.ge [sflag:s7], $0x2000  }
0x4f: {  	[sflag:s7] =	ssyncset.done $0x0  }
0x50: {  	s12 =	simm.s32 $0x180;
	[sflag:s7] =	ssyncadd.s32 $0xFFFFE000  }
0x51: {  	[tilespmem:s22], [sflag:$0x3] =	stream.indirect.gather [hbm4b:s4+s18], $0x80, s12, s18, $0xb8;
	[tilespmem:$0x1F480] =	vst v63  }
0x52: {  	_ =	swait.ge [sflag:s8], $0x2000  }
0x53: {  	[sflag:s8] =	ssyncset.done $0x0  }
0x54: {  	s21 =	simm.s32 $0x1C0;
	[sflag:s8] =	ssyncadd.s32 $0xFFFFE000  }
0x55: {  	[tilespmem:s24], [sflag:$0x4] =	stream.indirect.gather [hbm4b:s4+s18], $0x80, s21, s18, $0xb8;
	[tilespmem:$0x1F480] =	vst v63  }
0x56: {  	_ =	swait.ge [sflag:s25], $0x2000  }
0x57: {  	[sflag:s25] =	ssyncset.done $0x0  }
0x58: {  	s11 =	simm.s32 $0x1600;
	[sflag:s25] =	ssyncadd.s32 $0xFFFFE000  }
0x59: {  	[spmem:s1] =	stream.indirect.scatter.add.f32 [tilespmem:s19], [sflag:$0x5], $0x80, s11, s18, $0xb8;
	[tilespmem:$0x1F480] =	vst v63  }
0x5a: {  	_ =	swait.ge [sflag:s26], $0x2000  }
0x5b: {  	[sflag:s26] =	ssyncset.done $0x0  }
0x5c: {  	s12 =	simm.s32 $0x1680;
	[sflag:s26] =	ssyncadd.s32 $0xFFFFE000  }
0x5d: {  	[spmem:s1] =	stream.indirect.scatter.add.f32 [tilespmem:s20], [sflag:$0x6], $0x80, s12, s18, $0xb8;
	[tilespmem:$0x1F480] =	vst v63  }
0x5e: {  	_ =	swait.ge [sflag:s29], $0x2000  }
0x5f: {  	[sflag:s29] =	ssyncset.done $0x0  }
0x60: {  	s21 =	simm.s32 $0x1700;
	[sflag:s29] =	ssyncadd.s32 $0xFFFFE000  }
0x61: {  	[spmem:s1] =	stream.indirect.scatter.add.f32 [tilespmem:s22], [sflag:$0x7], $0x80, s21, s18, $0xb8;
	[tilespmem:$0x1F480] =	vst v63  }
0x62: {  	_ =	swait.ge [sflag:s31], $0x2000  }
0x63: {  	s10 =	simm.s32 $0x800;
	[sflag:s31] =	ssyncset.done $0x0  }
0x64: {  	s11 =	simm.s32 $0x200;
	s12 =	simm.s32 $0x1780;
	[sflag:s31] =	ssyncadd.s32 $0xFFFFE000  }
.LBB2_2:
0x65: {  	[spmem:s1] =	stream.indirect.scatter.add.f32 [tilespmem:s24], [sflag:$0x8], $0x80, s12, s18, $0xb8;
	[tilespmem:$0x1F480] =	vst v63  }
0x66: {  	s12 =	smov.u32 s10  }
0x67: {  	p1 =	sne.s32 s10, $0x9000;
	s10 =	sadd.s32 $0x800, s10;
	_ =	swait.ge [sflag:s2], $0x2000  }
0x68: {  	[sflag:s2] =	ssyncset.done $0x0  }
0x69: {  	[sflag:s2] =	ssyncadd.s32 $0xFFFFE000  }
0x6a: {  	[tilespmem:s19], [sflag:$0x1] =	stream.indirect.gather [hbm4b:s4+s18], $0x80, s11, s18, $0xb8;
	[tilespmem:$0x1F480] =	vst v63  }
0x6b: {  	_ =	swait.ge [sflag:s6], $0x2000  }
0x6c: {  	[sflag:s6] =	ssyncset.done $0x0  }
0x6d: {  	s21 =	sadd.s32 $0x40, s11;
	[sflag:s6] =	ssyncadd.s32 $0xFFFFE000  }
0x6e: {  	[tilespmem:s20], [sflag:$0x2] =	stream.indirect.gather [hbm4b:s4+s18], $0x80, s21, s18, $0xb8;
	[tilespmem:$0x1F480] =	vst v63  }
0x6f: {  	_ =	swait.ge [sflag:s7], $0x2000  }
0x70: {  	[sflag:s7] =	ssyncset.done $0x0  }
0x71: {  	s21 =	sadd.s32 $0x80, s11;
	[sflag:s7] =	ssyncadd.s32 $0xFFFFE000  }
0x72: {  	[tilespmem:s22], [sflag:$0x3] =	stream.indirect.gather [hbm4b:s4+s18], $0x80, s21, s18, $0xb8;
	[tilespmem:$0x1F480] =	vst v63  }
0x73: {  	_ =	swait.ge [sflag:s8], $0x2000  }
0x74: {  	[sflag:s8] =	ssyncset.done $0x0  }
0x75: {  	s21 =	sadd.s32 $0xC0, s11;
	[sflag:s8] =	ssyncadd.s32 $0xFFFFE000  }
0x76: {  	[tilespmem:s24], [sflag:$0x4] =	stream.indirect.gather [hbm4b:s4+s18], $0x80, s21, s18, $0xb8;
	[tilespmem:$0x1F480] =	vst v63  }
0x77: {  	_ =	swait.ge [sflag:s25], $0x2000  }
0x78: {  	s12 =	sshra.s32 s12, $0x2;
	[sflag:s25] =	ssyncset.done $0x0  }
0x79: {  	s21 =	sadd.s32 $0x1600, s12;
	[sflag:s25] =	ssyncadd.s32 $0xFFFFE000  }
0x7a: {  	[spmem:s1] =	stream.indirect.scatter.add.f32 [tilespmem:s19], [sflag:$0x5], $0x80, s21, s18, $0xb8;
	[tilespmem:$0x1F480] =	vst v63  }
0x7b: {  	_ =	swait.ge [sflag:s26], $0x2000  }
0x7c: {  	[sflag:s26] =	ssyncset.done $0x0  }
0x7d: {  	s21 =	sadd.s32 $0x1680, s12;
	[sflag:s26] =	ssyncadd.s32 $0xFFFFE000  }
0x7e: {  	[spmem:s1] =	stream.indirect.scatter.add.f32 [tilespmem:s20], [sflag:$0x6], $0x80, s21, s18, $0xb8;
	[tilespmem:$0x1F480] =	vst v63  }
0x7f: {  	_ =	swait.ge [sflag:s29], $0x2000  }
0x80: {  	[sflag:s29] =	ssyncset.done $0x0  }
.Ltmp0:
0x81: {  	s21 =	sadd.s32 $0x1700, s12;
	[sflag:s29] =	ssyncadd.s32 $0xFFFFE000;
	(pc) =	sbr.rel @p1 .LBB2_2-.Ltmp0, $4  }
0x82: {  	[spmem:s1] =	stream.indirect.scatter.add.f32 [tilespmem:s22], [sflag:$0x7], $0x80, s21, s18, $0xb8;
	[tilespmem:$0x1F480] =	vst v63  }
0x83: {  	_ =	swait.ge [sflag:s31], $0x2000  }
0x84: {  	[sflag:s31] =	ssyncset.done $0x0  }
0x85: {  	s11 =	sadd.s32 $0x100, s11;
	s12 =	sadd.s32 $0x1780, s12;
	[sflag:s31] =	ssyncadd.s32 $0xFFFFE000  }
0x86: {  	[spmem:s1] =	stream.indirect.scatter.add.f32 [tilespmem:s24], [sflag:$0x8], $0x80, s12, s18, $0xb8;
	[tilespmem:$0x1F480] =	vst v63  }
0x87: {  	_ =	swait.ge [sflag:s2], $0x2000  }
0x88: {  	[sflag:s2] =	ssyncset.done $0x0  }
0x89: {  	[sflag:s2] =	ssyncadd.s32 $0xFFFFE000  }
0x8a: {  	_ =	swait.ge [sflag:s6], $0x2000  }
0x8b: {  	[sflag:s6] =	ssyncset.done $0x0  }
0x8c: {  	[sflag:s6] =	ssyncadd.s32 $0xFFFFE000  }
0x8d: {  	_ =	swait.ge [sflag:s7], $0x2000  }
0x8e: {  	[sflag:s7] =	ssyncset.done $0x0  }
0x8f: {  	[sflag:s7] =	ssyncadd.s32 $0xFFFFE000  }
0x90: {  	_ =	swait.ge [sflag:s8], $0x2000  }
0x91: {  	[sflag:s8] =	ssyncset.done $0x0  }
0x92: {  	s10 =	simm.s32 $0x0;
	s11 =	rddreg [dreg:$0x6];
	[sflag:s8] =	ssyncadd.s32 $0xFFFFE000  }
0x93: {  	[tilespmem:s10], [sflag:$0x9] =	stream.linear.gather [hbm4b:s11+s10], $0x1400, $0x38;
	[tilespmem:$0x1F480] =	vst v63  }
0x94: {  	_ =	swait.ge [sflag:s16], $0x1400  }
0x95: {  	[sflag:s16] =	ssyncset.done $0x0  }
0x96: {  	s21 =	rddreg [dreg:$0x7];
	[sflag:s16] =	ssyncadd.s32 $0xFFFFEC00  }
0x97: {  	[tilespmem:s17], [sflag:$0x9] =	stream.linear.gather [hbm4b:s21+s10], $0x2800, $0x38;
	[tilespmem:$0x1F480] =	vst v63  }
0x98: {  	_ =	swait.ge [sflag:s16], $0x2800  }
0x99: {  	[sflag:s16] =	ssyncset.done $0x0  }
0x9a: {  	[sflag:s16] =	ssyncadd.s32 $0xFFFFD800  }
0x9b: {  	[tilespmem:s19], [sflag:$0x1] =	stream.indirect.gather [hbm4b:s4+s18], $0x80, s10, s18, $0xb8;
	[tilespmem:$0x1F480] =	vst v63  }
0x9c: {  	_ = 	snop  }
0x9d: {  	[tilespmem:s20], [sflag:$0x2] =	stream.indirect.gather [hbm4b:s4+s18], $0x80, s18, s18, $0xb8;
	[tilespmem:$0x1F480] =	vst v63  }
0x9e: {  	s12 =	simm.s32 $0x80  }
0x9f: {  	[tilespmem:s22], [sflag:$0x3] =	stream.indirect.gather [hbm4b:s4+s18], $0x80, s12, s18, $0xb8;
	[tilespmem:$0x1F480] =	vst v63  }
0xa0: {  	_ = 	snop  }
0xa1: {  	[tilespmem:s24], [sflag:$0x4] =	stream.indirect.gather [hbm4b:s4+s18], $0x80, s23, s18, $0xb8;
	[tilespmem:$0x1F480] =	vst v63  }
0xa2: {  	_ =	swait.ge [sflag:s25], $0x2000  }
0xa3: {  	[sflag:s25] =	ssyncset.done $0x0  }
0xa4: {  	[sflag:s25] =	ssyncadd.s32 $0xFFFFE000  }
0xa5: {  	[spmem:s1] =	stream.indirect.scatter.add.f32 [tilespmem:s19], [sflag:$0x5], $0x80, s17, s18, $0xb8;
	[tilespmem:$0x1F480] =	vst v63  }
0xa6: {  	_ =	swait.ge [sflag:s26], $0x2000  }
0xa7: {  	[sflag:s26] =	ssyncset.done $0x0  }
0xa8: {  	[sflag:s26] =	ssyncadd.s32 $0xFFFFE000  }
0xa9: {  	[spmem:s1] =	stream.indirect.scatter.add.f32 [tilespmem:s20], [sflag:$0x6], $0x80, s28, s18, $0xb8;
	[tilespmem:$0x1F480] =	vst v63  }
0xaa: {  	_ =	swait.ge [sflag:s29], $0x2000  }
0xab: {  	[sflag:s29] =	ssyncset.done $0x0  }
0xac: {  	[sflag:s29] =	ssyncadd.s32 $0xFFFFE000  }
0xad: {  	[spmem:s1] =	stream.indirect.scatter.add.f32 [tilespmem:s22], [sflag:$0x7], $0x80, s30, s18, $0xb8;
	[tilespmem:$0x1F480] =	vst v63  }
0xae: {  	_ =	swait.ge [sflag:s31], $0x2000  }
0xaf: {  	[sflag:s31] =	ssyncset.done $0x0  }
0xb0: {  	[sflag:s31] =	ssyncadd.s32 $0xFFFFE000  }
0xb1: {  	[spmem:s1] =	stream.indirect.scatter.add.f32 [tilespmem:s24], [sflag:$0x8], $0x80, s0, s18, $0xb8;
	[tilespmem:$0x1F480] =	vst v63  }
0xb2: {  	_ =	swait.ge [sflag:s2], $0x2000  }
0xb3: {  	[sflag:s2] =	ssyncset.done $0x0  }
0xb4: {  	s21 =	simm.s32 $0x100;
	[sflag:s2] =	ssyncadd.s32 $0xFFFFE000  }
0xb5: {  	[tilespmem:s19], [sflag:$0x1] =	stream.indirect.gather [hbm4b:s4+s18], $0x80, s21, s18, $0xb8;
	[tilespmem:$0x1F480] =	vst v63  }
0xb6: {  	_ =	swait.ge [sflag:s6], $0x2000  }
0xb7: {  	[sflag:s6] =	ssyncset.done $0x0  }
0xb8: {  	s11 =	simm.s32 $0x140;
	[sflag:s6] =	ssyncadd.s32 $0xFFFFE000  }
0xb9: {  	[tilespmem:s20], [sflag:$0x2] =	stream.indirect.gather [hbm4b:s4+s18], $0x80, s11, s18, $0xb8;
	[tilespmem:$0x1F480] =	vst v63  }
0xba: {  	_ =	swait.ge [sflag:s7], $0x2000  }
0xbb: {  	[sflag:s7] =	ssyncset.done $0x0  }
0xbc: {  	s12 =	simm.s32 $0x180;
	[sflag:s7] =	ssyncadd.s32 $0xFFFFE000  }
0xbd: {  	[tilespmem:s22], [sflag:$0x3] =	stream.indirect.gather [hbm4b:s4+s18], $0x80, s12, s18, $0xb8;
	[tilespmem:$0x1F480] =	vst v63  }
0xbe: {  	_ =	swait.ge [sflag:s8], $0x2000  }
0xbf: {  	[sflag:s8] =	ssyncset.done $0x0  }
0xc0: {  	s21 =	simm.s32 $0x1C0;
	[sflag:s8] =	ssyncadd.s32 $0xFFFFE000  }
0xc1: {  	[tilespmem:s24], [sflag:$0x4] =	stream.indirect.gather [hbm4b:s4+s18], $0x80, s21, s18, $0xb8;
	[tilespmem:$0x1F480] =	vst v63  }
0xc2: {  	_ =	swait.ge [sflag:s25], $0x2000  }
0xc3: {  	[sflag:s25] =	ssyncset.done $0x0  }
0xc4: {  	s11 =	simm.s32 $0x1600;
	[sflag:s25] =	ssyncadd.s32 $0xFFFFE000  }
0xc5: {  	[spmem:s1] =	stream.indirect.scatter.add.f32 [tilespmem:s19], [sflag:$0x5], $0x80, s11, s18, $0xb8;
	[tilespmem:$0x1F480] =	vst v63  }
0xc6: {  	_ =	swait.ge [sflag:s26], $0x2000  }
0xc7: {  	[sflag:s26] =	ssyncset.done $0x0  }
0xc8: {  	s12 =	simm.s32 $0x1680;
	[sflag:s26] =	ssyncadd.s32 $0xFFFFE000  }
0xc9: {  	[spmem:s1] =	stream.indirect.scatter.add.f32 [tilespmem:s20], [sflag:$0x6], $0x80, s12, s18, $0xb8;
	[tilespmem:$0x1F480] =	vst v63  }
0xca: {  	_ =	swait.ge [sflag:s29], $0x2000  }
0xcb: {  	[sflag:s29] =	ssyncset.done $0x0  }
0xcc: {  	s21 =	simm.s32 $0x1700;
	[sflag:s29] =	ssyncadd.s32 $0xFFFFE000  }
0xcd: {  	[spmem:s1] =	stream.indirect.scatter.add.f32 [tilespmem:s22], [sflag:$0x7], $0x80, s21, s18, $0xb8;
	[tilespmem:$0x1F480] =	vst v63  }
0xce: {  	_ =	swait.ge [sflag:s31], $0x2000  }
0xcf: {  	s10 =	simm.s32 $0x800;
	[sflag:s31] =	ssyncset.done $0x0  }
0xd0: {  	s11 =	simm.s32 $0x200;
	s12 =	simm.s32 $0x1780;
	[sflag:s31] =	ssyncadd.s32 $0xFFFFE000  }
.LBB2_4:
0xd1: {  	[spmem:s1] =	stream.indirect.scatter.add.f32 [tilespmem:s24], [sflag:$0x8], $0x80, s12, s18, $0xb8;
	[tilespmem:$0x1F480] =	vst v63  }
0xd2: {  	s12 =	smov.u32 s10  }
0xd3: {  	p1 =	sne.s32 s10, $0x9000;
	s10 =	sadd.s32 $0x800, s10;
	_ =	swait.ge [sflag:s2], $0x2000  }
0xd4: {  	[sflag:s2] =	ssyncset.done $0x0  }
0xd5: {  	[sflag:s2] =	ssyncadd.s32 $0xFFFFE000  }
0xd6: {  	[tilespmem:s19], [sflag:$0x1] =	stream.indirect.gather [hbm4b:s4+s18], $0x80, s11, s18, $0xb8;
	[tilespmem:$0x1F480] =	vst v63  }
0xd7: {  	_ =	swait.ge [sflag:s6], $0x2000  }
0xd8: {  	[sflag:s6] =	ssyncset.done $0x0  }
0xd9: {  	s21 =	sadd.s32 $0x40, s11;
	[sflag:s6] =	ssyncadd.s32 $0xFFFFE000  }
0xda: {  	[tilespmem:s20], [sflag:$0x2] =	stream.indirect.gather [hbm4b:s4+s18], $0x80, s21, s18, $0xb8;
	[tilespmem:$0x1F480] =	vst v63  }
0xdb: {  	_ =	swait.ge [sflag:s7], $0x2000  }
0xdc: {  	[sflag:s7] =	ssyncset.done $0x0  }
0xdd: {  	s21 =	sadd.s32 $0x80, s11;
	[sflag:s7] =	ssyncadd.s32 $0xFFFFE000  }
0xde: {  	[tilespmem:s22], [sflag:$0x3] =	stream.indirect.gather [hbm4b:s4+s18], $0x80, s21, s18, $0xb8;
	[tilespmem:$0x1F480] =	vst v63  }
0xdf: {  	_ =	swait.ge [sflag:s8], $0x2000  }
0xe0: {  	[sflag:s8] =	ssyncset.done $0x0  }
0xe1: {  	s21 =	sadd.s32 $0xC0, s11;
	[sflag:s8] =	ssyncadd.s32 $0xFFFFE000  }
0xe2: {  	[tilespmem:s24], [sflag:$0x4] =	stream.indirect.gather [hbm4b:s4+s18], $0x80, s21, s18, $0xb8;
	[tilespmem:$0x1F480] =	vst v63  }
0xe3: {  	_ =	swait.ge [sflag:s25], $0x2000  }
0xe4: {  	s12 =	sshra.s32 s12, $0x2;
	[sflag:s25] =	ssyncset.done $0x0  }
0xe5: {  	s21 =	sadd.s32 $0x1600, s12;
	[sflag:s25] =	ssyncadd.s32 $0xFFFFE000  }
0xe6: {  	[spmem:s1] =	stream.indirect.scatter.add.f32 [tilespmem:s19], [sflag:$0x5], $0x80, s21, s18, $0xb8;
	[tilespmem:$0x1F480] =	vst v63  }
0xe7: {  	_ =	swait.ge [sflag:s26], $0x2000  }
0xe8: {  	[sflag:s26] =	ssyncset.done $0x0  }
0xe9: {  	s21 =	sadd.s32 $0x1680, s12;
	[sflag:s26] =	ssyncadd.s32 $0xFFFFE000  }
0xea: {  	[spmem:s1] =	stream.indirect.scatter.add.f32 [tilespmem:s20], [sflag:$0x6], $0x80, s21, s18, $0xb8;
	[tilespmem:$0x1F480] =	vst v63  }
0xeb: {  	_ =	swait.ge [sflag:s29], $0x2000  }
0xec: {  	[sflag:s29] =	ssyncset.done $0x0  }
.Ltmp1:
0xed: {  	s21 =	sadd.s32 $0x1700, s12;
	[sflag:s29] =	ssyncadd.s32 $0xFFFFE000;
	(pc) =	sbr.rel @p1 .LBB2_4-.Ltmp1, $4  }
0xee: {  	[spmem:s1] =	stream.indirect.scatter.add.f32 [tilespmem:s22], [sflag:$0x7], $0x80, s21, s18, $0xb8;
	[tilespmem:$0x1F480] =	vst v63  }
0xef: {  	_ =	swait.ge [sflag:s31], $0x2000  }
0xf0: {  	[sflag:s31] =	ssyncset.done $0x0  }
0xf1: {  	s11 =	sadd.s32 $0x100, s11;
	s12 =	sadd.s32 $0x1780, s12;
	[sflag:s31] =	ssyncadd.s32 $0xFFFFE000  }
0xf2: {  	[spmem:s1] =	stream.indirect.scatter.add.f32 [tilespmem:s24], [sflag:$0x8], $0x80, s12, s18, $0xb8;
	[tilespmem:$0x1F480] =	vst v63  }
0xf3: {  	_ =	swait.ge [sflag:s2], $0x2000  }
0xf4: {  	[sflag:s2] =	ssyncset.done $0x0  }
0xf5: {  	[sflag:s2] =	ssyncadd.s32 $0xFFFFE000  }
0xf6: {  	_ =	swait.ge [sflag:s6], $0x2000  }
0xf7: {  	[sflag:s6] =	ssyncset.done $0x0  }
0xf8: {  	[sflag:s6] =	ssyncadd.s32 $0xFFFFE000  }
0xf9: {  	_ =	swait.ge [sflag:s7], $0x2000  }
0xfa: {  	[sflag:s7] =	ssyncset.done $0x0  }
0xfb: {  	[sflag:s7] =	ssyncadd.s32 $0xFFFFE000  }
0xfc: {  	_ =	swait.ge [sflag:s8], $0x2000  }
0xfd: {  	[sflag:s8] =	ssyncset.done $0x0  }
0xfe: {  	[sflag:s8] =	ssyncadd.s32 $0xFFFFE000  }
0xff: {  	[bflag:$0x0] =	sbarrier.arrive $0xFFFF  }
0x100: {  	s10 =	simm.s32 @p0 $0x1FC9;
	s11 =	rddreg [dreg:$0x9]  }
0x101: {  	[hbm:s11], [sflag:s10] =	dma.local @p0 [spmem:s13], $0x2800  }
0x102: {  	s10 =	simm.s32 @p0 $0x9  }
0x103: {  	_ =	swait.ge @p0 [sflag:s10], $0x2800  }
0x104: {  	[sflag:s10] =	ssyncset.done @p0 $0x0  }
0x105: {  	[sflag:s10] =	ssyncadd.s32 @p0 $0xFFFFD800;
	s10 =	rddreg [dreg:$0x8]  }
0x106: {  	[hbm:s10], [sflag:s14] =	dma.local @!p0 [spmem:s15], $0x2700  }
0x107: {  	s10 =	simm.s32 @!p0 $0x9  }
0x108: {  	_ =	swait.ge @!p0 [sflag:s10], $0x2700  }
0x109: {  	s9 =	sadd.s32 $0x1, s9;
	s21 =	rddreg [dreg:$0xa]  }
0x10a: {  	p1 =	sne.s32 s9, s21  }
.Ltmp2:
0x10b: {  	_ = 	snop;
	(pc) =	sbr.rel @p1 .LBB2_1-.Ltmp2, $3  }
0x10c: {  	_ =	sdelay $0x1  }
0x10d: {  	[sflag:s10] =	ssyncset.done @!p0 $0x0  }
0x10e: {  	[sflag:s10] =	ssyncadd.s32 @!p0 $0xFFFFD900  }
0x10f: {  	_ =	sfence.sel $0x180000  }
0x110: {  	[bflag:$0x0] =	sbarrier.arrive $0xFFFF  }
0x111: {  	_ =	strace $0x9000004D  }
0x112: {  	s0 =	stileid.u32;
	[bflag:$0x2] =	sbarrier.arrive $0xFFFF  }
0x113: {  	p0 =	sne.s32 s0, $0x0;
	s0 =	rddreg [dreg:$0x3]  }
0x114: {  	s0 =	sadd.s32 @!p0 $0x100000, s0  }
0x115: {  	[sflag:s0] =	ssyncadd.tile.s32 @!p0 $0x1;
	_ =	shalt  }
.Lfunc_end2:
_tile_overlayer_lowered:
.L_overlay_start_2:
0x116: {  	(tag) =	ssettag $0x2  }
0x117: {  	s0 =	rddreg [dreg:$0x0];
	s2 =	stileid.u32  }
0x118: {  	s1 =	rddreg [dreg:$0x1];
	p0 =	sne.s32 s2, $0x0  }
0x119: {  	s3 =	rddreg [dreg:$0x2];
	[bflag:$0x3] =	sbarrier.arrive $0xFFFF;
	s2 =	simm.s32 @!p0 $0x1C09  }
0x11a: {  	[timem:s3], [sflag:s2] =	dma.local @!p0 [hbm:s0], s1  }
0x11b: {  	s0 =	simm.s32 @!p0 $0x9  }
0x11c: {  	_ =	swait.ge @!p0 [sflag:s0], s1  }
0x11d: {  	s1 =	ssub.s32 @!p0 $0x0, s1;
	[sflag:s0] =	ssyncset.done @!p0 $0x0  }
0x11e: {  	[sflag:s0] =	ssyncadd.s32 @!p0 s1  }
0x11f: {  	[bflag:$0x3] =	sbarrier.arrive $0xFFFF  }
0x120: {  	_ =	shalt  }

// kernel: kernel.9.cloned.1.call-start
scs
__scs_entry_jumppad:
0x0: {  	(pc) =	sbr.rel $0x88, $3  }
0x1: {  	(tag) =	ssettag $0x0;
	lr =	simm.s32 $0x1  }
0x2: {  	[smem:$0x3F98] =	sst lr;
	_ =	strace $0xD0000000  }
0x3: {  	_ = 	snop  }
0x4: {  	_ = 	snop  }
0x5: {  	_ = 	snop  }
0x6: {  	_ = 	snop  }
0x7: {  	_ = 	snop  }
__scs_overlays_trampoline_lowered:
0x8: {  	[smem:$0x3FA7] =	sst s0  }
0x9: {  	[smem:$0x3FA8] =	sst s1  }
0xa: {  	[smem:$0x3FA9] =	sst s2  }
0xb: {  	[smem:$0x3FAA] =	sst s3  }
0xc: {  	[smem:$0x3FAB] =	sst s4  }
0xd: {  	[smem:$0x3FAC] =	sst s5  }
0xe: {  	[smem:$0x3FAD] =	sst s6  }
0xf: {  	[smem:$0x3FAE] =	sst s7  }
0x10: {  	[smem:$0x3FAF] =	sst s8  }
0x11: {  	[smem:$0x3FB0] =	sst s9;
	s0 =	simm.s32 @!p0 $0x0  }
0x12: {  	s1 =	sld [smem:$0x3F96];
	s0 =	simm.s32 @p0 $0x1  }
0x13: {  	[smem:$0x3FB1] =	sst s0;
	s0 =	simm.s32 @!p1 $0x0  }
0x14: {  	s2 =	sld [smem:$0x3F95];
	s0 =	simm.s32 @p1 $0x1  }
0x15: {  	[smem:$0x3FB2] =	sst s0;
	s0 =	simm.s32 @!p2 $0x0  }
0x16: {  	s3 =	sld [smem:$0x3FDB];
	s0 =	simm.s32 @p2 $0x1  }
0x17: {  	s4 =	simm.s32 $0x1BF5;
	[smem:$0x3FB4] =	sst s0  }
0x18: {  	s0 =	sld [smem:$0x3F97];
	_ =	swait.ge [sflag:s4], $0x0  }
0x19: {  	s7 =	sld [smem:$0x3F98]  }
0x1a: {  	s8 =	sadd.s32 $0xFFFFE003, lr  }
0x1b: {  	s9 =	sadd.s32 $0xFFFFFEF7, lr;
	s5 =	simm.s32 $0xFFFFFFFF;
	p2 =	slt.u32 s8, $0xFFFFF086  }
0x1c: {  	p1 =	slt.u32 s9, $0xF7A;
	s5 =	simm.s32 @!p2 $0x0  }
0x1d: {  	s5 =	simm.s32 @p1 $0x1;
	p0 =	seq.s32 s7, s2  }
0x1e: {  	s7 =	smul.u32 @!p0 $0xF7A, s2;
	p2 =	seq.s32 @!p0 s5, $0x0  }
0x1f: {  	s9 =	smul.u32 $0xF7A, s1;
	s8 =	simm.s32 @!p0 $0x1BF5;
	p2 =	por !p2, p0  }
0x20: {  	[sflag:s8] =	ssyncset.s32 @!p0 $0xFFFFF086;
	s6 =	sadd.s32 @!p0 s3, s7;
	s7 =	simm.s32 @!p0 $0x108  }
0x21: {  	s3 =	sadd.s32 s3, s9;
	s6 =	sadd.s32 @!p0 $0x88, s6;
	s7 =	simm.s32 @p2 $0x1082  }
0x22: {  	[simem:s7], [sflag:s8] =	dma.local @!p0 [hbm:s6], $0xF7A  }
0x23: {  	s9 =	sor.u32 $0xD0000000, s2;
	s6 =	simm.s32 $0x108;
	_ =	swait.ge @!p0 [sflag:s8], $0x0  }
0x24: {  	s3 =	sadd.s32 $0x88, s3;
	s6 =	simm.s32 @!p1 $0x1082;
	[sflag:s4] =	ssyncset.s32 $0xFFFFF086  }
0x25: {  	[simem:s6], [sflag:s4] =	dma.local [hbm:s3], $0xF7A  }
0x26: {  	[smem:$0x3F98] =	sst s1;
	(tag) =	ssettag s2;
	_ =	strace s9  }
0x27: {  	s1 =	sld [smem:$0x3FA8]  }
0x28: {  	s2 =	sld [smem:$0x3FA9]  }
0x29: {  	s4 =	sld [smem:$0x3FAB]  }
0x2a: {  	p0 =	seq.s32 s5, $0x0;
	s5 =	sld [smem:$0x3FAC]  }
0x2b: {  	s6 =	sld [smem:$0x3FAD]  }
0x2c: {  	s7 =	sld [smem:$0x3FAE]  }
0x2d: {  	s3 =	simm.s32 $0x108;
	s8 =	sld [smem:$0x3FAF]  }
0x2e: {  	s3 =	simm.s32 @!p0 $0x1082;
	s9 =	sld [smem:$0x3FB0]  }
0x2f: {  	lr =	sadd.s32 s0, s3;
	s0 =	sld [smem:$0x3FA7]  }
0x30: {  	s3 =	sld [smem:$0x3FAA]  }
0x31: {  	[smem:$0x3FB3] =	sst s10  }
0x32: {  	s10 =	sld [smem:$0x3FB1];
	_ =	sdelay $0x3  }
0x33: {  	p0 =	seq.s32 s10, $0x1;
	s10 =	sld [smem:$0x3FB3];
	_ =	sdelay $0x3  }
0x34: {  	[smem:$0x3FB3] =	sst s10  }
0x35: {  	s10 =	sld [smem:$0x3FB2];
	_ =	sdelay $0x3  }
0x36: {  	p1 =	seq.s32 s10, $0x1;
	s10 =	sld [smem:$0x3FB3];
	_ =	sdelay $0x3  }
0x37: {  	[smem:$0x3FB3] =	sst s10  }
0x38: {  	s10 =	sld [smem:$0x3FB4]  }
0x39: {  	_ = 	snop;
	(pc) =	sbr.ind lr, $3  }
0x3a: {  	_ = 	snop  }
0x3b: {  	_ = 	snop  }
0x3c: {  	p2 =	seq.s32 s10, $0x1;
	s10 =	sld [smem:$0x3FB3]  }
0x3d: {  	_ =	shalt  }
0x3e: {  	_ =	shalt  }
0x3f: {  	_ =	shalt  }
0x40: {  	_ =	shalt  }
0x41: {  	_ =	shalt  }
0x42: {  	_ =	shalt  }
0x43: {  	_ =	shalt  }
0x44: {  	_ =	shalt  }
0x45: {  	_ =	shalt  }
0x46: {  	_ =	shalt  }
0x47: {  	_ =	shalt  }
0x48: {  	_ =	shalt  }
0x49: {  	_ =	shalt  }
0x4a: {  	_ =	shalt  }
0x4b: {  	_ =	shalt  }
0x4c: {  	_ =	shalt  }
0x4d: {  	_ =	shalt  }
0x4e: {  	_ =	shalt  }
0x4f: {  	_ =	shalt  }
0x50: {  	_ =	shalt  }
0x51: {  	_ =	shalt  }
0x52: {  	_ =	shalt  }
0x53: {  	_ =	shalt  }
0x54: {  	_ =	shalt  }
0x55: {  	_ =	shalt  }
0x56: {  	_ =	shalt  }
0x57: {  	_ =	shalt  }
0x58: {  	_ =	shalt  }
0x59: {  	_ =	shalt  }
0x5a: {  	_ =	shalt  }
0x5b: {  	_ =	shalt  }
0x5c: {  	_ =	shalt  }
0x5d: {  	_ =	shalt  }
0x5e: {  	_ =	shalt  }
0x5f: {  	_ =	shalt  }
0x60: {  	_ =	shalt  }
0x61: {  	_ =	shalt  }
0x62: {  	_ =	shalt  }
0x63: {  	_ =	shalt  }
0x64: {  	_ =	shalt  }
0x65: {  	_ =	shalt  }
0x66: {  	_ =	shalt  }
0x67: {  	_ =	shalt  }
0x68: {  	_ =	shalt  }
0x69: {  	_ =	shalt  }
0x6a: {  	_ =	shalt  }
0x6b: {  	_ =	shalt  }
0x6c: {  	_ =	shalt  }
0x6d: {  	_ =	shalt  }
0x6e: {  	_ =	shalt  }
0x6f: {  	_ =	shalt  }
0x70: {  	_ =	shalt  }
0x71: {  	_ =	shalt  }
0x72: {  	_ =	shalt  }
0x73: {  	_ =	shalt  }
0x74: {  	_ =	shalt  }
0x75: {  	_ =	shalt  }
0x76: {  	_ =	shalt  }
0x77: {  	_ =	shalt  }
0x78: {  	_ =	shalt  }
0x79: {  	_ =	shalt  }
0x7a: {  	_ =	shalt  }
0x7b: {  	_ =	shalt  }
0x7c: {  	_ =	shalt  }
0x7d: {  	_ =	shalt  }
0x7e: {  	_ =	shalt  }
0x7f: {  	_ =	shalt  }
0x80: {  	_ =	shalt  }
0x81: {  	_ =	shalt  }
0x82: {  	_ =	shalt  }
0x83: {  	_ =	shalt  }
0x84: {  	_ =	shalt  }
0x85: {  	_ =	shalt  }
0x86: {  	_ =	shalt  }
0x87: {  	_ =	shalt  }
.Lfunc_end0:
.L_simem_size_0:
called_computation_lowered:
.L_overlay_start_0:
0x88: {  	s2 =	sld [smem:$0x3FD9]  }
0x89: {  	s3 =	sld [smem:$0x3FFE];
	_ =	sdelay $0x1  }
0x8a: {  	s1 =	srdreg.scid  }
0x8b: {  	s0 =	sand.u32 $0x1, s1  }
0x8c: {  	s17 =	sshll.u32 s0, $0xA;
	s2 =	sadd.s32 s3, s2  }
0x8d: {  	s2 =	sadd.s32 s2, s17  }
0x8e: {  	[smem:$0x3FBF] =	sst s2  }
0x8f: {  	_ = 	snop  }
0x90: {  	s2 =	sld [smem:$0x3FD0];
	(tm) =	ssettm $0x1  }
0x91: {  	s18 =	sld [smem:$0x3FFB];
	_ =	sdelay $0x3  }
0x92: {  	_ =	strace s18  }
0x93: {  	s3 =	sld [smem:$0x3FFC];
	_ =	sdelay $0x3  }
0x94: {  	_ =	strace s3  }
0x95: {  	s3 =	sld [smem:$0x3FFD];
	_ =	sdelay $0x3  }
0x96: {  	_ =	strace s3  }
0x97: {  	_ =	strace $0x8FFFFFFF  }
0x98: {  	s19 =	sld [smem:$0x3FDB];
	_ =	sdelay $0x1  }
0x99: {  	s4 =	simm.s32 $_scs_section_size  }
0x9a: {  	s5 =	simm.s32 $_size__tile_overlayer_lowered;
	s6 =	simm.s32 $_tile_overlayer_lowered  }
0x9b: {  	s22 =	simm.s32 $0x1BFF;
	s21 =	sshll.u32 s6, $0x1;
	s3 =	sadd.s32 s4, s19  }
0x9c: {  	s7 =	simm.s32 $0x0;
	s20 =	sshll.u32 s5, $0x1;
	s5 =	sadd.s32 s21, s3  }
0x9d: {  	[timem:s7], [sflag:s22] =	dma.local [hbm:s5], s20  }
0x9e: {  	_ =	swait.ge [sflag:s22], s20  }
0x9f: {  	s4 =	ssub.s32 $0x0, s20;
	[sflag:s22] =	ssyncset.done $0x0  }
0xa0: {  	[sflag:s22] =	ssyncadd.s32 s4;
	_ =	sdelay $0x1  }
0xa1: {  	s23 =	simm.s32 $0x1B8B  }
0xa2: {  	_ =	swait.ge [sflag:s23], $0x1  }
0xa3: {  	[sflag:s23] =	ssyncset.done $0x0  }
0xa4: {  	s25 =	simm.s32 $0x1B8E;
	s24 =	sld [smem:$0x3FFE];
	[sflag:s23] =	ssyncadd.s32 $0xFFFFFFFF  }
0xa5: {  	s26 =	simm.s32 $execute0_lowered;
	[smem:$0x3FD2] =	sst s25  }
0xa6: {  	s5 =	sshll.u32 s26, $0x1;
	_ =	strace $0x80000046;
	[dreg:$0x1] =	wrdreg $0xFFFFFFFF  }
0xa7: {  	s28 =	simm.s32 $_size_execute0_lowered;
	s3 =	sadd.s32 s3, s5;
	[dreg:$0x0] =	wrdreg $0x0  }
0xa8: {  	s5 =	sshll.u32 s28, $0x1;
	[dreg:$0x2] =	wrdreg s3  }
0xa9: {  	[dreg:$0x3] =	wrdreg s5  }
0xaa: {  	[dreg:$0x4] =	wrdreg $0xC0  }
0xab: {  	_ =	task [dreg:s7], $0x5FFFF  }
0xac: {  	[dreg:$0x1] =	wrdreg $0xFFFFFFFF  }
0xad: {  	[dreg:$0x0] =	wrdreg $0x60  }
0xae: {  	[dreg:$0x2] =	wrdreg s24  }
0xaf: {  	[dreg:$0x3] =	wrdreg s2  }
0xb0: {  	[dreg:$0x4] =	wrdreg $0xBC000  }
0xb1: {  	[dreg:$0x5] =	wrdreg $0x9  }
0xb2: {  	_ =	task.clear_ibuf [dreg:s7], $0x6FFFF;
	_ =	strace $0x90000046  }
0xb3: {  	s29 =	simm.s32 $0x9;
	_ =	strace $0x80000048  }
0xb4: {  	_ =	swait.ge [sflag:s29], $0x1  }
0xb5: {  	[sflag:s29] =	ssyncadd.s32 $0xFFFFFFFF  }
0xb6: {  	_ =	strace $0x90000048  }
0xb7: {  	_ =	sfence  }
0xb8: {  	s30 =	sld [smem:$0x0];
	_ =	sdelay $0x2  }
0xb9: {  	s31 =	sshll.u32 s1, $0xD;
	s1 =	sshrl.u32 s1, $0x2  }
0xba: {  	s3 =	sand.u32 $0x4000, s31;
	s1 =	sadd.s32 s1, s30  }
0xbb: {  	s0 =	sor.u32 s3, s0;
	s1 =	sshll.u32 s1, $0x11  }
0xbc: {  	s0 =	sor.u32 s1, s0  }
0xbd: {  	s0 =	sadd.s32 $0x8F2B, s0  }
0xbe: {  	[sflag:s0] =	ssyncadd.remote.s32 $0x1  }
0xbf: {  	_ =	sfence.sel $0xFFFF  }
0xc0: {  	[dreg:$0x0] =	wrdreg $0xFFFFFFFF;
	(pc) =	sbr.abs _section_cstart, $3  }
0xc1: {  	[dreg:$0x1] =	wrdreg $0xFFFFFFFF  }
0xc2: {  	_ =	task.clear_ibuf [dreg:s7], $0x2FFFF;
	_ =	strace $0x9FFFFFFF  }
0xc3: {  	(tm) =	ssettm $0x7FFFFFFF  }
tec
execute0_lowered:
.L_overlay_start_1:
0x0: {  	(tag) =	ssettag $0x1  }
0x1: {  	s0 =	rddreg [dreg:$0x0]  }
0x2: {  	s2 =	rddreg [dreg:$0x1]  }
0x3: {  	s1 =	rddreg [dreg:$0x2];
	s3 =	simm.s32 $0x0  }
0x4: {  	s4 =	srdreg.scid;
	s15 =	stileid.u32;
	s16 =	simm.s32 $0x9  }
0x5: {  	s17 =	simm.s32 $0x1400;
	s18 =	simm.s32 $0x40;
	s19 =	simm.s32 $0x3C00  }
0x6: {  	s20 =	simm.s32 $0x5C00;
	s28 =	simm.s32 $0x1480;
	s29 =	simm.s32 $0x3  }
0x7: {  	s30 =	simm.s32 $0x1500;
	s31 =	simm.s32 $0x4;
	[smem:$0x7FF] =	sst s3  }
0x8: {  	s6 =	sand.u32 $0x1, s4;
	s5 =	sshll.u32 s15, $0x1;
	s8 =	smul.u32 $0x4E000, s15  }
0x9: {  	s4 =	sadd.s32 $0x16200, s0;
	s9 =	sadd.s32 $0x2200, s0;
	s14 =	smul.u32 $0x13800, s15  }
0xa: {  	s7 =	sor.u32 s6, s5;
	s11 =	ssub.s32 $0x2, s6;
	s6 =	smul.u32 $0x138800, s6  }
0xb: {  	p0 =	seq.s32 s15, $0xF;
	_ =	strace $0x80000047;
	s10 =	smul.u32 $0xA0, s7  }
0xc: {  	s5 =	sadd.s32 $0x3F200, s0;
	s0 =	sadd.s32 $0x41A00, s0;
	s12 =	smul.u32 $0x500, s7  }
0xd: {  	s13 =	sshrl.u32 s11, $0x1;
	s8 =	sshrl.u32 s8, $0x2;
	s7 =	smul.u32 $0xA00, s7  }
0xe: {  	s11 =	ssub.s32 s11, s13;
	s8 =	sadd.s32 s8, s1;
	s13 =	sadd.s32 $0x124800, s1  }
0xf: {  	s24 =	sadd.s32 s14, s6;
	s6 =	sshrl.u32 s6, $0x3;
	s10 =	sadd.s32 $0x50, s10  }
0x10: {  	s12 =	sadd.s32 s2, s12;
	s7 =	sadd.s32 s9, s7;
	s25 =	sshrl.u32 s24, $0x3  }
0x11: {  	s26 =	smax.u32 s11, $0x1;
	s13 =	sshrl.u32 @p0 s13, $0x3;
	[dreg:$0x4] =	wrdreg s12  }
0x12: {  	s24 =	simm.s32 $0x9C00;
	[dreg:$0x5] =	wrdreg s7;
	s22 =	sshll.u32 s10, $0x3  }
0x13: {  	s23 =	sshll.u32 s10, $0x4;
	[dreg:$0xa] =	wrdreg s26;
	s26 =	simm.s32 $0x2  }
0x14: {  	s7 =	simm.s32 $0x7;
	s2 =	sadd.s32 s2, s22;
	s22 =	simm.s32 $0x7C00  }
0x15: {  	[dreg:$0x6] =	wrdreg s2;
	s2 =	sadd.s32 s9, s23;
	s23 =	simm.s32 $0xC0  }
0x16: {  	s9 =	simm.s32 $0x0;
	[dreg:$0x7] =	wrdreg s2;
	s2 =	sadd.s32 s0, s25  }
0x17: {  	s0 =	sadd.s32 s0, s6;
	s25 =	simm.s32 $0x1;
	s6 =	simm.s32 $0x6  }
0x18: {  	[dreg:$0x8] =	wrdreg s2;
	s0 =	sadd.s32 $0x24900, s0;
	s2 =	simm.s32 $0x5  }
0x19: {  	[dreg:$0x9] =	wrdreg s0;
	s0 =	sshll.u32 @!p0 s15, $0x6;
	s15 =	sshrl.u32 @!p0 s8, $0x3  }
0x1a: {  	s8 =	simm.s32 $0x8;
	s14 =	sor.u32 @!p0 $0x1C09, s0;
	s0 =	simm.s32 $0x1580  }
.LBB2_1:
0x1b: {  	s10 =	simm.s32 @p0 $0x1FC9  }
0x1c: {  	[spmem:s13], [sflag:s10] =	dma.local @p0 [hbm:s5], $0x2800  }
0x1d: {  	s10 =	simm.s32 @p0 $0x9  }
0x1e: {  	_ =	swait.ge @p0 [sflag:s10], $0x2800  }
0x1f: {  	[sflag:s10] =	ssyncset.done @p0 $0x0  }
0x20: {  	[sflag:s10] =	ssyncadd.s32 @p0 $0xFFFFD800;
	s10 =	simm.s32 @!p0 $0x9  }
0x21: {  	[spmem:s15], [sflag:s14] =	dma.local @!p0 [hbm:s5], $0x2700  }
0x22: {  	_ =	swait.ge @!p0 [sflag:s10], $0x2700  }
0x23: {  	[sflag:s10] =	ssyncset.done @!p0 $0x0  }
0x24: {  	[sflag:s10] =	ssyncadd.s32 @!p0 $0xFFFFD900  }
0x25: {  	[bflag:$0x0] =	sbarrier.arrive $0xFFFF  }
0x26: {  	s21 =	rddreg [dreg:$0x4]  }
0x27: {  	[tilespmem:s3], [sflag:$0x9] =	stream.linear.gather [hbm4b:s21+s3], $0x1400, $0x38;
	[tilespmem:$0x1F480] =	vst v63  }
0x28: {  	_ =	swait.ge [sflag:s16], $0x1400  }
0x29: {  	[sflag:s16] =	ssyncset.done $0x0  }
0x2a: {  	s11 =	rddreg [dreg:$0x5];
	[sflag:s16] =	ssyncadd.s32 $0xFFFFEC00  }
0x2b: {  	[tilespmem:s17], [sflag:$0x9] =	stream.linear.gather [hbm4b:s11+s3], $0x2800, $0x38;
	[tilespmem:$0x1F480] =	vst v63  }
0x2c: {  	_ =	swait.ge [sflag:s16], $0x2800  }
0x2d: {  	[sflag:s16] =	ssyncset.done $0x0  }
0x2e: {  	[sflag:s16] =	ssyncadd.s32 $0xFFFFD800  }
0x2f: {  	[tilespmem:s19], [sflag:$0x1] =	stream.indirect.gather [hbm4b:s4+s18], $0x80, s3, s18, $0xb8;
	[tilespmem:$0x1F480] =	vst v63  }
0x30: {  	_ = 	snop  }
0x31: {  	[tilespmem:s20], [sflag:$0x2] =	stream.indirect.gather [hbm4b:s4+s18], $0x80, s18, s18, $0xb8;
	[tilespmem:$0x1F480] =	vst v63  }
0x32: {  	s12 =	simm.s32 $0x80  }
0x33: {  	[tilespmem:s22], [sflag:$0x3] =	stream.indirect.gather [hbm4b:s4+s18], $0x80, s12, s18, $0xb8;
	[tilespmem:$0x1F480] =	vst v63  }
0x34: {  	_ = 	snop  }
0x35: {  	[tilespmem:s24], [sflag:$0x4] =	stream.indirect.gather [hbm4b:s4+s18], $0x80, s23, s18, $0xb8;
	[tilespmem:$0x1F480] =	vst v63  }
0x36: {  	_ =	swait.ge [sflag:s25], $0x2000  }
0x37: {  	[sflag:s25] =	ssyncset.done $0x0  }
0x38: {  	[sflag:s25] =	ssyncadd.s32 $0xFFFFE000  }
0x39: {  	[spmem:s1] =	stream.indirect.scatter.add.f32 [tilespmem:s19], [sflag:$0x5], $0x80, s17, s18, $0xb8;
	[tilespmem:$0x1F480] =	vst v63  }
0x3a: {  	_ =	swait.ge [sflag:s26], $0x2000  }
0x3b: {  	[sflag:s26] =	ssyncset.done $0x0  }
0x3c: {  	[sflag:s26] =	ssyncadd.s32 $0xFFFFE000  }
0x3d: {  	[spmem:s1] =	stream.indirect.scatter.add.f32 [tilespmem:s20], [sflag:$0x6], $0x80, s28, s18, $0xb8;
	[tilespmem:$0x1F480] =	vst v63  }
0x3e: {  	_ =	swait.ge [sflag:s29], $0x2000  }
0x3f: {  	[sflag:s29] =	ssyncset.done $0x0  }
0x40: {  	[sflag:s29] =	ssyncadd.s32 $0xFFFFE000  }
0x41: {  	[spmem:s1] =	stream.indirect.scatter.add.f32 [tilespmem:s22], [sflag:$0x7], $0x80, s30, s18, $0xb8;
	[tilespmem:$0x1F480] =	vst v63  }
0x42: {  	_ =	swait.ge [sflag:s31], $0x2000  }
0x43: {  	[sflag:s31] =	ssyncset.done $0x0  }
0x44: {  	[sflag:s31] =	ssyncadd.s32 $0xFFFFE000  }
0x45: {  	[spmem:s1] =	stream.indirect.scatter.add.f32 [tilespmem:s24], [sflag:$0x8], $0x80, s0, s18, $0xb8;
	[tilespmem:$0x1F480] =	vst v63  }
0x46: {  	_ =	swait.ge [sflag:s2], $0x2000  }
0x47: {  	[sflag:s2] =	ssyncset.done $0x0  }
0x48: {  	s21 =	simm.s32 $0x100;
	[sflag:s2] =	ssyncadd.s32 $0xFFFFE000  }
0x49: {  	[tilespmem:s19], [sflag:$0x1] =	stream.indirect.gather [hbm4b:s4+s18], $0x80, s21, s18, $0xb8;
	[tilespmem:$0x1F480] =	vst v63  }
0x4a: {  	_ =	swait.ge [sflag:s6], $0x2000  }
0x4b: {  	[sflag:s6] =	ssyncset.done $0x0  }
0x4c: {  	s11 =	simm.s32 $0x140;
	[sflag:s6] =	ssyncadd.s32 $0xFFFFE000  }
0x4d: {  	[tilespmem:s20], [sflag:$0x2] =	stream.indirect.gather [hbm4b:s4+s18], $0x80, s11, s18, $0xb8;
	[tilespmem:$0x1F480] =	vst v63  }
0x4e: {  	_ =	swait.ge [sflag:s7], $0x2000  }
0x4f: {  	[sflag:s7] =	ssyncset.done $0x0  }
0x50: {  	s12 =	simm.s32 $0x180;
	[sflag:s7] =	ssyncadd.s32 $0xFFFFE000  }
0x51: {  	[tilespmem:s22], [sflag:$0x3] =	stream.indirect.gather [hbm4b:s4+s18], $0x80, s12, s18, $0xb8;
	[tilespmem:$0x1F480] =	vst v63  }
0x52: {  	_ =	swait.ge [sflag:s8], $0x2000  }
0x53: {  	[sflag:s8] =	ssyncset.done $0x0  }
0x54: {  	s21 =	simm.s32 $0x1C0;
	[sflag:s8] =	ssyncadd.s32 $0xFFFFE000  }
0x55: {  	[tilespmem:s24], [sflag:$0x4] =	stream.indirect.gather [hbm4b:s4+s18], $0x80, s21, s18, $0xb8;
	[tilespmem:$0x1F480] =	vst v63  }
0x56: {  	_ =	swait.ge [sflag:s25], $0x2000  }
0x57: {  	[sflag:s25] =	ssyncset.done $0x0  }
0x58: {  	s11 =	simm.s32 $0x1600;
	[sflag:s25] =	ssyncadd.s32 $0xFFFFE000  }
0x59: {  	[spmem:s1] =	stream.indirect.scatter.add.f32 [tilespmem:s19], [sflag:$0x5], $0x80, s11, s18, $0xb8;
	[tilespmem:$0x1F480] =	vst v63  }
0x5a: {  	_ =	swait.ge [sflag:s26], $0x2000  }
0x5b: {  	[sflag:s26] =	ssyncset.done $0x0  }
0x5c: {  	s12 =	simm.s32 $0x1680;
	[sflag:s26] =	ssyncadd.s32 $0xFFFFE000  }
0x5d: {  	[spmem:s1] =	stream.indirect.scatter.add.f32 [tilespmem:s20], [sflag:$0x6], $0x80, s12, s18, $0xb8;
	[tilespmem:$0x1F480] =	vst v63  }
0x5e: {  	_ =	swait.ge [sflag:s29], $0x2000  }
0x5f: {  	[sflag:s29] =	ssyncset.done $0x0  }
0x60: {  	s21 =	simm.s32 $0x1700;
	[sflag:s29] =	ssyncadd.s32 $0xFFFFE000  }
0x61: {  	[spmem:s1] =	stream.indirect.scatter.add.f32 [tilespmem:s22], [sflag:$0x7], $0x80, s21, s18, $0xb8;
	[tilespmem:$0x1F480] =	vst v63  }
0x62: {  	_ =	swait.ge [sflag:s31], $0x2000  }
0x63: {  	s10 =	simm.s32 $0x800;
	[sflag:s31] =	ssyncset.done $0x0  }
0x64: {  	s11 =	simm.s32 $0x200;
	s12 =	simm.s32 $0x1780;
	[sflag:s31] =	ssyncadd.s32 $0xFFFFE000  }
.LBB2_2:
0x65: {  	[spmem:s1] =	stream.indirect.scatter.add.f32 [tilespmem:s24], [sflag:$0x8], $0x80, s12, s18, $0xb8;
	[tilespmem:$0x1F480] =	vst v63  }
0x66: {  	s12 =	smov.u32 s10  }
0x67: {  	p1 =	sne.s32 s10, $0x9000;
	s10 =	sadd.s32 $0x800, s10;
	_ =	swait.ge [sflag:s2], $0x2000  }
0x68: {  	[sflag:s2] =	ssyncset.done $0x0  }
0x69: {  	[sflag:s2] =	ssyncadd.s32 $0xFFFFE000  }
0x6a: {  	[tilespmem:s19], [sflag:$0x1] =	stream.indirect.gather [hbm4b:s4+s18], $0x80, s11, s18, $0xb8;
	[tilespmem:$0x1F480] =	vst v63  }
0x6b: {  	_ =	swait.ge [sflag:s6], $0x2000  }
0x6c: {  	[sflag:s6] =	ssyncset.done $0x0  }
0x6d: {  	s21 =	sadd.s32 $0x40, s11;
	[sflag:s6] =	ssyncadd.s32 $0xFFFFE000  }
0x6e: {  	[tilespmem:s20], [sflag:$0x2] =	stream.indirect.gather [hbm4b:s4+s18], $0x80, s21, s18, $0xb8;
	[tilespmem:$0x1F480] =	vst v63  }
0x6f: {  	_ =	swait.ge [sflag:s7], $0x2000  }
0x70: {  	[sflag:s7] =	ssyncset.done $0x0  }
0x71: {  	s21 =	sadd.s32 $0x80, s11;
	[sflag:s7] =	ssyncadd.s32 $0xFFFFE000  }
0x72: {  	[tilespmem:s22], [sflag:$0x3] =	stream.indirect.gather [hbm4b:s4+s18], $0x80, s21, s18, $0xb8;
	[tilespmem:$0x1F480] =	vst v63  }
0x73: {  	_ =	swait.ge [sflag:s8], $0x2000  }
0x74: {  	[sflag:s8] =	ssyncset.done $0x0  }
0x75: {  	s21 =	sadd.s32 $0xC0, s11;
	[sflag:s8] =	ssyncadd.s32 $0xFFFFE000  }
0x76: {  	[tilespmem:s24], [sflag:$0x4] =	stream.indirect.gather [hbm4b:s4+s18], $0x80, s21, s18, $0xb8;
	[tilespmem:$0x1F480] =	vst v63  }
0x77: {  	_ =	swait.ge [sflag:s25], $0x2000  }
0x78: {  	s12 =	sshra.s32 s12, $0x2;
	[sflag:s25] =	ssyncset.done $0x0  }
0x79: {  	s21 =	sadd.s32 $0x1600, s12;
	[sflag:s25] =	ssyncadd.s32 $0xFFFFE000  }
0x7a: {  	[spmem:s1] =	stream.indirect.scatter.add.f32 [tilespmem:s19], [sflag:$0x5], $0x80, s21, s18, $0xb8;
	[tilespmem:$0x1F480] =	vst v63  }
0x7b: {  	_ =	swait.ge [sflag:s26], $0x2000  }
0x7c: {  	[sflag:s26] =	ssyncset.done $0x0  }
0x7d: {  	s21 =	sadd.s32 $0x1680, s12;
	[sflag:s26] =	ssyncadd.s32 $0xFFFFE000  }
0x7e: {  	[spmem:s1] =	stream.indirect.scatter.add.f32 [tilespmem:s20], [sflag:$0x6], $0x80, s21, s18, $0xb8;
	[tilespmem:$0x1F480] =	vst v63  }
0x7f: {  	_ =	swait.ge [sflag:s29], $0x2000  }
0x80: {  	[sflag:s29] =	ssyncset.done $0x0  }
.Ltmp0:
0x81: {  	s21 =	sadd.s32 $0x1700, s12;
	[sflag:s29] =	ssyncadd.s32 $0xFFFFE000;
	(pc) =	sbr.rel @p1 .LBB2_2-.Ltmp0, $4  }
0x82: {  	[spmem:s1] =	stream.indirect.scatter.add.f32 [tilespmem:s22], [sflag:$0x7], $0x80, s21, s18, $0xb8;
	[tilespmem:$0x1F480] =	vst v63  }
0x83: {  	_ =	swait.ge [sflag:s31], $0x2000  }
0x84: {  	[sflag:s31] =	ssyncset.done $0x0  }
0x85: {  	s11 =	sadd.s32 $0x100, s11;
	s12 =	sadd.s32 $0x1780, s12;
	[sflag:s31] =	ssyncadd.s32 $0xFFFFE000  }
0x86: {  	[spmem:s1] =	stream.indirect.scatter.add.f32 [tilespmem:s24], [sflag:$0x8], $0x80, s12, s18, $0xb8;
	[tilespmem:$0x1F480] =	vst v63  }
0x87: {  	_ =	swait.ge [sflag:s2], $0x2000  }
0x88: {  	[sflag:s2] =	ssyncset.done $0x0  }
0x89: {  	[sflag:s2] =	ssyncadd.s32 $0xFFFFE000  }
0x8a: {  	_ =	swait.ge [sflag:s6], $0x2000  }
0x8b: {  	[sflag:s6] =	ssyncset.done $0x0  }
0x8c: {  	[sflag:s6] =	ssyncadd.s32 $0xFFFFE000  }
0x8d: {  	_ =	swait.ge [sflag:s7], $0x2000  }
0x8e: {  	[sflag:s7] =	ssyncset.done $0x0  }
0x8f: {  	[sflag:s7] =	ssyncadd.s32 $0xFFFFE000  }
0x90: {  	_ =	swait.ge [sflag:s8], $0x2000  }
0x91: {  	[sflag:s8] =	ssyncset.done $0x0  }
0x92: {  	s10 =	simm.s32 $0x0;
	s11 =	rddreg [dreg:$0x6];
	[sflag:s8] =	ssyncadd.s32 $0xFFFFE000  }
0x93: {  	[tilespmem:s10], [sflag:$0x9] =	stream.linear.gather [hbm4b:s11+s10], $0x1400, $0x38;
	[tilespmem:$0x1F480] =	vst v63  }
0x94: {  	_ =	swait.ge [sflag:s16], $0x1400  }
0x95: {  	[sflag:s16] =	ssyncset.done $0x0  }
0x96: {  	s21 =	rddreg [dreg:$0x7];
	[sflag:s16] =	ssyncadd.s32 $0xFFFFEC00  }
0x97: {  	[tilespmem:s17], [sflag:$0x9] =	stream.linear.gather [hbm4b:s21+s10], $0x2800, $0x38;
	[tilespmem:$0x1F480] =	vst v63  }
0x98: {  	_ =	swait.ge [sflag:s16], $0x2800  }
0x99: {  	[sflag:s16] =	ssyncset.done $0x0  }
0x9a: {  	[sflag:s16] =	ssyncadd.s32 $0xFFFFD800  }
0x9b: {  	[tilespmem:s19], [sflag:$0x1] =	stream.indirect.gather [hbm4b:s4+s18], $0x80, s10, s18, $0xb8;
	[tilespmem:$0x1F480] =	vst v63  }
0x9c: {  	_ = 	snop  }
0x9d: {  	[tilespmem:s20], [sflag:$0x2] =	stream.indirect.gather [hbm4b:s4+s18], $0x80, s18, s18, $0xb8;
	[tilespmem:$0x1F480] =	vst v63  }
0x9e: {  	s12 =	simm.s32 $0x80  }
0x9f: {  	[tilespmem:s22], [sflag:$0x3] =	stream.indirect.gather [hbm4b:s4+s18], $0x80, s12, s18, $0xb8;
	[tilespmem:$0x1F480] =	vst v63  }
0xa0: {  	_ = 	snop  }
0xa1: {  	[tilespmem:s24], [sflag:$0x4] =	stream.indirect.gather [hbm4b:s4+s18], $0x80, s23, s18, $0xb8;
	[tilespmem:$0x1F480] =	vst v63  }
0xa2: {  	_ =	swait.ge [sflag:s25], $0x2000  }
0xa3: {  	[sflag:s25] =	ssyncset.done $0x0  }
0xa4: {  	[sflag:s25] =	ssyncadd.s32 $0xFFFFE000  }
0xa5: {  	[spmem:s1] =	stream.indirect.scatter.add.f32 [tilespmem:s19], [sflag:$0x5], $0x80, s17, s18, $0xb8;
	[tilespmem:$0x1F480] =	vst v63  }
0xa6: {  	_ =	swait.ge [sflag:s26], $0x2000  }
0xa7: {  	[sflag:s26] =	ssyncset.done $0x0  }
0xa8: {  	[sflag:s26] =	ssyncadd.s32 $0xFFFFE000  }
0xa9: {  	[spmem:s1] =	stream.indirect.scatter.add.f32 [tilespmem:s20], [sflag:$0x6], $0x80, s28, s18, $0xb8;
	[tilespmem:$0x1F480] =	vst v63  }
0xaa: {  	_ =	swait.ge [sflag:s29], $0x2000  }
0xab: {  	[sflag:s29] =	ssyncset.done $0x0  }
0xac: {  	[sflag:s29] =	ssyncadd.s32 $0xFFFFE000  }
0xad: {  	[spmem:s1] =	stream.indirect.scatter.add.f32 [tilespmem:s22], [sflag:$0x7], $0x80, s30, s18, $0xb8;
	[tilespmem:$0x1F480] =	vst v63  }
0xae: {  	_ =	swait.ge [sflag:s31], $0x2000  }
0xaf: {  	[sflag:s31] =	ssyncset.done $0x0  }
0xb0: {  	[sflag:s31] =	ssyncadd.s32 $0xFFFFE000  }
0xb1: {  	[spmem:s1] =	stream.indirect.scatter.add.f32 [tilespmem:s24], [sflag:$0x8], $0x80, s0, s18, $0xb8;
	[tilespmem:$0x1F480] =	vst v63  }
0xb2: {  	_ =	swait.ge [sflag:s2], $0x2000  }
0xb3: {  	[sflag:s2] =	ssyncset.done $0x0  }
0xb4: {  	s21 =	simm.s32 $0x100;
	[sflag:s2] =	ssyncadd.s32 $0xFFFFE000  }
0xb5: {  	[tilespmem:s19], [sflag:$0x1] =	stream.indirect.gather [hbm4b:s4+s18], $0x80, s21, s18, $0xb8;
	[tilespmem:$0x1F480] =	vst v63  }
0xb6: {  	_ =	swait.ge [sflag:s6], $0x2000  }
0xb7: {  	[sflag:s6] =	ssyncset.done $0x0  }
0xb8: {  	s11 =	simm.s32 $0x140;
	[sflag:s6] =	ssyncadd.s32 $0xFFFFE000  }
0xb9: {  	[tilespmem:s20], [sflag:$0x2] =	stream.indirect.gather [hbm4b:s4+s18], $0x80, s11, s18, $0xb8;
	[tilespmem:$0x1F480] =	vst v63  }
0xba: {  	_ =	swait.ge [sflag:s7], $0x2000  }
0xbb: {  	[sflag:s7] =	ssyncset.done $0x0  }
0xbc: {  	s12 =	simm.s32 $0x180;
	[sflag:s7] =	ssyncadd.s32 $0xFFFFE000  }
0xbd: {  	[tilespmem:s22], [sflag:$0x3] =	stream.indirect.gather [hbm4b:s4+s18], $0x80, s12, s18, $0xb8;
	[tilespmem:$0x1F480] =	vst v63  }
0xbe: {  	_ =	swait.ge [sflag:s8], $0x2000  }
0xbf: {  	[sflag:s8] =	ssyncset.done $0x0  }
0xc0: {  	s21 =	simm.s32 $0x1C0;
	[sflag:s8] =	ssyncadd.s32 $0xFFFFE000  }
0xc1: {  	[tilespmem:s24], [sflag:$0x4] =	stream.indirect.gather [hbm4b:s4+s18], $0x80, s21, s18, $0xb8;
	[tilespmem:$0x1F480] =	vst v63  }
0xc2: {  	_ =	swait.ge [sflag:s25], $0x2000  }
0xc3: {  	[sflag:s25] =	ssyncset.done $0x0  }
0xc4: {  	s11 =	simm.s32 $0x1600;
	[sflag:s25] =	ssyncadd.s32 $0xFFFFE000  }
0xc5: {  	[spmem:s1] =	stream.indirect.scatter.add.f32 [tilespmem:s19], [sflag:$0x5], $0x80, s11, s18, $0xb8;
	[tilespmem:$0x1F480] =	vst v63  }
0xc6: {  	_ =	swait.ge [sflag:s26], $0x2000  }
0xc7: {  	[sflag:s26] =	ssyncset.done $0x0  }
0xc8: {  	s12 =	simm.s32 $0x1680;
	[sflag:s26] =	ssyncadd.s32 $0xFFFFE000  }
0xc9: {  	[spmem:s1] =	stream.indirect.scatter.add.f32 [tilespmem:s20], [sflag:$0x6], $0x80, s12, s18, $0xb8;
	[tilespmem:$0x1F480] =	vst v63  }
0xca: {  	_ =	swait.ge [sflag:s29], $0x2000  }
0xcb: {  	[sflag:s29] =	ssyncset.done $0x0  }
0xcc: {  	s21 =	simm.s32 $0x1700;
	[sflag:s29] =	ssyncadd.s32 $0xFFFFE000  }
0xcd: {  	[spmem:s1] =	stream.indirect.scatter.add.f32 [tilespmem:s22], [sflag:$0x7], $0x80, s21, s18, $0xb8;
	[tilespmem:$0x1F480] =	vst v63  }
0xce: {  	_ =	swait.ge [sflag:s31], $0x2000  }
0xcf: {  	s10 =	simm.s32 $0x800;
	[sflag:s31] =	ssyncset.done $0x0  }
0xd0: {  	s11 =	simm.s32 $0x200;
	s12 =	simm.s32 $0x1780;
	[sflag:s31] =	ssyncadd.s32 $0xFFFFE000  }
.LBB2_4:
0xd1: {  	[spmem:s1] =	stream.indirect.scatter.add.f32 [tilespmem:s24], [sflag:$0x8], $0x80, s12, s18, $0xb8;
	[tilespmem:$0x1F480] =	vst v63  }
0xd2: {  	s12 =	smov.u32 s10  }
0xd3: {  	p1 =	sne.s32 s10, $0x9000;
	s10 =	sadd.s32 $0x800, s10;
	_ =	swait.ge [sflag:s2], $0x2000  }
0xd4: {  	[sflag:s2] =	ssyncset.done $0x0  }
0xd5: {  	[sflag:s2] =	ssyncadd.s32 $0xFFFFE000  }
0xd6: {  	[tilespmem:s19], [sflag:$0x1] =	stream.indirect.gather [hbm4b:s4+s18], $0x80, s11, s18, $0xb8;
	[tilespmem:$0x1F480] =	vst v63  }
0xd7: {  	_ =	swait.ge [sflag:s6], $0x2000  }
0xd8: {  	[sflag:s6] =	ssyncset.done $0x0  }
0xd9: {  	s21 =	sadd.s32 $0x40, s11;
	[sflag:s6] =	ssyncadd.s32 $0xFFFFE000  }
0xda: {  	[tilespmem:s20], [sflag:$0x2] =	stream.indirect.gather [hbm4b:s4+s18], $0x80, s21, s18, $0xb8;
	[tilespmem:$0x1F480] =	vst v63  }
0xdb: {  	_ =	swait.ge [sflag:s7], $0x2000  }
0xdc: {  	[sflag:s7] =	ssyncset.done $0x0  }
0xdd: {  	s21 =	sadd.s32 $0x80, s11;
	[sflag:s7] =	ssyncadd.s32 $0xFFFFE000  }
0xde: {  	[tilespmem:s22], [sflag:$0x3] =	stream.indirect.gather [hbm4b:s4+s18], $0x80, s21, s18, $0xb8;
	[tilespmem:$0x1F480] =	vst v63  }
0xdf: {  	_ =	swait.ge [sflag:s8], $0x2000  }
0xe0: {  	[sflag:s8] =	ssyncset.done $0x0  }
0xe1: {  	s21 =	sadd.s32 $0xC0, s11;
	[sflag:s8] =	ssyncadd.s32 $0xFFFFE000  }
0xe2: {  	[tilespmem:s24], [sflag:$0x4] =	stream.indirect.gather [hbm4b:s4+s18], $0x80, s21, s18, $0xb8;
	[tilespmem:$0x1F480] =	vst v63  }
0xe3: {  	_ =	swait.ge [sflag:s25], $0x2000  }
0xe4: {  	s12 =	sshra.s32 s12, $0x2;
	[sflag:s25] =	ssyncset.done $0x0  }
0xe5: {  	s21 =	sadd.s32 $0x1600, s12;
	[sflag:s25] =	ssyncadd.s32 $0xFFFFE000  }
0xe6: {  	[spmem:s1] =	stream.indirect.scatter.add.f32 [tilespmem:s19], [sflag:$0x5], $0x80, s21, s18, $0xb8;
	[tilespmem:$0x1F480] =	vst v63  }
0xe7: {  	_ =	swait.ge [sflag:s26], $0x2000  }
0xe8: {  	[sflag:s26] =	ssyncset.done $0x0  }
0xe9: {  	s21 =	sadd.s32 $0x1680, s12;
	[sflag:s26] =	ssyncadd.s32 $0xFFFFE000  }
0xea: {  	[spmem:s1] =	stream.indirect.scatter.add.f32 [tilespmem:s20], [sflag:$0x6], $0x80, s21, s18, $0xb8;
	[tilespmem:$0x1F480] =	vst v63  }
0xeb: {  	_ =	swait.ge [sflag:s29], $0x2000  }
0xec: {  	[sflag:s29] =	ssyncset.done $0x0  }
.Ltmp1:
0xed: {  	s21 =	sadd.s32 $0x1700, s12;
	[sflag:s29] =	ssyncadd.s32 $0xFFFFE000;
	(pc) =	sbr.rel @p1 .LBB2_4-.Ltmp1, $4  }
0xee: {  	[spmem:s1] =	stream.indirect.scatter.add.f32 [tilespmem:s22], [sflag:$0x7], $0x80, s21, s18, $0xb8;
	[tilespmem:$0x1F480] =	vst v63  }
0xef: {  	_ =	swait.ge [sflag:s31], $0x2000  }
0xf0: {  	[sflag:s31] =	ssyncset.done $0x0  }
0xf1: {  	s11 =	sadd.s32 $0x100, s11;
	s12 =	sadd.s32 $0x1780, s12;
	[sflag:s31] =	ssyncadd.s32 $0xFFFFE000  }
0xf2: {  	[spmem:s1] =	stream.indirect.scatter.add.f32 [tilespmem:s24], [sflag:$0x8], $0x80, s12, s18, $0xb8;
	[tilespmem:$0x1F480] =	vst v63  }
0xf3: {  	_ =	swait.ge [sflag:s2], $0x2000  }
0xf4: {  	[sflag:s2] =	ssyncset.done $0x0  }
0xf5: {  	[sflag:s2] =	ssyncadd.s32 $0xFFFFE000  }
0xf6: {  	_ =	swait.ge [sflag:s6], $0x2000  }
0xf7: {  	[sflag:s6] =	ssyncset.done $0x0  }
0xf8: {  	[sflag:s6] =	ssyncadd.s32 $0xFFFFE000  }
0xf9: {  	_ =	swait.ge [sflag:s7], $0x2000  }
0xfa: {  	[sflag:s7] =	ssyncset.done $0x0  }
0xfb: {  	[sflag:s7] =	ssyncadd.s32 $0xFFFFE000  }
0xfc: {  	_ =	swait.ge [sflag:s8], $0x2000  }
0xfd: {  	[sflag:s8] =	ssyncset.done $0x0  }
0xfe: {  	[sflag:s8] =	ssyncadd.s32 $0xFFFFE000  }
0xff: {  	[bflag:$0x0] =	sbarrier.arrive $0xFFFF  }
0x100: {  	s10 =	simm.s32 @p0 $0x1FC9;
	s11 =	rddreg [dreg:$0x9]  }
0x101: {  	[hbm:s11], [sflag:s10] =	dma.local @p0 [spmem:s13], $0x2800  }
0x102: {  	s10 =	simm.s32 @p0 $0x9  }
0x103: {  	_ =	swait.ge @p0 [sflag:s10], $0x2800  }
0x104: {  	[sflag:s10] =	ssyncset.done @p0 $0x0  }
0x105: {  	[sflag:s10] =	ssyncadd.s32 @p0 $0xFFFFD800;
	s10 =	rddreg [dreg:$0x8]  }
0x106: {  	[hbm:s10], [sflag:s14] =	dma.local @!p0 [spmem:s15], $0x2700  }
0x107: {  	s10 =	simm.s32 @!p0 $0x9  }
0x108: {  	_ =	swait.ge @!p0 [sflag:s10], $0x2700  }
0x109: {  	s9 =	sadd.s32 $0x1, s9;
	s21 =	rddreg [dreg:$0xa]  }
0x10a: {  	p1 =	sne.s32 s9, s21  }
.Ltmp2:
0x10b: {  	_ = 	snop;
	(pc) =	sbr.rel @p1 .LBB2_1-.Ltmp2, $3  }
0x10c: {  	_ =	sdelay $0x1  }
0x10d: {  	[sflag:s10] =	ssyncset.done @!p0 $0x0  }
0x10e: {  	[sflag:s10] =	ssyncadd.s32 @!p0 $0xFFFFD900  }
0x10f: {  	_ =	sfence.sel $0x180000  }
0x110: {  	[bflag:$0x0] =	sbarrier.arrive $0xFFFF  }
0x111: {  	_ =	strace $0x90000047  }
0x112: {  	s0 =	stileid.u32;
	[bflag:$0x2] =	sbarrier.arrive $0xFFFF  }
0x113: {  	p0 =	sne.s32 s0, $0x0;
	s0 =	rddreg [dreg:$0x3]  }
0x114: {  	s0 =	sadd.s32 @!p0 $0x100000, s0  }
0x115: {  	[sflag:s0] =	ssyncadd.tile.s32 @!p0 $0x1;
	_ =	shalt  }
.Lfunc_end2:
_tile_overlayer_lowered:
.L_overlay_start_2:
0x116: {  	(tag) =	ssettag $0x2  }
0x117: {  	s0 =	rddreg [dreg:$0x0];
	s2 =	stileid.u32  }
0x118: {  	s1 =	rddreg [dreg:$0x1];
	p0 =	sne.s32 s2, $0x0  }
0x119: {  	s3 =	rddreg [dreg:$0x2];
	[bflag:$0x3] =	sbarrier.arrive $0xFFFF;
	s2 =	simm.s32 @!p0 $0x1C09  }
0x11a: {  	[timem:s3], [sflag:s2] =	dma.local @!p0 [hbm:s0], s1  }
0x11b: {  	s0 =	simm.s32 @!p0 $0x9  }
0x11c: {  	_ =	swait.ge @!p0 [sflag:s0], s1  }
0x11d: {  	s1 =	ssub.s32 @!p0 $0x0, s1;
	[sflag:s0] =	ssyncset.done @!p0 $0x0  }
0x11e: {  	[sflag:s0] =	ssyncadd.s32 @!p0 s1  }
0x11f: {  	[bflag:$0x3] =	sbarrier.arrive $0xFFFF  }
0x120: {  	_ =	shalt  }

</sc_bundles>
